<compile_context>
chip_gen: v7x
topology: tpu7x:2x2x1
jax: 0.10.2.dev20260603
libtpu: 0.0.44.dev20260713+nightly
codegen_flags: <defaults>
</compile_context>

<pallas_src>
import functools

import jax
import jax.numpy as jnp
from jax import lax
from jax.experimental import pallas as pl
from jax.experimental.pallas import tpu as pltpu
from jax.experimental.pallas import tpu_sc as plsc

N = 10000
D = 128
E = 320000
G = 64
OUT = 16

NC = 2
NS = 16
NW = NC * NS
EW = E // NW
C = 64
EWP = 10240
NCHUNK = EWP // C
RT = N // NS
RC = 25
NRC = RT // RC

NP = 10240
ET = E // NS
W16 = NP // NS


def _rsqrt16(d):
    i = plsc.bitcast(d, jnp.int32)
    y = plsc.bitcast(jnp.int32(0x5F3759DF) - (i >> 1), jnp.float32)
    for _ in range(3):
        y = y * (1.5 - 0.5 * d * y * y)
    return y


def _deg_body(dst_hbm, dinv_hbm, dstbuf, degbuf, tmpb, dinvb, repb, degsh):
    cid = lax.axis_index("c")
    sid = lax.axis_index("s")

    @pl.when(cid == 0)
    def _():
        def z(i, _):
            for u in range(8):
                degbuf[pl.ds(i * 128 + u * 16, 16)] = jnp.zeros(
                    (16,), jnp.float32)
            return 0

        lax.fori_loop(0, NP // 128, z, 0)
        pltpu.sync_copy(dst_hbm.at[pl.ds(sid * ET, ET)], dstbuf)
        ones = jnp.full((16,), 1.0, jnp.float32)

        def step(i, _):
            for u in range(10):
                idx = dstbuf[pl.ds(i * 160 + u * 16, 16)]
                plsc.addupdate_scatter(degbuf, [idx], ones)
            return 0

        lax.fori_loop(0, ET // 160, step, 0)
        pltpu.sync_copy(degbuf, degsh.at[sid])

    plsc.subcore_barrier()

    @pl.when(cid == 0)
    def _():
        r0 = sid * W16

        def z2(k, _):
            dinvb[pl.ds(k * 16, 16)] = jnp.zeros((16,), jnp.float32)
            return 0

        lax.fori_loop(0, W16 // 16, z2, 0)
        for s in range(NS):
            pltpu.sync_copy(degsh.at[s, pl.ds(r0, W16)], tmpb)

            def acc(k, _):
                sl = pl.ds(k * 16, 16)
                dinvb[sl] = dinvb[sl] + tmpb[sl]
                return 0

            lax.fori_loop(0, W16 // 16, acc, 0)

        def newton(k, _):
            sl = pl.ds(k * 16, 16)
            dinvb[sl] = _rsqrt16(dinvb[sl] + 1.0)
            return 0

        lax.fori_loop(0, W16 // 16, newton, 0)

        def rep(r, _):
            for u in range(4):
                rr = r * 4 + u
                splat = plsc.load_gather(
                    dinvb, [jnp.full((16,), 0, jnp.int32) + rr])
                for k in range(D // 16):
                    repb[rr, pl.ds(k * 16, 16)] = splat
            return 0

        lax.fori_loop(0, W16 // 4, rep, 0)
        pltpu.sync_copy(repb, dinv_hbm.at[pl.ds(r0, W16)])


@functools.cache
def _sc_mesh():
    return plsc.VectorSubcoreMesh(
        core_axis_name="c", subcore_axis_name="s", num_cores=NC, num_subcores=NS
    )


@functools.cache
def _deg_call():
    return pl.kernel(
        _deg_body,
        out_type=jax.ShapeDtypeStruct((NP, D), jnp.float32),
        mesh=_sc_mesh(),
        compiler_params=pltpu.CompilerParams(
            needs_layout_passes=False, use_tc_tiling_on_sc=False
        ),
        scratch_types=[
            pltpu.VMEM((ET,), jnp.int32),
            pltpu.VMEM((NP,), jnp.float32),
            pltpu.VMEM((W16,), jnp.float32),
            pltpu.VMEM((W16,), jnp.float32),
            pltpu.VMEM((W16, D), jnp.float32),
            pltpu.VMEM_SHARED((NS, NP), jnp.float32),
        ],
    )


RD = 5
NGROUP = NCHUNK // RD


def _prop_body(hs_hbm, src_hbm, dst_hbm, out_hbm, acc, srcb, dstb, rows,
               *sems):
    gsem = sems[:RD]
    ssem = sems[RD:2 * RD]
    isem = sems[2 * RD:]
    cid = lax.axis_index("c")
    sid = lax.axis_index("s")
    wid = sid * NC + cid
    r0 = sid * RT
    pltpu.sync_copy(src_hbm.at[wid, pl.ds(0, RD)], srcb.at[0])
    pltpu.sync_copy(dst_hbm.at[wid, pl.ds(0, RD)], dstb.at[0])
    pltpu.async_copy(src_hbm.at[wid, pl.ds(RD, RD)], srcb.at[1], isem[0])
    pltpu.async_copy(dst_hbm.at[wid, pl.ds(RD, RD)], dstb.at[1], isem[1])
    pltpu.sync_copy(hs_hbm.at[pl.ds(r0, RT)], acc.at[pl.ds(r0, RT)])
    plsc.subcore_barrier()

    for b in range(RD):
        pltpu.async_copy(hs_hbm.at[srcb.at[0, b]], rows.at[b], gsem[b])

    def group(gi, _):
        par = lax.rem(gi, 2)
        nxt = 1 - par
        for b in range(RD):
            pltpu.make_async_copy(hs_hbm.at[srcb.at[par, b]], rows.at[b],
                                  gsem[b]).wait()
            pltpu.async_copy(rows.at[b], acc.at[dstb.at[par, b]], ssem[b],
                             add=True)
        pltpu.make_async_copy(src_hbm.at[wid, pl.ds(0, RD)], srcb.at[nxt],
                              isem[0]).wait()
        pltpu.make_async_copy(dst_hbm.at[wid, pl.ds(0, RD)], dstb.at[nxt],
                              isem[1]).wait()
        for b in range(RD):
            pltpu.make_async_copy(rows.at[b], acc.at[dstb.at[par, b]],
                                  ssem[b]).wait()
            pltpu.async_copy(hs_hbm.at[srcb.at[nxt, b]], rows.at[b], gsem[b])
        off = (gi + 2) * RD
        safe = jnp.minimum(off, NCHUNK - RD)
        pltpu.async_copy(src_hbm.at[wid, pl.ds(safe, RD)], srcb.at[par],
                         isem[0])
        pltpu.async_copy(dst_hbm.at[wid, pl.ds(safe, RD)], dstb.at[par],
                         isem[1])
        return 0

    lax.fori_loop(0, NGROUP - 1, group, 0)

    par = (NGROUP - 1) % 2
    pltpu.make_async_copy(src_hbm.at[wid, pl.ds(0, RD)], srcb.at[1 - par],
                          isem[0]).wait()
    pltpu.make_async_copy(dst_hbm.at[wid, pl.ds(0, RD)], dstb.at[1 - par],
                          isem[1]).wait()
    for b in range(RD):
        pltpu.make_async_copy(hs_hbm.at[srcb.at[par, b]], rows.at[b],
                              gsem[b]).wait()
        pltpu.async_copy(rows.at[b], acc.at[dstb.at[par, b]], ssem[b],
                         add=True)
    for b in range(RD):
        pltpu.make_async_copy(rows.at[b], acc.at[dstb.at[par, b]],
                              ssem[b]).wait()
    plsc.subcore_barrier()

    pltpu.sync_copy(acc.at[pl.ds(r0, RT)], out_hbm.at[cid, pl.ds(r0, RT)])


@functools.cache
def _prop_call():
    return pl.kernel(
        _prop_body,
        out_type=jax.ShapeDtypeStruct((NC, N, D), jnp.float32),
        mesh=_sc_mesh(),
        compiler_params=pltpu.CompilerParams(
            needs_layout_passes=False, use_tc_tiling_on_sc=False
        ),
        scratch_types=[
            pltpu.VMEM_SHARED((N + 8, D), jnp.float32),
            pltpu.VMEM((2, RD, C), jnp.int32),
            pltpu.VMEM((2, RD, C), jnp.int32),
            pltpu.VMEM((RD, C, D), jnp.float32),
        ] + [pltpu.SemaphoreType.DMA] * (2 * RD + 2),
    )


_BN = 1000


def _k1_body(x_ref, dinv_ref, w1_ref, hs_ref):
    h = jnp.dot(x_ref[...], w1_ref[...], preferred_element_type=jnp.float32)
    hs_ref[...] = h * dinv_ref[...]


def _k2_body(p_ref, hs_ref, dinv_ref, b_ref, w2_ref, out_ref):
    s = p_ref[0] + p_ref[1] - hs_ref[...]
    h = jnp.maximum(s * dinv_ref[...] + b_ref[...], 0.0)
    h2 = jnp.dot(h, w2_ref[...], preferred_element_type=jnp.float32)
    out_ref[...] = h2 * dinv_ref[...]


def _k3_body(p_ref, hs_ref, dinv_ref, b_ref, onehot_ref, wc_ref, bc_ref,
             out_ref, s_acc, c_acc):
    i = pl.program_id(0)

    @pl.when(i == 0)
    def _():
        s_acc[...] = jnp.zeros_like(s_acc)
        c_acc[...] = jnp.zeros_like(c_acc)

    s = p_ref[0] + p_ref[1] - hs_ref[...]
    h = jnp.maximum(s * dinv_ref[...] + b_ref[...], 0.0)
    onehot = onehot_ref[...]
    tdot = lambda a, b: lax.dot_general(
        a, b, (((0,), (0,)), ((), ())), preferred_element_type=jnp.float32)
    s_acc[...] += tdot(onehot, h)
    c_acc[...] += tdot(onehot, jnp.ones_like(h))

    @pl.when(i == pl.num_programs(0) - 1)
    def _():
        pooled = s_acc[...] / jnp.maximum(c_acc[...], 1.0)
        out_ref[...] = (
            jnp.dot(pooled, wc_ref[...], preferred_element_type=jnp.float32)
            + bc_ref[...]
        )


def _row_spec(width):
    return pl.BlockSpec((_BN, width), lambda i: (i, 0))


def _full_spec(shape):
    return pl.BlockSpec(shape, lambda i: tuple(0 for _ in shape))


_k1_call = pl.pallas_call(
    _k1_body,
    grid=(N // _BN,),
    in_specs=[
        _row_spec(D),
        _row_spec(D),
        _full_spec((D, D)),
    ],
    out_specs=_row_spec(D),
    out_shape=jax.ShapeDtypeStruct((N, D), jnp.float32),
)

_k2_call = pl.pallas_call(
    _k2_body,
    grid=(N // _BN,),
    in_specs=[
        pl.BlockSpec((NC, _BN, D), lambda i: (0, i, 0)),
        _row_spec(D),
        _row_spec(D),
        _full_spec((1, D)),
        _full_spec((D, D)),
    ],
    out_specs=_row_spec(D),
    out_shape=jax.ShapeDtypeStruct((N, D), jnp.float32),
)

_k3_call = pl.pallas_call(
    _k3_body,
    grid=(N // _BN,),
    in_specs=[
        pl.BlockSpec((NC, _BN, D), lambda i: (0, i, 0)),
        _row_spec(D),
        _row_spec(D),
        _full_spec((1, D)),
        _row_spec(G),
        _full_spec((D, OUT)),
        _full_spec((1, OUT)),
    ],
    out_specs=_full_spec((G, OUT)),
    out_shape=jax.ShapeDtypeStruct((G, OUT), jnp.float32),
    scratch_shapes=[
        pltpu.VMEM((G, D), jnp.float32),
        pltpu.VMEM((G, D), jnp.float32),
    ],
)


def kernel(x, edge_index, batch, W1, b1, W2, b2, Wc, bc):
    ei = edge_index.astype(jnp.int32)
    src = ei[0]
    dst = ei[1]
    dinvrep = _deg_call()(dst)
    h1s = _k1_call(x, dinvrep, W1)
    npad = NW * EWP - E
    padi = jnp.arange(npad, dtype=jnp.int32)
    src3 = jnp.concatenate([src, padi % N])
    src3 = src3.reshape(NW, NCHUNK, C)
    dst3 = jnp.concatenate([dst, N + (padi % 8)])
    dst3 = dst3.reshape(NW, NCHUNK, C)
    p1 = _prop_call()(h1s, src3, dst3)
    h2s = _k2_call(p1, h1s, dinvrep, b1.reshape(1, D), W2)
    p2 = _prop_call()(h2s, src3, dst3)
    onehot = (batch.astype(jnp.int32)[:, None]
              == jnp.arange(G, dtype=jnp.int32)).astype(jnp.float32)
    return _k3_call(
        p2, h2s, dinvrep, b2.reshape(1, D), onehot, Wc, bc.reshape(1, OUT),
    )

# --- scband reference (transcript-rebuilt; emitter-appended) ---
"""Pipeline reference for scband-gnn-3547642987348 (READ-ONLY COPY).

The authoritative reference and input builder live on the scoring server;
editing this copy changes nothing except your own understanding.
"""

import jax, jax.numpy as jnp
import numpy as np

N = 10000
E = 320000
D = 128
H = 128
OUT = 16
G = 64


def setup_inputs(seed: int = 0) -> dict:
    key = jax.random.key(seed)
    ks = jax.random.split(key, 8)
    x = jax.random.normal(ks[0], (N, D), dtype=jnp.float32)
    edge_index = jax.random.randint(ks[1], (2, E), 0, N)
    batch = jnp.sort(jax.random.randint(ks[2], (N,), 0, G))
    W1 = jax.random.normal(ks[3], (D, H), dtype=jnp.float32) * 0.05
    b1 = jnp.zeros((H,), dtype=jnp.float32)
    W2 = jax.random.normal(ks[4], (H, H), dtype=jnp.float32) * 0.05
    b2 = jnp.zeros((H,), dtype=jnp.float32)
    Wc = jax.random.normal(ks[5], (H, OUT), dtype=jnp.float32) * 0.05
    bc = jnp.zeros((OUT,), dtype=jnp.float32)
    return {"x": x, "edge_index": edge_index, "batch": batch,
            "W1": W1, "b1": b1, "W2": W2, "b2": b2, "Wc": Wc, "bc": bc}


def _gcn_conv(x, edge_index, W, b):
    n = x.shape[0]
    loop = jnp.arange(n, dtype=edge_index.dtype)
    src = jnp.concatenate([edge_index[0], loop])
    dst = jnp.concatenate([edge_index[1], loop])
    deg = jnp.zeros((n,), dtype=x.dtype).at[dst].add(1.0)
    dinv = jnp.where(deg > 0, jax.lax.rsqrt(jnp.maximum(deg, 1e-12)), 0.0)
    norm = dinv[src] * dinv[dst]
    h = x @ W
    msg = h[src] * norm[:, None]
    out = jnp.zeros((n, h.shape[1]), dtype=x.dtype).at[dst].add(msg)
    return out + b


def reference(x, edge_index, batch, W1, b1, W2, b2, Wc, bc):
    h = jax.nn.relu(_gcn_conv(x, edge_index, W1, b1))
    h = jax.nn.relu(_gcn_conv(h, edge_index, W2, b2))
    s = jax.ops.segment_sum(h, batch, num_segments=G)
    cnt = jax.ops.segment_sum(jnp.ones((h.shape[0], 1), dtype=h.dtype), batch, num_segments=G)
    pooled = s / jnp.maximum(cnt, 1.0)
    return pooled @ Wc + bc

if __name__ == "__main__":
    import jax
    _d = setup_inputs()
    print(jax.jit(kernel)(*tuple(_d.values())))

</pallas_src>

<mosaic_0001>
#map = affine_map<(d0, d1) -> (0)>
#map1 = affine_map<(d0, d1) -> (0, 0)>
module attributes {stable_mosaic.version = 14 : i64} {
  func.func @_deg_body(%arg0: i32, %arg1: i32, %arg2: memref<320000xi32, #tpu.memory_space<hbm>>, %arg3: memref<10240x128xf32, #tpu.memory_space<hbm>>, %arg4: memref<20000xi32, #tpu.memory_space<vmem>>, %arg5: memref<10240xf32, #tpu.memory_space<vmem>>, %arg6: memref<640xf32, #tpu.memory_space<vmem>>, %arg7: memref<640xf32, #tpu.memory_space<vmem>>, %arg8: memref<640x128xf32, #tpu.memory_space<vmem>>, %arg9: memref<16x10240xf32, #tpu.memory_space<vmem_shared>>) attributes {dimension_semantics = [#tpu.dimension_semantics<core_parallel>, #tpu.dimension_semantics<subcore_parallel>], iteration_bounds = array<i64: 2, 16>, scalar_prefetch = 0 : i64, scratch_operands = 6 : i64, tpu.core_type = #tpu.core_type<sc_vector_subcore>, window_params = [{transform_indices = #map}, {transform_indices = #map1}]} {
    %eq3A = arith.constant 0 : i32
    %eq3A_0 = arith.cmpi eq, %arg0, %eq3A : i32
    %convert_element_type3A = arith.extui %eq3A_0 : i1 to i32
    %cond3A = arith.constant 0 : i32
    %cond3A_1 = arith.cmpi ne, %convert_element_type3A, %cond3A : i32
    scf.if %cond3A_1 {
      %scan3A = arith.constant 0 : i32
      %scan3A_7 = arith.constant 0 : i32
      %scan3A_8 = arith.constant 80 : i32
      %scan3A_9 = arith.addi %scan3A_7, %scan3A_8 : i32
      %scan3A_10 = arith.constant 1 : i32
      %scan3A_11 = scf.for %scan3A_22 = %scan3A_7 to %scan3A_9 step %scan3A_10 iter_args(%scan3A_23 = %scan3A) -> (i32)  : i32 {
        %broadcast_in_dim3A_24 = arith.constant 0.000000e+00 : f32
        %broadcast_in_dim3A_25 = vector.broadcast %broadcast_in_dim3A_24 : f32 to vector<16xf32>
        %mul3A_26 = arith.constant 128 : i32
        %mul3A_27 = arith.muli %scan3A_22, %mul3A_26 : i32
        %add3A = arith.constant 0 : i32
        %add3A_28 = arith.addi %mul3A_27, %add3A : i32
        %swap3A = arith.index_cast %add3A_28 : i32 to index
        %swap3A_29 = tpu.vector_load %arg5[%swap3A] {strides = array<i32>} : memref<10240xf32, #tpu.memory_space<vmem>>, vector<16xf32>,
        tpu.vector_store %arg5[%swap3A], %broadcast_in_dim3A_25 {strides = array<i32>} : memref<10240xf32, #tpu.memory_space<vmem>>, vector<16xf32>,
        %broadcast_in_dim3A_30 = arith.constant 0.000000e+00 : f32
        %broadcast_in_dim3A_31 = vector.broadcast %broadcast_in_dim3A_30 : f32 to vector<16xf32>
        %mul3A_32 = arith.constant 128 : i32
        %mul3A_33 = arith.muli %scan3A_22, %mul3A_32 : i32
        %add3A_34 = arith.constant 16 : i32
        %add3A_35 = arith.addi %mul3A_33, %add3A_34 : i32
        %swap3A_36 = arith.index_cast %add3A_35 : i32 to index
        %swap3A_37 = tpu.vector_load %arg5[%swap3A_36] {strides = array<i32>} : memref<10240xf32, #tpu.memory_space<vmem>>, vector<16xf32>,
        tpu.vector_store %arg5[%swap3A_36], %broadcast_in_dim3A_31 {strides = array<i32>} : memref<10240xf32, #tpu.memory_space<vmem>>, vector<16xf32>,
        %broadcast_in_dim3A_38 = arith.constant 0.000000e+00 : f32
        %broadcast_in_dim3A_39 = vector.broadcast %broadcast_in_dim3A_38 : f32 to vector<16xf32>
        %mul3A_40 = arith.constant 128 : i32
        %mul3A_41 = arith.muli %scan3A_22, %mul3A_40 : i32
        %add3A_42 = arith.constant 32 : i32
        %add3A_43 = arith.addi %mul3A_41, %add3A_42 : i32
        %swap3A_44 = arith.index_cast %add3A_43 : i32 to index
        %swap3A_45 = tpu.vector_load %arg5[%swap3A_44] {strides = array<i32>} : memref<10240xf32, #tpu.memory_space<vmem>>, vector<16xf32>,
        tpu.vector_store %arg5[%swap3A_44], %broadcast_in_dim3A_39 {strides = array<i32>} : memref<10240xf32, #tpu.memory_space<vmem>>, vector<16xf32>,
        %broadcast_in_dim3A_46 = arith.constant 0.000000e+00 : f32
        %broadcast_in_dim3A_47 = vector.broadcast %broadcast_in_dim3A_46 : f32 to vector<16xf32>
        %mul3A_48 = arith.constant 128 : i32
        %mul3A_49 = arith.muli %scan3A_22, %mul3A_48 : i32
        %add3A_50 = arith.constant 48 : i32
        %add3A_51 = arith.addi %mul3A_49, %add3A_50 : i32
        %swap3A_52 = arith.index_cast %add3A_51 : i32 to index
        %swap3A_53 = tpu.vector_load %arg5[%swap3A_52] {strides = array<i32>} : memref<10240xf32, #tpu.memory_space<vmem>>, vector<16xf32>,
        tpu.vector_store %arg5[%swap3A_52], %broadcast_in_dim3A_47 {strides = array<i32>} : memref<10240xf32, #tpu.memory_space<vmem>>, vector<16xf32>,
        %broadcast_in_dim3A_54 = arith.constant 0.000000e+00 : f32
        %broadcast_in_dim3A_55 = vector.broadcast %broadcast_in_dim3A_54 : f32 to vector<16xf32>
        %mul3A_56 = arith.constant 128 : i32
        %mul3A_57 = arith.muli %scan3A_22, %mul3A_56 : i32
        %add3A_58 = arith.constant 64 : i32
        %add3A_59 = arith.addi %mul3A_57, %add3A_58 : i32
        %swap3A_60 = arith.index_cast %add3A_59 : i32 to index
        %swap3A_61 = tpu.vector_load %arg5[%swap3A_60] {strides = array<i32>} : memref<10240xf32, #tpu.memory_space<vmem>>, vector<16xf32>,
        tpu.vector_store %arg5[%swap3A_60], %broadcast_in_dim3A_55 {strides = array<i32>} : memref<10240xf32, #tpu.memory_space<vmem>>, vector<16xf32>,
        %broadcast_in_dim3A_62 = arith.constant 0.000000e+00 : f32
        %broadcast_in_dim3A_63 = vector.broadcast %broadcast_in_dim3A_62 : f32 to vector<16xf32>
        %mul3A_64 = arith.constant 128 : i32
        %mul3A_65 = arith.muli %scan3A_22, %mul3A_64 : i32
        %add3A_66 = arith.constant 80 : i32
        %add3A_67 = arith.addi %mul3A_65, %add3A_66 : i32
        %swap3A_68 = arith.index_cast %add3A_67 : i32 to index
        %swap3A_69 = tpu.vector_load %arg5[%swap3A_68] {strides = array<i32>} : memref<10240xf32, #tpu.memory_space<vmem>>, vector<16xf32>,
        tpu.vector_store %arg5[%swap3A_68], %broadcast_in_dim3A_63 {strides = array<i32>} : memref<10240xf32, #tpu.memory_space<vmem>>, vector<16xf32>,
        %broadcast_in_dim3A_70 = arith.constant 0.000000e+00 : f32
        %broadcast_in_dim3A_71 = vector.broadcast %broadcast_in_dim3A_70 : f32 to vector<16xf32>
        %mul3A_72 = arith.constant 128 : i32
        %mul3A_73 = arith.muli %scan3A_22, %mul3A_72 : i32
        %add3A_74 = arith.constant 96 : i32
        %add3A_75 = arith.addi %mul3A_73, %add3A_74 : i32
        %swap3A_76 = arith.index_cast %add3A_75 : i32 to index
        %swap3A_77 = tpu.vector_load %arg5[%swap3A_76] {strides = array<i32>} : memref<10240xf32, #tpu.memory_space<vmem>>, vector<16xf32>,
        tpu.vector_store %arg5[%swap3A_76], %broadcast_in_dim3A_71 {strides = array<i32>} : memref<10240xf32, #tpu.memory_space<vmem>>, vector<16xf32>,
        %broadcast_in_dim3A_78 = arith.constant 0.000000e+00 : f32
        %broadcast_in_dim3A_79 = vector.broadcast %broadcast_in_dim3A_78 : f32 to vector<16xf32>
        %mul3A_80 = arith.constant 128 : i32
        %mul3A_81 = arith.muli %scan3A_22, %mul3A_80 : i32
        %add3A_82 = arith.constant 112 : i32
        %add3A_83 = arith.addi %mul3A_81, %add3A_82 : i32
        %swap3A_84 = arith.index_cast %add3A_83 : i32 to index
        %swap3A_85 = tpu.vector_load %arg5[%swap3A_84] {strides = array<i32>} : memref<10240xf32, #tpu.memory_space<vmem>>, vector<16xf32>,
        tpu.vector_store %arg5[%swap3A_84], %broadcast_in_dim3A_79 {strides = array<i32>} : memref<10240xf32, #tpu.memory_space<vmem>>, vector<16xf32>,
        %scan3A_86 = arith.constant 0 : i32
        scf.yield %scan3A_86 : i32
      }
      %scan3A_12 = arith.constant 80 : i32
      %mul3A = arith.constant 20000 : i32
      %mul3A_13 = arith.muli %arg1, %mul3A : i32
      "tpu.region"() ({
        %run_scoped3A = tpu.sem_alloc : memref<!tpu.dma_semaphore, #tpu.memory_space<semaphore_mem>>
        %dma_start3A = tpu.memref_slice %arg2[%mul3A_13] : memref<320000xi32, #tpu.memory_space<hbm>> -> memref<20000xi32, #tpu.memory_space<hbm>>
        %dma_start3A_22 = tpu.memref_slice %arg2[%mul3A_13] : memref<320000xi32, #tpu.memory_space<hbm>> -> memref<20000xi32, #tpu.memory_space<hbm>>
        tpu.enqueue_dma source(%dma_start3A_22 : memref<20000xi32, #tpu.memory_space<hbm>>) target(%arg4 : memref<20000xi32, #tpu.memory_space<vmem>>) target_semaphore(%run_scoped3A : memref<!tpu.dma_semaphore, #tpu.memory_space<semaphore_mem>>)
        %dma_wait3A = tpu.memref_slice %arg2[%mul3A_13] : memref<320000xi32, #tpu.memory_space<hbm>> -> memref<20000xi32, #tpu.memory_space<hbm>>
        %dma_wait3A_23 = tpu.memref_slice %arg2[%mul3A_13] : memref<320000xi32, #tpu.memory_space<hbm>> -> memref<20000xi32, #tpu.memory_space<hbm>>
        tpu.wait_dma2 semaphore(%run_scoped3A : memref<!tpu.dma_semaphore, #tpu.memory_space<semaphore_mem>>) src(%dma_wait3A_23 : memref<20000xi32, #tpu.memory_space<hbm>>) dst(%arg4 : memref<20000xi32, #tpu.memory_space<vmem>>)
        tpu.yield
      }) : () -> ()
      %broadcast_in_dim3A = arith.constant 1.000000e+00 : f32
      %broadcast_in_dim3A_14 = vector.broadcast %broadcast_in_dim3A : f32 to vector<16xf32>
      %scan3A_15 = arith.constant 0 : i32
      %scan3A_16 = arith.constant 0 : i32
      %scan3A_17 = arith.constant 125 : i32
      %scan3A_18 = arith.addi %scan3A_16, %scan3A_17 : i32
      %scan3A_19 = arith.constant 1 : i32
      %scan3A_20 = scf.for %scan3A_22 = %scan3A_16 to %scan3A_18 step %scan3A_19 iter_args(%scan3A_23 = %scan3A_15) -> (i32)  : i32 {
        %mul3A_24 = arith.constant 160 : i32
        %mul3A_25 = arith.muli %scan3A_22, %mul3A_24 : i32
        %add3A = arith.constant 0 : i32
        %add3A_26 = arith.addi %mul3A_25, %add3A : i32
        %get3A = arith.index_cast %add3A_26 : i32 to index
        %get3A_27 = tpu.vector_load %arg4[%get3A] {strides = array<i32>} : memref<20000xi32, #tpu.memory_space<vmem>>, vector<16xi32>,
        tpu.vector_store_idx %arg5[%get3A_27], %broadcast_in_dim3A_14 {add = true} : memref<10240xf32, #tpu.memory_space<vmem>>[vector<16xi32>], vector<16xf32>,
        %mul3A_28 = arith.constant 160 : i32
        %mul3A_29 = arith.muli %scan3A_22, %mul3A_28 : i32
        %add3A_30 = arith.constant 16 : i32
        %add3A_31 = arith.addi %mul3A_29, %add3A_30 : i32
        %get3A_32 = arith.index_cast %add3A_31 : i32 to index
        %get3A_33 = tpu.vector_load %arg4[%get3A_32] {strides = array<i32>} : memref<20000xi32, #tpu.memory_space<vmem>>, vector<16xi32>,
        tpu.vector_store_idx %arg5[%get3A_33], %broadcast_in_dim3A_14 {add = true} : memref<10240xf32, #tpu.memory_space<vmem>>[vector<16xi32>], vector<16xf32>,
        %mul3A_34 = arith.constant 160 : i32
        %mul3A_35 = arith.muli %scan3A_22, %mul3A_34 : i32
        %add3A_36 = arith.constant 32 : i32
        %add3A_37 = arith.addi %mul3A_35, %add3A_36 : i32
        %get3A_38 = arith.index_cast %add3A_37 : i32 to index
        %get3A_39 = tpu.vector_load %arg4[%get3A_38] {strides = array<i32>} : memref<20000xi32, #tpu.memory_space<vmem>>, vector<16xi32>,
        tpu.vector_store_idx %arg5[%get3A_39], %broadcast_in_dim3A_14 {add = true} : memref<10240xf32, #tpu.memory_space<vmem>>[vector<16xi32>], vector<16xf32>,
        %mul3A_40 = arith.constant 160 : i32
        %mul3A_41 = arith.muli %scan3A_22, %mul3A_40 : i32
        %add3A_42 = arith.constant 48 : i32
        %add3A_43 = arith.addi %mul3A_41, %add3A_42 : i32
        %get3A_44 = arith.index_cast %add3A_43 : i32 to index
        %get3A_45 = tpu.vector_load %arg4[%get3A_44] {strides = array<i32>} : memref<20000xi32, #tpu.memory_space<vmem>>, vector<16xi32>,
        tpu.vector_store_idx %arg5[%get3A_45], %broadcast_in_dim3A_14 {add = true} : memref<10240xf32, #tpu.memory_space<vmem>>[vector<16xi32>], vector<16xf32>,
        %mul3A_46 = arith.constant 160 : i32
        %mul3A_47 = arith.muli %scan3A_22, %mul3A_46 : i32
        %add3A_48 = arith.constant 64 : i32
        %add3A_49 = arith.addi %mul3A_47, %add3A_48 : i32
        %get3A_50 = arith.index_cast %add3A_49 : i32 to index
        %get3A_51 = tpu.vector_load %arg4[%get3A_50] {strides = array<i32>} : memref<20000xi32, #tpu.memory_space<vmem>>, vector<16xi32>,
        tpu.vector_store_idx %arg5[%get3A_51], %broadcast_in_dim3A_14 {add = true} : memref<10240xf32, #tpu.memory_space<vmem>>[vector<16xi32>], vector<16xf32>,
        %mul3A_52 = arith.constant 160 : i32
        %mul3A_53 = arith.muli %scan3A_22, %mul3A_52 : i32
        %add3A_54 = arith.constant 80 : i32
        %add3A_55 = arith.addi %mul3A_53, %add3A_54 : i32
        %get3A_56 = arith.index_cast %add3A_55 : i32 to index
        %get3A_57 = tpu.vector_load %arg4[%get3A_56] {strides = array<i32>} : memref<20000xi32, #tpu.memory_space<vmem>>, vector<16xi32>,
        tpu.vector_store_idx %arg5[%get3A_57], %broadcast_in_dim3A_14 {add = true} : memref<10240xf32, #tpu.memory_space<vmem>>[vector<16xi32>], vector<16xf32>,
        %mul3A_58 = arith.constant 160 : i32
        %mul3A_59 = arith.muli %scan3A_22, %mul3A_58 : i32
        %add3A_60 = arith.constant 96 : i32
        %add3A_61 = arith.addi %mul3A_59, %add3A_60 : i32
        %get3A_62 = arith.index_cast %add3A_61 : i32 to index
        %get3A_63 = tpu.vector_load %arg4[%get3A_62] {strides = array<i32>} : memref<20000xi32, #tpu.memory_space<vmem>>, vector<16xi32>,
        tpu.vector_store_idx %arg5[%get3A_63], %broadcast_in_dim3A_14 {add = true} : memref<10240xf32, #tpu.memory_space<vmem>>[vector<16xi32>], vector<16xf32>,
        %mul3A_64 = arith.constant 160 : i32
        %mul3A_65 = arith.muli %scan3A_22, %mul3A_64 : i32
        %add3A_66 = arith.constant 112 : i32
        %add3A_67 = arith.addi %mul3A_65, %add3A_66 : i32
        %get3A_68 = arith.index_cast %add3A_67 : i32 to index
        %get3A_69 = tpu.vector_load %arg4[%get3A_68] {strides = array<i32>} : memref<20000xi32, #tpu.memory_space<vmem>>, vector<16xi32>,
        tpu.vector_store_idx %arg5[%get3A_69], %broadcast_in_dim3A_14 {add = true} : memref<10240xf32, #tpu.memory_space<vmem>>[vector<16xi32>], vector<16xf32>,
        %mul3A_70 = arith.constant 160 : i32
        %mul3A_71 = arith.muli %scan3A_22, %mul3A_70 : i32
        %add3A_72 = arith.constant 128 : i32
        %add3A_73 = arith.addi %mul3A_71, %add3A_72 : i32
        %get3A_74 = arith.index_cast %add3A_73 : i32 to index
        %get3A_75 = tpu.vector_load %arg4[%get3A_74] {strides = array<i32>} : memref<20000xi32, #tpu.memory_space<vmem>>, vector<16xi32>,
        tpu.vector_store_idx %arg5[%get3A_75], %broadcast_in_dim3A_14 {add = true} : memref<10240xf32, #tpu.memory_space<vmem>>[vector<16xi32>], vector<16xf32>,
        %mul3A_76 = arith.constant 160 : i32
        %mul3A_77 = arith.muli %scan3A_22, %mul3A_76 : i32
        %add3A_78 = arith.constant 144 : i32
        %add3A_79 = arith.addi %mul3A_77, %add3A_78 : i32
        %get3A_80 = arith.index_cast %add3A_79 : i32 to index
        %get3A_81 = tpu.vector_load %arg4[%get3A_80] {strides = array<i32>} : memref<20000xi32, #tpu.memory_space<vmem>>, vector<16xi32>,
        tpu.vector_store_idx %arg5[%get3A_81], %broadcast_in_dim3A_14 {add = true} : memref<10240xf32, #tpu.memory_space<vmem>>[vector<16xi32>], vector<16xf32>,
        %scan3A_82 = arith.constant 0 : i32
        scf.yield %scan3A_82 : i32
      }
      %scan3A_21 = arith.constant 125 : i32
      "tpu.region"() ({
        %run_scoped3A = tpu.sem_alloc : memref<!tpu.dma_semaphore, #tpu.memory_space<semaphore_mem>>
        %dma_start3A = arith.constant 0 : i32
        %dma_start3A_22 = tpu.memref_slice %arg9[%arg1, %dma_start3A] : memref<16x10240xf32, #tpu.memory_space<vmem_shared>> -> memref<1x10240xf32, #tpu.memory_space<vmem_shared>>
        %dma_start3A_23 = tpu.memref_squeeze %dma_start3A_22 : memref<1x10240xf32, #tpu.memory_space<vmem_shared>> -> memref<10240xf32, #tpu.memory_space<vmem_shared>>
        %dma_start3A_24 = arith.constant 0 : i32
        %dma_start3A_25 = tpu.memref_slice %arg9[%arg1, %dma_start3A_24] : memref<16x10240xf32, #tpu.memory_space<vmem_shared>> -> memref<1x10240xf32, #tpu.memory_space<vmem_shared>>
        %dma_start3A_26 = tpu.memref_squeeze %dma_start3A_25 : memref<1x10240xf32, #tpu.memory_space<vmem_shared>> -> memref<10240xf32, #tpu.memory_space<vmem_shared>>
        tpu.enqueue_dma source(%arg5 : memref<10240xf32, #tpu.memory_space<vmem>>) target(%dma_start3A_26 : memref<10240xf32, #tpu.memory_space<vmem_shared>>) target_semaphore(%run_scoped3A : memref<!tpu.dma_semaphore, #tpu.memory_space<semaphore_mem>>)
        %dma_wait3A = arith.constant 0 : i32
        %dma_wait3A_27 = tpu.memref_slice %arg9[%arg1, %dma_wait3A] : memref<16x10240xf32, #tpu.memory_space<vmem_shared>> -> memref<1x10240xf32, #tpu.memory_space<vmem_shared>>
        %dma_wait3A_28 = tpu.memref_squeeze %dma_wait3A_27 : memref<1x10240xf32, #tpu.memory_space<vmem_shared>> -> memref<10240xf32, #tpu.memory_space<vmem_shared>>
        %dma_wait3A_29 = arith.constant 0 : i32
        %dma_wait3A_30 = tpu.memref_slice %arg9[%arg1, %dma_wait3A_29] : memref<16x10240xf32, #tpu.memory_space<vmem_shared>> -> memref<1x10240xf32, #tpu.memory_space<vmem_shared>>
        %dma_wait3A_31 = tpu.memref_squeeze %dma_wait3A_30 : memref<1x10240xf32, #tpu.memory_space<vmem_shared>> -> memref<10240xf32, #tpu.memory_space<vmem_shared>>
        tpu.wait_dma2 semaphore(%run_scoped3A : memref<!tpu.dma_semaphore, #tpu.memory_space<semaphore_mem>>) src(%arg5 : memref<10240xf32, #tpu.memory_space<vmem>>) dst(%dma_wait3A_31 : memref<10240xf32, #tpu.memory_space<vmem_shared>>)
        tpu.yield
      }) : () -> ()
    } else {
    }
    %barrier3A = arith.constant 0 : index
    tpu.barrier barrier_id(%barrier3A)
    %eq3A_2 = arith.constant 0 : i32
    %eq3A_3 = arith.cmpi eq, %arg0, %eq3A_2 : i32
    %convert_element_type3A_4 = arith.extui %eq3A_3 : i1 to i32
    %cond3A_5 = arith.constant 0 : i32
    %cond3A_6 = arith.cmpi ne, %convert_element_type3A_4, %cond3A_5 : i32
    scf.if %cond3A_6 {
      %mul3A = arith.constant 640 : i32
      %mul3A_7 = arith.muli %arg1, %mul3A : i32
      %scan3A = arith.constant 0 : i32
      %scan3A_8 = arith.constant 0 : i32
      %scan3A_9 = arith.constant 40 : i32
      %scan3A_10 = arith.addi %scan3A_8, %scan3A_9 : i32
      %scan3A_11 = arith.constant 1 : i32
      %scan3A_12 = scf.for %scan3A_155 = %scan3A_8 to %scan3A_10 step %scan3A_11 iter_args(%scan3A_156 = %scan3A) -> (i32)  : i32 {
        %broadcast_in_dim3A = arith.constant 0.000000e+00 : f32
        %broadcast_in_dim3A_157 = vector.broadcast %broadcast_in_dim3A : f32 to vector<16xf32>
        %mul3A_158 = arith.constant 16 : i32
        %mul3A_159 = arith.muli %scan3A_155, %mul3A_158 : i32
        %swap3A = arith.index_cast %mul3A_159 : i32 to index
        %swap3A_160 = tpu.vector_load %arg7[%swap3A] {strides = array<i32>} : memref<640xf32, #tpu.memory_space<vmem>>, vector<16xf32>,
        tpu.vector_store %arg7[%swap3A], %broadcast_in_dim3A_157 {strides = array<i32>} : memref<640xf32, #tpu.memory_space<vmem>>, vector<16xf32>,
        %scan3A_161 = arith.constant 0 : i32
        scf.yield %scan3A_161 : i32
      }
      %scan3A_13 = arith.constant 40 : i32
      %run_scoped3A = arith.constant 0 : i32
      "tpu.region"() ({
        %run_scoped3A_155 = tpu.sem_alloc : memref<!tpu.dma_semaphore, #tpu.memory_space<semaphore_mem>>
        %dma_start3A = tpu.memref_slice %arg9[%run_scoped3A, %mul3A_7] : memref<16x10240xf32, #tpu.memory_space<vmem_shared>> -> memref<1x640xf32, #tpu.memory_space<vmem_shared>>
        %dma_start3A_156 = tpu.memref_squeeze %dma_start3A : memref<1x640xf32, #tpu.memory_space<vmem_shared>> -> memref<640xf32, #tpu.memory_space<vmem_shared>>
        %dma_start3A_157 = tpu.memref_slice %arg9[%run_scoped3A, %mul3A_7] : memref<16x10240xf32, #tpu.memory_space<vmem_shared>> -> memref<1x640xf32, #tpu.memory_space<vmem_shared>>
        %dma_start3A_158 = tpu.memref_squeeze %dma_start3A_157 : memref<1x640xf32, #tpu.memory_space<vmem_shared>> -> memref<640xf32, #tpu.memory_space<vmem_shared>>
        tpu.enqueue_dma source(%dma_start3A_158 : memref<640xf32, #tpu.memory_space<vmem_shared>>) target(%arg6 : memref<640xf32, #tpu.memory_space<vmem>>) target_semaphore(%run_scoped3A_155 : memref<!tpu.dma_semaphore, #tpu.memory_space<semaphore_mem>>)
        %dma_wait3A = tpu.memref_slice %arg9[%run_scoped3A, %mul3A_7] : memref<16x10240xf32, #tpu.memory_space<vmem_shared>> -> memref<1x640xf32, #tpu.memory_space<vmem_shared>>
        %dma_wait3A_159 = tpu.memref_squeeze %dma_wait3A : memref<1x640xf32, #tpu.memory_space<vmem_shared>> -> memref<640xf32, #tpu.memory_space<vmem_shared>>
        %dma_wait3A_160 = tpu.memref_slice %arg9[%run_scoped3A, %mul3A_7] : memref<16x10240xf32, #tpu.memory_space<vmem_shared>> -> memref<1x640xf32, #tpu.memory_space<vmem_shared>>
        %dma_wait3A_161 = tpu.memref_squeeze %dma_wait3A_160 : memref<1x640xf32, #tpu.memory_space<vmem_shared>> -> memref<640xf32, #tpu.memory_space<vmem_shared>>
        tpu.wait_dma2 semaphore(%run_scoped3A_155 : memref<!tpu.dma_semaphore, #tpu.memory_space<semaphore_mem>>) src(%dma_wait3A_161 : memref<640xf32, #tpu.memory_space<vmem_shared>>) dst(%arg6 : memref<640xf32, #tpu.memory_space<vmem>>)
        tpu.yield
      }) : () -> ()
      %scan3A_14 = arith.constant 0 : i32
      %scan3A_15 = arith.constant 0 : i32
      %scan3A_16 = arith.constant 40 : i32
      %scan3A_17 = arith.addi %scan3A_15, %scan3A_16 : i32
      %scan3A_18 = arith.constant 1 : i32
      %scan3A_19 = scf.for %scan3A_155 = %scan3A_15 to %scan3A_17 step %scan3A_18 iter_args(%scan3A_156 = %scan3A_14) -> (i32)  : i32 {
        %mul3A_157 = arith.constant 16 : i32
        %mul3A_158 = arith.muli %scan3A_155, %mul3A_157 : i32
        %get3A = arith.index_cast %mul3A_158 : i32 to index
        %get3A_159 = tpu.vector_load %arg7[%get3A] {strides = array<i32>} : memref<640xf32, #tpu.memory_space<vmem>>, vector<16xf32>,
        %get3A_160 = arith.index_cast %mul3A_158 : i32 to index
        %get3A_161 = tpu.vector_load %arg6[%get3A_160] {strides = array<i32>} : memref<640xf32, #tpu.memory_space<vmem>>, vector<16xf32>,
        %add3A = arith.addf %get3A_159, %get3A_161 : vector<16xf32>
        %swap3A = arith.index_cast %mul3A_158 : i32 to index
        %swap3A_162 = tpu.vector_load %arg7[%swap3A] {strides = array<i32>} : memref<640xf32, #tpu.memory_space<vmem>>, vector<16xf32>,
        tpu.vector_store %arg7[%swap3A], %add3A {strides = array<i32>} : memref<640xf32, #tpu.memory_space<vmem>>, vector<16xf32>,
        %scan3A_163 = arith.constant 0 : i32
        scf.yield %scan3A_163 : i32
      }
      %scan3A_20 = arith.constant 40 : i32
      %run_scoped3A_21 = arith.constant 1 : i32
      "tpu.region"() ({
        %run_scoped3A_155 = tpu.sem_alloc : memref<!tpu.dma_semaphore, #tpu.memory_space<semaphore_mem>>
        %dma_start3A = tpu.memref_slice %arg9[%run_scoped3A_21, %mul3A_7] : memref<16x10240xf32, #tpu.memory_space<vmem_shared>> -> memref<1x640xf32, #tpu.memory_space<vmem_shared>>
        %dma_start3A_156 = tpu.memref_squeeze %dma_start3A : memref<1x640xf32, #tpu.memory_space<vmem_shared>> -> memref<640xf32, #tpu.memory_space<vmem_shared>>
        %dma_start3A_157 = tpu.memref_slice %arg9[%run_scoped3A_21, %mul3A_7] : memref<16x10240xf32, #tpu.memory_space<vmem_shared>> -> memref<1x640xf32, #tpu.memory_space<vmem_shared>>
        %dma_start3A_158 = tpu.memref_squeeze %dma_start3A_157 : memref<1x640xf32, #tpu.memory_space<vmem_shared>> -> memref<640xf32, #tpu.memory_space<vmem_shared>>
        tpu.enqueue_dma source(%dma_start3A_158 : memref<640xf32, #tpu.memory_space<vmem_shared>>) target(%arg6 : memref<640xf32, #tpu.memory_space<vmem>>) target_semaphore(%run_scoped3A_155 : memref<!tpu.dma_semaphore, #tpu.memory_space<semaphore_mem>>)
        %dma_wait3A = tpu.memref_slice %arg9[%run_scoped3A_21, %mul3A_7] : memref<16x10240xf32, #tpu.memory_space<vmem_shared>> -> memref<1x640xf32, #tpu.memory_space<vmem_shared>>
        %dma_wait3A_159 = tpu.memref_squeeze %dma_wait3A : memref<1x640xf32, #tpu.memory_space<vmem_shared>> -> memref<640xf32, #tpu.memory_space<vmem_shared>>
        %dma_wait3A_160 = tpu.memref_slice %arg9[%run_scoped3A_21, %mul3A_7] : memref<16x10240xf32, #tpu.memory_space<vmem_shared>> -> memref<1x640xf32, #tpu.memory_space<vmem_shared>>
        %dma_wait3A_161 = tpu.memref_squeeze %dma_wait3A_160 : memref<1x640xf32, #tpu.memory_space<vmem_shared>> -> memref<640xf32, #tpu.memory_space<vmem_shared>>
        tpu.wait_dma2 semaphore(%run_scoped3A_155 : memref<!tpu.dma_semaphore, #tpu.memory_space<semaphore_mem>>) src(%dma_wait3A_161 : memref<640xf32, #tpu.memory_space<vmem_shared>>) dst(%arg6 : memref<640xf32, #tpu.memory_space<vmem>>)
        tpu.yield
      }) : () -> ()
      %scan3A_22 = arith.constant 0 : i32
      %scan3A_23 = arith.constant 0 : i32
      %scan3A_24 = arith.constant 40 : i32
      %scan3A_25 = arith.addi %scan3A_23, %scan3A_24 : i32
      %scan3A_26 = arith.constant 1 : i32
      %scan3A_27 = scf.for %scan3A_155 = %scan3A_23 to %scan3A_25 step %scan3A_26 iter_args(%scan3A_156 = %scan3A_22) -> (i32)  : i32 {
        %mul3A_157 = arith.constant 16 : i32
        %mul3A_158 = arith.muli %scan3A_155, %mul3A_157 : i32
        %get3A = arith.index_cast %mul3A_158 : i32 to index
        %get3A_159 = tpu.vector_load %arg7[%get3A] {strides = array<i32>} : memref<640xf32, #tpu.memory_space<vmem>>, vector<16xf32>,
        %get3A_160 = arith.index_cast %mul3A_158 : i32 to index
        %get3A_161 = tpu.vector_load %arg6[%get3A_160] {strides = array<i32>} : memref<640xf32, #tpu.memory_space<vmem>>, vector<16xf32>,
        %add3A = arith.addf %get3A_159, %get3A_161 : vector<16xf32>
        %swap3A = arith.index_cast %mul3A_158 : i32 to index
        %swap3A_162 = tpu.vector_load %arg7[%swap3A] {strides = array<i32>} : memref<640xf32, #tpu.memory_space<vmem>>, vector<16xf32>,
        tpu.vector_store %arg7[%swap3A], %add3A {strides = array<i32>} : memref<640xf32, #tpu.memory_space<vmem>>, vector<16xf32>,
        %scan3A_163 = arith.constant 0 : i32
        scf.yield %scan3A_163 : i32
      }
      %scan3A_28 = arith.constant 40 : i32
      %run_scoped3A_29 = arith.constant 2 : i32
      "tpu.region"() ({
        %run_scoped3A_155 = tpu.sem_alloc : memref<!tpu.dma_semaphore, #tpu.memory_space<semaphore_mem>>
        %dma_start3A = tpu.memref_slice %arg9[%run_scoped3A_29, %mul3A_7] : memref<16x10240xf32, #tpu.memory_space<vmem_shared>> -> memref<1x640xf32, #tpu.memory_space<vmem_shared>>
        %dma_start3A_156 = tpu.memref_squeeze %dma_start3A : memref<1x640xf32, #tpu.memory_space<vmem_shared>> -> memref<640xf32, #tpu.memory_space<vmem_shared>>
        %dma_start3A_157 = tpu.memref_slice %arg9[%run_scoped3A_29, %mul3A_7] : memref<16x10240xf32, #tpu.memory_space<vmem_shared>> -> memref<1x640xf32, #tpu.memory_space<vmem_shared>>
        %dma_start3A_158 = tpu.memref_squeeze %dma_start3A_157 : memref<1x640xf32, #tpu.memory_space<vmem_shared>> -> memref<640xf32, #tpu.memory_space<vmem_shared>>
        tpu.enqueue_dma source(%dma_start3A_158 : memref<640xf32, #tpu.memory_space<vmem_shared>>) target(%arg6 : memref<640xf32, #tpu.memory_space<vmem>>) target_semaphore(%run_scoped3A_155 : memref<!tpu.dma_semaphore, #tpu.memory_space<semaphore_mem>>)
        %dma_wait3A = tpu.memref_slice %arg9[%run_scoped3A_29, %mul3A_7] : memref<16x10240xf32, #tpu.memory_space<vmem_shared>> -> memref<1x640xf32, #tpu.memory_space<vmem_shared>>
        %dma_wait3A_159 = tpu.memref_squeeze %dma_wait3A : memref<1x640xf32, #tpu.memory_space<vmem_shared>> -> memref<640xf32, #tpu.memory_space<vmem_shared>>
        %dma_wait3A_160 = tpu.memref_slice %arg9[%run_scoped3A_29, %mul3A_7] : memref<16x10240xf32, #tpu.memory_space<vmem_shared>> -> memref<1x640xf32, #tpu.memory_space<vmem_shared>>
        %dma_wait3A_161 = tpu.memref_squeeze %dma_wait3A_160 : memref<1x640xf32, #tpu.memory_space<vmem_shared>> -> memref<640xf32, #tpu.memory_space<vmem_shared>>
        tpu.wait_dma2 semaphore(%run_scoped3A_155 : memref<!tpu.dma_semaphore, #tpu.memory_space<semaphore_mem>>) src(%dma_wait3A_161 : memref<640xf32, #tpu.memory_space<vmem_shared>>) dst(%arg6 : memref<640xf32, #tpu.memory_space<vmem>>)
        tpu.yield
      }) : () -> ()
      %scan3A_30 = arith.constant 0 : i32
      %scan3A_31 = arith.constant 0 : i32
      %scan3A_32 = arith.constant 40 : i32
      %scan3A_33 = arith.addi %scan3A_31, %scan3A_32 : i32
      %scan3A_34 = arith.constant 1 : i32
      %scan3A_35 = scf.for %scan3A_155 = %scan3A_31 to %scan3A_33 step %scan3A_34 iter_args(%scan3A_156 = %scan3A_30) -> (i32)  : i32 {
        %mul3A_157 = arith.constant 16 : i32
        %mul3A_158 = arith.muli %scan3A_155, %mul3A_157 : i32
        %get3A = arith.index_cast %mul3A_158 : i32 to index
        %get3A_159 = tpu.vector_load %arg7[%get3A] {strides = array<i32>} : memref<640xf32, #tpu.memory_space<vmem>>, vector<16xf32>,
        %get3A_160 = arith.index_cast %mul3A_158 : i32 to index
        %get3A_161 = tpu.vector_load %arg6[%get3A_160] {strides = array<i32>} : memref<640xf32, #tpu.memory_space<vmem>>, vector<16xf32>,
        %add3A = arith.addf %get3A_159, %get3A_161 : vector<16xf32>
        %swap3A = arith.index_cast %mul3A_158 : i32 to index
        %swap3A_162 = tpu.vector_load %arg7[%swap3A] {strides = array<i32>} : memref<640xf32, #tpu.memory_space<vmem>>, vector<16xf32>,
        tpu.vector_store %arg7[%swap3A], %add3A {strides = array<i32>} : memref<640xf32, #tpu.memory_space<vmem>>, vector<16xf32>,
        %scan3A_163 = arith.constant 0 : i32
        scf.yield %scan3A_163 : i32
      }
      %scan3A_36 = arith.constant 40 : i32
      %run_scoped3A_37 = arith.constant 3 : i32
      "tpu.region"() ({
        %run_scoped3A_155 = tpu.sem_alloc : memref<!tpu.dma_semaphore, #tpu.memory_space<semaphore_mem>>
        %dma_start3A = tpu.memref_slice %arg9[%run_scoped3A_37, %mul3A_7] : memref<16x10240xf32, #tpu.memory_space<vmem_shared>> -> memref<1x640xf32, #tpu.memory_space<vmem_shared>>
        %dma_start3A_156 = tpu.memref_squeeze %dma_start3A : memref<1x640xf32, #tpu.memory_space<vmem_shared>> -> memref<640xf32, #tpu.memory_space<vmem_shared>>
        %dma_start3A_157 = tpu.memref_slice %arg9[%run_scoped3A_37, %mul3A_7] : memref<16x10240xf32, #tpu.memory_space<vmem_shared>> -> memref<1x640xf32, #tpu.memory_space<vmem_shared>>
        %dma_start3A_158 = tpu.memref_squeeze %dma_start3A_157 : memref<1x640xf32, #tpu.memory_space<vmem_shared>> -> memref<640xf32, #tpu.memory_space<vmem_shared>>
        tpu.enqueue_dma source(%dma_start3A_158 : memref<640xf32, #tpu.memory_space<vmem_shared>>) target(%arg6 : memref<640xf32, #tpu.memory_space<vmem>>) target_semaphore(%run_scoped3A_155 : memref<!tpu.dma_semaphore, #tpu.memory_space<semaphore_mem>>)
        %dma_wait3A = tpu.memref_slice %arg9[%run_scoped3A_37, %mul3A_7] : memref<16x10240xf32, #tpu.memory_space<vmem_shared>> -> memref<1x640xf32, #tpu.memory_space<vmem_shared>>
        %dma_wait3A_159 = tpu.memref_squeeze %dma_wait3A : memref<1x640xf32, #tpu.memory_space<vmem_shared>> -> memref<640xf32, #tpu.memory_space<vmem_shared>>
        %dma_wait3A_160 = tpu.memref_slice %arg9[%run_scoped3A_37, %mul3A_7] : memref<16x10240xf32, #tpu.memory_space<vmem_shared>> -> memref<1x640xf32, #tpu.memory_space<vmem_shared>>
        %dma_wait3A_161 = tpu.memref_squeeze %dma_wait3A_160 : memref<1x640xf32, #tpu.memory_space<vmem_shared>> -> memref<640xf32, #tpu.memory_space<vmem_shared>>
        tpu.wait_dma2 semaphore(%run_scoped3A_155 : memref<!tpu.dma_semaphore, #tpu.memory_space<semaphore_mem>>) src(%dma_wait3A_161 : memref<640xf32, #tpu.memory_space<vmem_shared>>) dst(%arg6 : memref<640xf32, #tpu.memory_space<vmem>>)
        tpu.yield
      }) : () -> ()
      %scan3A_38 = arith.constant 0 : i32
      %scan3A_39 = arith.constant 0 : i32
      %scan3A_40 = arith.constant 40 : i32
      %scan3A_41 = arith.addi %scan3A_39, %scan3A_40 : i32
      %scan3A_42 = arith.constant 1 : i32
      %scan3A_43 = scf.for %scan3A_155 = %scan3A_39 to %scan3A_41 step %scan3A_42 iter_args(%scan3A_156 = %scan3A_38) -> (i32)  : i32 {
        %mul3A_157 = arith.constant 16 : i32
        %mul3A_158 = arith.muli %scan3A_155, %mul3A_157 : i32
        %get3A = arith.index_cast %mul3A_158 : i32 to index
        %get3A_159 = tpu.vector_load %arg7[%get3A] {strides = array<i32>} : memref<640xf32, #tpu.memory_space<vmem>>, vector<16xf32>,
        %get3A_160 = arith.index_cast %mul3A_158 : i32 to index
        %get3A_161 = tpu.vector_load %arg6[%get3A_160] {strides = array<i32>} : memref<640xf32, #tpu.memory_space<vmem>>, vector<16xf32>,
        %add3A = arith.addf %get3A_159, %get3A_161 : vector<16xf32>
        %swap3A = arith.index_cast %mul3A_158 : i32 to index
        %swap3A_162 = tpu.vector_load %arg7[%swap3A] {strides = array<i32>} : memref<640xf32, #tpu.memory_space<vmem>>, vector<16xf32>,
        tpu.vector_store %arg7[%swap3A], %add3A {strides = array<i32>} : memref<640xf32, #tpu.memory_space<vmem>>, vector<16xf32>,
        %scan3A_163 = arith.constant 0 : i32
        scf.yield %scan3A_163 : i32
      }
      %scan3A_44 = arith.constant 40 : i32
      %run_scoped3A_45 = arith.constant 4 : i32
      "tpu.region"() ({
        %run_scoped3A_155 = tpu.sem_alloc : memref<!tpu.dma_semaphore, #tpu.memory_space<semaphore_mem>>
        %dma_start3A = tpu.memref_slice %arg9[%run_scoped3A_45, %mul3A_7] : memref<16x10240xf32, #tpu.memory_space<vmem_shared>> -> memref<1x640xf32, #tpu.memory_space<vmem_shared>>
        %dma_start3A_156 = tpu.memref_squeeze %dma_start3A : memref<1x640xf32, #tpu.memory_space<vmem_shared>> -> memref<640xf32, #tpu.memory_space<vmem_shared>>
        %dma_start3A_157 = tpu.memref_slice %arg9[%run_scoped3A_45, %mul3A_7] : memref<16x10240xf32, #tpu.memory_space<vmem_shared>> -> memref<1x640xf32, #tpu.memory_space<vmem_shared>>
        %dma_start3A_158 = tpu.memref_squeeze %dma_start3A_157 : memref<1x640xf32, #tpu.memory_space<vmem_shared>> -> memref<640xf32, #tpu.memory_space<vmem_shared>>
        tpu.enqueue_dma source(%dma_start3A_158 : memref<640xf32, #tpu.memory_space<vmem_shared>>) target(%arg6 : memref<640xf32, #tpu.memory_space<vmem>>) target_semaphore(%run_scoped3A_155 : memref<!tpu.dma_semaphore, #tpu.memory_space<semaphore_mem>>)
        %dma_wait3A = tpu.memref_slice %arg9[%run_scoped3A_45, %mul3A_7] : memref<16x10240xf32, #tpu.memory_space<vmem_shared>> -> memref<1x640xf32, #tpu.memory_space<vmem_shared>>
        %dma_wait3A_159 = tpu.memref_squeeze %dma_wait3A : memref<1x640xf32, #tpu.memory_space<vmem_shared>> -> memref<640xf32, #tpu.memory_space<vmem_shared>>
        %dma_wait3A_160 = tpu.memref_slice %arg9[%run_scoped3A_45, %mul3A_7] : memref<16x10240xf32, #tpu.memory_space<vmem_shared>> -> memref<1x640xf32, #tpu.memory_space<vmem_shared>>
        %dma_wait3A_161 = tpu.memref_squeeze %dma_wait3A_160 : memref<1x640xf32, #tpu.memory_space<vmem_shared>> -> memref<640xf32, #tpu.memory_space<vmem_shared>>
        tpu.wait_dma2 semaphore(%run_scoped3A_155 : memref<!tpu.dma_semaphore, #tpu.memory_space<semaphore_mem>>) src(%dma_wait3A_161 : memref<640xf32, #tpu.memory_space<vmem_shared>>) dst(%arg6 : memref<640xf32, #tpu.memory_space<vmem>>)
        tpu.yield
      }) : () -> ()
      %scan3A_46 = arith.constant 0 : i32
      %scan3A_47 = arith.constant 0 : i32
      %scan3A_48 = arith.constant 40 : i32
      %scan3A_49 = arith.addi %scan3A_47, %scan3A_48 : i32
      %scan3A_50 = arith.constant 1 : i32
      %scan3A_51 = scf.for %scan3A_155 = %scan3A_47 to %scan3A_49 step %scan3A_50 iter_args(%scan3A_156 = %scan3A_46) -> (i32)  : i32 {
        %mul3A_157 = arith.constant 16 : i32
        %mul3A_158 = arith.muli %scan3A_155, %mul3A_157 : i32
        %get3A = arith.index_cast %mul3A_158 : i32 to index
        %get3A_159 = tpu.vector_load %arg7[%get3A] {strides = array<i32>} : memref<640xf32, #tpu.memory_space<vmem>>, vector<16xf32>,
        %get3A_160 = arith.index_cast %mul3A_158 : i32 to index
        %get3A_161 = tpu.vector_load %arg6[%get3A_160] {strides = array<i32>} : memref<640xf32, #tpu.memory_space<vmem>>, vector<16xf32>,
        %add3A = arith.addf %get3A_159, %get3A_161 : vector<16xf32>
        %swap3A = arith.index_cast %mul3A_158 : i32 to index
        %swap3A_162 = tpu.vector_load %arg7[%swap3A] {strides = array<i32>} : memref<640xf32, #tpu.memory_space<vmem>>, vector<16xf32>,
        tpu.vector_store %arg7[%swap3A], %add3A {strides = array<i32>} : memref<640xf32, #tpu.memory_space<vmem>>, vector<16xf32>,
        %scan3A_163 = arith.constant 0 : i32
        scf.yield %scan3A_163 : i32
      }
      %scan3A_52 = arith.constant 40 : i32
      %run_scoped3A_53 = arith.constant 5 : i32
      "tpu.region"() ({
        %run_scoped3A_155 = tpu.sem_alloc : memref<!tpu.dma_semaphore, #tpu.memory_space<semaphore_mem>>
        %dma_start3A = tpu.memref_slice %arg9[%run_scoped3A_53, %mul3A_7] : memref<16x10240xf32, #tpu.memory_space<vmem_shared>> -> memref<1x640xf32, #tpu.memory_space<vmem_shared>>
        %dma_start3A_156 = tpu.memref_squeeze %dma_start3A : memref<1x640xf32, #tpu.memory_space<vmem_shared>> -> memref<640xf32, #tpu.memory_space<vmem_shared>>
        %dma_start3A_157 = tpu.memref_slice %arg9[%run_scoped3A_53, %mul3A_7] : memref<16x10240xf32, #tpu.memory_space<vmem_shared>> -> memref<1x640xf32, #tpu.memory_space<vmem_shared>>
        %dma_start3A_158 = tpu.memref_squeeze %dma_start3A_157 : memref<1x640xf32, #tpu.memory_space<vmem_shared>> -> memref<640xf32, #tpu.memory_space<vmem_shared>>
        tpu.enqueue_dma source(%dma_start3A_158 : memref<640xf32, #tpu.memory_space<vmem_shared>>) target(%arg6 : memref<640xf32, #tpu.memory_space<vmem>>) target_semaphore(%run_scoped3A_155 : memref<!tpu.dma_semaphore, #tpu.memory_space<semaphore_mem>>)
        %dma_wait3A = tpu.memref_slice %arg9[%run_scoped3A_53, %mul3A_7] : memref<16x10240xf32, #tpu.memory_space<vmem_shared>> -> memref<1x640xf32, #tpu.memory_space<vmem_shared>>
        %dma_wait3A_159 = tpu.memref_squeeze %dma_wait3A : memref<1x640xf32, #tpu.memory_space<vmem_shared>> -> memref<640xf32, #tpu.memory_space<vmem_shared>>
        %dma_wait3A_160 = tpu.memref_slice %arg9[%run_scoped3A_53, %mul3A_7] : memref<16x10240xf32, #tpu.memory_space<vmem_shared>> -> memref<1x640xf32, #tpu.memory_space<vmem_shared>>
        %dma_wait3A_161 = tpu.memref_squeeze %dma_wait3A_160 : memref<1x640xf32, #tpu.memory_space<vmem_shared>> -> memref<640xf32, #tpu.memory_space<vmem_shared>>
        tpu.wait_dma2 semaphore(%run_scoped3A_155 : memref<!tpu.dma_semaphore, #tpu.memory_space<semaphore_mem>>) src(%dma_wait3A_161 : memref<640xf32, #tpu.memory_space<vmem_shared>>) dst(%arg6 : memref<640xf32, #tpu.memory_space<vmem>>)
        tpu.yield
      }) : () -> ()
      %scan3A_54 = arith.constant 0 : i32
      %scan3A_55 = arith.constant 0 : i32
      %scan3A_56 = arith.constant 40 : i32
      %scan3A_57 = arith.addi %scan3A_55, %scan3A_56 : i32
      %scan3A_58 = arith.constant 1 : i32
      %scan3A_59 = scf.for %scan3A_155 = %scan3A_55 to %scan3A_57 step %scan3A_58 iter_args(%scan3A_156 = %scan3A_54) -> (i32)  : i32 {
        %mul3A_157 = arith.constant 16 : i32
        %mul3A_158 = arith.muli %scan3A_155, %mul3A_157 : i32
        %get3A = arith.index_cast %mul3A_158 : i32 to index
        %get3A_159 = tpu.vector_load %arg7[%get3A] {strides = array<i32>} : memref<640xf32, #tpu.memory_space<vmem>>, vector<16xf32>,
        %get3A_160 = arith.index_cast %mul3A_158 : i32 to index
        %get3A_161 = tpu.vector_load %arg6[%get3A_160] {strides = array<i32>} : memref<640xf32, #tpu.memory_space<vmem>>, vector<16xf32>,
        %add3A = arith.addf %get3A_159, %get3A_161 : vector<16xf32>
        %swap3A = arith.index_cast %mul3A_158 : i32 to index
        %swap3A_162 = tpu.vector_load %arg7[%swap3A] {strides = array<i32>} : memref<640xf32, #tpu.memory_space<vmem>>, vector<16xf32>,
        tpu.vector_store %arg7[%swap3A], %add3A {strides = array<i32>} : memref<640xf32, #tpu.memory_space<vmem>>, vector<16xf32>,
        %scan3A_163 = arith.constant 0 : i32
        scf.yield %scan3A_163 : i32
      }
      %scan3A_60 = arith.constant 40 : i32
      %run_scoped3A_61 = arith.constant 6 : i32
      "tpu.region"() ({
        %run_scoped3A_155 = tpu.sem_alloc : memref<!tpu.dma_semaphore, #tpu.memory_space<semaphore_mem>>
        %dma_start3A = tpu.memref_slice %arg9[%run_scoped3A_61, %mul3A_7] : memref<16x10240xf32, #tpu.memory_space<vmem_shared>> -> memref<1x640xf32, #tpu.memory_space<vmem_shared>>
        %dma_start3A_156 = tpu.memref_squeeze %dma_start3A : memref<1x640xf32, #tpu.memory_space<vmem_shared>> -> memref<640xf32, #tpu.memory_space<vmem_shared>>
        %dma_start3A_157 = tpu.memref_slice %arg9[%run_scoped3A_61, %mul3A_7] : memref<16x10240xf32, #tpu.memory_space<vmem_shared>> -> memref<1x640xf32, #tpu.memory_space<vmem_shared>>
        %dma_start3A_158 = tpu.memref_squeeze %dma_start3A_157 : memref<1x640xf32, #tpu.memory_space<vmem_shared>> -> memref<640xf32, #tpu.memory_space<vmem_shared>>
        tpu.enqueue_dma source(%dma_start3A_158 : memref<640xf32, #tpu.memory_space<vmem_shared>>) target(%arg6 : memref<640xf32, #tpu.memory_space<vmem>>) target_semaphore(%run_scoped3A_155 : memref<!tpu.dma_semaphore, #tpu.memory_space<semaphore_mem>>)
        %dma_wait3A = tpu.memref_slice %arg9[%run_scoped3A_61, %mul3A_7] : memref<16x10240xf32, #tpu.memory_space<vmem_shared>> -> memref<1x640xf32, #tpu.memory_space<vmem_shared>>
        %dma_wait3A_159 = tpu.memref_squeeze %dma_wait3A : memref<1x640xf32, #tpu.memory_space<vmem_shared>> -> memref<640xf32, #tpu.memory_space<vmem_shared>>
        %dma_wait3A_160 = tpu.memref_slice %arg9[%run_scoped3A_61, %mul3A_7] : memref<16x10240xf32, #tpu.memory_space<vmem_shared>> -> memref<1x640xf32, #tpu.memory_space<vmem_shared>>
        %dma_wait3A_161 = tpu.memref_squeeze %dma_wait3A_160 : memref<1x640xf32, #tpu.memory_space<vmem_shared>> -> memref<640xf32, #tpu.memory_space<vmem_shared>>
        tpu.wait_dma2 semaphore(%run_scoped3A_155 : memref<!tpu.dma_semaphore, #tpu.memory_space<semaphore_mem>>) src(%dma_wait3A_161 : memref<640xf32, #tpu.memory_space<vmem_shared>>) dst(%arg6 : memref<640xf32, #tpu.memory_space<vmem>>)
        tpu.yield
      }) : () -> ()
      %scan3A_62 = arith.constant 0 : i32
      %scan3A_63 = arith.constant 0 : i32
      %scan3A_64 = arith.constant 40 : i32
      %scan3A_65 = arith.addi %scan3A_63, %scan3A_64 : i32
      %scan3A_66 = arith.constant 1 : i32
      %scan3A_67 = scf.for %scan3A_155 = %scan3A_63 to %scan3A_65 step %scan3A_66 iter_args(%scan3A_156 = %scan3A_62) -> (i32)  : i32 {
        %mul3A_157 = arith.constant 16 : i32
        %mul3A_158 = arith.muli %scan3A_155, %mul3A_157 : i32
        %get3A = arith.index_cast %mul3A_158 : i32 to index
        %get3A_159 = tpu.vector_load %arg7[%get3A] {strides = array<i32>} : memref<640xf32, #tpu.memory_space<vmem>>, vector<16xf32>,
        %get3A_160 = arith.index_cast %mul3A_158 : i32 to index
        %get3A_161 = tpu.vector_load %arg6[%get3A_160] {strides = array<i32>} : memref<640xf32, #tpu.memory_space<vmem>>, vector<16xf32>,
        %add3A = arith.addf %get3A_159, %get3A_161 : vector<16xf32>
        %swap3A = arith.index_cast %mul3A_158 : i32 to index
        %swap3A_162 = tpu.vector_load %arg7[%swap3A] {strides = array<i32>} : memref<640xf32, #tpu.memory_space<vmem>>, vector<16xf32>,
        tpu.vector_store %arg7[%swap3A], %add3A {strides = array<i32>} : memref<640xf32, #tpu.memory_space<vmem>>, vector<16xf32>,
        %scan3A_163 = arith.constant 0 : i32
        scf.yield %scan3A_163 : i32
      }
      %scan3A_68 = arith.constant 40 : i32
      %run_scoped3A_69 = arith.constant 7 : i32
      "tpu.region"() ({
        %run_scoped3A_155 = tpu.sem_alloc : memref<!tpu.dma_semaphore, #tpu.memory_space<semaphore_mem>>
        %dma_start3A = tpu.memref_slice %arg9[%run_scoped3A_69, %mul3A_7] : memref<16x10240xf32, #tpu.memory_space<vmem_shared>> -> memref<1x640xf32, #tpu.memory_space<vmem_shared>>
        %dma_start3A_156 = tpu.memref_squeeze %dma_start3A : memref<1x640xf32, #tpu.memory_space<vmem_shared>> -> memref<640xf32, #tpu.memory_space<vmem_shared>>
        %dma_start3A_157 = tpu.memref_slice %arg9[%run_scoped3A_69, %mul3A_7] : memref<16x10240xf32, #tpu.memory_space<vmem_shared>> -> memref<1x640xf32, #tpu.memory_space<vmem_shared>>
        %dma_start3A_158 = tpu.memref_squeeze %dma_start3A_157 : memref<1x640xf32, #tpu.memory_space<vmem_shared>> -> memref<640xf32, #tpu.memory_space<vmem_shared>>
        tpu.enqueue_dma source(%dma_start3A_158 : memref<640xf32, #tpu.memory_space<vmem_shared>>) target(%arg6 : memref<640xf32, #tpu.memory_space<vmem>>) target_semaphore(%run_scoped3A_155 : memref<!tpu.dma_semaphore, #tpu.memory_space<semaphore_mem>>)
        %dma_wait3A = tpu.memref_slice %arg9[%run_scoped3A_69, %mul3A_7] : memref<16x10240xf32, #tpu.memory_space<vmem_shared>> -> memref<1x640xf32, #tpu.memory_space<vmem_shared>>
        %dma_wait3A_159 = tpu.memref_squeeze %dma_wait3A : memref<1x640xf32, #tpu.memory_space<vmem_shared>> -> memref<640xf32, #tpu.memory_space<vmem_shared>>
        %dma_wait3A_160 = tpu.memref_slice %arg9[%run_scoped3A_69, %mul3A_7] : memref<16x10240xf32, #tpu.memory_space<vmem_shared>> -> memref<1x640xf32, #tpu.memory_space<vmem_shared>>
        %dma_wait3A_161 = tpu.memref_squeeze %dma_wait3A_160 : memref<1x640xf32, #tpu.memory_space<vmem_shared>> -> memref<640xf32, #tpu.memory_space<vmem_shared>>
        tpu.wait_dma2 semaphore(%run_scoped3A_155 : memref<!tpu.dma_semaphore, #tpu.memory_space<semaphore_mem>>) src(%dma_wait3A_161 : memref<640xf32, #tpu.memory_space<vmem_shared>>) dst(%arg6 : memref<640xf32, #tpu.memory_space<vmem>>)
        tpu.yield
      }) : () -> ()
      %scan3A_70 = arith.constant 0 : i32
      %scan3A_71 = arith.constant 0 : i32
      %scan3A_72 = arith.constant 40 : i32
      %scan3A_73 = arith.addi %scan3A_71, %scan3A_72 : i32
      %scan3A_74 = arith.constant 1 : i32
      %scan3A_75 = scf.for %scan3A_155 = %scan3A_71 to %scan3A_73 step %scan3A_74 iter_args(%scan3A_156 = %scan3A_70) -> (i32)  : i32 {
        %mul3A_157 = arith.constant 16 : i32
        %mul3A_158 = arith.muli %scan3A_155, %mul3A_157 : i32
        %get3A = arith.index_cast %mul3A_158 : i32 to index
        %get3A_159 = tpu.vector_load %arg7[%get3A] {strides = array<i32>} : memref<640xf32, #tpu.memory_space<vmem>>, vector<16xf32>,
        %get3A_160 = arith.index_cast %mul3A_158 : i32 to index
        %get3A_161 = tpu.vector_load %arg6[%get3A_160] {strides = array<i32>} : memref<640xf32, #tpu.memory_space<vmem>>, vector<16xf32>,
        %add3A = arith.addf %get3A_159, %get3A_161 : vector<16xf32>
        %swap3A = arith.index_cast %mul3A_158 : i32 to index
        %swap3A_162 = tpu.vector_load %arg7[%swap3A] {strides = array<i32>} : memref<640xf32, #tpu.memory_space<vmem>>, vector<16xf32>,
        tpu.vector_store %arg7[%swap3A], %add3A {strides = array<i32>} : memref<640xf32, #tpu.memory_space<vmem>>, vector<16xf32>,
        %scan3A_163 = arith.constant 0 : i32
        scf.yield %scan3A_163 : i32
      }
      %scan3A_76 = arith.constant 40 : i32
      %run_scoped3A_77 = arith.constant 8 : i32
      "tpu.region"() ({
        %run_scoped3A_155 = tpu.sem_alloc : memref<!tpu.dma_semaphore, #tpu.memory_space<semaphore_mem>>
        %dma_start3A = tpu.memref_slice %arg9[%run_scoped3A_77, %mul3A_7] : memref<16x10240xf32, #tpu.memory_space<vmem_shared>> -> memref<1x640xf32, #tpu.memory_space<vmem_shared>>
        %dma_start3A_156 = tpu.memref_squeeze %dma_start3A : memref<1x640xf32, #tpu.memory_space<vmem_shared>> -> memref<640xf32, #tpu.memory_space<vmem_shared>>
        %dma_start3A_157 = tpu.memref_slice %arg9[%run_scoped3A_77, %mul3A_7] : memref<16x10240xf32, #tpu.memory_space<vmem_shared>> -> memref<1x640xf32, #tpu.memory_space<vmem_shared>>
        %dma_start3A_158 = tpu.memref_squeeze %dma_start3A_157 : memref<1x640xf32, #tpu.memory_space<vmem_shared>> -> memref<640xf32, #tpu.memory_space<vmem_shared>>
        tpu.enqueue_dma source(%dma_start3A_158 : memref<640xf32, #tpu.memory_space<vmem_shared>>) target(%arg6 : memref<640xf32, #tpu.memory_space<vmem>>) target_semaphore(%run_scoped3A_155 : memref<!tpu.dma_semaphore, #tpu.memory_space<semaphore_mem>>)
        %dma_wait3A = tpu.memref_slice %arg9[%run_scoped3A_77, %mul3A_7] : memref<16x10240xf32, #tpu.memory_space<vmem_shared>> -> memref<1x640xf32, #tpu.memory_space<vmem_shared>>
        %dma_wait3A_159 = tpu.memref_squeeze %dma_wait3A : memref<1x640xf32, #tpu.memory_space<vmem_shared>> -> memref<640xf32, #tpu.memory_space<vmem_shared>>
        %dma_wait3A_160 = tpu.memref_slice %arg9[%run_scoped3A_77, %mul3A_7] : memref<16x10240xf32, #tpu.memory_space<vmem_shared>> -> memref<1x640xf32, #tpu.memory_space<vmem_shared>>
        %dma_wait3A_161 = tpu.memref_squeeze %dma_wait3A_160 : memref<1x640xf32, #tpu.memory_space<vmem_shared>> -> memref<640xf32, #tpu.memory_space<vmem_shared>>
        tpu.wait_dma2 semaphore(%run_scoped3A_155 : memref<!tpu.dma_semaphore, #tpu.memory_space<semaphore_mem>>) src(%dma_wait3A_161 : memref<640xf32, #tpu.memory_space<vmem_shared>>) dst(%arg6 : memref<640xf32, #tpu.memory_space<vmem>>)
        tpu.yield
      }) : () -> ()
      %scan3A_78 = arith.constant 0 : i32
      %scan3A_79 = arith.constant 0 : i32
      %scan3A_80 = arith.constant 40 : i32
      %scan3A_81 = arith.addi %scan3A_79, %scan3A_80 : i32
      %scan3A_82 = arith.constant 1 : i32
      %scan3A_83 = scf.for %scan3A_155 = %scan3A_79 to %scan3A_81 step %scan3A_82 iter_args(%scan3A_156 = %scan3A_78) -> (i32)  : i32 {
        %mul3A_157 = arith.constant 16 : i32
        %mul3A_158 = arith.muli %scan3A_155, %mul3A_157 : i32
        %get3A = arith.index_cast %mul3A_158 : i32 to index
        %get3A_159 = tpu.vector_load %arg7[%get3A] {strides = array<i32>} : memref<640xf32, #tpu.memory_space<vmem>>, vector<16xf32>,
        %get3A_160 = arith.index_cast %mul3A_158 : i32 to index
        %get3A_161 = tpu.vector_load %arg6[%get3A_160] {strides = array<i32>} : memref<640xf32, #tpu.memory_space<vmem>>, vector<16xf32>,
        %add3A = arith.addf %get3A_159, %get3A_161 : vector<16xf32>
        %swap3A = arith.index_cast %mul3A_158 : i32 to index
        %swap3A_162 = tpu.vector_load %arg7[%swap3A] {strides = array<i32>} : memref<640xf32, #tpu.memory_space<vmem>>, vector<16xf32>,
        tpu.vector_store %arg7[%swap3A], %add3A {strides = array<i32>} : memref<640xf32, #tpu.memory_space<vmem>>, vector<16xf32>,
        %scan3A_163 = arith.constant 0 : i32
        scf.yield %scan3A_163 : i32
      }
      %scan3A_84 = arith.constant 40 : i32
      %run_scoped3A_85 = arith.constant 9 : i32
      "tpu.region"() ({
        %run_scoped3A_155 = tpu.sem_alloc : memref<!tpu.dma_semaphore, #tpu.memory_space<semaphore_mem>>
        %dma_start3A = tpu.memref_slice %arg9[%run_scoped3A_85, %mul3A_7] : memref<16x10240xf32, #tpu.memory_space<vmem_shared>> -> memref<1x640xf32, #tpu.memory_space<vmem_shared>>
        %dma_start3A_156 = tpu.memref_squeeze %dma_start3A : memref<1x640xf32, #tpu.memory_space<vmem_shared>> -> memref<640xf32, #tpu.memory_space<vmem_shared>>
        %dma_start3A_157 = tpu.memref_slice %arg9[%run_scoped3A_85, %mul3A_7] : memref<16x10240xf32, #tpu.memory_space<vmem_shared>> -> memref<1x640xf32, #tpu.memory_space<vmem_shared>>
        %dma_start3A_158 = tpu.memref_squeeze %dma_start3A_157 : memref<1x640xf32, #tpu.memory_space<vmem_shared>> -> memref<640xf32, #tpu.memory_space<vmem_shared>>
        tpu.enqueue_dma source(%dma_start3A_158 : memref<640xf32, #tpu.memory_space<vmem_shared>>) target(%arg6 : memref<640xf32, #tpu.memory_space<vmem>>) target_semaphore(%run_scoped3A_155 : memref<!tpu.dma_semaphore, #tpu.memory_space<semaphore_mem>>)
        %dma_wait3A = tpu.memref_slice %arg9[%run_scoped3A_85, %mul3A_7] : memref<16x10240xf32, #tpu.memory_space<vmem_shared>> -> memref<1x640xf32, #tpu.memory_space<vmem_shared>>
        %dma_wait3A_159 = tpu.memref_squeeze %dma_wait3A : memref<1x640xf32, #tpu.memory_space<vmem_shared>> -> memref<640xf32, #tpu.memory_space<vmem_shared>>
        %dma_wait3A_160 = tpu.memref_slice %arg9[%run_scoped3A_85, %mul3A_7] : memref<16x10240xf32, #tpu.memory_space<vmem_shared>> -> memref<1x640xf32, #tpu.memory_space<vmem_shared>>
        %dma_wait3A_161 = tpu.memref_squeeze %dma_wait3A_160 : memref<1x640xf32, #tpu.memory_space<vmem_shared>> -> memref<640xf32, #tpu.memory_space<vmem_shared>>
        tpu.wait_dma2 semaphore(%run_scoped3A_155 : memref<!tpu.dma_semaphore, #tpu.memory_space<semaphore_mem>>) src(%dma_wait3A_161 : memref<640xf32, #tpu.memory_space<vmem_shared>>) dst(%arg6 : memref<640xf32, #tpu.memory_space<vmem>>)
        tpu.yield
      }) : () -> ()
      %scan3A_86 = arith.constant 0 : i32
      %scan3A_87 = arith.constant 0 : i32
      %scan3A_88 = arith.constant 40 : i32
      %scan3A_89 = arith.addi %scan3A_87, %scan3A_88 : i32
      %scan3A_90 = arith.constant 1 : i32
      %scan3A_91 = scf.for %scan3A_155 = %scan3A_87 to %scan3A_89 step %scan3A_90 iter_args(%scan3A_156 = %scan3A_86) -> (i32)  : i32 {
        %mul3A_157 = arith.constant 16 : i32
        %mul3A_158 = arith.muli %scan3A_155, %mul3A_157 : i32
        %get3A = arith.index_cast %mul3A_158 : i32 to index
        %get3A_159 = tpu.vector_load %arg7[%get3A] {strides = array<i32>} : memref<640xf32, #tpu.memory_space<vmem>>, vector<16xf32>,
        %get3A_160 = arith.index_cast %mul3A_158 : i32 to index
        %get3A_161 = tpu.vector_load %arg6[%get3A_160] {strides = array<i32>} : memref<640xf32, #tpu.memory_space<vmem>>, vector<16xf32>,
        %add3A = arith.addf %get3A_159, %get3A_161 : vector<16xf32>
        %swap3A = arith.index_cast %mul3A_158 : i32 to index
        %swap3A_162 = tpu.vector_load %arg7[%swap3A] {strides = array<i32>} : memref<640xf32, #tpu.memory_space<vmem>>, vector<16xf32>,
        tpu.vector_store %arg7[%swap3A], %add3A {strides = array<i32>} : memref<640xf32, #tpu.memory_space<vmem>>, vector<16xf32>,
        %scan3A_163 = arith.constant 0 : i32
        scf.yield %scan3A_163 : i32
      }
      %scan3A_92 = arith.constant 40 : i32
      %run_scoped3A_93 = arith.constant 10 : i32
      "tpu.region"() ({
        %run_scoped3A_155 = tpu.sem_alloc : memref<!tpu.dma_semaphore, #tpu.memory_space<semaphore_mem>>
        %dma_start3A = tpu.memref_slice %arg9[%run_scoped3A_93, %mul3A_7] : memref<16x10240xf32, #tpu.memory_space<vmem_shared>> -> memref<1x640xf32, #tpu.memory_space<vmem_shared>>
        %dma_start3A_156 = tpu.memref_squeeze %dma_start3A : memref<1x640xf32, #tpu.memory_space<vmem_shared>> -> memref<640xf32, #tpu.memory_space<vmem_shared>>
        %dma_start3A_157 = tpu.memref_slice %arg9[%run_scoped3A_93, %mul3A_7] : memref<16x10240xf32, #tpu.memory_space<vmem_shared>> -> memref<1x640xf32, #tpu.memory_space<vmem_shared>>
        %dma_start3A_158 = tpu.memref_squeeze %dma_start3A_157 : memref<1x640xf32, #tpu.memory_space<vmem_shared>> -> memref<640xf32, #tpu.memory_space<vmem_shared>>
        tpu.enqueue_dma source(%dma_start3A_158 : memref<640xf32, #tpu.memory_space<vmem_shared>>) target(%arg6 : memref<640xf32, #tpu.memory_space<vmem>>) target_semaphore(%run_scoped3A_155 : memref<!tpu.dma_semaphore, #tpu.memory_space<semaphore_mem>>)
        %dma_wait3A = tpu.memref_slice %arg9[%run_scoped3A_93, %mul3A_7] : memref<16x10240xf32, #tpu.memory_space<vmem_shared>> -> memref<1x640xf32, #tpu.memory_space<vmem_shared>>
        %dma_wait3A_159 = tpu.memref_squeeze %dma_wait3A : memref<1x640xf32, #tpu.memory_space<vmem_shared>> -> memref<640xf32, #tpu.memory_space<vmem_shared>>
        %dma_wait3A_160 = tpu.memref_slice %arg9[%run_scoped3A_93, %mul3A_7] : memref<16x10240xf32, #tpu.memory_space<vmem_shared>> -> memref<1x640xf32, #tpu.memory_space<vmem_shared>>
        %dma_wait3A_161 = tpu.memref_squeeze %dma_wait3A_160 : memref<1x640xf32, #tpu.memory_space<vmem_shared>> -> memref<640xf32, #tpu.memory_space<vmem_shared>>
        tpu.wait_dma2 semaphore(%run_scoped3A_155 : memref<!tpu.dma_semaphore, #tpu.memory_space<semaphore_mem>>) src(%dma_wait3A_161 : memref<640xf32, #tpu.memory_space<vmem_shared>>) dst(%arg6 : memref<640xf32, #tpu.memory_space<vmem>>)
        tpu.yield
      }) : () -> ()
      %scan3A_94 = arith.constant 0 : i32
      %scan3A_95 = arith.constant 0 : i32
      %scan3A_96 = arith.constant 40 : i32
      %scan3A_97 = arith.addi %scan3A_95, %scan3A_96 : i32
      %scan3A_98 = arith.constant 1 : i32
      %scan3A_99 = scf.for %scan3A_155 = %scan3A_95 to %scan3A_97 step %scan3A_98 iter_args(%scan3A_156 = %scan3A_94) -> (i32)  : i32 {
        %mul3A_157 = arith.constant 16 : i32
        %mul3A_158 = arith.muli %scan3A_155, %mul3A_157 : i32
        %get3A = arith.index_cast %mul3A_158 : i32 to index
        %get3A_159 = tpu.vector_load %arg7[%get3A] {strides = array<i32>} : memref<640xf32, #tpu.memory_space<vmem>>, vector<16xf32>,
        %get3A_160 = arith.index_cast %mul3A_158 : i32 to index
        %get3A_161 = tpu.vector_load %arg6[%get3A_160] {strides = array<i32>} : memref<640xf32, #tpu.memory_space<vmem>>, vector<16xf32>,
        %add3A = arith.addf %get3A_159, %get3A_161 : vector<16xf32>
        %swap3A = arith.index_cast %mul3A_158 : i32 to index
        %swap3A_162 = tpu.vector_load %arg7[%swap3A] {strides = array<i32>} : memref<640xf32, #tpu.memory_space<vmem>>, vector<16xf32>,
        tpu.vector_store %arg7[%swap3A], %add3A {strides = array<i32>} : memref<640xf32, #tpu.memory_space<vmem>>, vector<16xf32>,
        %scan3A_163 = arith.constant 0 : i32
        scf.yield %scan3A_163 : i32
      }
      %scan3A_100 = arith.constant 40 : i32
      %run_scoped3A_101 = arith.constant 11 : i32
      "tpu.region"() ({
        %run_scoped3A_155 = tpu.sem_alloc : memref<!tpu.dma_semaphore, #tpu.memory_space<semaphore_mem>>
        %dma_start3A = tpu.memref_slice %arg9[%run_scoped3A_101, %mul3A_7] : memref<16x10240xf32, #tpu.memory_space<vmem_shared>> -> memref<1x640xf32, #tpu.memory_space<vmem_shared>>
        %dma_start3A_156 = tpu.memref_squeeze %dma_start3A : memref<1x640xf32, #tpu.memory_space<vmem_shared>> -> memref<640xf32, #tpu.memory_space<vmem_shared>>
        %dma_start3A_157 = tpu.memref_slice %arg9[%run_scoped3A_101, %mul3A_7] : memref<16x10240xf32, #tpu.memory_space<vmem_shared>> -> memref<1x640xf32, #tpu.memory_space<vmem_shared>>
        %dma_start3A_158 = tpu.memref_squeeze %dma_start3A_157 : memref<1x640xf32, #tpu.memory_space<vmem_shared>> -> memref<640xf32, #tpu.memory_space<vmem_shared>>
        tpu.enqueue_dma source(%dma_start3A_158 : memref<640xf32, #tpu.memory_space<vmem_shared>>) target(%arg6 : memref<640xf32, #tpu.memory_space<vmem>>) target_semaphore(%run_scoped3A_155 : memref<!tpu.dma_semaphore, #tpu.memory_space<semaphore_mem>>)
        %dma_wait3A = tpu.memref_slice %arg9[%run_scoped3A_101, %mul3A_7] : memref<16x10240xf32, #tpu.memory_space<vmem_shared>> -> memref<1x640xf32, #tpu.memory_space<vmem_shared>>
        %dma_wait3A_159 = tpu.memref_squeeze %dma_wait3A : memref<1x640xf32, #tpu.memory_space<vmem_shared>> -> memref<640xf32, #tpu.memory_space<vmem_shared>>
        %dma_wait3A_160 = tpu.memref_slice %arg9[%run_scoped3A_101, %mul3A_7] : memref<16x10240xf32, #tpu.memory_space<vmem_shared>> -> memref<1x640xf32, #tpu.memory_space<vmem_shared>>
        %dma_wait3A_161 = tpu.memref_squeeze %dma_wait3A_160 : memref<1x640xf32, #tpu.memory_space<vmem_shared>> -> memref<640xf32, #tpu.memory_space<vmem_shared>>
        tpu.wait_dma2 semaphore(%run_scoped3A_155 : memref<!tpu.dma_semaphore, #tpu.memory_space<semaphore_mem>>) src(%dma_wait3A_161 : memref<640xf32, #tpu.memory_space<vmem_shared>>) dst(%arg6 : memref<640xf32, #tpu.memory_space<vmem>>)
        tpu.yield
      }) : () -> ()
      %scan3A_102 = arith.constant 0 : i32
      %scan3A_103 = arith.constant 0 : i32
      %scan3A_104 = arith.constant 40 : i32
      %scan3A_105 = arith.addi %scan3A_103, %scan3A_104 : i32
      %scan3A_106 = arith.constant 1 : i32
      %scan3A_107 = scf.for %scan3A_155 = %scan3A_103 to %scan3A_105 step %scan3A_106 iter_args(%scan3A_156 = %scan3A_102) -> (i32)  : i32 {
        %mul3A_157 = arith.constant 16 : i32
        %mul3A_158 = arith.muli %scan3A_155, %mul3A_157 : i32
        %get3A = arith.index_cast %mul3A_158 : i32 to index
        %get3A_159 = tpu.vector_load %arg7[%get3A] {strides = array<i32>} : memref<640xf32, #tpu.memory_space<vmem>>, vector<16xf32>,
        %get3A_160 = arith.index_cast %mul3A_158 : i32 to index
        %get3A_161 = tpu.vector_load %arg6[%get3A_160] {strides = array<i32>} : memref<640xf32, #tpu.memory_space<vmem>>, vector<16xf32>,
        %add3A = arith.addf %get3A_159, %get3A_161 : vector<16xf32>
        %swap3A = arith.index_cast %mul3A_158 : i32 to index
        %swap3A_162 = tpu.vector_load %arg7[%swap3A] {strides = array<i32>} : memref<640xf32, #tpu.memory_space<vmem>>, vector<16xf32>,
        tpu.vector_store %arg7[%swap3A], %add3A {strides = array<i32>} : memref<640xf32, #tpu.memory_space<vmem>>, vector<16xf32>,
        %scan3A_163 = arith.constant 0 : i32
        scf.yield %scan3A_163 : i32
      }
      %scan3A_108 = arith.constant 40 : i32
      %run_scoped3A_109 = arith.constant 12 : i32
      "tpu.region"() ({
        %run_scoped3A_155 = tpu.sem_alloc : memref<!tpu.dma_semaphore, #tpu.memory_space<semaphore_mem>>
        %dma_start3A = tpu.memref_slice %arg9[%run_scoped3A_109, %mul3A_7] : memref<16x10240xf32, #tpu.memory_space<vmem_shared>> -> memref<1x640xf32, #tpu.memory_space<vmem_shared>>
        %dma_start3A_156 = tpu.memref_squeeze %dma_start3A : memref<1x640xf32, #tpu.memory_space<vmem_shared>> -> memref<640xf32, #tpu.memory_space<vmem_shared>>
        %dma_start3A_157 = tpu.memref_slice %arg9[%run_scoped3A_109, %mul3A_7] : memref<16x10240xf32, #tpu.memory_space<vmem_shared>> -> memref<1x640xf32, #tpu.memory_space<vmem_shared>>
        %dma_start3A_158 = tpu.memref_squeeze %dma_start3A_157 : memref<1x640xf32, #tpu.memory_space<vmem_shared>> -> memref<640xf32, #tpu.memory_space<vmem_shared>>
        tpu.enqueue_dma source(%dma_start3A_158 : memref<640xf32, #tpu.memory_space<vmem_shared>>) target(%arg6 : memref<640xf32, #tpu.memory_space<vmem>>) target_semaphore(%run_scoped3A_155 : memref<!tpu.dma_semaphore, #tpu.memory_space<semaphore_mem>>)
        %dma_wait3A = tpu.memref_slice %arg9[%run_scoped3A_109, %mul3A_7] : memref<16x10240xf32, #tpu.memory_space<vmem_shared>> -> memref<1x640xf32, #tpu.memory_space<vmem_shared>>
        %dma_wait3A_159 = tpu.memref_squeeze %dma_wait3A : memref<1x640xf32, #tpu.memory_space<vmem_shared>> -> memref<640xf32, #tpu.memory_space<vmem_shared>>
        %dma_wait3A_160 = tpu.memref_slice %arg9[%run_scoped3A_109, %mul3A_7] : memref<16x10240xf32, #tpu.memory_space<vmem_shared>> -> memref<1x640xf32, #tpu.memory_space<vmem_shared>>
        %dma_wait3A_161 = tpu.memref_squeeze %dma_wait3A_160 : memref<1x640xf32, #tpu.memory_space<vmem_shared>> -> memref<640xf32, #tpu.memory_space<vmem_shared>>
        tpu.wait_dma2 semaphore(%run_scoped3A_155 : memref<!tpu.dma_semaphore, #tpu.memory_space<semaphore_mem>>) src(%dma_wait3A_161 : memref<640xf32, #tpu.memory_space<vmem_shared>>) dst(%arg6 : memref<640xf32, #tpu.memory_space<vmem>>)
        tpu.yield
      }) : () -> ()
      %scan3A_110 = arith.constant 0 : i32
      %scan3A_111 = arith.constant 0 : i32
      %scan3A_112 = arith.constant 40 : i32
      %scan3A_113 = arith.addi %scan3A_111, %scan3A_112 : i32
      %scan3A_114 = arith.constant 1 : i32
      %scan3A_115 = scf.for %scan3A_155 = %scan3A_111 to %scan3A_113 step %scan3A_114 iter_args(%scan3A_156 = %scan3A_110) -> (i32)  : i32 {
        %mul3A_157 = arith.constant 16 : i32
        %mul3A_158 = arith.muli %scan3A_155, %mul3A_157 : i32
        %get3A = arith.index_cast %mul3A_158 : i32 to index
        %get3A_159 = tpu.vector_load %arg7[%get3A] {strides = array<i32>} : memref<640xf32, #tpu.memory_space<vmem>>, vector<16xf32>,
        %get3A_160 = arith.index_cast %mul3A_158 : i32 to index
        %get3A_161 = tpu.vector_load %arg6[%get3A_160] {strides = array<i32>} : memref<640xf32, #tpu.memory_space<vmem>>, vector<16xf32>,
        %add3A = arith.addf %get3A_159, %get3A_161 : vector<16xf32>
        %swap3A = arith.index_cast %mul3A_158 : i32 to index
        %swap3A_162 = tpu.vector_load %arg7[%swap3A] {strides = array<i32>} : memref<640xf32, #tpu.memory_space<vmem>>, vector<16xf32>,
        tpu.vector_store %arg7[%swap3A], %add3A {strides = array<i32>} : memref<640xf32, #tpu.memory_space<vmem>>, vector<16xf32>,
        %scan3A_163 = arith.constant 0 : i32
        scf.yield %scan3A_163 : i32
      }
      %scan3A_116 = arith.constant 40 : i32
      %run_scoped3A_117 = arith.constant 13 : i32
      "tpu.region"() ({
        %run_scoped3A_155 = tpu.sem_alloc : memref<!tpu.dma_semaphore, #tpu.memory_space<semaphore_mem>>
        %dma_start3A = tpu.memref_slice %arg9[%run_scoped3A_117, %mul3A_7] : memref<16x10240xf32, #tpu.memory_space<vmem_shared>> -> memref<1x640xf32, #tpu.memory_space<vmem_shared>>
        %dma_start3A_156 = tpu.memref_squeeze %dma_start3A : memref<1x640xf32, #tpu.memory_space<vmem_shared>> -> memref<640xf32, #tpu.memory_space<vmem_shared>>
        %dma_start3A_157 = tpu.memref_slice %arg9[%run_scoped3A_117, %mul3A_7] : memref<16x10240xf32, #tpu.memory_space<vmem_shared>> -> memref<1x640xf32, #tpu.memory_space<vmem_shared>>
        %dma_start3A_158 = tpu.memref_squeeze %dma_start3A_157 : memref<1x640xf32, #tpu.memory_space<vmem_shared>> -> memref<640xf32, #tpu.memory_space<vmem_shared>>
        tpu.enqueue_dma source(%dma_start3A_158 : memref<640xf32, #tpu.memory_space<vmem_shared>>) target(%arg6 : memref<640xf32, #tpu.memory_space<vmem>>) target_semaphore(%run_scoped3A_155 : memref<!tpu.dma_semaphore, #tpu.memory_space<semaphore_mem>>)
        %dma_wait3A = tpu.memref_slice %arg9[%run_scoped3A_117, %mul3A_7] : memref<16x10240xf32, #tpu.memory_space<vmem_shared>> -> memref<1x640xf32, #tpu.memory_space<vmem_shared>>
        %dma_wait3A_159 = tpu.memref_squeeze %dma_wait3A : memref<1x640xf32, #tpu.memory_space<vmem_shared>> -> memref<640xf32, #tpu.memory_space<vmem_shared>>
        %dma_wait3A_160 = tpu.memref_slice %arg9[%run_scoped3A_117, %mul3A_7] : memref<16x10240xf32, #tpu.memory_space<vmem_shared>> -> memref<1x640xf32, #tpu.memory_space<vmem_shared>>
        %dma_wait3A_161 = tpu.memref_squeeze %dma_wait3A_160 : memref<1x640xf32, #tpu.memory_space<vmem_shared>> -> memref<640xf32, #tpu.memory_space<vmem_shared>>
        tpu.wait_dma2 semaphore(%run_scoped3A_155 : memref<!tpu.dma_semaphore, #tpu.memory_space<semaphore_mem>>) src(%dma_wait3A_161 : memref<640xf32, #tpu.memory_space<vmem_shared>>) dst(%arg6 : memref<640xf32, #tpu.memory_space<vmem>>)
        tpu.yield
      }) : () -> ()
      %scan3A_118 = arith.constant 0 : i32
      %scan3A_119 = arith.constant 0 : i32
      %scan3A_120 = arith.constant 40 : i32
      %scan3A_121 = arith.addi %scan3A_119, %scan3A_120 : i32
      %scan3A_122 = arith.constant 1 : i32
      %scan3A_123 = scf.for %scan3A_155 = %scan3A_119 to %scan3A_121 step %scan3A_122 iter_args(%scan3A_156 = %scan3A_118) -> (i32)  : i32 {
        %mul3A_157 = arith.constant 16 : i32
        %mul3A_158 = arith.muli %scan3A_155, %mul3A_157 : i32
        %get3A = arith.index_cast %mul3A_158 : i32 to index
        %get3A_159 = tpu.vector_load %arg7[%get3A] {strides = array<i32>} : memref<640xf32, #tpu.memory_space<vmem>>, vector<16xf32>,
        %get3A_160 = arith.index_cast %mul3A_158 : i32 to index
        %get3A_161 = tpu.vector_load %arg6[%get3A_160] {strides = array<i32>} : memref<640xf32, #tpu.memory_space<vmem>>, vector<16xf32>,
        %add3A = arith.addf %get3A_159, %get3A_161 : vector<16xf32>
        %swap3A = arith.index_cast %mul3A_158 : i32 to index
        %swap3A_162 = tpu.vector_load %arg7[%swap3A] {strides = array<i32>} : memref<640xf32, #tpu.memory_space<vmem>>, vector<16xf32>,
        tpu.vector_store %arg7[%swap3A], %add3A {strides = array<i32>} : memref<640xf32, #tpu.memory_space<vmem>>, vector<16xf32>,
        %scan3A_163 = arith.constant 0 : i32
        scf.yield %scan3A_163 : i32
      }
      %scan3A_124 = arith.constant 40 : i32
      %run_scoped3A_125 = arith.constant 14 : i32
      "tpu.region"() ({
        %run_scoped3A_155 = tpu.sem_alloc : memref<!tpu.dma_semaphore, #tpu.memory_space<semaphore_mem>>
        %dma_start3A = tpu.memref_slice %arg9[%run_scoped3A_125, %mul3A_7] : memref<16x10240xf32, #tpu.memory_space<vmem_shared>> -> memref<1x640xf32, #tpu.memory_space<vmem_shared>>
        %dma_start3A_156 = tpu.memref_squeeze %dma_start3A : memref<1x640xf32, #tpu.memory_space<vmem_shared>> -> memref<640xf32, #tpu.memory_space<vmem_shared>>
        %dma_start3A_157 = tpu.memref_slice %arg9[%run_scoped3A_125, %mul3A_7] : memref<16x10240xf32, #tpu.memory_space<vmem_shared>> -> memref<1x640xf32, #tpu.memory_space<vmem_shared>>
        %dma_start3A_158 = tpu.memref_squeeze %dma_start3A_157 : memref<1x640xf32, #tpu.memory_space<vmem_shared>> -> memref<640xf32, #tpu.memory_space<vmem_shared>>
        tpu.enqueue_dma source(%dma_start3A_158 : memref<640xf32, #tpu.memory_space<vmem_shared>>) target(%arg6 : memref<640xf32, #tpu.memory_space<vmem>>) target_semaphore(%run_scoped3A_155 : memref<!tpu.dma_semaphore, #tpu.memory_space<semaphore_mem>>)
        %dma_wait3A = tpu.memref_slice %arg9[%run_scoped3A_125, %mul3A_7] : memref<16x10240xf32, #tpu.memory_space<vmem_shared>> -> memref<1x640xf32, #tpu.memory_space<vmem_shared>>
        %dma_wait3A_159 = tpu.memref_squeeze %dma_wait3A : memref<1x640xf32, #tpu.memory_space<vmem_shared>> -> memref<640xf32, #tpu.memory_space<vmem_shared>>
        %dma_wait3A_160 = tpu.memref_slice %arg9[%run_scoped3A_125, %mul3A_7] : memref<16x10240xf32, #tpu.memory_space<vmem_shared>> -> memref<1x640xf32, #tpu.memory_space<vmem_shared>>
        %dma_wait3A_161 = tpu.memref_squeeze %dma_wait3A_160 : memref<1x640xf32, #tpu.memory_space<vmem_shared>> -> memref<640xf32, #tpu.memory_space<vmem_shared>>
        tpu.wait_dma2 semaphore(%run_scoped3A_155 : memref<!tpu.dma_semaphore, #tpu.memory_space<semaphore_mem>>) src(%dma_wait3A_161 : memref<640xf32, #tpu.memory_space<vmem_shared>>) dst(%arg6 : memref<640xf32, #tpu.memory_space<vmem>>)
        tpu.yield
      }) : () -> ()
      %scan3A_126 = arith.constant 0 : i32
      %scan3A_127 = arith.constant 0 : i32
      %scan3A_128 = arith.constant 40 : i32
      %scan3A_129 = arith.addi %scan3A_127, %scan3A_128 : i32
      %scan3A_130 = arith.constant 1 : i32
      %scan3A_131 = scf.for %scan3A_155 = %scan3A_127 to %scan3A_129 step %scan3A_130 iter_args(%scan3A_156 = %scan3A_126) -> (i32)  : i32 {
        %mul3A_157 = arith.constant 16 : i32
        %mul3A_158 = arith.muli %scan3A_155, %mul3A_157 : i32
        %get3A = arith.index_cast %mul3A_158 : i32 to index
        %get3A_159 = tpu.vector_load %arg7[%get3A] {strides = array<i32>} : memref<640xf32, #tpu.memory_space<vmem>>, vector<16xf32>,
        %get3A_160 = arith.index_cast %mul3A_158 : i32 to index
        %get3A_161 = tpu.vector_load %arg6[%get3A_160] {strides = array<i32>} : memref<640xf32, #tpu.memory_space<vmem>>, vector<16xf32>,
        %add3A = arith.addf %get3A_159, %get3A_161 : vector<16xf32>
        %swap3A = arith.index_cast %mul3A_158 : i32 to index
        %swap3A_162 = tpu.vector_load %arg7[%swap3A] {strides = array<i32>} : memref<640xf32, #tpu.memory_space<vmem>>, vector<16xf32>,
        tpu.vector_store %arg7[%swap3A], %add3A {strides = array<i32>} : memref<640xf32, #tpu.memory_space<vmem>>, vector<16xf32>,
        %scan3A_163 = arith.constant 0 : i32
        scf.yield %scan3A_163 : i32
      }
      %scan3A_132 = arith.constant 40 : i32
      %run_scoped3A_133 = arith.constant 15 : i32
      "tpu.region"() ({
        %run_scoped3A_155 = tpu.sem_alloc : memref<!tpu.dma_semaphore, #tpu.memory_space<semaphore_mem>>
        %dma_start3A = tpu.memref_slice %arg9[%run_scoped3A_133, %mul3A_7] : memref<16x10240xf32, #tpu.memory_space<vmem_shared>> -> memref<1x640xf32, #tpu.memory_space<vmem_shared>>
        %dma_start3A_156 = tpu.memref_squeeze %dma_start3A : memref<1x640xf32, #tpu.memory_space<vmem_shared>> -> memref<640xf32, #tpu.memory_space<vmem_shared>>
        %dma_start3A_157 = tpu.memref_slice %arg9[%run_scoped3A_133, %mul3A_7] : memref<16x10240xf32, #tpu.memory_space<vmem_shared>> -> memref<1x640xf32, #tpu.memory_space<vmem_shared>>
        %dma_start3A_158 = tpu.memref_squeeze %dma_start3A_157 : memref<1x640xf32, #tpu.memory_space<vmem_shared>> -> memref<640xf32, #tpu.memory_space<vmem_shared>>
        tpu.enqueue_dma source(%dma_start3A_158 : memref<640xf32, #tpu.memory_space<vmem_shared>>) target(%arg6 : memref<640xf32, #tpu.memory_space<vmem>>) target_semaphore(%run_scoped3A_155 : memref<!tpu.dma_semaphore, #tpu.memory_space<semaphore_mem>>)
        %dma_wait3A = tpu.memref_slice %arg9[%run_scoped3A_133, %mul3A_7] : memref<16x10240xf32, #tpu.memory_space<vmem_shared>> -> memref<1x640xf32, #tpu.memory_space<vmem_shared>>
        %dma_wait3A_159 = tpu.memref_squeeze %dma_wait3A : memref<1x640xf32, #tpu.memory_space<vmem_shared>> -> memref<640xf32, #tpu.memory_space<vmem_shared>>
        %dma_wait3A_160 = tpu.memref_slice %arg9[%run_scoped3A_133, %mul3A_7] : memref<16x10240xf32, #tpu.memory_space<vmem_shared>> -> memref<1x640xf32, #tpu.memory_space<vmem_shared>>
        %dma_wait3A_161 = tpu.memref_squeeze %dma_wait3A_160 : memref<1x640xf32, #tpu.memory_space<vmem_shared>> -> memref<640xf32, #tpu.memory_space<vmem_shared>>
        tpu.wait_dma2 semaphore(%run_scoped3A_155 : memref<!tpu.dma_semaphore, #tpu.memory_space<semaphore_mem>>) src(%dma_wait3A_161 : memref<640xf32, #tpu.memory_space<vmem_shared>>) dst(%arg6 : memref<640xf32, #tpu.memory_space<vmem>>)
        tpu.yield
      }) : () -> ()
      %scan3A_134 = arith.constant 0 : i32
      %scan3A_135 = arith.constant 0 : i32
      %scan3A_136 = arith.constant 40 : i32
      %scan3A_137 = arith.addi %scan3A_135, %scan3A_136 : i32
      %scan3A_138 = arith.constant 1 : i32
      %scan3A_139 = scf.for %scan3A_155 = %scan3A_135 to %scan3A_137 step %scan3A_138 iter_args(%scan3A_156 = %scan3A_134) -> (i32)  : i32 {
        %mul3A_157 = arith.constant 16 : i32
        %mul3A_158 = arith.muli %scan3A_155, %mul3A_157 : i32
        %get3A = arith.index_cast %mul3A_158 : i32 to index
        %get3A_159 = tpu.vector_load %arg7[%get3A] {strides = array<i32>} : memref<640xf32, #tpu.memory_space<vmem>>, vector<16xf32>,
        %get3A_160 = arith.index_cast %mul3A_158 : i32 to index
        %get3A_161 = tpu.vector_load %arg6[%get3A_160] {strides = array<i32>} : memref<640xf32, #tpu.memory_space<vmem>>, vector<16xf32>,
        %add3A = arith.addf %get3A_159, %get3A_161 : vector<16xf32>
        %swap3A = arith.index_cast %mul3A_158 : i32 to index
        %swap3A_162 = tpu.vector_load %arg7[%swap3A] {strides = array<i32>} : memref<640xf32, #tpu.memory_space<vmem>>, vector<16xf32>,
        tpu.vector_store %arg7[%swap3A], %add3A {strides = array<i32>} : memref<640xf32, #tpu.memory_space<vmem>>, vector<16xf32>,
        %scan3A_163 = arith.constant 0 : i32
        scf.yield %scan3A_163 : i32
      }
      %scan3A_140 = arith.constant 40 : i32
      %scan3A_141 = arith.constant 0 : i32
      %scan3A_142 = arith.constant 0 : i32
      %scan3A_143 = arith.constant 40 : i32
      %scan3A_144 = arith.addi %scan3A_142, %scan3A_143 : i32
      %scan3A_145 = arith.constant 1 : i32
      %scan3A_146 = scf.for %scan3A_155 = %scan3A_142 to %scan3A_144 step %scan3A_145 iter_args(%scan3A_156 = %scan3A_141) -> (i32)  : i32 {
        %mul3A_157 = arith.constant 16 : i32
        %mul3A_158 = arith.muli %scan3A_155, %mul3A_157 : i32
        %get3A = arith.index_cast %mul3A_158 : i32 to index
        %get3A_159 = tpu.vector_load %arg7[%get3A] {strides = array<i32>} : memref<640xf32, #tpu.memory_space<vmem>>, vector<16xf32>,
        %add3A = arith.constant 1.000000e+00 : f32
        %add3A_160 = vector.broadcast %add3A : f32 to vector<16xf32>
        %add3A_161 = arith.addf %get3A_159, %add3A_160 : vector<16xf32>
        %bitcast3A = vector.bitcast %add3A_161 : vector<16xf32> to vector<16xi32>
        %shift_right_arithmetic3A = arith.constant 1 : i32
        %shift_right_arithmetic3A_162 = vector.broadcast %shift_right_arithmetic3A : i32 to vector<16xi32>
        %shift_right_arithmetic3A_163 = arith.shrsi %bitcast3A, %shift_right_arithmetic3A_162 : vector<16xi32>
        %sub3A = arith.constant 1597463007 : i32
        %sub3A_164 = vector.broadcast %sub3A : i32 to vector<16xi32>
        %sub3A_165 = arith.subi %sub3A_164, %shift_right_arithmetic3A_163 : vector<16xi32>
        %bitcast3A_166 = vector.bitcast %sub3A_165 : vector<16xi32> to vector<16xf32>
        %mul3A_167 = arith.constant 5.000000e-01 : f32
        %mul3A_168 = vector.broadcast %mul3A_167 : f32 to vector<16xf32>
        %mul3A_169 = arith.mulf %mul3A_168, %add3A_161 : vector<16xf32>
        %mul3A_170 = arith.mulf %mul3A_169, %bitcast3A_166 : vector<16xf32>
        %mul3A_171 = arith.mulf %mul3A_170, %bitcast3A_166 : vector<16xf32>
        %sub3A_172 = arith.constant 1.500000e+00 : f32
        %sub3A_173 = vector.broadcast %sub3A_172 : f32 to vector<16xf32>
        %sub3A_174 = arith.subf %sub3A_173, %mul3A_171 : vector<16xf32>
        %mul3A_175 = arith.mulf %bitcast3A_166, %sub3A_174 : vector<16xf32>
        %mul3A_176 = arith.constant 5.000000e-01 : f32
        %mul3A_177 = vector.broadcast %mul3A_176 : f32 to vector<16xf32>
        %mul3A_178 = arith.mulf %mul3A_177, %add3A_161 : vector<16xf32>
        %mul3A_179 = arith.mulf %mul3A_178, %mul3A_175 : vector<16xf32>
        %mul3A_180 = arith.mulf %mul3A_179, %mul3A_175 : vector<16xf32>
        %sub3A_181 = arith.constant 1.500000e+00 : f32
        %sub3A_182 = vector.broadcast %sub3A_181 : f32 to vector<16xf32>
        %sub3A_183 = arith.subf %sub3A_182, %mul3A_180 : vector<16xf32>
        %mul3A_184 = arith.mulf %mul3A_175, %sub3A_183 : vector<16xf32>
        %mul3A_185 = arith.constant 5.000000e-01 : f32
        %mul3A_186 = vector.broadcast %mul3A_185 : f32 to vector<16xf32>
        %mul3A_187 = arith.mulf %mul3A_186, %add3A_161 : vector<16xf32>
        %mul3A_188 = arith.mulf %mul3A_187, %mul3A_184 : vector<16xf32>
        %mul3A_189 = arith.mulf %mul3A_188, %mul3A_184 : vector<16xf32>
        %sub3A_190 = arith.constant 1.500000e+00 : f32
        %sub3A_191 = vector.broadcast %sub3A_190 : f32 to vector<16xf32>
        %sub3A_192 = arith.subf %sub3A_191, %mul3A_189 : vector<16xf32>
        %mul3A_193 = arith.mulf %mul3A_184, %sub3A_192 : vector<16xf32>
        %swap3A = arith.index_cast %mul3A_158 : i32 to index
        %swap3A_194 = tpu.vector_load %arg7[%swap3A] {strides = array<i32>} : memref<640xf32, #tpu.memory_space<vmem>>, vector<16xf32>,
        tpu.vector_store %arg7[%swap3A], %mul3A_193 {strides = array<i32>} : memref<640xf32, #tpu.memory_space<vmem>>, vector<16xf32>,
        %scan3A_195 = arith.constant 0 : i32
        scf.yield %scan3A_195 : i32
      }
      %scan3A_147 = arith.constant 40 : i32
      %scan3A_148 = arith.constant 0 : i32
      %scan3A_149 = arith.constant 0 : i32
      %scan3A_150 = arith.constant 160 : i32
      %scan3A_151 = arith.addi %scan3A_149, %scan3A_150 : i32
      %scan3A_152 = arith.constant 1 : i32
      %scan3A_153 = scf.for %scan3A_155 = %scan3A_149 to %scan3A_151 step %scan3A_152 iter_args(%scan3A_156 = %scan3A_148) -> (i32)  : i32 {
        %mul3A_157 = arith.constant 4 : i32
        %mul3A_158 = arith.muli %scan3A_155, %mul3A_157 : i32
        %add3A = arith.constant 0 : i32
        %add3A_159 = arith.addi %mul3A_158, %add3A : i32
        %broadcast_in_dim3A = arith.constant 0 : i32
        %broadcast_in_dim3A_160 = vector.broadcast %broadcast_in_dim3A : i32 to vector<16xi32>
        %add3A_161 = vector.broadcast %add3A_159 : i32 to vector<16xi32>
        %add3A_162 = arith.addi %broadcast_in_dim3A_160, %add3A_161 : vector<16xi32>
        %gather3A = tpu.vector_load_idx %arg7[%add3A_162] : memref<640xf32, #tpu.memory_space<vmem>>[vector<16xi32>], vector<16xf32>,
        %swap3A = arith.index_cast %add3A_159 : i32 to index
        %swap3A_163 = arith.constant 0 : index
        %swap3A_164 = tpu.vector_load %arg8[%swap3A, %swap3A_163] {strides = array<i32>} : memref<640x128xf32, #tpu.memory_space<vmem>>, vector<16xf32>,
        tpu.vector_store %arg8[%swap3A, %swap3A_163], %gather3A {strides = array<i32>} : memref<640x128xf32, #tpu.memory_space<vmem>>, vector<16xf32>,
        %swap3A_165 = arith.index_cast %add3A_159 : i32 to index
        %swap3A_166 = arith.constant 16 : index
        %swap3A_167 = tpu.vector_load %arg8[%swap3A_165, %swap3A_166] {strides = array<i32>} : memref<640x128xf32, #tpu.memory_space<vmem>>, vector<16xf32>,
        tpu.vector_store %arg8[%swap3A_165, %swap3A_166], %gather3A {strides = array<i32>} : memref<640x128xf32, #tpu.memory_space<vmem>>, vector<16xf32>,
        %swap3A_168 = arith.index_cast %add3A_159 : i32 to index
        %swap3A_169 = arith.constant 32 : index
        %swap3A_170 = tpu.vector_load %arg8[%swap3A_168, %swap3A_169] {strides = array<i32>} : memref<640x128xf32, #tpu.memory_space<vmem>>, vector<16xf32>,
        tpu.vector_store %arg8[%swap3A_168, %swap3A_169], %gather3A {strides = array<i32>} : memref<640x128xf32, #tpu.memory_space<vmem>>, vector<16xf32>,
        %swap3A_171 = arith.index_cast %add3A_159 : i32 to index
        %swap3A_172 = arith.constant 48 : index
        %swap3A_173 = tpu.vector_load %arg8[%swap3A_171, %swap3A_172] {strides = array<i32>} : memref<640x128xf32, #tpu.memory_space<vmem>>, vector<16xf32>,
        tpu.vector_store %arg8[%swap3A_171, %swap3A_172], %gather3A {strides = array<i32>} : memref<640x128xf32, #tpu.memory_space<vmem>>, vector<16xf32>,
        %swap3A_174 = arith.index_cast %add3A_159 : i32 to index
        %swap3A_175 = arith.constant 64 : index
        %swap3A_176 = tpu.vector_load %arg8[%swap3A_174, %swap3A_175] {strides = array<i32>} : memref<640x128xf32, #tpu.memory_space<vmem>>, vector<16xf32>,
        tpu.vector_store %arg8[%swap3A_174, %swap3A_175], %gather3A {strides = array<i32>} : memref<640x128xf32, #tpu.memory_space<vmem>>, vector<16xf32>,
        %swap3A_177 = arith.index_cast %add3A_159 : i32 to index
        %swap3A_178 = arith.constant 80 : index
        %swap3A_179 = tpu.vector_load %arg8[%swap3A_177, %swap3A_178] {strides = array<i32>} : memref<640x128xf32, #tpu.memory_space<vmem>>, vector<16xf32>,
        tpu.vector_store %arg8[%swap3A_177, %swap3A_178], %gather3A {strides = array<i32>} : memref<640x128xf32, #tpu.memory_space<vmem>>, vector<16xf32>,
        %swap3A_180 = arith.index_cast %add3A_159 : i32 to index
        %swap3A_181 = arith.constant 96 : index
        %swap3A_182 = tpu.vector_load %arg8[%swap3A_180, %swap3A_181] {strides = array<i32>} : memref<640x128xf32, #tpu.memory_space<vmem>>, vector<16xf32>,
        tpu.vector_store %arg8[%swap3A_180, %swap3A_181], %gather3A {strides = array<i32>} : memref<640x128xf32, #tpu.memory_space<vmem>>, vector<16xf32>,
        %swap3A_183 = arith.index_cast %add3A_159 : i32 to index
        %swap3A_184 = arith.constant 112 : index
        %swap3A_185 = tpu.vector_load %arg8[%swap3A_183, %swap3A_184] {strides = array<i32>} : memref<640x128xf32, #tpu.memory_space<vmem>>, vector<16xf32>,
        tpu.vector_store %arg8[%swap3A_183, %swap3A_184], %gather3A {strides = array<i32>} : memref<640x128xf32, #tpu.memory_space<vmem>>, vector<16xf32>,
        %mul3A_186 = arith.constant 4 : i32
        %mul3A_187 = arith.muli %scan3A_155, %mul3A_186 : i32
        %add3A_188 = arith.constant 1 : i32
        %add3A_189 = arith.addi %mul3A_187, %add3A_188 : i32
        %broadcast_in_dim3A_190 = arith.constant 0 : i32
        %broadcast_in_dim3A_191 = vector.broadcast %broadcast_in_dim3A_190 : i32 to vector<16xi32>
        %add3A_192 = vector.broadcast %add3A_189 : i32 to vector<16xi32>
        %add3A_193 = arith.addi %broadcast_in_dim3A_191, %add3A_192 : vector<16xi32>
        %gather3A_194 = tpu.vector_load_idx %arg7[%add3A_193] : memref<640xf32, #tpu.memory_space<vmem>>[vector<16xi32>], vector<16xf32>,
        %swap3A_195 = arith.index_cast %add3A_189 : i32 to index
        %swap3A_196 = arith.constant 0 : index
        %swap3A_197 = tpu.vector_load %arg8[%swap3A_195, %swap3A_196] {strides = array<i32>} : memref<640x128xf32, #tpu.memory_space<vmem>>, vector<16xf32>,
        tpu.vector_store %arg8[%swap3A_195, %swap3A_196], %gather3A_194 {strides = array<i32>} : memref<640x128xf32, #tpu.memory_space<vmem>>, vector<16xf32>,
        %swap3A_198 = arith.index_cast %add3A_189 : i32 to index
        %swap3A_199 = arith.constant 16 : index
        %swap3A_200 = tpu.vector_load %arg8[%swap3A_198, %swap3A_199] {strides = array<i32>} : memref<640x128xf32, #tpu.memory_space<vmem>>, vector<16xf32>,
        tpu.vector_store %arg8[%swap3A_198, %swap3A_199], %gather3A_194 {strides = array<i32>} : memref<640x128xf32, #tpu.memory_space<vmem>>, vector<16xf32>,
        %swap3A_201 = arith.index_cast %add3A_189 : i32 to index
        %swap3A_202 = arith.constant 32 : index
        %swap3A_203 = tpu.vector_load %arg8[%swap3A_201, %swap3A_202] {strides = array<i32>} : memref<640x128xf32, #tpu.memory_space<vmem>>, vector<16xf32>,
        tpu.vector_store %arg8[%swap3A_201, %swap3A_202], %gather3A_194 {strides = array<i32>} : memref<640x128xf32, #tpu.memory_space<vmem>>, vector<16xf32>,
        %swap3A_204 = arith.index_cast %add3A_189 : i32 to index
        %swap3A_205 = arith.constant 48 : index
        %swap3A_206 = tpu.vector_load %arg8[%swap3A_204, %swap3A_205] {strides = array<i32>} : memref<640x128xf32, #tpu.memory_space<vmem>>, vector<16xf32>,
        tpu.vector_store %arg8[%swap3A_204, %swap3A_205], %gather3A_194 {strides = array<i32>} : memref<640x128xf32, #tpu.memory_space<vmem>>, vector<16xf32>,
        %swap3A_207 = arith.index_cast %add3A_189 : i32 to index
        %swap3A_208 = arith.constant 64 : index
        %swap3A_209 = tpu.vector_load %arg8[%swap3A_207, %swap3A_208] {strides = array<i32>} : memref<640x128xf32, #tpu.memory_space<vmem>>, vector<16xf32>,
        tpu.vector_store %arg8[%swap3A_207, %swap3A_208], %gather3A_194 {strides = array<i32>} : memref<640x128xf32, #tpu.memory_space<vmem>>, vector<16xf32>,
        %swap3A_210 = arith.index_cast %add3A_189 : i32 to index
        %swap3A_211 = arith.constant 80 : index
        %swap3A_212 = tpu.vector_load %arg8[%swap3A_210, %swap3A_211] {strides = array<i32>} : memref<640x128xf32, #tpu.memory_space<vmem>>, vector<16xf32>,
        tpu.vector_store %arg8[%swap3A_210, %swap3A_211], %gather3A_194 {strides = array<i32>} : memref<640x128xf32, #tpu.memory_space<vmem>>, vector<16xf32>,
        %swap3A_213 = arith.index_cast %add3A_189 : i32 to index
        %swap3A_214 = arith.constant 96 : index
        %swap3A_215 = tpu.vector_load %arg8[%swap3A_213, %swap3A_214] {strides = array<i32>} : memref<640x128xf32, #tpu.memory_space<vmem>>, vector<16xf32>,
        tpu.vector_store %arg8[%swap3A_213, %swap3A_214], %gather3A_194 {strides = array<i32>} : memref<640x128xf32, #tpu.memory_space<vmem>>, vector<16xf32>,
        %swap3A_216 = arith.index_cast %add3A_189 : i32 to index
        %swap3A_217 = arith.constant 112 : index
        %swap3A_218 = tpu.vector_load %arg8[%swap3A_216, %swap3A_217] {strides = array<i32>} : memref<640x128xf32, #tpu.memory_space<vmem>>, vector<16xf32>,
        tpu.vector_store %arg8[%swap3A_216, %swap3A_217], %gather3A_194 {strides = array<i32>} : memref<640x128xf32, #tpu.memory_space<vmem>>, vector<16xf32>,
        %mul3A_219 = arith.constant 4 : i32
        %mul3A_220 = arith.muli %scan3A_155, %mul3A_219 : i32
        %add3A_221 = arith.constant 2 : i32
        %add3A_222 = arith.addi %mul3A_220, %add3A_221 : i32
        %broadcast_in_dim3A_223 = arith.constant 0 : i32
        %broadcast_in_dim3A_224 = vector.broadcast %broadcast_in_dim3A_223 : i32 to vector<16xi32>
        %add3A_225 = vector.broadcast %add3A_222 : i32 to vector<16xi32>
        %add3A_226 = arith.addi %broadcast_in_dim3A_224, %add3A_225 : vector<16xi32>
        %gather3A_227 = tpu.vector_load_idx %arg7[%add3A_226] : memref<640xf32, #tpu.memory_space<vmem>>[vector<16xi32>], vector<16xf32>,
        %swap3A_228 = arith.index_cast %add3A_222 : i32 to index
        %swap3A_229 = arith.constant 0 : index
        %swap3A_230 = tpu.vector_load %arg8[%swap3A_228, %swap3A_229] {strides = array<i32>} : memref<640x128xf32, #tpu.memory_space<vmem>>, vector<16xf32>,
        tpu.vector_store %arg8[%swap3A_228, %swap3A_229], %gather3A_227 {strides = array<i32>} : memref<640x128xf32, #tpu.memory_space<vmem>>, vector<16xf32>,
        %swap3A_231 = arith.index_cast %add3A_222 : i32 to index
        %swap3A_232 = arith.constant 16 : index
        %swap3A_233 = tpu.vector_load %arg8[%swap3A_231, %swap3A_232] {strides = array<i32>} : memref<640x128xf32, #tpu.memory_space<vmem>>, vector<16xf32>,
        tpu.vector_store %arg8[%swap3A_231, %swap3A_232], %gather3A_227 {strides = array<i32>} : memref<640x128xf32, #tpu.memory_space<vmem>>, vector<16xf32>,
        %swap3A_234 = arith.index_cast %add3A_222 : i32 to index
        %swap3A_235 = arith.constant 32 : index
        %swap3A_236 = tpu.vector_load %arg8[%swap3A_234, %swap3A_235] {strides = array<i32>} : memref<640x128xf32, #tpu.memory_space<vmem>>, vector<16xf32>,
        tpu.vector_store %arg8[%swap3A_234, %swap3A_235], %gather3A_227 {strides = array<i32>} : memref<640x128xf32, #tpu.memory_space<vmem>>, vector<16xf32>,
        %swap3A_237 = arith.index_cast %add3A_222 : i32 to index
        %swap3A_238 = arith.constant 48 : index
        %swap3A_239 = tpu.vector_load %arg8[%swap3A_237, %swap3A_238] {strides = array<i32>} : memref<640x128xf32, #tpu.memory_space<vmem>>, vector<16xf32>,
        tpu.vector_store %arg8[%swap3A_237, %swap3A_238], %gather3A_227 {strides = array<i32>} : memref<640x128xf32, #tpu.memory_space<vmem>>, vector<16xf32>,
        %swap3A_240 = arith.index_cast %add3A_222 : i32 to index
        %swap3A_241 = arith.constant 64 : index
        %swap3A_242 = tpu.vector_load %arg8[%swap3A_240, %swap3A_241] {strides = array<i32>} : memref<640x128xf32, #tpu.memory_space<vmem>>, vector<16xf32>,
        tpu.vector_store %arg8[%swap3A_240, %swap3A_241], %gather3A_227 {strides = array<i32>} : memref<640x128xf32, #tpu.memory_space<vmem>>, vector<16xf32>,
        %swap3A_243 = arith.index_cast %add3A_222 : i32 to index
        %swap3A_244 = arith.constant 80 : index
        %swap3A_245 = tpu.vector_load %arg8[%swap3A_243, %swap3A_244] {strides = array<i32>} : memref<640x128xf32, #tpu.memory_space<vmem>>, vector<16xf32>,
        tpu.vector_store %arg8[%swap3A_243, %swap3A_244], %gather3A_227 {strides = array<i32>} : memref<640x128xf32, #tpu.memory_space<vmem>>, vector<16xf32>,
        %swap3A_246 = arith.index_cast %add3A_222 : i32 to index
        %swap3A_247 = arith.constant 96 : index
        %swap3A_248 = tpu.vector_load %arg8[%swap3A_246, %swap3A_247] {strides = array<i32>} : memref<640x128xf32, #tpu.memory_space<vmem>>, vector<16xf32>,
        tpu.vector_store %arg8[%swap3A_246, %swap3A_247], %gather3A_227 {strides = array<i32>} : memref<640x128xf32, #tpu.memory_space<vmem>>, vector<16xf32>,
        %swap3A_249 = arith.index_cast %add3A_222 : i32 to index
        %swap3A_250 = arith.constant 112 : index
        %swap3A_251 = tpu.vector_load %arg8[%swap3A_249, %swap3A_250] {strides = array<i32>} : memref<640x128xf32, #tpu.memory_space<vmem>>, vector<16xf32>,
        tpu.vector_store %arg8[%swap3A_249, %swap3A_250], %gather3A_227 {strides = array<i32>} : memref<640x128xf32, #tpu.memory_space<vmem>>, vector<16xf32>,
        %mul3A_252 = arith.constant 4 : i32
        %mul3A_253 = arith.muli %scan3A_155, %mul3A_252 : i32
        %add3A_254 = arith.constant 3 : i32
        %add3A_255 = arith.addi %mul3A_253, %add3A_254 : i32
        %broadcast_in_dim3A_256 = arith.constant 0 : i32
        %broadcast_in_dim3A_257 = vector.broadcast %broadcast_in_dim3A_256 : i32 to vector<16xi32>
        %add3A_258 = vector.broadcast %add3A_255 : i32 to vector<16xi32>
        %add3A_259 = arith.addi %broadcast_in_dim3A_257, %add3A_258 : vector<16xi32>
        %gather3A_260 = tpu.vector_load_idx %arg7[%add3A_259] : memref<640xf32, #tpu.memory_space<vmem>>[vector<16xi32>], vector<16xf32>,
        %swap3A_261 = arith.index_cast %add3A_255 : i32 to index
        %swap3A_262 = arith.constant 0 : index
        %swap3A_263 = tpu.vector_load %arg8[%swap3A_261, %swap3A_262] {strides = array<i32>} : memref<640x128xf32, #tpu.memory_space<vmem>>, vector<16xf32>,
        tpu.vector_store %arg8[%swap3A_261, %swap3A_262], %gather3A_260 {strides = array<i32>} : memref<640x128xf32, #tpu.memory_space<vmem>>, vector<16xf32>,
        %swap3A_264 = arith.index_cast %add3A_255 : i32 to index
        %swap3A_265 = arith.constant 16 : index
        %swap3A_266 = tpu.vector_load %arg8[%swap3A_264, %swap3A_265] {strides = array<i32>} : memref<640x128xf32, #tpu.memory_space<vmem>>, vector<16xf32>,
        tpu.vector_store %arg8[%swap3A_264, %swap3A_265], %gather3A_260 {strides = array<i32>} : memref<640x128xf32, #tpu.memory_space<vmem>>, vector<16xf32>,
        %swap3A_267 = arith.index_cast %add3A_255 : i32 to index
        %swap3A_268 = arith.constant 32 : index
        %swap3A_269 = tpu.vector_load %arg8[%swap3A_267, %swap3A_268] {strides = array<i32>} : memref<640x128xf32, #tpu.memory_space<vmem>>, vector<16xf32>,
        tpu.vector_store %arg8[%swap3A_267, %swap3A_268], %gather3A_260 {strides = array<i32>} : memref<640x128xf32, #tpu.memory_space<vmem>>, vector<16xf32>,
        %swap3A_270 = arith.index_cast %add3A_255 : i32 to index
        %swap3A_271 = arith.constant 48 : index
        %swap3A_272 = tpu.vector_load %arg8[%swap3A_270, %swap3A_271] {strides = array<i32>} : memref<640x128xf32, #tpu.memory_space<vmem>>, vector<16xf32>,
        tpu.vector_store %arg8[%swap3A_270, %swap3A_271], %gather3A_260 {strides = array<i32>} : memref<640x128xf32, #tpu.memory_space<vmem>>, vector<16xf32>,
        %swap3A_273 = arith.index_cast %add3A_255 : i32 to index
        %swap3A_274 = arith.constant 64 : index
        %swap3A_275 = tpu.vector_load %arg8[%swap3A_273, %swap3A_274] {strides = array<i32>} : memref<640x128xf32, #tpu.memory_space<vmem>>, vector<16xf32>,
        tpu.vector_store %arg8[%swap3A_273, %swap3A_274], %gather3A_260 {strides = array<i32>} : memref<640x128xf32, #tpu.memory_space<vmem>>, vector<16xf32>,
        %swap3A_276 = arith.index_cast %add3A_255 : i32 to index
        %swap3A_277 = arith.constant 80 : index
        %swap3A_278 = tpu.vector_load %arg8[%swap3A_276, %swap3A_277] {strides = array<i32>} : memref<640x128xf32, #tpu.memory_space<vmem>>, vector<16xf32>,
        tpu.vector_store %arg8[%swap3A_276, %swap3A_277], %gather3A_260 {strides = array<i32>} : memref<640x128xf32, #tpu.memory_space<vmem>>, vector<16xf32>,
        %swap3A_279 = arith.index_cast %add3A_255 : i32 to index
        %swap3A_280 = arith.constant 96 : index
        %swap3A_281 = tpu.vector_load %arg8[%swap3A_279, %swap3A_280] {strides = array<i32>} : memref<640x128xf32, #tpu.memory_space<vmem>>, vector<16xf32>,
        tpu.vector_store %arg8[%swap3A_279, %swap3A_280], %gather3A_260 {strides = array<i32>} : memref<640x128xf32, #tpu.memory_space<vmem>>, vector<16xf32>,
        %swap3A_282 = arith.index_cast %add3A_255 : i32 to index
        %swap3A_283 = arith.constant 112 : index
        %swap3A_284 = tpu.vector_load %arg8[%swap3A_282, %swap3A_283] {strides = array<i32>} : memref<640x128xf32, #tpu.memory_space<vmem>>, vector<16xf32>,
        tpu.vector_store %arg8[%swap3A_282, %swap3A_283], %gather3A_260 {strides = array<i32>} : memref<640x128xf32, #tpu.memory_space<vmem>>, vector<16xf32>,
        %scan3A_285 = arith.constant 0 : i32
        scf.yield %scan3A_285 : i32
      }
      %scan3A_154 = arith.constant 160 : i32
      "tpu.region"() ({
        %run_scoped3A_155 = tpu.sem_alloc : memref<!tpu.dma_semaphore, #tpu.memory_space<semaphore_mem>>
        %dma_start3A = arith.constant 0 : i32
        %dma_start3A_156 = tpu.memref_slice %arg3[%mul3A_7, %dma_start3A] : memref<10240x128xf32, #tpu.memory_space<hbm>> -> memref<640x128xf32, #tpu.memory_space<hbm>>
        %dma_start3A_157 = arith.constant 0 : i32
        %dma_start3A_158 = tpu.memref_slice %arg3[%mul3A_7, %dma_start3A_157] : memref<10240x128xf32, #tpu.memory_space<hbm>> -> memref<640x128xf32, #tpu.memory_space<hbm>>
        tpu.enqueue_dma source(%arg8 : memref<640x128xf32, #tpu.memory_space<vmem>>) target(%dma_start3A_158 : memref<640x128xf32, #tpu.memory_space<hbm>>) target_semaphore(%run_scoped3A_155 : memref<!tpu.dma_semaphore, #tpu.memory_space<semaphore_mem>>)
        %dma_wait3A = arith.constant 0 : i32
        %dma_wait3A_159 = tpu.memref_slice %arg3[%mul3A_7, %dma_wait3A] : memref<10240x128xf32, #tpu.memory_space<hbm>> -> memref<640x128xf32, #tpu.memory_space<hbm>>
        %dma_wait3A_160 = arith.constant 0 : i32
        %dma_wait3A_161 = tpu.memref_slice %arg3[%mul3A_7, %dma_wait3A_160] : memref<10240x128xf32, #tpu.memory_space<hbm>> -> memref<640x128xf32, #tpu.memory_space<hbm>>
        tpu.wait_dma2 semaphore(%run_scoped3A_155 : memref<!tpu.dma_semaphore, #tpu.memory_space<semaphore_mem>>) src(%arg8 : memref<640x128xf32, #tpu.memory_space<vmem>>) dst(%dma_wait3A_161 : memref<640x128xf32, #tpu.memory_space<hbm>>)
        tpu.yield
      }) : () -> ()
    } else {
    }
    return
  }
}

#map = affine_map<(d0, d1) -> (0, 0)>
#map1 = affine_map<(d0, d1) -> (0, 0, 0)>
module attributes {stable_mosaic.version = 14 : i64} {
  func.func @_prop_body(%arg0: i32, %arg1: i32, %arg2: memref<10000x128xf32, #tpu.memory_space<hbm>>, %arg3: memref<32x160x64xi32, #tpu.memory_space<hbm>>, %arg4: memref<32x160x64xi32, #tpu.memory_space<hbm>>, %arg5: memref<2x10000x128xf32, #tpu.memory_space<hbm>>, %arg6: memref<10008x128xf32, #tpu.memory_space<vmem_shared>>, %arg7: memref<2x5x64xi32, #tpu.memory_space<vmem>>, %arg8: memref<2x5x64xi32, #tpu.memory_space<vmem>>, %arg9: memref<5x64x128xf32, #tpu.memory_space<vmem>>, %arg10: memref<!tpu.dma_semaphore, #tpu.memory_space<semaphore_mem>>, %arg11: memref<!tpu.dma_semaphore, #tpu.memory_space<semaphore_mem>>, %arg12: memref<!tpu.dma_semaphore, #tpu.memory_space<semaphore_mem>>, %arg13: memref<!tpu.dma_semaphore, #tpu.memory_space<semaphore_mem>>, %arg14: memref<!tpu.dma_semaphore, #tpu.memory_space<semaphore_mem>>, %arg15: memref<!tpu.dma_semaphore, #tpu.memory_space<semaphore_mem>>, %arg16: memref<!tpu.dma_semaphore, #tpu.memory_space<semaphore_mem>>, %arg17: memref<!tpu.dma_semaphore, #tpu.memory_space<semaphore_mem>>, %arg18: memref<!tpu.dma_semaphore, #tpu.memory_space<semaphore_mem>>, %arg19: memref<!tpu.dma_semaphore, #tpu.memory_space<semaphore_mem>>, %arg20: memref<!tpu.dma_semaphore, #tpu.memory_space<semaphore_mem>>, %arg21: memref<!tpu.dma_semaphore, #tpu.memory_space<semaphore_mem>>) attributes {dimension_semantics = [#tpu.dimension_semantics<core_parallel>, #tpu.dimension_semantics<subcore_parallel>], iteration_bounds = array<i64: 2, 16>, scalar_prefetch = 0 : i64, scratch_operands = 16 : i64, tpu.core_type = #tpu.core_type<sc_vector_subcore>, window_params = [{transform_indices = #map}, {transform_indices = #map1}, {transform_indices = #map1}, {transform_indices = #map1}]} {
    %mul3A = arith.constant 2 : i32
    %mul3A_0 = arith.muli %arg1, %mul3A : i32
    %add3A = arith.addi %mul3A_0, %arg0 : i32
    %mul3A_1 = arith.constant 625 : i32
    %mul3A_2 = arith.muli %arg1, %mul3A_1 : i32
    %run_scoped3A = arith.constant 0 : i32
    "tpu.region"() ({
      %run_scoped3A_337 = tpu.sem_alloc : memref<!tpu.dma_semaphore, #tpu.memory_space<semaphore_mem>>
      %dma_start3A_338 = arith.constant 0 : i32
      %dma_start3A_339 = arith.constant 0 : i32
      %dma_start3A_340 = tpu.memref_slice %arg7[%run_scoped3A, %dma_start3A_338, %dma_start3A_339] : memref<2x5x64xi32, #tpu.memory_space<vmem>> -> memref<1x5x64xi32, #tpu.memory_space<vmem>>
      %dma_start3A_341 = tpu.memref_squeeze %dma_start3A_340 : memref<1x5x64xi32, #tpu.memory_space<vmem>> -> memref<5x64xi32, #tpu.memory_space<vmem>>
      %dma_start3A_342 = arith.constant 0 : i32
      %dma_start3A_343 = arith.constant 0 : i32
      %dma_start3A_344 = tpu.memref_slice %arg3[%add3A, %dma_start3A_342, %dma_start3A_343] : memref<32x160x64xi32, #tpu.memory_space<hbm>> -> memref<1x5x64xi32, #tpu.memory_space<hbm>>
      %dma_start3A_345 = tpu.memref_squeeze %dma_start3A_344 : memref<1x5x64xi32, #tpu.memory_space<hbm>> -> memref<5x64xi32, #tpu.memory_space<hbm>>
      %dma_start3A_346 = arith.constant 0 : i32
      %dma_start3A_347 = arith.constant 0 : i32
      %dma_start3A_348 = tpu.memref_slice %arg7[%run_scoped3A, %dma_start3A_346, %dma_start3A_347] : memref<2x5x64xi32, #tpu.memory_space<vmem>> -> memref<1x5x64xi32, #tpu.memory_space<vmem>>
      %dma_start3A_349 = tpu.memref_squeeze %dma_start3A_348 : memref<1x5x64xi32, #tpu.memory_space<vmem>> -> memref<5x64xi32, #tpu.memory_space<vmem>>
      %dma_start3A_350 = arith.constant 0 : i32
      %dma_start3A_351 = arith.constant 0 : i32
      %dma_start3A_352 = tpu.memref_slice %arg3[%add3A, %dma_start3A_350, %dma_start3A_351] : memref<32x160x64xi32, #tpu.memory_space<hbm>> -> memref<1x5x64xi32, #tpu.memory_space<hbm>>
      %dma_start3A_353 = tpu.memref_squeeze %dma_start3A_352 : memref<1x5x64xi32, #tpu.memory_space<hbm>> -> memref<5x64xi32, #tpu.memory_space<hbm>>
      tpu.enqueue_dma source(%dma_start3A_353 : memref<5x64xi32, #tpu.memory_space<hbm>>) target(%dma_start3A_349 : memref<5x64xi32, #tpu.memory_space<vmem>>) target_semaphore(%run_scoped3A_337 : memref<!tpu.dma_semaphore, #tpu.memory_space<semaphore_mem>>)
      %dma_wait3A_354 = arith.constant 0 : i32
      %dma_wait3A_355 = arith.constant 0 : i32
      %dma_wait3A_356 = tpu.memref_slice %arg7[%run_scoped3A, %dma_wait3A_354, %dma_wait3A_355] : memref<2x5x64xi32, #tpu.memory_space<vmem>> -> memref<1x5x64xi32, #tpu.memory_space<vmem>>
      %dma_wait3A_357 = tpu.memref_squeeze %dma_wait3A_356 : memref<1x5x64xi32, #tpu.memory_space<vmem>> -> memref<5x64xi32, #tpu.memory_space<vmem>>
      %dma_wait3A_358 = arith.constant 0 : i32
      %dma_wait3A_359 = arith.constant 0 : i32
      %dma_wait3A_360 = tpu.memref_slice %arg3[%add3A, %dma_wait3A_358, %dma_wait3A_359] : memref<32x160x64xi32, #tpu.memory_space<hbm>> -> memref<1x5x64xi32, #tpu.memory_space<hbm>>
      %dma_wait3A_361 = tpu.memref_squeeze %dma_wait3A_360 : memref<1x5x64xi32, #tpu.memory_space<hbm>> -> memref<5x64xi32, #tpu.memory_space<hbm>>
      %dma_wait3A_362 = arith.constant 0 : i32
      %dma_wait3A_363 = arith.constant 0 : i32
      %dma_wait3A_364 = tpu.memref_slice %arg7[%run_scoped3A, %dma_wait3A_362, %dma_wait3A_363] : memref<2x5x64xi32, #tpu.memory_space<vmem>> -> memref<1x5x64xi32, #tpu.memory_space<vmem>>
      %dma_wait3A_365 = tpu.memref_squeeze %dma_wait3A_364 : memref<1x5x64xi32, #tpu.memory_space<vmem>> -> memref<5x64xi32, #tpu.memory_space<vmem>>
      %dma_wait3A_366 = arith.constant 0 : i32
      %dma_wait3A_367 = arith.constant 0 : i32
      %dma_wait3A_368 = tpu.memref_slice %arg3[%add3A, %dma_wait3A_366, %dma_wait3A_367] : memref<32x160x64xi32, #tpu.memory_space<hbm>> -> memref<1x5x64xi32, #tpu.memory_space<hbm>>
      %dma_wait3A_369 = tpu.memref_squeeze %dma_wait3A_368 : memref<1x5x64xi32, #tpu.memory_space<hbm>> -> memref<5x64xi32, #tpu.memory_space<hbm>>
      tpu.wait_dma2 semaphore(%run_scoped3A_337 : memref<!tpu.dma_semaphore, #tpu.memory_space<semaphore_mem>>) src(%dma_wait3A_369 : memref<5x64xi32, #tpu.memory_space<hbm>>) dst(%dma_wait3A_365 : memref<5x64xi32, #tpu.memory_space<vmem>>)
      tpu.yield
    }) : () -> ()
    %run_scoped3A_3 = arith.constant 0 : i32
    "tpu.region"() ({
      %run_scoped3A_337 = tpu.sem_alloc : memref<!tpu.dma_semaphore, #tpu.memory_space<semaphore_mem>>
      %dma_start3A_338 = arith.constant 0 : i32
      %dma_start3A_339 = arith.constant 0 : i32
      %dma_start3A_340 = tpu.memref_slice %arg8[%run_scoped3A_3, %dma_start3A_338, %dma_start3A_339] : memref<2x5x64xi32, #tpu.memory_space<vmem>> -> memref<1x5x64xi32, #tpu.memory_space<vmem>>
      %dma_start3A_341 = tpu.memref_squeeze %dma_start3A_340 : memref<1x5x64xi32, #tpu.memory_space<vmem>> -> memref<5x64xi32, #tpu.memory_space<vmem>>
      %dma_start3A_342 = arith.constant 0 : i32
      %dma_start3A_343 = arith.constant 0 : i32
      %dma_start3A_344 = tpu.memref_slice %arg4[%add3A, %dma_start3A_342, %dma_start3A_343] : memref<32x160x64xi32, #tpu.memory_space<hbm>> -> memref<1x5x64xi32, #tpu.memory_space<hbm>>
      %dma_start3A_345 = tpu.memref_squeeze %dma_start3A_344 : memref<1x5x64xi32, #tpu.memory_space<hbm>> -> memref<5x64xi32, #tpu.memory_space<hbm>>
      %dma_start3A_346 = arith.constant 0 : i32
      %dma_start3A_347 = arith.constant 0 : i32
      %dma_start3A_348 = tpu.memref_slice %arg8[%run_scoped3A_3, %dma_start3A_346, %dma_start3A_347] : memref<2x5x64xi32, #tpu.memory_space<vmem>> -> memref<1x5x64xi32, #tpu.memory_space<vmem>>
      %dma_start3A_349 = tpu.memref_squeeze %dma_start3A_348 : memref<1x5x64xi32, #tpu.memory_space<vmem>> -> memref<5x64xi32, #tpu.memory_space<vmem>>
      %dma_start3A_350 = arith.constant 0 : i32
      %dma_start3A_351 = arith.constant 0 : i32
      %dma_start3A_352 = tpu.memref_slice %arg4[%add3A, %dma_start3A_350, %dma_start3A_351] : memref<32x160x64xi32, #tpu.memory_space<hbm>> -> memref<1x5x64xi32, #tpu.memory_space<hbm>>
      %dma_start3A_353 = tpu.memref_squeeze %dma_start3A_352 : memref<1x5x64xi32, #tpu.memory_space<hbm>> -> memref<5x64xi32, #tpu.memory_space<hbm>>
      tpu.enqueue_dma source(%dma_start3A_353 : memref<5x64xi32, #tpu.memory_space<hbm>>) target(%dma_start3A_349 : memref<5x64xi32, #tpu.memory_space<vmem>>) target_semaphore(%run_scoped3A_337 : memref<!tpu.dma_semaphore, #tpu.memory_space<semaphore_mem>>)
      %dma_wait3A_354 = arith.constant 0 : i32
      %dma_wait3A_355 = arith.constant 0 : i32
      %dma_wait3A_356 = tpu.memref_slice %arg8[%run_scoped3A_3, %dma_wait3A_354, %dma_wait3A_355] : memref<2x5x64xi32, #tpu.memory_space<vmem>> -> memref<1x5x64xi32, #tpu.memory_space<vmem>>
      %dma_wait3A_357 = tpu.memref_squeeze %dma_wait3A_356 : memref<1x5x64xi32, #tpu.memory_space<vmem>> -> memref<5x64xi32, #tpu.memory_space<vmem>>
      %dma_wait3A_358 = arith.constant 0 : i32
      %dma_wait3A_359 = arith.constant 0 : i32
      %dma_wait3A_360 = tpu.memref_slice %arg4[%add3A, %dma_wait3A_358, %dma_wait3A_359] : memref<32x160x64xi32, #tpu.memory_space<hbm>> -> memref<1x5x64xi32, #tpu.memory_space<hbm>>
      %dma_wait3A_361 = tpu.memref_squeeze %dma_wait3A_360 : memref<1x5x64xi32, #tpu.memory_space<hbm>> -> memref<5x64xi32, #tpu.memory_space<hbm>>
      %dma_wait3A_362 = arith.constant 0 : i32
      %dma_wait3A_363 = arith.constant 0 : i32
      %dma_wait3A_364 = tpu.memref_slice %arg8[%run_scoped3A_3, %dma_wait3A_362, %dma_wait3A_363] : memref<2x5x64xi32, #tpu.memory_space<vmem>> -> memref<1x5x64xi32, #tpu.memory_space<vmem>>
      %dma_wait3A_365 = tpu.memref_squeeze %dma_wait3A_364 : memref<1x5x64xi32, #tpu.memory_space<vmem>> -> memref<5x64xi32, #tpu.memory_space<vmem>>
      %dma_wait3A_366 = arith.constant 0 : i32
      %dma_wait3A_367 = arith.constant 0 : i32
      %dma_wait3A_368 = tpu.memref_slice %arg4[%add3A, %dma_wait3A_366, %dma_wait3A_367] : memref<32x160x64xi32, #tpu.memory_space<hbm>> -> memref<1x5x64xi32, #tpu.memory_space<hbm>>
      %dma_wait3A_369 = tpu.memref_squeeze %dma_wait3A_368 : memref<1x5x64xi32, #tpu.memory_space<hbm>> -> memref<5x64xi32, #tpu.memory_space<hbm>>
      tpu.wait_dma2 semaphore(%run_scoped3A_337 : memref<!tpu.dma_semaphore, #tpu.memory_space<semaphore_mem>>) src(%dma_wait3A_369 : memref<5x64xi32, #tpu.memory_space<hbm>>) dst(%dma_wait3A_365 : memref<5x64xi32, #tpu.memory_space<vmem>>)
      tpu.yield
    }) : () -> ()
    %dma_start3A = arith.constant 1 : i32
    %dma_start3A_4 = arith.constant 0 : i32
    %dma_start3A_5 = arith.constant 0 : i32
    %dma_start3A_6 = tpu.memref_slice %arg7[%dma_start3A, %dma_start3A_4, %dma_start3A_5] : memref<2x5x64xi32, #tpu.memory_space<vmem>> -> memref<1x5x64xi32, #tpu.memory_space<vmem>>
    %dma_start3A_7 = tpu.memref_squeeze %dma_start3A_6 : memref<1x5x64xi32, #tpu.memory_space<vmem>> -> memref<5x64xi32, #tpu.memory_space<vmem>>
    %dma_start3A_8 = arith.constant 5 : i32
    %dma_start3A_9 = arith.constant 0 : i32
    %dma_start3A_10 = tpu.memref_slice %arg3[%add3A, %dma_start3A_8, %dma_start3A_9] : memref<32x160x64xi32, #tpu.memory_space<hbm>> -> memref<1x5x64xi32, #tpu.memory_space<hbm>>
    %dma_start3A_11 = tpu.memref_squeeze %dma_start3A_10 : memref<1x5x64xi32, #tpu.memory_space<hbm>> -> memref<5x64xi32, #tpu.memory_space<hbm>>
    %dma_start3A_12 = arith.constant 0 : i32
    %dma_start3A_13 = arith.constant 0 : i32
    %dma_start3A_14 = tpu.memref_slice %arg7[%dma_start3A, %dma_start3A_12, %dma_start3A_13] : memref<2x5x64xi32, #tpu.memory_space<vmem>> -> memref<1x5x64xi32, #tpu.memory_space<vmem>>
    %dma_start3A_15 = tpu.memref_squeeze %dma_start3A_14 : memref<1x5x64xi32, #tpu.memory_space<vmem>> -> memref<5x64xi32, #tpu.memory_space<vmem>>
    %dma_start3A_16 = arith.constant 5 : i32
    %dma_start3A_17 = arith.constant 0 : i32
    %dma_start3A_18 = tpu.memref_slice %arg3[%add3A, %dma_start3A_16, %dma_start3A_17] : memref<32x160x64xi32, #tpu.memory_space<hbm>> -> memref<1x5x64xi32, #tpu.memory_space<hbm>>
    %dma_start3A_19 = tpu.memref_squeeze %dma_start3A_18 : memref<1x5x64xi32, #tpu.memory_space<hbm>> -> memref<5x64xi32, #tpu.memory_space<hbm>>
    tpu.enqueue_dma source(%dma_start3A_19 : memref<5x64xi32, #tpu.memory_space<hbm>>) target(%dma_start3A_15 : memref<5x64xi32, #tpu.memory_space<vmem>>) target_semaphore(%arg20 : memref<!tpu.dma_semaphore, #tpu.memory_space<semaphore_mem>>)
    %dma_start3A_20 = arith.constant 1 : i32
    %dma_start3A_21 = arith.constant 0 : i32
    %dma_start3A_22 = arith.constant 0 : i32
    %dma_start3A_23 = tpu.memref_slice %arg8[%dma_start3A_20, %dma_start3A_21, %dma_start3A_22] : memref<2x5x64xi32, #tpu.memory_space<vmem>> -> memref<1x5x64xi32, #tpu.memory_space<vmem>>
    %dma_start3A_24 = tpu.memref_squeeze %dma_start3A_23 : memref<1x5x64xi32, #tpu.memory_space<vmem>> -> memref<5x64xi32, #tpu.memory_space<vmem>>
    %dma_start3A_25 = arith.constant 5 : i32
    %dma_start3A_26 = arith.constant 0 : i32
    %dma_start3A_27 = tpu.memref_slice %arg4[%add3A, %dma_start3A_25, %dma_start3A_26] : memref<32x160x64xi32, #tpu.memory_space<hbm>> -> memref<1x5x64xi32, #tpu.memory_space<hbm>>
    %dma_start3A_28 = tpu.memref_squeeze %dma_start3A_27 : memref<1x5x64xi32, #tpu.memory_space<hbm>> -> memref<5x64xi32, #tpu.memory_space<hbm>>
    %dma_start3A_29 = arith.constant 0 : i32
    %dma_start3A_30 = arith.constant 0 : i32
    %dma_start3A_31 = tpu.memref_slice %arg8[%dma_start3A_20, %dma_start3A_29, %dma_start3A_30] : memref<2x5x64xi32, #tpu.memory_space<vmem>> -> memref<1x5x64xi32, #tpu.memory_space<vmem>>
    %dma_start3A_32 = tpu.memref_squeeze %dma_start3A_31 : memref<1x5x64xi32, #tpu.memory_space<vmem>> -> memref<5x64xi32, #tpu.memory_space<vmem>>
    %dma_start3A_33 = arith.constant 5 : i32
    %dma_start3A_34 = arith.constant 0 : i32
    %dma_start3A_35 = tpu.memref_slice %arg4[%add3A, %dma_start3A_33, %dma_start3A_34] : memref<32x160x64xi32, #tpu.memory_space<hbm>> -> memref<1x5x64xi32, #tpu.memory_space<hbm>>
    %dma_start3A_36 = tpu.memref_squeeze %dma_start3A_35 : memref<1x5x64xi32, #tpu.memory_space<hbm>> -> memref<5x64xi32, #tpu.memory_space<hbm>>
    tpu.enqueue_dma source(%dma_start3A_36 : memref<5x64xi32, #tpu.memory_space<hbm>>) target(%dma_start3A_32 : memref<5x64xi32, #tpu.memory_space<vmem>>) target_semaphore(%arg21 : memref<!tpu.dma_semaphore, #tpu.memory_space<semaphore_mem>>)
    "tpu.region"() ({
      %run_scoped3A_337 = tpu.sem_alloc : memref<!tpu.dma_semaphore, #tpu.memory_space<semaphore_mem>>
      %dma_start3A_338 = arith.constant 0 : i32
      %dma_start3A_339 = tpu.memref_slice %arg6[%mul3A_2, %dma_start3A_338] : memref<10008x128xf32, #tpu.memory_space<vmem_shared>> -> memref<625x128xf32, #tpu.memory_space<vmem_shared>>
      %dma_start3A_340 = arith.constant 0 : i32
      %dma_start3A_341 = tpu.memref_slice %arg2[%mul3A_2, %dma_start3A_340] : memref<10000x128xf32, #tpu.memory_space<hbm>> -> memref<625x128xf32, #tpu.memory_space<hbm>>
      tpu.enqueue_dma source(%dma_start3A_341 : memref<625x128xf32, #tpu.memory_space<hbm>>) target(%dma_start3A_339 : memref<625x128xf32, #tpu.memory_space<vmem_shared>>) target_semaphore(%run_scoped3A_337 : memref<!tpu.dma_semaphore, #tpu.memory_space<semaphore_mem>>)
      %dma_wait3A_342 = arith.constant 0 : i32
      %dma_wait3A_343 = tpu.memref_slice %arg6[%mul3A_2, %dma_wait3A_342] : memref<10008x128xf32, #tpu.memory_space<vmem_shared>> -> memref<625x128xf32, #tpu.memory_space<vmem_shared>>
      %dma_wait3A_344 = arith.constant 0 : i32
      %dma_wait3A_345 = tpu.memref_slice %arg2[%mul3A_2, %dma_wait3A_344] : memref<10000x128xf32, #tpu.memory_space<hbm>> -> memref<625x128xf32, #tpu.memory_space<hbm>>
      tpu.wait_dma2 semaphore(%run_scoped3A_337 : memref<!tpu.dma_semaphore, #tpu.memory_space<semaphore_mem>>) src(%dma_wait3A_345 : memref<625x128xf32, #tpu.memory_space<hbm>>) dst(%dma_wait3A_343 : memref<625x128xf32, #tpu.memory_space<vmem_shared>>)
      tpu.yield
    }) : () -> ()
    %barrier3A = arith.constant 0 : index
    tpu.barrier barrier_id(%barrier3A)
    %dma_start3A_37 = arith.constant 0 : i32
    %dma_start3A_38 = arith.constant 0 : i32
    %dma_start3A_39 = arith.constant 0 : i32
    %dma_start3A_40 = arith.constant 0 : i32
    %dma_start3A_41 = arith.constant 0 : i32
    %dma_start3A_42 = tpu.memref_slice %arg9[%dma_start3A_39, %dma_start3A_40, %dma_start3A_41] : memref<5x64x128xf32, #tpu.memory_space<vmem>> -> memref<1x64x128xf32, #tpu.memory_space<vmem>>
    %dma_start3A_43 = tpu.memref_squeeze %dma_start3A_42 : memref<1x64x128xf32, #tpu.memory_space<vmem>> -> memref<64x128xf32, #tpu.memory_space<vmem>>
    %dma_start3A_44 = arith.constant 0 : i32
    %dma_start3A_45 = tpu.memref_slice %arg7[%dma_start3A_37, %dma_start3A_38, %dma_start3A_44] : memref<2x5x64xi32, #tpu.memory_space<vmem>> -> memref<1x1x64xi32, #tpu.memory_space<vmem>>
    %dma_start3A_46 = tpu.memref_squeeze %dma_start3A_45 : memref<1x1x64xi32, #tpu.memory_space<vmem>> -> memref<64xi32, #tpu.memory_space<vmem>>
    %dma_start3A_47 = arith.constant 0 : i32
    %dma_start3A_48 = arith.constant 0 : i32
    %dma_start3A_49 = tpu.memref_slice %arg2[%dma_start3A_47, %dma_start3A_48] : memref<10000x128xf32, #tpu.memory_space<hbm>> -> memref<10000x128xf32, #tpu.memory_space<hbm>>
    tpu.enqueue_indirect_dma source(%dma_start3A_49 : memref<10000x128xf32, #tpu.memory_space<hbm>>) target(%dma_start3A_43 : memref<64x128xf32, #tpu.memory_space<vmem>>) offsets(%dma_start3A_46 : memref<64xi32, #tpu.memory_space<vmem>>) semaphore(%arg10 : memref<!tpu.dma_semaphore, #tpu.memory_space<semaphore_mem>>)
    %dma_start3A_50 = arith.constant 0 : i32
    %dma_start3A_51 = arith.constant 1 : i32
    %dma_start3A_52 = arith.constant 1 : i32
    %dma_start3A_53 = arith.constant 0 : i32
    %dma_start3A_54 = arith.constant 0 : i32
    %dma_start3A_55 = tpu.memref_slice %arg9[%dma_start3A_52, %dma_start3A_53, %dma_start3A_54] : memref<5x64x128xf32, #tpu.memory_space<vmem>> -> memref<1x64x128xf32, #tpu.memory_space<vmem>>
    %dma_start3A_56 = tpu.memref_squeeze %dma_start3A_55 : memref<1x64x128xf32, #tpu.memory_space<vmem>> -> memref<64x128xf32, #tpu.memory_space<vmem>>
    %dma_start3A_57 = arith.constant 0 : i32
    %dma_start3A_58 = tpu.memref_slice %arg7[%dma_start3A_50, %dma_start3A_51, %dma_start3A_57] : memref<2x5x64xi32, #tpu.memory_space<vmem>> -> memref<1x1x64xi32, #tpu.memory_space<vmem>>
    %dma_start3A_59 = tpu.memref_squeeze %dma_start3A_58 : memref<1x1x64xi32, #tpu.memory_space<vmem>> -> memref<64xi32, #tpu.memory_space<vmem>>
    %dma_start3A_60 = arith.constant 0 : i32
    %dma_start3A_61 = arith.constant 0 : i32
    %dma_start3A_62 = tpu.memref_slice %arg2[%dma_start3A_60, %dma_start3A_61] : memref<10000x128xf32, #tpu.memory_space<hbm>> -> memref<10000x128xf32, #tpu.memory_space<hbm>>
    tpu.enqueue_indirect_dma source(%dma_start3A_62 : memref<10000x128xf32, #tpu.memory_space<hbm>>) target(%dma_start3A_56 : memref<64x128xf32, #tpu.memory_space<vmem>>) offsets(%dma_start3A_59 : memref<64xi32, #tpu.memory_space<vmem>>) semaphore(%arg11 : memref<!tpu.dma_semaphore, #tpu.memory_space<semaphore_mem>>)
    %dma_start3A_63 = arith.constant 0 : i32
    %dma_start3A_64 = arith.constant 2 : i32
    %dma_start3A_65 = arith.constant 2 : i32
    %dma_start3A_66 = arith.constant 0 : i32
    %dma_start3A_67 = arith.constant 0 : i32
    %dma_start3A_68 = tpu.memref_slice %arg9[%dma_start3A_65, %dma_start3A_66, %dma_start3A_67] : memref<5x64x128xf32, #tpu.memory_space<vmem>> -> memref<1x64x128xf32, #tpu.memory_space<vmem>>
    %dma_start3A_69 = tpu.memref_squeeze %dma_start3A_68 : memref<1x64x128xf32, #tpu.memory_space<vmem>> -> memref<64x128xf32, #tpu.memory_space<vmem>>
    %dma_start3A_70 = arith.constant 0 : i32
    %dma_start3A_71 = tpu.memref_slice %arg7[%dma_start3A_63, %dma_start3A_64, %dma_start3A_70] : memref<2x5x64xi32, #tpu.memory_space<vmem>> -> memref<1x1x64xi32, #tpu.memory_space<vmem>>
    %dma_start3A_72 = tpu.memref_squeeze %dma_start3A_71 : memref<1x1x64xi32, #tpu.memory_space<vmem>> -> memref<64xi32, #tpu.memory_space<vmem>>
    %dma_start3A_73 = arith.constant 0 : i32
    %dma_start3A_74 = arith.constant 0 : i32
    %dma_start3A_75 = tpu.memref_slice %arg2[%dma_start3A_73, %dma_start3A_74] : memref<10000x128xf32, #tpu.memory_space<hbm>> -> memref<10000x128xf32, #tpu.memory_space<hbm>>
    tpu.enqueue_indirect_dma source(%dma_start3A_75 : memref<10000x128xf32, #tpu.memory_space<hbm>>) target(%dma_start3A_69 : memref<64x128xf32, #tpu.memory_space<vmem>>) offsets(%dma_start3A_72 : memref<64xi32, #tpu.memory_space<vmem>>) semaphore(%arg12 : memref<!tpu.dma_semaphore, #tpu.memory_space<semaphore_mem>>)
    %dma_start3A_76 = arith.constant 0 : i32
    %dma_start3A_77 = arith.constant 3 : i32
    %dma_start3A_78 = arith.constant 3 : i32
    %dma_start3A_79 = arith.constant 0 : i32
    %dma_start3A_80 = arith.constant 0 : i32
    %dma_start3A_81 = tpu.memref_slice %arg9[%dma_start3A_78, %dma_start3A_79, %dma_start3A_80] : memref<5x64x128xf32, #tpu.memory_space<vmem>> -> memref<1x64x128xf32, #tpu.memory_space<vmem>>
    %dma_start3A_82 = tpu.memref_squeeze %dma_start3A_81 : memref<1x64x128xf32, #tpu.memory_space<vmem>> -> memref<64x128xf32, #tpu.memory_space<vmem>>
    %dma_start3A_83 = arith.constant 0 : i32
    %dma_start3A_84 = tpu.memref_slice %arg7[%dma_start3A_76, %dma_start3A_77, %dma_start3A_83] : memref<2x5x64xi32, #tpu.memory_space<vmem>> -> memref<1x1x64xi32, #tpu.memory_space<vmem>>
    %dma_start3A_85 = tpu.memref_squeeze %dma_start3A_84 : memref<1x1x64xi32, #tpu.memory_space<vmem>> -> memref<64xi32, #tpu.memory_space<vmem>>
    %dma_start3A_86 = arith.constant 0 : i32
    %dma_start3A_87 = arith.constant 0 : i32
    %dma_start3A_88 = tpu.memref_slice %arg2[%dma_start3A_86, %dma_start3A_87] : memref<10000x128xf32, #tpu.memory_space<hbm>> -> memref<10000x128xf32, #tpu.memory_space<hbm>>
    tpu.enqueue_indirect_dma source(%dma_start3A_88 : memref<10000x128xf32, #tpu.memory_space<hbm>>) target(%dma_start3A_82 : memref<64x128xf32, #tpu.memory_space<vmem>>) offsets(%dma_start3A_85 : memref<64xi32, #tpu.memory_space<vmem>>) semaphore(%arg13 : memref<!tpu.dma_semaphore, #tpu.memory_space<semaphore_mem>>)
    %dma_start3A_89 = arith.constant 0 : i32
    %dma_start3A_90 = arith.constant 4 : i32
    %dma_start3A_91 = arith.constant 4 : i32
    %dma_start3A_92 = arith.constant 0 : i32
    %dma_start3A_93 = arith.constant 0 : i32
    %dma_start3A_94 = tpu.memref_slice %arg9[%dma_start3A_91, %dma_start3A_92, %dma_start3A_93] : memref<5x64x128xf32, #tpu.memory_space<vmem>> -> memref<1x64x128xf32, #tpu.memory_space<vmem>>
    %dma_start3A_95 = tpu.memref_squeeze %dma_start3A_94 : memref<1x64x128xf32, #tpu.memory_space<vmem>> -> memref<64x128xf32, #tpu.memory_space<vmem>>
    %dma_start3A_96 = arith.constant 0 : i32
    %dma_start3A_97 = tpu.memref_slice %arg7[%dma_start3A_89, %dma_start3A_90, %dma_start3A_96] : memref<2x5x64xi32, #tpu.memory_space<vmem>> -> memref<1x1x64xi32, #tpu.memory_space<vmem>>
    %dma_start3A_98 = tpu.memref_squeeze %dma_start3A_97 : memref<1x1x64xi32, #tpu.memory_space<vmem>> -> memref<64xi32, #tpu.memory_space<vmem>>
    %dma_start3A_99 = arith.constant 0 : i32
    %dma_start3A_100 = arith.constant 0 : i32
    %dma_start3A_101 = tpu.memref_slice %arg2[%dma_start3A_99, %dma_start3A_100] : memref<10000x128xf32, #tpu.memory_space<hbm>> -> memref<10000x128xf32, #tpu.memory_space<hbm>>
    tpu.enqueue_indirect_dma source(%dma_start3A_101 : memref<10000x128xf32, #tpu.memory_space<hbm>>) target(%dma_start3A_95 : memref<64x128xf32, #tpu.memory_space<vmem>>) offsets(%dma_start3A_98 : memref<64xi32, #tpu.memory_space<vmem>>) semaphore(%arg14 : memref<!tpu.dma_semaphore, #tpu.memory_space<semaphore_mem>>)
    %scan3A = arith.constant 0 : i32
    %scan3A_102 = arith.constant 0 : i32
    %scan3A_103 = arith.constant 31 : i32
    %scan3A_104 = arith.addi %scan3A_102, %scan3A_103 : i32
    %scan3A_105 = arith.constant 1 : i32
    %scan3A_106 = scf.for %scan3A_337 = %scan3A_102 to %scan3A_104 step %scan3A_105 iter_args(%scan3A_338 = %scan3A) -> (i32)  : i32 {
      %rem3A = arith.constant 2 : i32
      %rem3A_339 = arith.remsi %scan3A_337, %rem3A : i32
      %sub3A = arith.constant 1 : i32
      %sub3A_340 = arith.subi %sub3A, %rem3A_339 : i32
      %dma_wait3A_341 = arith.constant 0 : i32
      %dma_wait3A_342 = arith.constant 0 : i32
      %dma_wait3A_343 = arith.constant 0 : i32
      %dma_wait3A_344 = arith.constant 0 : i32
      %dma_wait3A_345 = tpu.memref_slice %arg9[%dma_wait3A_342, %dma_wait3A_343, %dma_wait3A_344] : memref<5x64x128xf32, #tpu.memory_space<vmem>> -> memref<1x64x128xf32, #tpu.memory_space<vmem>>
      %dma_wait3A_346 = tpu.memref_squeeze %dma_wait3A_345 : memref<1x64x128xf32, #tpu.memory_space<vmem>> -> memref<64x128xf32, #tpu.memory_space<vmem>>
      %dma_wait3A_347 = arith.constant 0 : i32
      %dma_wait3A_348 = tpu.memref_slice %arg7[%rem3A_339, %dma_wait3A_341, %dma_wait3A_347] : memref<2x5x64xi32, #tpu.memory_space<vmem>> -> memref<1x1x64xi32, #tpu.memory_space<vmem>>
      %dma_wait3A_349 = tpu.memref_squeeze %dma_wait3A_348 : memref<1x1x64xi32, #tpu.memory_space<vmem>> -> memref<64xi32, #tpu.memory_space<vmem>>
      %dma_wait3A_350 = arith.constant 0 : i32
      %dma_wait3A_351 = arith.constant 0 : i32
      %dma_wait3A_352 = tpu.memref_slice %arg2[%dma_wait3A_350, %dma_wait3A_351] : memref<10000x128xf32, #tpu.memory_space<hbm>> -> memref<10000x128xf32, #tpu.memory_space<hbm>>
      tpu.wait_indirect_dma semaphore(%arg10 : memref<!tpu.dma_semaphore, #tpu.memory_space<semaphore_mem>>) src(%dma_wait3A_352 : memref<10000x128xf32, #tpu.memory_space<hbm>>) dst(%dma_wait3A_346 : memref<64x128xf32, #tpu.memory_space<vmem>>)
      %dma_start3A_353 = arith.constant 0 : i32
      %dma_start3A_354 = arith.constant 0 : i32
      %dma_start3A_355 = arith.constant 0 : i32
      %dma_start3A_356 = arith.constant 0 : i32
      %dma_start3A_357 = tpu.memref_slice %arg9[%dma_start3A_353, %dma_start3A_355, %dma_start3A_356] : memref<5x64x128xf32, #tpu.memory_space<vmem>> -> memref<1x64x128xf32, #tpu.memory_space<vmem>>
      %dma_start3A_358 = tpu.memref_squeeze %dma_start3A_357 : memref<1x64x128xf32, #tpu.memory_space<vmem>> -> memref<64x128xf32, #tpu.memory_space<vmem>>
      %dma_start3A_359 = arith.constant 0 : i32
      %dma_start3A_360 = tpu.memref_slice %arg8[%rem3A_339, %dma_start3A_354, %dma_start3A_359] : memref<2x5x64xi32, #tpu.memory_space<vmem>> -> memref<1x1x64xi32, #tpu.memory_space<vmem>>
      %dma_start3A_361 = tpu.memref_squeeze %dma_start3A_360 : memref<1x1x64xi32, #tpu.memory_space<vmem>> -> memref<64xi32, #tpu.memory_space<vmem>>
      %dma_start3A_362 = arith.constant 0 : i32
      %dma_start3A_363 = arith.constant 0 : i32
      %dma_start3A_364 = tpu.memref_slice %arg6[%dma_start3A_362, %dma_start3A_363] : memref<10008x128xf32, #tpu.memory_space<vmem_shared>> -> memref<10008x128xf32, #tpu.memory_space<vmem_shared>>
      tpu.enqueue_indirect_dma source(%dma_start3A_358 : memref<64x128xf32, #tpu.memory_space<vmem>>) target(%dma_start3A_364 : memref<10008x128xf32, #tpu.memory_space<vmem_shared>>) offsets(%dma_start3A_361 : memref<64xi32, #tpu.memory_space<vmem>>) semaphore(%arg15 : memref<!tpu.dma_semaphore, #tpu.memory_space<semaphore_mem>>) {add = true}
      %dma_wait3A_365 = arith.constant 1 : i32
      %dma_wait3A_366 = arith.constant 1 : i32
      %dma_wait3A_367 = arith.constant 0 : i32
      %dma_wait3A_368 = arith.constant 0 : i32
      %dma_wait3A_369 = tpu.memref_slice %arg9[%dma_wait3A_366, %dma_wait3A_367, %dma_wait3A_368] : memref<5x64x128xf32, #tpu.memory_space<vmem>> -> memref<1x64x128xf32, #tpu.memory_space<vmem>>
      %dma_wait3A_370 = tpu.memref_squeeze %dma_wait3A_369 : memref<1x64x128xf32, #tpu.memory_space<vmem>> -> memref<64x128xf32, #tpu.memory_space<vmem>>
      %dma_wait3A_371 = arith.constant 0 : i32
      %dma_wait3A_372 = tpu.memref_slice %arg7[%rem3A_339, %dma_wait3A_365, %dma_wait3A_371] : memref<2x5x64xi32, #tpu.memory_space<vmem>> -> memref<1x1x64xi32, #tpu.memory_space<vmem>>
      %dma_wait3A_373 = tpu.memref_squeeze %dma_wait3A_372 : memref<1x1x64xi32, #tpu.memory_space<vmem>> -> memref<64xi32, #tpu.memory_space<vmem>>
      %dma_wait3A_374 = arith.constant 0 : i32
      %dma_wait3A_375 = arith.constant 0 : i32
      %dma_wait3A_376 = tpu.memref_slice %arg2[%dma_wait3A_374, %dma_wait3A_375] : memref<10000x128xf32, #tpu.memory_space<hbm>> -> memref<10000x128xf32, #tpu.memory_space<hbm>>
      tpu.wait_indirect_dma semaphore(%arg11 : memref<!tpu.dma_semaphore, #tpu.memory_space<semaphore_mem>>) src(%dma_wait3A_376 : memref<10000x128xf32, #tpu.memory_space<hbm>>) dst(%dma_wait3A_370 : memref<64x128xf32, #tpu.memory_space<vmem>>)
      %dma_start3A_377 = arith.constant 1 : i32
      %dma_start3A_378 = arith.constant 1 : i32
      %dma_start3A_379 = arith.constant 0 : i32
      %dma_start3A_380 = arith.constant 0 : i32
      %dma_start3A_381 = tpu.memref_slice %arg9[%dma_start3A_377, %dma_start3A_379, %dma_start3A_380] : memref<5x64x128xf32, #tpu.memory_space<vmem>> -> memref<1x64x128xf32, #tpu.memory_space<vmem>>
      %dma_start3A_382 = tpu.memref_squeeze %dma_start3A_381 : memref<1x64x128xf32, #tpu.memory_space<vmem>> -> memref<64x128xf32, #tpu.memory_space<vmem>>
      %dma_start3A_383 = arith.constant 0 : i32
      %dma_start3A_384 = tpu.memref_slice %arg8[%rem3A_339, %dma_start3A_378, %dma_start3A_383] : memref<2x5x64xi32, #tpu.memory_space<vmem>> -> memref<1x1x64xi32, #tpu.memory_space<vmem>>
      %dma_start3A_385 = tpu.memref_squeeze %dma_start3A_384 : memref<1x1x64xi32, #tpu.memory_space<vmem>> -> memref<64xi32, #tpu.memory_space<vmem>>
      %dma_start3A_386 = arith.constant 0 : i32
      %dma_start3A_387 = arith.constant 0 : i32
      %dma_start3A_388 = tpu.memref_slice %arg6[%dma_start3A_386, %dma_start3A_387] : memref<10008x128xf32, #tpu.memory_space<vmem_shared>> -> memref<10008x128xf32, #tpu.memory_space<vmem_shared>>
      tpu.enqueue_indirect_dma source(%dma_start3A_382 : memref<64x128xf32, #tpu.memory_space<vmem>>) target(%dma_start3A_388 : memref<10008x128xf32, #tpu.memory_space<vmem_shared>>) offsets(%dma_start3A_385 : memref<64xi32, #tpu.memory_space<vmem>>) semaphore(%arg16 : memref<!tpu.dma_semaphore, #tpu.memory_space<semaphore_mem>>) {add = true}
      %dma_wait3A_389 = arith.constant 2 : i32
      %dma_wait3A_390 = arith.constant 2 : i32
      %dma_wait3A_391 = arith.constant 0 : i32
      %dma_wait3A_392 = arith.constant 0 : i32
      %dma_wait3A_393 = tpu.memref_slice %arg9[%dma_wait3A_390, %dma_wait3A_391, %dma_wait3A_392] : memref<5x64x128xf32, #tpu.memory_space<vmem>> -> memref<1x64x128xf32, #tpu.memory_space<vmem>>
      %dma_wait3A_394 = tpu.memref_squeeze %dma_wait3A_393 : memref<1x64x128xf32, #tpu.memory_space<vmem>> -> memref<64x128xf32, #tpu.memory_space<vmem>>
      %dma_wait3A_395 = arith.constant 0 : i32
      %dma_wait3A_396 = tpu.memref_slice %arg7[%rem3A_339, %dma_wait3A_389, %dma_wait3A_395] : memref<2x5x64xi32, #tpu.memory_space<vmem>> -> memref<1x1x64xi32, #tpu.memory_space<vmem>>
      %dma_wait3A_397 = tpu.memref_squeeze %dma_wait3A_396 : memref<1x1x64xi32, #tpu.memory_space<vmem>> -> memref<64xi32, #tpu.memory_space<vmem>>
      %dma_wait3A_398 = arith.constant 0 : i32
      %dma_wait3A_399 = arith.constant 0 : i32
      %dma_wait3A_400 = tpu.memref_slice %arg2[%dma_wait3A_398, %dma_wait3A_399] : memref<10000x128xf32, #tpu.memory_space<hbm>> -> memref<10000x128xf32, #tpu.memory_space<hbm>>
      tpu.wait_indirect_dma semaphore(%arg12 : memref<!tpu.dma_semaphore, #tpu.memory_space<semaphore_mem>>) src(%dma_wait3A_400 : memref<10000x128xf32, #tpu.memory_space<hbm>>) dst(%dma_wait3A_394 : memref<64x128xf32, #tpu.memory_space<vmem>>)
      %dma_start3A_401 = arith.constant 2 : i32
      %dma_start3A_402 = arith.constant 2 : i32
      %dma_start3A_403 = arith.constant 0 : i32
      %dma_start3A_404 = arith.constant 0 : i32
      %dma_start3A_405 = tpu.memref_slice %arg9[%dma_start3A_401, %dma_start3A_403, %dma_start3A_404] : memref<5x64x128xf32, #tpu.memory_space<vmem>> -> memref<1x64x128xf32, #tpu.memory_space<vmem>>
      %dma_start3A_406 = tpu.memref_squeeze %dma_start3A_405 : memref<1x64x128xf32, #tpu.memory_space<vmem>> -> memref<64x128xf32, #tpu.memory_space<vmem>>
      %dma_start3A_407 = arith.constant 0 : i32
      %dma_start3A_408 = tpu.memref_slice %arg8[%rem3A_339, %dma_start3A_402, %dma_start3A_407] : memref<2x5x64xi32, #tpu.memory_space<vmem>> -> memref<1x1x64xi32, #tpu.memory_space<vmem>>
      %dma_start3A_409 = tpu.memref_squeeze %dma_start3A_408 : memref<1x1x64xi32, #tpu.memory_space<vmem>> -> memref<64xi32, #tpu.memory_space<vmem>>
      %dma_start3A_410 = arith.constant 0 : i32
      %dma_start3A_411 = arith.constant 0 : i32
      %dma_start3A_412 = tpu.memref_slice %arg6[%dma_start3A_410, %dma_start3A_411] : memref<10008x128xf32, #tpu.memory_space<vmem_shared>> -> memref<10008x128xf32, #tpu.memory_space<vmem_shared>>
      tpu.enqueue_indirect_dma source(%dma_start3A_406 : memref<64x128xf32, #tpu.memory_space<vmem>>) target(%dma_start3A_412 : memref<10008x128xf32, #tpu.memory_space<vmem_shared>>) offsets(%dma_start3A_409 : memref<64xi32, #tpu.memory_space<vmem>>) semaphore(%arg17 : memref<!tpu.dma_semaphore, #tpu.memory_space<semaphore_mem>>) {add = true}
      %dma_wait3A_413 = arith.constant 3 : i32
      %dma_wait3A_414 = arith.constant 3 : i32
      %dma_wait3A_415 = arith.constant 0 : i32
      %dma_wait3A_416 = arith.constant 0 : i32
      %dma_wait3A_417 = tpu.memref_slice %arg9[%dma_wait3A_414, %dma_wait3A_415, %dma_wait3A_416] : memref<5x64x128xf32, #tpu.memory_space<vmem>> -> memref<1x64x128xf32, #tpu.memory_space<vmem>>
      %dma_wait3A_418 = tpu.memref_squeeze %dma_wait3A_417 : memref<1x64x128xf32, #tpu.memory_space<vmem>> -> memref<64x128xf32, #tpu.memory_space<vmem>>
      %dma_wait3A_419 = arith.constant 0 : i32
      %dma_wait3A_420 = tpu.memref_slice %arg7[%rem3A_339, %dma_wait3A_413, %dma_wait3A_419] : memref<2x5x64xi32, #tpu.memory_space<vmem>> -> memref<1x1x64xi32, #tpu.memory_space<vmem>>
      %dma_wait3A_421 = tpu.memref_squeeze %dma_wait3A_420 : memref<1x1x64xi32, #tpu.memory_space<vmem>> -> memref<64xi32, #tpu.memory_space<vmem>>
      %dma_wait3A_422 = arith.constant 0 : i32
      %dma_wait3A_423 = arith.constant 0 : i32
      %dma_wait3A_424 = tpu.memref_slice %arg2[%dma_wait3A_422, %dma_wait3A_423] : memref<10000x128xf32, #tpu.memory_space<hbm>> -> memref<10000x128xf32, #tpu.memory_space<hbm>>
      tpu.wait_indirect_dma semaphore(%arg13 : memref<!tpu.dma_semaphore, #tpu.memory_space<semaphore_mem>>) src(%dma_wait3A_424 : memref<10000x128xf32, #tpu.memory_space<hbm>>) dst(%dma_wait3A_418 : memref<64x128xf32, #tpu.memory_space<vmem>>)
      %dma_start3A_425 = arith.constant 3 : i32
      %dma_start3A_426 = arith.constant 3 : i32
      %dma_start3A_427 = arith.constant 0 : i32
      %dma_start3A_428 = arith.constant 0 : i32
      %dma_start3A_429 = tpu.memref_slice %arg9[%dma_start3A_425, %dma_start3A_427, %dma_start3A_428] : memref<5x64x128xf32, #tpu.memory_space<vmem>> -> memref<1x64x128xf32, #tpu.memory_space<vmem>>
      %dma_start3A_430 = tpu.memref_squeeze %dma_start3A_429 : memref<1x64x128xf32, #tpu.memory_space<vmem>> -> memref<64x128xf32, #tpu.memory_space<vmem>>
      %dma_start3A_431 = arith.constant 0 : i32
      %dma_start3A_432 = tpu.memref_slice %arg8[%rem3A_339, %dma_start3A_426, %dma_start3A_431] : memref<2x5x64xi32, #tpu.memory_space<vmem>> -> memref<1x1x64xi32, #tpu.memory_space<vmem>>
      %dma_start3A_433 = tpu.memref_squeeze %dma_start3A_432 : memref<1x1x64xi32, #tpu.memory_space<vmem>> -> memref<64xi32, #tpu.memory_space<vmem>>
      %dma_start3A_434 = arith.constant 0 : i32
      %dma_start3A_435 = arith.constant 0 : i32
      %dma_start3A_436 = tpu.memref_slice %arg6[%dma_start3A_434, %dma_start3A_435] : memref<10008x128xf32, #tpu.memory_space<vmem_shared>> -> memref<10008x128xf32, #tpu.memory_space<vmem_shared>>
      tpu.enqueue_indirect_dma source(%dma_start3A_430 : memref<64x128xf32, #tpu.memory_space<vmem>>) target(%dma_start3A_436 : memref<10008x128xf32, #tpu.memory_space<vmem_shared>>) offsets(%dma_start3A_433 : memref<64xi32, #tpu.memory_space<vmem>>) semaphore(%arg18 : memref<!tpu.dma_semaphore, #tpu.memory_space<semaphore_mem>>) {add = true}
      %dma_wait3A_437 = arith.constant 4 : i32
      %dma_wait3A_438 = arith.constant 4 : i32
      %dma_wait3A_439 = arith.constant 0 : i32
      %dma_wait3A_440 = arith.constant 0 : i32
      %dma_wait3A_441 = tpu.memref_slice %arg9[%dma_wait3A_438, %dma_wait3A_439, %dma_wait3A_440] : memref<5x64x128xf32, #tpu.memory_space<vmem>> -> memref<1x64x128xf32, #tpu.memory_space<vmem>>
      %dma_wait3A_442 = tpu.memref_squeeze %dma_wait3A_441 : memref<1x64x128xf32, #tpu.memory_space<vmem>> -> memref<64x128xf32, #tpu.memory_space<vmem>>
      %dma_wait3A_443 = arith.constant 0 : i32
      %dma_wait3A_444 = tpu.memref_slice %arg7[%rem3A_339, %dma_wait3A_437, %dma_wait3A_443] : memref<2x5x64xi32, #tpu.memory_space<vmem>> -> memref<1x1x64xi32, #tpu.memory_space<vmem>>
      %dma_wait3A_445 = tpu.memref_squeeze %dma_wait3A_444 : memref<1x1x64xi32, #tpu.memory_space<vmem>> -> memref<64xi32, #tpu.memory_space<vmem>>
      %dma_wait3A_446 = arith.constant 0 : i32
      %dma_wait3A_447 = arith.constant 0 : i32
      %dma_wait3A_448 = tpu.memref_slice %arg2[%dma_wait3A_446, %dma_wait3A_447] : memref<10000x128xf32, #tpu.memory_space<hbm>> -> memref<10000x128xf32, #tpu.memory_space<hbm>>
      tpu.wait_indirect_dma semaphore(%arg14 : memref<!tpu.dma_semaphore, #tpu.memory_space<semaphore_mem>>) src(%dma_wait3A_448 : memref<10000x128xf32, #tpu.memory_space<hbm>>) dst(%dma_wait3A_442 : memref<64x128xf32, #tpu.memory_space<vmem>>)
      %dma_start3A_449 = arith.constant 4 : i32
      %dma_start3A_450 = arith.constant 4 : i32
      %dma_start3A_451 = arith.constant 0 : i32
      %dma_start3A_452 = arith.constant 0 : i32
      %dma_start3A_453 = tpu.memref_slice %arg9[%dma_start3A_449, %dma_start3A_451, %dma_start3A_452] : memref<5x64x128xf32, #tpu.memory_space<vmem>> -> memref<1x64x128xf32, #tpu.memory_space<vmem>>
      %dma_start3A_454 = tpu.memref_squeeze %dma_start3A_453 : memref<1x64x128xf32, #tpu.memory_space<vmem>> -> memref<64x128xf32, #tpu.memory_space<vmem>>
      %dma_start3A_455 = arith.constant 0 : i32
      %dma_start3A_456 = tpu.memref_slice %arg8[%rem3A_339, %dma_start3A_450, %dma_start3A_455] : memref<2x5x64xi32, #tpu.memory_space<vmem>> -> memref<1x1x64xi32, #tpu.memory_space<vmem>>
      %dma_start3A_457 = tpu.memref_squeeze %dma_start3A_456 : memref<1x1x64xi32, #tpu.memory_space<vmem>> -> memref<64xi32, #tpu.memory_space<vmem>>
      %dma_start3A_458 = arith.constant 0 : i32
      %dma_start3A_459 = arith.constant 0 : i32
      %dma_start3A_460 = tpu.memref_slice %arg6[%dma_start3A_458, %dma_start3A_459] : memref<10008x128xf32, #tpu.memory_space<vmem_shared>> -> memref<10008x128xf32, #tpu.memory_space<vmem_shared>>
      tpu.enqueue_indirect_dma source(%dma_start3A_454 : memref<64x128xf32, #tpu.memory_space<vmem>>) target(%dma_start3A_460 : memref<10008x128xf32, #tpu.memory_space<vmem_shared>>) offsets(%dma_start3A_457 : memref<64xi32, #tpu.memory_space<vmem>>) semaphore(%arg19 : memref<!tpu.dma_semaphore, #tpu.memory_space<semaphore_mem>>) {add = true}
      %dma_wait3A_461 = arith.constant 0 : i32
      %dma_wait3A_462 = arith.constant 0 : i32
      %dma_wait3A_463 = tpu.memref_slice %arg7[%sub3A_340, %dma_wait3A_461, %dma_wait3A_462] : memref<2x5x64xi32, #tpu.memory_space<vmem>> -> memref<1x5x64xi32, #tpu.memory_space<vmem>>
      %dma_wait3A_464 = tpu.memref_squeeze %dma_wait3A_463 : memref<1x5x64xi32, #tpu.memory_space<vmem>> -> memref<5x64xi32, #tpu.memory_space<vmem>>
      %dma_wait3A_465 = arith.constant 0 : i32
      %dma_wait3A_466 = arith.constant 0 : i32
      %dma_wait3A_467 = tpu.memref_slice %arg3[%add3A, %dma_wait3A_465, %dma_wait3A_466] : memref<32x160x64xi32, #tpu.memory_space<hbm>> -> memref<1x5x64xi32, #tpu.memory_space<hbm>>
      %dma_wait3A_468 = tpu.memref_squeeze %dma_wait3A_467 : memref<1x5x64xi32, #tpu.memory_space<hbm>> -> memref<5x64xi32, #tpu.memory_space<hbm>>
      %dma_wait3A_469 = arith.constant 0 : i32
      %dma_wait3A_470 = arith.constant 0 : i32
      %dma_wait3A_471 = tpu.memref_slice %arg7[%sub3A_340, %dma_wait3A_469, %dma_wait3A_470] : memref<2x5x64xi32, #tpu.memory_space<vmem>> -> memref<1x5x64xi32, #tpu.memory_space<vmem>>
      %dma_wait3A_472 = tpu.memref_squeeze %dma_wait3A_471 : memref<1x5x64xi32, #tpu.memory_space<vmem>> -> memref<5x64xi32, #tpu.memory_space<vmem>>
      %dma_wait3A_473 = arith.constant 0 : i32
      %dma_wait3A_474 = arith.constant 0 : i32
      %dma_wait3A_475 = tpu.memref_slice %arg3[%add3A, %dma_wait3A_473, %dma_wait3A_474] : memref<32x160x64xi32, #tpu.memory_space<hbm>> -> memref<1x5x64xi32, #tpu.memory_space<hbm>>
      %dma_wait3A_476 = tpu.memref_squeeze %dma_wait3A_475 : memref<1x5x64xi32, #tpu.memory_space<hbm>> -> memref<5x64xi32, #tpu.memory_space<hbm>>
      tpu.wait_dma2 semaphore(%arg20 : memref<!tpu.dma_semaphore, #tpu.memory_space<semaphore_mem>>) src(%dma_wait3A_476 : memref<5x64xi32, #tpu.memory_space<hbm>>) dst(%dma_wait3A_472 : memref<5x64xi32, #tpu.memory_space<vmem>>)
      %dma_wait3A_477 = arith.constant 0 : i32
      %dma_wait3A_478 = arith.constant 0 : i32
      %dma_wait3A_479 = tpu.memref_slice %arg8[%sub3A_340, %dma_wait3A_477, %dma_wait3A_478] : memref<2x5x64xi32, #tpu.memory_space<vmem>> -> memref<1x5x64xi32, #tpu.memory_space<vmem>>
      %dma_wait3A_480 = tpu.memref_squeeze %dma_wait3A_479 : memref<1x5x64xi32, #tpu.memory_space<vmem>> -> memref<5x64xi32, #tpu.memory_space<vmem>>
      %dma_wait3A_481 = arith.constant 0 : i32
      %dma_wait3A_482 = arith.constant 0 : i32
      %dma_wait3A_483 = tpu.memref_slice %arg4[%add3A, %dma_wait3A_481, %dma_wait3A_482] : memref<32x160x64xi32, #tpu.memory_space<hbm>> -> memref<1x5x64xi32, #tpu.memory_space<hbm>>
      %dma_wait3A_484 = tpu.memref_squeeze %dma_wait3A_483 : memref<1x5x64xi32, #tpu.memory_space<hbm>> -> memref<5x64xi32, #tpu.memory_space<hbm>>
      %dma_wait3A_485 = arith.constant 0 : i32
      %dma_wait3A_486 = arith.constant 0 : i32
      %dma_wait3A_487 = tpu.memref_slice %arg8[%sub3A_340, %dma_wait3A_485, %dma_wait3A_486] : memref<2x5x64xi32, #tpu.memory_space<vmem>> -> memref<1x5x64xi32, #tpu.memory_space<vmem>>
      %dma_wait3A_488 = tpu.memref_squeeze %dma_wait3A_487 : memref<1x5x64xi32, #tpu.memory_space<vmem>> -> memref<5x64xi32, #tpu.memory_space<vmem>>
      %dma_wait3A_489 = arith.constant 0 : i32
      %dma_wait3A_490 = arith.constant 0 : i32
      %dma_wait3A_491 = tpu.memref_slice %arg4[%add3A, %dma_wait3A_489, %dma_wait3A_490] : memref<32x160x64xi32, #tpu.memory_space<hbm>> -> memref<1x5x64xi32, #tpu.memory_space<hbm>>
      %dma_wait3A_492 = tpu.memref_squeeze %dma_wait3A_491 : memref<1x5x64xi32, #tpu.memory_space<hbm>> -> memref<5x64xi32, #tpu.memory_space<hbm>>
      tpu.wait_dma2 semaphore(%arg21 : memref<!tpu.dma_semaphore, #tpu.memory_space<semaphore_mem>>) src(%dma_wait3A_492 : memref<5x64xi32, #tpu.memory_space<hbm>>) dst(%dma_wait3A_488 : memref<5x64xi32, #tpu.memory_space<vmem>>)
      %dma_wait3A_493 = arith.constant 0 : i32
      %dma_wait3A_494 = arith.constant 0 : i32
      %dma_wait3A_495 = arith.constant 0 : i32
      %dma_wait3A_496 = arith.constant 0 : i32
      %dma_wait3A_497 = tpu.memref_slice %arg9[%dma_wait3A_493, %dma_wait3A_495, %dma_wait3A_496] : memref<5x64x128xf32, #tpu.memory_space<vmem>> -> memref<1x64x128xf32, #tpu.memory_space<vmem>>
      %dma_wait3A_498 = tpu.memref_squeeze %dma_wait3A_497 : memref<1x64x128xf32, #tpu.memory_space<vmem>> -> memref<64x128xf32, #tpu.memory_space<vmem>>
      %dma_wait3A_499 = arith.constant 0 : i32
      %dma_wait3A_500 = tpu.memref_slice %arg8[%rem3A_339, %dma_wait3A_494, %dma_wait3A_499] : memref<2x5x64xi32, #tpu.memory_space<vmem>> -> memref<1x1x64xi32, #tpu.memory_space<vmem>>
      %dma_wait3A_501 = tpu.memref_squeeze %dma_wait3A_500 : memref<1x1x64xi32, #tpu.memory_space<vmem>> -> memref<64xi32, #tpu.memory_space<vmem>>
      %dma_wait3A_502 = arith.constant 0 : i32
      %dma_wait3A_503 = arith.constant 0 : i32
      %dma_wait3A_504 = tpu.memref_slice %arg6[%dma_wait3A_502, %dma_wait3A_503] : memref<10008x128xf32, #tpu.memory_space<vmem_shared>> -> memref<10008x128xf32, #tpu.memory_space<vmem_shared>>
      tpu.wait_indirect_dma semaphore(%arg15 : memref<!tpu.dma_semaphore, #tpu.memory_space<semaphore_mem>>) src(%dma_wait3A_498 : memref<64x128xf32, #tpu.memory_space<vmem>>) dst(%dma_wait3A_504 : memref<10008x128xf32, #tpu.memory_space<vmem_shared>>)
      %dma_start3A_505 = arith.constant 0 : i32
      %dma_start3A_506 = arith.constant 0 : i32
      %dma_start3A_507 = arith.constant 0 : i32
      %dma_start3A_508 = arith.constant 0 : i32
      %dma_start3A_509 = tpu.memref_slice %arg9[%dma_start3A_506, %dma_start3A_507, %dma_start3A_508] : memref<5x64x128xf32, #tpu.memory_space<vmem>> -> memref<1x64x128xf32, #tpu.memory_space<vmem>>
      %dma_start3A_510 = tpu.memref_squeeze %dma_start3A_509 : memref<1x64x128xf32, #tpu.memory_space<vmem>> -> memref<64x128xf32, #tpu.memory_space<vmem>>
      %dma_start3A_511 = arith.constant 0 : i32
      %dma_start3A_512 = tpu.memref_slice %arg7[%sub3A_340, %dma_start3A_505, %dma_start3A_511] : memref<2x5x64xi32, #tpu.memory_space<vmem>> -> memref<1x1x64xi32, #tpu.memory_space<vmem>>
      %dma_start3A_513 = tpu.memref_squeeze %dma_start3A_512 : memref<1x1x64xi32, #tpu.memory_space<vmem>> -> memref<64xi32, #tpu.memory_space<vmem>>
      %dma_start3A_514 = arith.constant 0 : i32
      %dma_start3A_515 = arith.constant 0 : i32
      %dma_start3A_516 = tpu.memref_slice %arg2[%dma_start3A_514, %dma_start3A_515] : memref<10000x128xf32, #tpu.memory_space<hbm>> -> memref<10000x128xf32, #tpu.memory_space<hbm>>
      tpu.enqueue_indirect_dma source(%dma_start3A_516 : memref<10000x128xf32, #tpu.memory_space<hbm>>) target(%dma_start3A_510 : memref<64x128xf32, #tpu.memory_space<vmem>>) offsets(%dma_start3A_513 : memref<64xi32, #tpu.memory_space<vmem>>) semaphore(%arg10 : memref<!tpu.dma_semaphore, #tpu.memory_space<semaphore_mem>>)
      %dma_wait3A_517 = arith.constant 1 : i32
      %dma_wait3A_518 = arith.constant 1 : i32
      %dma_wait3A_519 = arith.constant 0 : i32
      %dma_wait3A_520 = arith.constant 0 : i32
      %dma_wait3A_521 = tpu.memref_slice %arg9[%dma_wait3A_517, %dma_wait3A_519, %dma_wait3A_520] : memref<5x64x128xf32, #tpu.memory_space<vmem>> -> memref<1x64x128xf32, #tpu.memory_space<vmem>>
      %dma_wait3A_522 = tpu.memref_squeeze %dma_wait3A_521 : memref<1x64x128xf32, #tpu.memory_space<vmem>> -> memref<64x128xf32, #tpu.memory_space<vmem>>
      %dma_wait3A_523 = arith.constant 0 : i32
      %dma_wait3A_524 = tpu.memref_slice %arg8[%rem3A_339, %dma_wait3A_518, %dma_wait3A_523] : memref<2x5x64xi32, #tpu.memory_space<vmem>> -> memref<1x1x64xi32, #tpu.memory_space<vmem>>
      %dma_wait3A_525 = tpu.memref_squeeze %dma_wait3A_524 : memref<1x1x64xi32, #tpu.memory_space<vmem>> -> memref<64xi32, #tpu.memory_space<vmem>>
      %dma_wait3A_526 = arith.constant 0 : i32
      %dma_wait3A_527 = arith.constant 0 : i32
      %dma_wait3A_528 = tpu.memref_slice %arg6[%dma_wait3A_526, %dma_wait3A_527] : memref<10008x128xf32, #tpu.memory_space<vmem_shared>> -> memref<10008x128xf32, #tpu.memory_space<vmem_shared>>
      tpu.wait_indirect_dma semaphore(%arg16 : memref<!tpu.dma_semaphore, #tpu.memory_space<semaphore_mem>>) src(%dma_wait3A_522 : memref<64x128xf32, #tpu.memory_space<vmem>>) dst(%dma_wait3A_528 : memref<10008x128xf32, #tpu.memory_space<vmem_shared>>)
      %dma_start3A_529 = arith.constant 1 : i32
      %dma_start3A_530 = arith.constant 1 : i32
      %dma_start3A_531 = arith.constant 0 : i32
      %dma_start3A_532 = arith.constant 0 : i32
      %dma_start3A_533 = tpu.memref_slice %arg9[%dma_start3A_530, %dma_start3A_531, %dma_start3A_532] : memref<5x64x128xf32, #tpu.memory_space<vmem>> -> memref<1x64x128xf32, #tpu.memory_space<vmem>>
      %dma_start3A_534 = tpu.memref_squeeze %dma_start3A_533 : memref<1x64x128xf32, #tpu.memory_space<vmem>> -> memref<64x128xf32, #tpu.memory_space<vmem>>
      %dma_start3A_535 = arith.constant 0 : i32
      %dma_start3A_536 = tpu.memref_slice %arg7[%sub3A_340, %dma_start3A_529, %dma_start3A_535] : memref<2x5x64xi32, #tpu.memory_space<vmem>> -> memref<1x1x64xi32, #tpu.memory_space<vmem>>
      %dma_start3A_537 = tpu.memref_squeeze %dma_start3A_536 : memref<1x1x64xi32, #tpu.memory_space<vmem>> -> memref<64xi32, #tpu.memory_space<vmem>>
      %dma_start3A_538 = arith.constant 0 : i32
      %dma_start3A_539 = arith.constant 0 : i32
      %dma_start3A_540 = tpu.memref_slice %arg2[%dma_start3A_538, %dma_start3A_539] : memref<10000x128xf32, #tpu.memory_space<hbm>> -> memref<10000x128xf32, #tpu.memory_space<hbm>>
      tpu.enqueue_indirect_dma source(%dma_start3A_540 : memref<10000x128xf32, #tpu.memory_space<hbm>>) target(%dma_start3A_534 : memref<64x128xf32, #tpu.memory_space<vmem>>) offsets(%dma_start3A_537 : memref<64xi32, #tpu.memory_space<vmem>>) semaphore(%arg11 : memref<!tpu.dma_semaphore, #tpu.memory_space<semaphore_mem>>)
      %dma_wait3A_541 = arith.constant 2 : i32
      %dma_wait3A_542 = arith.constant 2 : i32
      %dma_wait3A_543 = arith.constant 0 : i32
      %dma_wait3A_544 = arith.constant 0 : i32
      %dma_wait3A_545 = tpu.memref_slice %arg9[%dma_wait3A_541, %dma_wait3A_543, %dma_wait3A_544] : memref<5x64x128xf32, #tpu.memory_space<vmem>> -> memref<1x64x128xf32, #tpu.memory_space<vmem>>
      %dma_wait3A_546 = tpu.memref_squeeze %dma_wait3A_545 : memref<1x64x128xf32, #tpu.memory_space<vmem>> -> memref<64x128xf32, #tpu.memory_space<vmem>>
      %dma_wait3A_547 = arith.constant 0 : i32
      %dma_wait3A_548 = tpu.memref_slice %arg8[%rem3A_339, %dma_wait3A_542, %dma_wait3A_547] : memref<2x5x64xi32, #tpu.memory_space<vmem>> -> memref<1x1x64xi32, #tpu.memory_space<vmem>>
      %dma_wait3A_549 = tpu.memref_squeeze %dma_wait3A_548 : memref<1x1x64xi32, #tpu.memory_space<vmem>> -> memref<64xi32, #tpu.memory_space<vmem>>
      %dma_wait3A_550 = arith.constant 0 : i32
      %dma_wait3A_551 = arith.constant 0 : i32
      %dma_wait3A_552 = tpu.memref_slice %arg6[%dma_wait3A_550, %dma_wait3A_551] : memref<10008x128xf32, #tpu.memory_space<vmem_shared>> -> memref<10008x128xf32, #tpu.memory_space<vmem_shared>>
      tpu.wait_indirect_dma semaphore(%arg17 : memref<!tpu.dma_semaphore, #tpu.memory_space<semaphore_mem>>) src(%dma_wait3A_546 : memref<64x128xf32, #tpu.memory_space<vmem>>) dst(%dma_wait3A_552 : memref<10008x128xf32, #tpu.memory_space<vmem_shared>>)
      %dma_start3A_553 = arith.constant 2 : i32
      %dma_start3A_554 = arith.constant 2 : i32
      %dma_start3A_555 = arith.constant 0 : i32
      %dma_start3A_556 = arith.constant 0 : i32
      %dma_start3A_557 = tpu.memref_slice %arg9[%dma_start3A_554, %dma_start3A_555, %dma_start3A_556] : memref<5x64x128xf32, #tpu.memory_space<vmem>> -> memref<1x64x128xf32, #tpu.memory_space<vmem>>
      %dma_start3A_558 = tpu.memref_squeeze %dma_start3A_557 : memref<1x64x128xf32, #tpu.memory_space<vmem>> -> memref<64x128xf32, #tpu.memory_space<vmem>>
      %dma_start3A_559 = arith.constant 0 : i32
      %dma_start3A_560 = tpu.memref_slice %arg7[%sub3A_340, %dma_start3A_553, %dma_start3A_559] : memref<2x5x64xi32, #tpu.memory_space<vmem>> -> memref<1x1x64xi32, #tpu.memory_space<vmem>>
      %dma_start3A_561 = tpu.memref_squeeze %dma_start3A_560 : memref<1x1x64xi32, #tpu.memory_space<vmem>> -> memref<64xi32, #tpu.memory_space<vmem>>
      %dma_start3A_562 = arith.constant 0 : i32
      %dma_start3A_563 = arith.constant 0 : i32
      %dma_start3A_564 = tpu.memref_slice %arg2[%dma_start3A_562, %dma_start3A_563] : memref<10000x128xf32, #tpu.memory_space<hbm>> -> memref<10000x128xf32, #tpu.memory_space<hbm>>
      tpu.enqueue_indirect_dma source(%dma_start3A_564 : memref<10000x128xf32, #tpu.memory_space<hbm>>) target(%dma_start3A_558 : memref<64x128xf32, #tpu.memory_space<vmem>>) offsets(%dma_start3A_561 : memref<64xi32, #tpu.memory_space<vmem>>) semaphore(%arg12 : memref<!tpu.dma_semaphore, #tpu.memory_space<semaphore_mem>>)
      %dma_wait3A_565 = arith.constant 3 : i32
      %dma_wait3A_566 = arith.constant 3 : i32
      %dma_wait3A_567 = arith.constant 0 : i32
      %dma_wait3A_568 = arith.constant 0 : i32
      %dma_wait3A_569 = tpu.memref_slice %arg9[%dma_wait3A_565, %dma_wait3A_567, %dma_wait3A_568] : memref<5x64x128xf32, #tpu.memory_space<vmem>> -> memref<1x64x128xf32, #tpu.memory_space<vmem>>
      %dma_wait3A_570 = tpu.memref_squeeze %dma_wait3A_569 : memref<1x64x128xf32, #tpu.memory_space<vmem>> -> memref<64x128xf32, #tpu.memory_space<vmem>>
      %dma_wait3A_571 = arith.constant 0 : i32
      %dma_wait3A_572 = tpu.memref_slice %arg8[%rem3A_339, %dma_wait3A_566, %dma_wait3A_571] : memref<2x5x64xi32, #tpu.memory_space<vmem>> -> memref<1x1x64xi32, #tpu.memory_space<vmem>>
      %dma_wait3A_573 = tpu.memref_squeeze %dma_wait3A_572 : memref<1x1x64xi32, #tpu.memory_space<vmem>> -> memref<64xi32, #tpu.memory_space<vmem>>
      %dma_wait3A_574 = arith.constant 0 : i32
      %dma_wait3A_575 = arith.constant 0 : i32
      %dma_wait3A_576 = tpu.memref_slice %arg6[%dma_wait3A_574, %dma_wait3A_575] : memref<10008x128xf32, #tpu.memory_space<vmem_shared>> -> memref<10008x128xf32, #tpu.memory_space<vmem_shared>>
      tpu.wait_indirect_dma semaphore(%arg18 : memref<!tpu.dma_semaphore, #tpu.memory_space<semaphore_mem>>) src(%dma_wait3A_570 : memref<64x128xf32, #tpu.memory_space<vmem>>) dst(%dma_wait3A_576 : memref<10008x128xf32, #tpu.memory_space<vmem_shared>>)
      %dma_start3A_577 = arith.constant 3 : i32
      %dma_start3A_578 = arith.constant 3 : i32
      %dma_start3A_579 = arith.constant 0 : i32
      %dma_start3A_580 = arith.constant 0 : i32
      %dma_start3A_581 = tpu.memref_slice %arg9[%dma_start3A_578, %dma_start3A_579, %dma_start3A_580] : memref<5x64x128xf32, #tpu.memory_space<vmem>> -> memref<1x64x128xf32, #tpu.memory_space<vmem>>
      %dma_start3A_582 = tpu.memref_squeeze %dma_start3A_581 : memref<1x64x128xf32, #tpu.memory_space<vmem>> -> memref<64x128xf32, #tpu.memory_space<vmem>>
      %dma_start3A_583 = arith.constant 0 : i32
      %dma_start3A_584 = tpu.memref_slice %arg7[%sub3A_340, %dma_start3A_577, %dma_start3A_583] : memref<2x5x64xi32, #tpu.memory_space<vmem>> -> memref<1x1x64xi32, #tpu.memory_space<vmem>>
      %dma_start3A_585 = tpu.memref_squeeze %dma_start3A_584 : memref<1x1x64xi32, #tpu.memory_space<vmem>> -> memref<64xi32, #tpu.memory_space<vmem>>
      %dma_start3A_586 = arith.constant 0 : i32
      %dma_start3A_587 = arith.constant 0 : i32
      %dma_start3A_588 = tpu.memref_slice %arg2[%dma_start3A_586, %dma_start3A_587] : memref<10000x128xf32, #tpu.memory_space<hbm>> -> memref<10000x128xf32, #tpu.memory_space<hbm>>
      tpu.enqueue_indirect_dma source(%dma_start3A_588 : memref<10000x128xf32, #tpu.memory_space<hbm>>) target(%dma_start3A_582 : memref<64x128xf32, #tpu.memory_space<vmem>>) offsets(%dma_start3A_585 : memref<64xi32, #tpu.memory_space<vmem>>) semaphore(%arg13 : memref<!tpu.dma_semaphore, #tpu.memory_space<semaphore_mem>>)
      %dma_wait3A_589 = arith.constant 4 : i32
      %dma_wait3A_590 = arith.constant 4 : i32
      %dma_wait3A_591 = arith.constant 0 : i32
      %dma_wait3A_592 = arith.constant 0 : i32
      %dma_wait3A_593 = tpu.memref_slice %arg9[%dma_wait3A_589, %dma_wait3A_591, %dma_wait3A_592] : memref<5x64x128xf32, #tpu.memory_space<vmem>> -> memref<1x64x128xf32, #tpu.memory_space<vmem>>
      %dma_wait3A_594 = tpu.memref_squeeze %dma_wait3A_593 : memref<1x64x128xf32, #tpu.memory_space<vmem>> -> memref<64x128xf32, #tpu.memory_space<vmem>>
      %dma_wait3A_595 = arith.constant 0 : i32
      %dma_wait3A_596 = tpu.memref_slice %arg8[%rem3A_339, %dma_wait3A_590, %dma_wait3A_595] : memref<2x5x64xi32, #tpu.memory_space<vmem>> -> memref<1x1x64xi32, #tpu.memory_space<vmem>>
      %dma_wait3A_597 = tpu.memref_squeeze %dma_wait3A_596 : memref<1x1x64xi32, #tpu.memory_space<vmem>> -> memref<64xi32, #tpu.memory_space<vmem>>
      %dma_wait3A_598 = arith.constant 0 : i32
      %dma_wait3A_599 = arith.constant 0 : i32
      %dma_wait3A_600 = tpu.memref_slice %arg6[%dma_wait3A_598, %dma_wait3A_599] : memref<10008x128xf32, #tpu.memory_space<vmem_shared>> -> memref<10008x128xf32, #tpu.memory_space<vmem_shared>>
      tpu.wait_indirect_dma semaphore(%arg19 : memref<!tpu.dma_semaphore, #tpu.memory_space<semaphore_mem>>) src(%dma_wait3A_594 : memref<64x128xf32, #tpu.memory_space<vmem>>) dst(%dma_wait3A_600 : memref<10008x128xf32, #tpu.memory_space<vmem_shared>>)
      %dma_start3A_601 = arith.constant 4 : i32
      %dma_start3A_602 = arith.constant 4 : i32
      %dma_start3A_603 = arith.constant 0 : i32
      %dma_start3A_604 = arith.constant 0 : i32
      %dma_start3A_605 = tpu.memref_slice %arg9[%dma_start3A_602, %dma_start3A_603, %dma_start3A_604] : memref<5x64x128xf32, #tpu.memory_space<vmem>> -> memref<1x64x128xf32, #tpu.memory_space<vmem>>
      %dma_start3A_606 = tpu.memref_squeeze %dma_start3A_605 : memref<1x64x128xf32, #tpu.memory_space<vmem>> -> memref<64x128xf32, #tpu.memory_space<vmem>>
      %dma_start3A_607 = arith.constant 0 : i32
      %dma_start3A_608 = tpu.memref_slice %arg7[%sub3A_340, %dma_start3A_601, %dma_start3A_607] : memref<2x5x64xi32, #tpu.memory_space<vmem>> -> memref<1x1x64xi32, #tpu.memory_space<vmem>>
      %dma_start3A_609 = tpu.memref_squeeze %dma_start3A_608 : memref<1x1x64xi32, #tpu.memory_space<vmem>> -> memref<64xi32, #tpu.memory_space<vmem>>
      %dma_start3A_610 = arith.constant 0 : i32
      %dma_start3A_611 = arith.constant 0 : i32
      %dma_start3A_612 = tpu.memref_slice %arg2[%dma_start3A_610, %dma_start3A_611] : memref<10000x128xf32, #tpu.memory_space<hbm>> -> memref<10000x128xf32, #tpu.memory_space<hbm>>
      tpu.enqueue_indirect_dma source(%dma_start3A_612 : memref<10000x128xf32, #tpu.memory_space<hbm>>) target(%dma_start3A_606 : memref<64x128xf32, #tpu.memory_space<vmem>>) offsets(%dma_start3A_609 : memref<64xi32, #tpu.memory_space<vmem>>) semaphore(%arg14 : memref<!tpu.dma_semaphore, #tpu.memory_space<semaphore_mem>>)
      %add3A_613 = arith.constant 2 : i32
      %add3A_614 = arith.addi %scan3A_337, %add3A_613 : i32
      %mul3A_615 = arith.constant 5 : i32
      %mul3A_616 = arith.muli %add3A_614, %mul3A_615 : i32
      %min3A = arith.constant 155 : i32
      %min3A_617 = arith.minsi %mul3A_616, %min3A : i32
      %dma_start3A_618 = arith.constant 0 : i32
      %dma_start3A_619 = arith.constant 0 : i32
      %dma_start3A_620 = tpu.memref_slice %arg7[%rem3A_339, %dma_start3A_618, %dma_start3A_619] : memref<2x5x64xi32, #tpu.memory_space<vmem>> -> memref<1x5x64xi32, #tpu.memory_space<vmem>>
      %dma_start3A_621 = tpu.memref_squeeze %dma_start3A_620 : memref<1x5x64xi32, #tpu.memory_space<vmem>> -> memref<5x64xi32, #tpu.memory_space<vmem>>
      %dma_start3A_622 = arith.constant 0 : i32
      %dma_start3A_623 = tpu.memref_slice %arg3[%add3A, %min3A_617, %dma_start3A_622] : memref<32x160x64xi32, #tpu.memory_space<hbm>> -> memref<1x5x64xi32, #tpu.memory_space<hbm>>
      %dma_start3A_624 = tpu.memref_squeeze %dma_start3A_623 : memref<1x5x64xi32, #tpu.memory_space<hbm>> -> memref<5x64xi32, #tpu.memory_space<hbm>>
      %dma_start3A_625 = arith.constant 0 : i32
      %dma_start3A_626 = arith.constant 0 : i32
      %dma_start3A_627 = tpu.memref_slice %arg7[%rem3A_339, %dma_start3A_625, %dma_start3A_626] : memref<2x5x64xi32, #tpu.memory_space<vmem>> -> memref<1x5x64xi32, #tpu.memory_space<vmem>>
      %dma_start3A_628 = tpu.memref_squeeze %dma_start3A_627 : memref<1x5x64xi32, #tpu.memory_space<vmem>> -> memref<5x64xi32, #tpu.memory_space<vmem>>
      %dma_start3A_629 = arith.constant 0 : i32
      %dma_start3A_630 = tpu.memref_slice %arg3[%add3A, %min3A_617, %dma_start3A_629] : memref<32x160x64xi32, #tpu.memory_space<hbm>> -> memref<1x5x64xi32, #tpu.memory_space<hbm>>
      %dma_start3A_631 = tpu.memref_squeeze %dma_start3A_630 : memref<1x5x64xi32, #tpu.memory_space<hbm>> -> memref<5x64xi32, #tpu.memory_space<hbm>>
      tpu.enqueue_dma source(%dma_start3A_631 : memref<5x64xi32, #tpu.memory_space<hbm>>) target(%dma_start3A_628 : memref<5x64xi32, #tpu.memory_space<vmem>>) target_semaphore(%arg20 : memref<!tpu.dma_semaphore, #tpu.memory_space<semaphore_mem>>)
      %dma_start3A_632 = arith.constant 0 : i32
      %dma_start3A_633 = arith.constant 0 : i32
      %dma_start3A_634 = tpu.memref_slice %arg8[%rem3A_339, %dma_start3A_632, %dma_start3A_633] : memref<2x5x64xi32, #tpu.memory_space<vmem>> -> memref<1x5x64xi32, #tpu.memory_space<vmem>>
      %dma_start3A_635 = tpu.memref_squeeze %dma_start3A_634 : memref<1x5x64xi32, #tpu.memory_space<vmem>> -> memref<5x64xi32, #tpu.memory_space<vmem>>
      %dma_start3A_636 = arith.constant 0 : i32
      %dma_start3A_637 = tpu.memref_slice %arg4[%add3A, %min3A_617, %dma_start3A_636] : memref<32x160x64xi32, #tpu.memory_space<hbm>> -> memref<1x5x64xi32, #tpu.memory_space<hbm>>
      %dma_start3A_638 = tpu.memref_squeeze %dma_start3A_637 : memref<1x5x64xi32, #tpu.memory_space<hbm>> -> memref<5x64xi32, #tpu.memory_space<hbm>>
      %dma_start3A_639 = arith.constant 0 : i32
      %dma_start3A_640 = arith.constant 0 : i32
      %dma_start3A_641 = tpu.memref_slice %arg8[%rem3A_339, %dma_start3A_639, %dma_start3A_640] : memref<2x5x64xi32, #tpu.memory_space<vmem>> -> memref<1x5x64xi32, #tpu.memory_space<vmem>>
      %dma_start3A_642 = tpu.memref_squeeze %dma_start3A_641 : memref<1x5x64xi32, #tpu.memory_space<vmem>> -> memref<5x64xi32, #tpu.memory_space<vmem>>
      %dma_start3A_643 = arith.constant 0 : i32
      %dma_start3A_644 = tpu.memref_slice %arg4[%add3A, %min3A_617, %dma_start3A_643] : memref<32x160x64xi32, #tpu.memory_space<hbm>> -> memref<1x5x64xi32, #tpu.memory_space<hbm>>
      %dma_start3A_645 = tpu.memref_squeeze %dma_start3A_644 : memref<1x5x64xi32, #tpu.memory_space<hbm>> -> memref<5x64xi32, #tpu.memory_space<hbm>>
      tpu.enqueue_dma source(%dma_start3A_645 : memref<5x64xi32, #tpu.memory_space<hbm>>) target(%dma_start3A_642 : memref<5x64xi32, #tpu.memory_space<vmem>>) target_semaphore(%arg21 : memref<!tpu.dma_semaphore, #tpu.memory_space<semaphore_mem>>)
      %scan3A_646 = arith.constant 0 : i32
      scf.yield %scan3A_646 : i32
    }
    %scan3A_107 = arith.constant 31 : i32
    %dma_wait3A = arith.constant 0 : i32
    %dma_wait3A_108 = arith.constant 0 : i32
    %dma_wait3A_109 = arith.constant 0 : i32
    %dma_wait3A_110 = tpu.memref_slice %arg7[%dma_wait3A, %dma_wait3A_108, %dma_wait3A_109] : memref<2x5x64xi32, #tpu.memory_space<vmem>> -> memref<1x5x64xi32, #tpu.memory_space<vmem>>
    %dma_wait3A_111 = tpu.memref_squeeze %dma_wait3A_110 : memref<1x5x64xi32, #tpu.memory_space<vmem>> -> memref<5x64xi32, #tpu.memory_space<vmem>>
    %dma_wait3A_112 = arith.constant 0 : i32
    %dma_wait3A_113 = arith.constant 0 : i32
    %dma_wait3A_114 = tpu.memref_slice %arg3[%add3A, %dma_wait3A_112, %dma_wait3A_113] : memref<32x160x64xi32, #tpu.memory_space<hbm>> -> memref<1x5x64xi32, #tpu.memory_space<hbm>>
    %dma_wait3A_115 = tpu.memref_squeeze %dma_wait3A_114 : memref<1x5x64xi32, #tpu.memory_space<hbm>> -> memref<5x64xi32, #tpu.memory_space<hbm>>
    %dma_wait3A_116 = arith.constant 0 : i32
    %dma_wait3A_117 = arith.constant 0 : i32
    %dma_wait3A_118 = tpu.memref_slice %arg7[%dma_wait3A, %dma_wait3A_116, %dma_wait3A_117] : memref<2x5x64xi32, #tpu.memory_space<vmem>> -> memref<1x5x64xi32, #tpu.memory_space<vmem>>
    %dma_wait3A_119 = tpu.memref_squeeze %dma_wait3A_118 : memref<1x5x64xi32, #tpu.memory_space<vmem>> -> memref<5x64xi32, #tpu.memory_space<vmem>>
    %dma_wait3A_120 = arith.constant 0 : i32
    %dma_wait3A_121 = arith.constant 0 : i32
    %dma_wait3A_122 = tpu.memref_slice %arg3[%add3A, %dma_wait3A_120, %dma_wait3A_121] : memref<32x160x64xi32, #tpu.memory_space<hbm>> -> memref<1x5x64xi32, #tpu.memory_space<hbm>>
    %dma_wait3A_123 = tpu.memref_squeeze %dma_wait3A_122 : memref<1x5x64xi32, #tpu.memory_space<hbm>> -> memref<5x64xi32, #tpu.memory_space<hbm>>
    tpu.wait_dma2 semaphore(%arg20 : memref<!tpu.dma_semaphore, #tpu.memory_space<semaphore_mem>>) src(%dma_wait3A_123 : memref<5x64xi32, #tpu.memory_space<hbm>>) dst(%dma_wait3A_119 : memref<5x64xi32, #tpu.memory_space<vmem>>)
    %dma_wait3A_124 = arith.constant 0 : i32
    %dma_wait3A_125 = arith.constant 0 : i32
    %dma_wait3A_126 = arith.constant 0 : i32
    %dma_wait3A_127 = tpu.memref_slice %arg8[%dma_wait3A_124, %dma_wait3A_125, %dma_wait3A_126] : memref<2x5x64xi32, #tpu.memory_space<vmem>> -> memref<1x5x64xi32, #tpu.memory_space<vmem>>
    %dma_wait3A_128 = tpu.memref_squeeze %dma_wait3A_127 : memref<1x5x64xi32, #tpu.memory_space<vmem>> -> memref<5x64xi32, #tpu.memory_space<vmem>>
    %dma_wait3A_129 = arith.constant 0 : i32
    %dma_wait3A_130 = arith.constant 0 : i32
    %dma_wait3A_131 = tpu.memref_slice %arg4[%add3A, %dma_wait3A_129, %dma_wait3A_130] : memref<32x160x64xi32, #tpu.memory_space<hbm>> -> memref<1x5x64xi32, #tpu.memory_space<hbm>>
    %dma_wait3A_132 = tpu.memref_squeeze %dma_wait3A_131 : memref<1x5x64xi32, #tpu.memory_space<hbm>> -> memref<5x64xi32, #tpu.memory_space<hbm>>
    %dma_wait3A_133 = arith.constant 0 : i32
    %dma_wait3A_134 = arith.constant 0 : i32
    %dma_wait3A_135 = tpu.memref_slice %arg8[%dma_wait3A_124, %dma_wait3A_133, %dma_wait3A_134] : memref<2x5x64xi32, #tpu.memory_space<vmem>> -> memref<1x5x64xi32, #tpu.memory_space<vmem>>
    %dma_wait3A_136 = tpu.memref_squeeze %dma_wait3A_135 : memref<1x5x64xi32, #tpu.memory_space<vmem>> -> memref<5x64xi32, #tpu.memory_space<vmem>>
    %dma_wait3A_137 = arith.constant 0 : i32
    %dma_wait3A_138 = arith.constant 0 : i32
    %dma_wait3A_139 = tpu.memref_slice %arg4[%add3A, %dma_wait3A_137, %dma_wait3A_138] : memref<32x160x64xi32, #tpu.memory_space<hbm>> -> memref<1x5x64xi32, #tpu.memory_space<hbm>>
    %dma_wait3A_140 = tpu.memref_squeeze %dma_wait3A_139 : memref<1x5x64xi32, #tpu.memory_space<hbm>> -> memref<5x64xi32, #tpu.memory_space<hbm>>
    tpu.wait_dma2 semaphore(%arg21 : memref<!tpu.dma_semaphore, #tpu.memory_space<semaphore_mem>>) src(%dma_wait3A_140 : memref<5x64xi32, #tpu.memory_space<hbm>>) dst(%dma_wait3A_136 : memref<5x64xi32, #tpu.memory_space<vmem>>)
    %dma_wait3A_141 = arith.constant 1 : i32
    %dma_wait3A_142 = arith.constant 0 : i32
    %dma_wait3A_143 = arith.constant 0 : i32
    %dma_wait3A_144 = arith.constant 0 : i32
    %dma_wait3A_145 = arith.constant 0 : i32
    %dma_wait3A_146 = tpu.memref_slice %arg9[%dma_wait3A_143, %dma_wait3A_144, %dma_wait3A_145] : memref<5x64x128xf32, #tpu.memory_space<vmem>> -> memref<1x64x128xf32, #tpu.memory_space<vmem>>
    %dma_wait3A_147 = tpu.memref_squeeze %dma_wait3A_146 : memref<1x64x128xf32, #tpu.memory_space<vmem>> -> memref<64x128xf32, #tpu.memory_space<vmem>>
    %dma_wait3A_148 = arith.constant 0 : i32
    %dma_wait3A_149 = tpu.memref_slice %arg7[%dma_wait3A_141, %dma_wait3A_142, %dma_wait3A_148] : memref<2x5x64xi32, #tpu.memory_space<vmem>> -> memref<1x1x64xi32, #tpu.memory_space<vmem>>
    %dma_wait3A_150 = tpu.memref_squeeze %dma_wait3A_149 : memref<1x1x64xi32, #tpu.memory_space<vmem>> -> memref<64xi32, #tpu.memory_space<vmem>>
    %dma_wait3A_151 = arith.constant 0 : i32
    %dma_wait3A_152 = arith.constant 0 : i32
    %dma_wait3A_153 = tpu.memref_slice %arg2[%dma_wait3A_151, %dma_wait3A_152] : memref<10000x128xf32, #tpu.memory_space<hbm>> -> memref<10000x128xf32, #tpu.memory_space<hbm>>
    tpu.wait_indirect_dma semaphore(%arg10 : memref<!tpu.dma_semaphore, #tpu.memory_space<semaphore_mem>>) src(%dma_wait3A_153 : memref<10000x128xf32, #tpu.memory_space<hbm>>) dst(%dma_wait3A_147 : memref<64x128xf32, #tpu.memory_space<vmem>>)
    %dma_start3A_154 = arith.constant 0 : i32
    %dma_start3A_155 = arith.constant 1 : i32
    %dma_start3A_156 = arith.constant 0 : i32
    %dma_start3A_157 = arith.constant 0 : i32
    %dma_start3A_158 = arith.constant 0 : i32
    %dma_start3A_159 = tpu.memref_slice %arg9[%dma_start3A_154, %dma_start3A_157, %dma_start3A_158] : memref<5x64x128xf32, #tpu.memory_space<vmem>> -> memref<1x64x128xf32, #tpu.memory_space<vmem>>
    %dma_start3A_160 = tpu.memref_squeeze %dma_start3A_159 : memref<1x64x128xf32, #tpu.memory_space<vmem>> -> memref<64x128xf32, #tpu.memory_space<vmem>>
    %dma_start3A_161 = arith.constant 0 : i32
    %dma_start3A_162 = tpu.memref_slice %arg8[%dma_start3A_155, %dma_start3A_156, %dma_start3A_161] : memref<2x5x64xi32, #tpu.memory_space<vmem>> -> memref<1x1x64xi32, #tpu.memory_space<vmem>>
    %dma_start3A_163 = tpu.memref_squeeze %dma_start3A_162 : memref<1x1x64xi32, #tpu.memory_space<vmem>> -> memref<64xi32, #tpu.memory_space<vmem>>
    %dma_start3A_164 = arith.constant 0 : i32
    %dma_start3A_165 = arith.constant 0 : i32
    %dma_start3A_166 = tpu.memref_slice %arg6[%dma_start3A_164, %dma_start3A_165] : memref<10008x128xf32, #tpu.memory_space<vmem_shared>> -> memref<10008x128xf32, #tpu.memory_space<vmem_shared>>
    tpu.enqueue_indirect_dma source(%dma_start3A_160 : memref<64x128xf32, #tpu.memory_space<vmem>>) target(%dma_start3A_166 : memref<10008x128xf32, #tpu.memory_space<vmem_shared>>) offsets(%dma_start3A_163 : memref<64xi32, #tpu.memory_space<vmem>>) semaphore(%arg15 : memref<!tpu.dma_semaphore, #tpu.memory_space<semaphore_mem>>) {add = true}
    %dma_wait3A_167 = arith.constant 1 : i32
    %dma_wait3A_168 = arith.constant 1 : i32
    %dma_wait3A_169 = arith.constant 1 : i32
    %dma_wait3A_170 = arith.constant 0 : i32
    %dma_wait3A_171 = arith.constant 0 : i32
    %dma_wait3A_172 = tpu.memref_slice %arg9[%dma_wait3A_169, %dma_wait3A_170, %dma_wait3A_171] : memref<5x64x128xf32, #tpu.memory_space<vmem>> -> memref<1x64x128xf32, #tpu.memory_space<vmem>>
    %dma_wait3A_173 = tpu.memref_squeeze %dma_wait3A_172 : memref<1x64x128xf32, #tpu.memory_space<vmem>> -> memref<64x128xf32, #tpu.memory_space<vmem>>
    %dma_wait3A_174 = arith.constant 0 : i32
    %dma_wait3A_175 = tpu.memref_slice %arg7[%dma_wait3A_167, %dma_wait3A_168, %dma_wait3A_174] : memref<2x5x64xi32, #tpu.memory_space<vmem>> -> memref<1x1x64xi32, #tpu.memory_space<vmem>>
    %dma_wait3A_176 = tpu.memref_squeeze %dma_wait3A_175 : memref<1x1x64xi32, #tpu.memory_space<vmem>> -> memref<64xi32, #tpu.memory_space<vmem>>
    %dma_wait3A_177 = arith.constant 0 : i32
    %dma_wait3A_178 = arith.constant 0 : i32
    %dma_wait3A_179 = tpu.memref_slice %arg2[%dma_wait3A_177, %dma_wait3A_178] : memref<10000x128xf32, #tpu.memory_space<hbm>> -> memref<10000x128xf32, #tpu.memory_space<hbm>>
    tpu.wait_indirect_dma semaphore(%arg11 : memref<!tpu.dma_semaphore, #tpu.memory_space<semaphore_mem>>) src(%dma_wait3A_179 : memref<10000x128xf32, #tpu.memory_space<hbm>>) dst(%dma_wait3A_173 : memref<64x128xf32, #tpu.memory_space<vmem>>)
    %dma_start3A_180 = arith.constant 1 : i32
    %dma_start3A_181 = arith.constant 1 : i32
    %dma_start3A_182 = arith.constant 1 : i32
    %dma_start3A_183 = arith.constant 0 : i32
    %dma_start3A_184 = arith.constant 0 : i32
    %dma_start3A_185 = tpu.memref_slice %arg9[%dma_start3A_180, %dma_start3A_183, %dma_start3A_184] : memref<5x64x128xf32, #tpu.memory_space<vmem>> -> memref<1x64x128xf32, #tpu.memory_space<vmem>>
    %dma_start3A_186 = tpu.memref_squeeze %dma_start3A_185 : memref<1x64x128xf32, #tpu.memory_space<vmem>> -> memref<64x128xf32, #tpu.memory_space<vmem>>
    %dma_start3A_187 = arith.constant 0 : i32
    %dma_start3A_188 = tpu.memref_slice %arg8[%dma_start3A_181, %dma_start3A_182, %dma_start3A_187] : memref<2x5x64xi32, #tpu.memory_space<vmem>> -> memref<1x1x64xi32, #tpu.memory_space<vmem>>
    %dma_start3A_189 = tpu.memref_squeeze %dma_start3A_188 : memref<1x1x64xi32, #tpu.memory_space<vmem>> -> memref<64xi32, #tpu.memory_space<vmem>>
    %dma_start3A_190 = arith.constant 0 : i32
    %dma_start3A_191 = arith.constant 0 : i32
    %dma_start3A_192 = tpu.memref_slice %arg6[%dma_start3A_190, %dma_start3A_191] : memref<10008x128xf32, #tpu.memory_space<vmem_shared>> -> memref<10008x128xf32, #tpu.memory_space<vmem_shared>>
    tpu.enqueue_indirect_dma source(%dma_start3A_186 : memref<64x128xf32, #tpu.memory_space<vmem>>) target(%dma_start3A_192 : memref<10008x128xf32, #tpu.memory_space<vmem_shared>>) offsets(%dma_start3A_189 : memref<64xi32, #tpu.memory_space<vmem>>) semaphore(%arg16 : memref<!tpu.dma_semaphore, #tpu.memory_space<semaphore_mem>>) {add = true}
    %dma_wait3A_193 = arith.constant 1 : i32
    %dma_wait3A_194 = arith.constant 2 : i32
    %dma_wait3A_195 = arith.constant 2 : i32
    %dma_wait3A_196 = arith.constant 0 : i32
    %dma_wait3A_197 = arith.constant 0 : i32
    %dma_wait3A_198 = tpu.memref_slice %arg9[%dma_wait3A_195, %dma_wait3A_196, %dma_wait3A_197] : memref<5x64x128xf32, #tpu.memory_space<vmem>> -> memref<1x64x128xf32, #tpu.memory_space<vmem>>
    %dma_wait3A_199 = tpu.memref_squeeze %dma_wait3A_198 : memref<1x64x128xf32, #tpu.memory_space<vmem>> -> memref<64x128xf32, #tpu.memory_space<vmem>>
    %dma_wait3A_200 = arith.constant 0 : i32
    %dma_wait3A_201 = tpu.memref_slice %arg7[%dma_wait3A_193, %dma_wait3A_194, %dma_wait3A_200] : memref<2x5x64xi32, #tpu.memory_space<vmem>> -> memref<1x1x64xi32, #tpu.memory_space<vmem>>
    %dma_wait3A_202 = tpu.memref_squeeze %dma_wait3A_201 : memref<1x1x64xi32, #tpu.memory_space<vmem>> -> memref<64xi32, #tpu.memory_space<vmem>>
    %dma_wait3A_203 = arith.constant 0 : i32
    %dma_wait3A_204 = arith.constant 0 : i32
    %dma_wait3A_205 = tpu.memref_slice %arg2[%dma_wait3A_203, %dma_wait3A_204] : memref<10000x128xf32, #tpu.memory_space<hbm>> -> memref<10000x128xf32, #tpu.memory_space<hbm>>
    tpu.wait_indirect_dma semaphore(%arg12 : memref<!tpu.dma_semaphore, #tpu.memory_space<semaphore_mem>>) src(%dma_wait3A_205 : memref<10000x128xf32, #tpu.memory_space<hbm>>) dst(%dma_wait3A_199 : memref<64x128xf32, #tpu.memory_space<vmem>>)
    %dma_start3A_206 = arith.constant 2 : i32
    %dma_start3A_207 = arith.constant 1 : i32
    %dma_start3A_208 = arith.constant 2 : i32
    %dma_start3A_209 = arith.constant 0 : i32
    %dma_start3A_210 = arith.constant 0 : i32
    %dma_start3A_211 = tpu.memref_slice %arg9[%dma_start3A_206, %dma_start3A_209, %dma_start3A_210] : memref<5x64x128xf32, #tpu.memory_space<vmem>> -> memref<1x64x128xf32, #tpu.memory_space<vmem>>
    %dma_start3A_212 = tpu.memref_squeeze %dma_start3A_211 : memref<1x64x128xf32, #tpu.memory_space<vmem>> -> memref<64x128xf32, #tpu.memory_space<vmem>>
    %dma_start3A_213 = arith.constant 0 : i32
    %dma_start3A_214 = tpu.memref_slice %arg8[%dma_start3A_207, %dma_start3A_208, %dma_start3A_213] : memref<2x5x64xi32, #tpu.memory_space<vmem>> -> memref<1x1x64xi32, #tpu.memory_space<vmem>>
    %dma_start3A_215 = tpu.memref_squeeze %dma_start3A_214 : memref<1x1x64xi32, #tpu.memory_space<vmem>> -> memref<64xi32, #tpu.memory_space<vmem>>
    %dma_start3A_216 = arith.constant 0 : i32
    %dma_start3A_217 = arith.constant 0 : i32
    %dma_start3A_218 = tpu.memref_slice %arg6[%dma_start3A_216, %dma_start3A_217] : memref<10008x128xf32, #tpu.memory_space<vmem_shared>> -> memref<10008x128xf32, #tpu.memory_space<vmem_shared>>
    tpu.enqueue_indirect_dma source(%dma_start3A_212 : memref<64x128xf32, #tpu.memory_space<vmem>>) target(%dma_start3A_218 : memref<10008x128xf32, #tpu.memory_space<vmem_shared>>) offsets(%dma_start3A_215 : memref<64xi32, #tpu.memory_space<vmem>>) semaphore(%arg17 : memref<!tpu.dma_semaphore, #tpu.memory_space<semaphore_mem>>) {add = true}
    %dma_wait3A_219 = arith.constant 1 : i32
    %dma_wait3A_220 = arith.constant 3 : i32
    %dma_wait3A_221 = arith.constant 3 : i32
    %dma_wait3A_222 = arith.constant 0 : i32
    %dma_wait3A_223 = arith.constant 0 : i32
    %dma_wait3A_224 = tpu.memref_slice %arg9[%dma_wait3A_221, %dma_wait3A_222, %dma_wait3A_223] : memref<5x64x128xf32, #tpu.memory_space<vmem>> -> memref<1x64x128xf32, #tpu.memory_space<vmem>>
    %dma_wait3A_225 = tpu.memref_squeeze %dma_wait3A_224 : memref<1x64x128xf32, #tpu.memory_space<vmem>> -> memref<64x128xf32, #tpu.memory_space<vmem>>
    %dma_wait3A_226 = arith.constant 0 : i32
    %dma_wait3A_227 = tpu.memref_slice %arg7[%dma_wait3A_219, %dma_wait3A_220, %dma_wait3A_226] : memref<2x5x64xi32, #tpu.memory_space<vmem>> -> memref<1x1x64xi32, #tpu.memory_space<vmem>>
    %dma_wait3A_228 = tpu.memref_squeeze %dma_wait3A_227 : memref<1x1x64xi32, #tpu.memory_space<vmem>> -> memref<64xi32, #tpu.memory_space<vmem>>
    %dma_wait3A_229 = arith.constant 0 : i32
    %dma_wait3A_230 = arith.constant 0 : i32
    %dma_wait3A_231 = tpu.memref_slice %arg2[%dma_wait3A_229, %dma_wait3A_230] : memref<10000x128xf32, #tpu.memory_space<hbm>> -> memref<10000x128xf32, #tpu.memory_space<hbm>>
    tpu.wait_indirect_dma semaphore(%arg13 : memref<!tpu.dma_semaphore, #tpu.memory_space<semaphore_mem>>) src(%dma_wait3A_231 : memref<10000x128xf32, #tpu.memory_space<hbm>>) dst(%dma_wait3A_225 : memref<64x128xf32, #tpu.memory_space<vmem>>)
    %dma_start3A_232 = arith.constant 3 : i32
    %dma_start3A_233 = arith.constant 1 : i32
    %dma_start3A_234 = arith.constant 3 : i32
    %dma_start3A_235 = arith.constant 0 : i32
    %dma_start3A_236 = arith.constant 0 : i32
    %dma_start3A_237 = tpu.memref_slice %arg9[%dma_start3A_232, %dma_start3A_235, %dma_start3A_236] : memref<5x64x128xf32, #tpu.memory_space<vmem>> -> memref<1x64x128xf32, #tpu.memory_space<vmem>>
    %dma_start3A_238 = tpu.memref_squeeze %dma_start3A_237 : memref<1x64x128xf32, #tpu.memory_space<vmem>> -> memref<64x128xf32, #tpu.memory_space<vmem>>
    %dma_start3A_239 = arith.constant 0 : i32
    %dma_start3A_240 = tpu.memref_slice %arg8[%dma_start3A_233, %dma_start3A_234, %dma_start3A_239] : memref<2x5x64xi32, #tpu.memory_space<vmem>> -> memref<1x1x64xi32, #tpu.memory_space<vmem>>
    %dma_start3A_241 = tpu.memref_squeeze %dma_start3A_240 : memref<1x1x64xi32, #tpu.memory_space<vmem>> -> memref<64xi32, #tpu.memory_space<vmem>>
    %dma_start3A_242 = arith.constant 0 : i32
    %dma_start3A_243 = arith.constant 0 : i32
    %dma_start3A_244 = tpu.memref_slice %arg6[%dma_start3A_242, %dma_start3A_243] : memref<10008x128xf32, #tpu.memory_space<vmem_shared>> -> memref<10008x128xf32, #tpu.memory_space<vmem_shared>>
    tpu.enqueue_indirect_dma source(%dma_start3A_238 : memref<64x128xf32, #tpu.memory_space<vmem>>) target(%dma_start3A_244 : memref<10008x128xf32, #tpu.memory_space<vmem_shared>>) offsets(%dma_start3A_241 : memref<64xi32, #tpu.memory_space<vmem>>) semaphore(%arg18 : memref<!tpu.dma_semaphore, #tpu.memory_space<semaphore_mem>>) {add = true}
    %dma_wait3A_245 = arith.constant 1 : i32
    %dma_wait3A_246 = arith.constant 4 : i32
    %dma_wait3A_247 = arith.constant 4 : i32
    %dma_wait3A_248 = arith.constant 0 : i32
    %dma_wait3A_249 = arith.constant 0 : i32
    %dma_wait3A_250 = tpu.memref_slice %arg9[%dma_wait3A_247, %dma_wait3A_248, %dma_wait3A_249] : memref<5x64x128xf32, #tpu.memory_space<vmem>> -> memref<1x64x128xf32, #tpu.memory_space<vmem>>
    %dma_wait3A_251 = tpu.memref_squeeze %dma_wait3A_250 : memref<1x64x128xf32, #tpu.memory_space<vmem>> -> memref<64x128xf32, #tpu.memory_space<vmem>>
    %dma_wait3A_252 = arith.constant 0 : i32
    %dma_wait3A_253 = tpu.memref_slice %arg7[%dma_wait3A_245, %dma_wait3A_246, %dma_wait3A_252] : memref<2x5x64xi32, #tpu.memory_space<vmem>> -> memref<1x1x64xi32, #tpu.memory_space<vmem>>
    %dma_wait3A_254 = tpu.memref_squeeze %dma_wait3A_253 : memref<1x1x64xi32, #tpu.memory_space<vmem>> -> memref<64xi32, #tpu.memory_space<vmem>>
    %dma_wait3A_255 = arith.constant 0 : i32
    %dma_wait3A_256 = arith.constant 0 : i32
    %dma_wait3A_257 = tpu.memref_slice %arg2[%dma_wait3A_255, %dma_wait3A_256] : memref<10000x128xf32, #tpu.memory_space<hbm>> -> memref<10000x128xf32, #tpu.memory_space<hbm>>
    tpu.wait_indirect_dma semaphore(%arg14 : memref<!tpu.dma_semaphore, #tpu.memory_space<semaphore_mem>>) src(%dma_wait3A_257 : memref<10000x128xf32, #tpu.memory_space<hbm>>) dst(%dma_wait3A_251 : memref<64x128xf32, #tpu.memory_space<vmem>>)
    %dma_start3A_258 = arith.constant 4 : i32
    %dma_start3A_259 = arith.constant 1 : i32
    %dma_start3A_260 = arith.constant 4 : i32
    %dma_start3A_261 = arith.constant 0 : i32
    %dma_start3A_262 = arith.constant 0 : i32
    %dma_start3A_263 = tpu.memref_slice %arg9[%dma_start3A_258, %dma_start3A_261, %dma_start3A_262] : memref<5x64x128xf32, #tpu.memory_space<vmem>> -> memref<1x64x128xf32, #tpu.memory_space<vmem>>
    %dma_start3A_264 = tpu.memref_squeeze %dma_start3A_263 : memref<1x64x128xf32, #tpu.memory_space<vmem>> -> memref<64x128xf32, #tpu.memory_space<vmem>>
    %dma_start3A_265 = arith.constant 0 : i32
    %dma_start3A_266 = tpu.memref_slice %arg8[%dma_start3A_259, %dma_start3A_260, %dma_start3A_265] : memref<2x5x64xi32, #tpu.memory_space<vmem>> -> memref<1x1x64xi32, #tpu.memory_space<vmem>>
    %dma_start3A_267 = tpu.memref_squeeze %dma_start3A_266 : memref<1x1x64xi32, #tpu.memory_space<vmem>> -> memref<64xi32, #tpu.memory_space<vmem>>
    %dma_start3A_268 = arith.constant 0 : i32
    %dma_start3A_269 = arith.constant 0 : i32
    %dma_start3A_270 = tpu.memref_slice %arg6[%dma_start3A_268, %dma_start3A_269] : memref<10008x128xf32, #tpu.memory_space<vmem_shared>> -> memref<10008x128xf32, #tpu.memory_space<vmem_shared>>
    tpu.enqueue_indirect_dma source(%dma_start3A_264 : memref<64x128xf32, #tpu.memory_space<vmem>>) target(%dma_start3A_270 : memref<10008x128xf32, #tpu.memory_space<vmem_shared>>) offsets(%dma_start3A_267 : memref<64xi32, #tpu.memory_space<vmem>>) semaphore(%arg19 : memref<!tpu.dma_semaphore, #tpu.memory_space<semaphore_mem>>) {add = true}
    %dma_wait3A_271 = arith.constant 0 : i32
    %dma_wait3A_272 = arith.constant 1 : i32
    %dma_wait3A_273 = arith.constant 0 : i32
    %dma_wait3A_274 = arith.constant 0 : i32
    %dma_wait3A_275 = arith.constant 0 : i32
    %dma_wait3A_276 = tpu.memref_slice %arg9[%dma_wait3A_271, %dma_wait3A_274, %dma_wait3A_275] : memref<5x64x128xf32, #tpu.memory_space<vmem>> -> memref<1x64x128xf32, #tpu.memory_space<vmem>>
    %dma_wait3A_277 = tpu.memref_squeeze %dma_wait3A_276 : memref<1x64x128xf32, #tpu.memory_space<vmem>> -> memref<64x128xf32, #tpu.memory_space<vmem>>
    %dma_wait3A_278 = arith.constant 0 : i32
    %dma_wait3A_279 = tpu.memref_slice %arg8[%dma_wait3A_272, %dma_wait3A_273, %dma_wait3A_278] : memref<2x5x64xi32, #tpu.memory_space<vmem>> -> memref<1x1x64xi32, #tpu.memory_space<vmem>>
    %dma_wait3A_280 = tpu.memref_squeeze %dma_wait3A_279 : memref<1x1x64xi32, #tpu.memory_space<vmem>> -> memref<64xi32, #tpu.memory_space<vmem>>
    %dma_wait3A_281 = arith.constant 0 : i32
    %dma_wait3A_282 = arith.constant 0 : i32
    %dma_wait3A_283 = tpu.memref_slice %arg6[%dma_wait3A_281, %dma_wait3A_282] : memref<10008x128xf32, #tpu.memory_space<vmem_shared>> -> memref<10008x128xf32, #tpu.memory_space<vmem_shared>>
    tpu.wait_indirect_dma semaphore(%arg15 : memref<!tpu.dma_semaphore, #tpu.memory_space<semaphore_mem>>) src(%dma_wait3A_277 : memref<64x128xf32, #tpu.memory_space<vmem>>) dst(%dma_wait3A_283 : memref<10008x128xf32, #tpu.memory_space<vmem_shared>>)
    %dma_wait3A_284 = arith.constant 1 : i32
    %dma_wait3A_285 = arith.constant 1 : i32
    %dma_wait3A_286 = arith.constant 1 : i32
    %dma_wait3A_287 = arith.constant 0 : i32
    %dma_wait3A_288 = arith.constant 0 : i32
    %dma_wait3A_289 = tpu.memref_slice %arg9[%dma_wait3A_284, %dma_wait3A_287, %dma_wait3A_288] : memref<5x64x128xf32, #tpu.memory_space<vmem>> -> memref<1x64x128xf32, #tpu.memory_space<vmem>>
    %dma_wait3A_290 = tpu.memref_squeeze %dma_wait3A_289 : memref<1x64x128xf32, #tpu.memory_space<vmem>> -> memref<64x128xf32, #tpu.memory_space<vmem>>
    %dma_wait3A_291 = arith.constant 0 : i32
    %dma_wait3A_292 = tpu.memref_slice %arg8[%dma_wait3A_285, %dma_wait3A_286, %dma_wait3A_291] : memref<2x5x64xi32, #tpu.memory_space<vmem>> -> memref<1x1x64xi32, #tpu.memory_space<vmem>>
    %dma_wait3A_293 = tpu.memref_squeeze %dma_wait3A_292 : memref<1x1x64xi32, #tpu.memory_space<vmem>> -> memref<64xi32, #tpu.memory_space<vmem>>
    %dma_wait3A_294 = arith.constant 0 : i32
    %dma_wait3A_295 = arith.constant 0 : i32
    %dma_wait3A_296 = tpu.memref_slice %arg6[%dma_wait3A_294, %dma_wait3A_295] : memref<10008x128xf32, #tpu.memory_space<vmem_shared>> -> memref<10008x128xf32, #tpu.memory_space<vmem_shared>>
    tpu.wait_indirect_dma semaphore(%arg16 : memref<!tpu.dma_semaphore, #tpu.memory_space<semaphore_mem>>) src(%dma_wait3A_290 : memref<64x128xf32, #tpu.memory_space<vmem>>) dst(%dma_wait3A_296 : memref<10008x128xf32, #tpu.memory_space<vmem_shared>>)
    %dma_wait3A_297 = arith.constant 2 : i32
    %dma_wait3A_298 = arith.constant 1 : i32
    %dma_wait3A_299 = arith.constant 2 : i32
    %dma_wait3A_300 = arith.constant 0 : i32
    %dma_wait3A_301 = arith.constant 0 : i32
    %dma_wait3A_302 = tpu.memref_slice %arg9[%dma_wait3A_297, %dma_wait3A_300, %dma_wait3A_301] : memref<5x64x128xf32, #tpu.memory_space<vmem>> -> memref<1x64x128xf32, #tpu.memory_space<vmem>>
    %dma_wait3A_303 = tpu.memref_squeeze %dma_wait3A_302 : memref<1x64x128xf32, #tpu.memory_space<vmem>> -> memref<64x128xf32, #tpu.memory_space<vmem>>
    %dma_wait3A_304 = arith.constant 0 : i32
    %dma_wait3A_305 = tpu.memref_slice %arg8[%dma_wait3A_298, %dma_wait3A_299, %dma_wait3A_304] : memref<2x5x64xi32, #tpu.memory_space<vmem>> -> memref<1x1x64xi32, #tpu.memory_space<vmem>>
    %dma_wait3A_306 = tpu.memref_squeeze %dma_wait3A_305 : memref<1x1x64xi32, #tpu.memory_space<vmem>> -> memref<64xi32, #tpu.memory_space<vmem>>
    %dma_wait3A_307 = arith.constant 0 : i32
    %dma_wait3A_308 = arith.constant 0 : i32
    %dma_wait3A_309 = tpu.memref_slice %arg6[%dma_wait3A_307, %dma_wait3A_308] : memref<10008x128xf32, #tpu.memory_space<vmem_shared>> -> memref<10008x128xf32, #tpu.memory_space<vmem_shared>>
    tpu.wait_indirect_dma semaphore(%arg17 : memref<!tpu.dma_semaphore, #tpu.memory_space<semaphore_mem>>) src(%dma_wait3A_303 : memref<64x128xf32, #tpu.memory_space<vmem>>) dst(%dma_wait3A_309 : memref<10008x128xf32, #tpu.memory_space<vmem_shared>>)
    %dma_wait3A_310 = arith.constant 3 : i32
    %dma_wait3A_311 = arith.constant 1 : i32
    %dma_wait3A_312 = arith.constant 3 : i32
    %dma_wait3A_313 = arith.constant 0 : i32
    %dma_wait3A_314 = arith.constant 0 : i32
    %dma_wait3A_315 = tpu.memref_slice %arg9[%dma_wait3A_310, %dma_wait3A_313, %dma_wait3A_314] : memref<5x64x128xf32, #tpu.memory_space<vmem>> -> memref<1x64x128xf32, #tpu.memory_space<vmem>>
    %dma_wait3A_316 = tpu.memref_squeeze %dma_wait3A_315 : memref<1x64x128xf32, #tpu.memory_space<vmem>> -> memref<64x128xf32, #tpu.memory_space<vmem>>
    %dma_wait3A_317 = arith.constant 0 : i32
    %dma_wait3A_318 = tpu.memref_slice %arg8[%dma_wait3A_311, %dma_wait3A_312, %dma_wait3A_317] : memref<2x5x64xi32, #tpu.memory_space<vmem>> -> memref<1x1x64xi32, #tpu.memory_space<vmem>>
    %dma_wait3A_319 = tpu.memref_squeeze %dma_wait3A_318 : memref<1x1x64xi32, #tpu.memory_space<vmem>> -> memref<64xi32, #tpu.memory_space<vmem>>
    %dma_wait3A_320 = arith.constant 0 : i32
    %dma_wait3A_321 = arith.constant 0 : i32
    %dma_wait3A_322 = tpu.memref_slice %arg6[%dma_wait3A_320, %dma_wait3A_321] : memref<10008x128xf32, #tpu.memory_space<vmem_shared>> -> memref<10008x128xf32, #tpu.memory_space<vmem_shared>>
    tpu.wait_indirect_dma semaphore(%arg18 : memref<!tpu.dma_semaphore, #tpu.memory_space<semaphore_mem>>) src(%dma_wait3A_316 : memref<64x128xf32, #tpu.memory_space<vmem>>) dst(%dma_wait3A_322 : memref<10008x128xf32, #tpu.memory_space<vmem_shared>>)
    %dma_wait3A_323 = arith.constant 4 : i32
    %dma_wait3A_324 = arith.constant 1 : i32
    %dma_wait3A_325 = arith.constant 4 : i32
    %dma_wait3A_326 = arith.constant 0 : i32
    %dma_wait3A_327 = arith.constant 0 : i32
    %dma_wait3A_328 = tpu.memref_slice %arg9[%dma_wait3A_323, %dma_wait3A_326, %dma_wait3A_327] : memref<5x64x128xf32, #tpu.memory_space<vmem>> -> memref<1x64x128xf32, #tpu.memory_space<vmem>>
    %dma_wait3A_329 = tpu.memref_squeeze %dma_wait3A_328 : memref<1x64x128xf32, #tpu.memory_space<vmem>> -> memref<64x128xf32, #tpu.memory_space<vmem>>
    %dma_wait3A_330 = arith.constant 0 : i32
    %dma_wait3A_331 = tpu.memref_slice %arg8[%dma_wait3A_324, %dma_wait3A_325, %dma_wait3A_330] : memref<2x5x64xi32, #tpu.memory_space<vmem>> -> memref<1x1x64xi32, #tpu.memory_space<vmem>>
    %dma_wait3A_332 = tpu.memref_squeeze %dma_wait3A_331 : memref<1x1x64xi32, #tpu.memory_space<vmem>> -> memref<64xi32, #tpu.memory_space<vmem>>
    %dma_wait3A_333 = arith.constant 0 : i32
    %dma_wait3A_334 = arith.constant 0 : i32
    %dma_wait3A_335 = tpu.memref_slice %arg6[%dma_wait3A_333, %dma_wait3A_334] : memref<10008x128xf32, #tpu.memory_space<vmem_shared>> -> memref<10008x128xf32, #tpu.memory_space<vmem_shared>>
    tpu.wait_indirect_dma semaphore(%arg19 : memref<!tpu.dma_semaphore, #tpu.memory_space<semaphore_mem>>) src(%dma_wait3A_329 : memref<64x128xf32, #tpu.memory_space<vmem>>) dst(%dma_wait3A_335 : memref<10008x128xf32, #tpu.memory_space<vmem_shared>>)
    %barrier3A_336 = arith.constant 0 : index
    tpu.barrier barrier_id(%barrier3A_336)
    "tpu.region"() ({
      %run_scoped3A_337 = tpu.sem_alloc : memref<!tpu.dma_semaphore, #tpu.memory_space<semaphore_mem>>
      %dma_start3A_338 = arith.constant 0 : i32
      %dma_start3A_339 = tpu.memref_slice %arg5[%arg0, %mul3A_2, %dma_start3A_338] : memref<2x10000x128xf32, #tpu.memory_space<hbm>> -> memref<1x625x128xf32, #tpu.memory_space<hbm>>
      %dma_start3A_340 = tpu.memref_squeeze %dma_start3A_339 : memref<1x625x128xf32, #tpu.memory_space<hbm>> -> memref<625x128xf32, #tpu.memory_space<hbm>>
      %dma_start3A_341 = arith.constant 0 : i32
      %dma_start3A_342 = tpu.memref_slice %arg6[%mul3A_2, %dma_start3A_341] : memref<10008x128xf32, #tpu.memory_space<vmem_shared>> -> memref<625x128xf32, #tpu.memory_space<vmem_shared>>
      tpu.enqueue_dma source(%dma_start3A_342 : memref<625x128xf32, #tpu.memory_space<vmem_shared>>) target(%dma_start3A_340 : memref<625x128xf32, #tpu.memory_space<hbm>>) target_semaphore(%run_scoped3A_337 : memref<!tpu.dma_semaphore, #tpu.memory_space<semaphore_mem>>)
      %dma_wait3A_343 = arith.constant 0 : i32
      %dma_wait3A_344 = tpu.memref_slice %arg5[%arg0, %mul3A_2, %dma_wait3A_343] : memref<2x10000x128xf32, #tpu.memory_space<hbm>> -> memref<1x625x128xf32, #tpu.memory_space<hbm>>
      %dma_wait3A_345 = tpu.memref_squeeze %dma_wait3A_344 : memref<1x625x128xf32, #tpu.memory_space<hbm>> -> memref<625x128xf32, #tpu.memory_space<hbm>>
      %dma_wait3A_346 = arith.constant 0 : i32
      %dma_wait3A_347 = tpu.memref_slice %arg6[%mul3A_2, %dma_wait3A_346] : memref<10008x128xf32, #tpu.memory_space<vmem_shared>> -> memref<625x128xf32, #tpu.memory_space<vmem_shared>>
      tpu.wait_dma2 semaphore(%run_scoped3A_337 : memref<!tpu.dma_semaphore, #tpu.memory_space<semaphore_mem>>) src(%dma_wait3A_347 : memref<625x128xf32, #tpu.memory_space<vmem_shared>>) dst(%dma_wait3A_345 : memref<625x128xf32, #tpu.memory_space<hbm>>)
      tpu.yield
    }) : () -> ()
    return
  }
}

#map = affine_map<(d0, d1) -> (0, 0)>
#map1 = affine_map<(d0, d1) -> (0, 0, 0)>
module attributes {stable_mosaic.version = 14 : i64} {
  func.func @_prop_body(%arg0: i32, %arg1: i32, %arg2: memref<10000x128xf32, #tpu.memory_space<hbm>>, %arg3: memref<32x160x64xi32, #tpu.memory_space<hbm>>, %arg4: memref<32x160x64xi32, #tpu.memory_space<hbm>>, %arg5: memref<2x10000x128xf32, #tpu.memory_space<hbm>>, %arg6: memref<10008x128xf32, #tpu.memory_space<vmem_shared>>, %arg7: memref<2x5x64xi32, #tpu.memory_space<vmem>>, %arg8: memref<2x5x64xi32, #tpu.memory_space<vmem>>, %arg9: memref<5x64x128xf32, #tpu.memory_space<vmem>>, %arg10: memref<!tpu.dma_semaphore, #tpu.memory_space<semaphore_mem>>, %arg11: memref<!tpu.dma_semaphore, #tpu.memory_space<semaphore_mem>>, %arg12: memref<!tpu.dma_semaphore, #tpu.memory_space<semaphore_mem>>, %arg13: memref<!tpu.dma_semaphore, #tpu.memory_space<semaphore_mem>>, %arg14: memref<!tpu.dma_semaphore, #tpu.memory_space<semaphore_mem>>, %arg15: memref<!tpu.dma_semaphore, #tpu.memory_space<semaphore_mem>>, %arg16: memref<!tpu.dma_semaphore, #tpu.memory_space<semaphore_mem>>, %arg17: memref<!tpu.dma_semaphore, #tpu.memory_space<semaphore_mem>>, %arg18: memref<!tpu.dma_semaphore, #tpu.memory_space<semaphore_mem>>, %arg19: memref<!tpu.dma_semaphore, #tpu.memory_space<semaphore_mem>>, %arg20: memref<!tpu.dma_semaphore, #tpu.memory_space<semaphore_mem>>, %arg21: memref<!tpu.dma_semaphore, #tpu.memory_space<semaphore_mem>>) attributes {dimension_semantics = [#tpu.dimension_semantics<core_parallel>, #tpu.dimension_semantics<subcore_parallel>], iteration_bounds = array<i64: 2, 16>, scalar_prefetch = 0 : i64, scratch_operands = 16 : i64, tpu.core_type = #tpu.core_type<sc_vector_subcore>, window_params = [{transform_indices = #map}, {transform_indices = #map1}, {transform_indices = #map1}, {transform_indices = #map1}]} {
    %mul3A = arith.constant 2 : i32
    %mul3A_0 = arith.muli %arg1, %mul3A : i32
    %add3A = arith.addi %mul3A_0, %arg0 : i32
    %mul3A_1 = arith.constant 625 : i32
    %mul3A_2 = arith.muli %arg1, %mul3A_1 : i32
    %run_scoped3A = arith.constant 0 : i32
    "tpu.region"() ({
      %run_scoped3A_337 = tpu.sem_alloc : memref<!tpu.dma_semaphore, #tpu.memory_space<semaphore_mem>>
      %dma_start3A_338 = arith.constant 0 : i32
      %dma_start3A_339 = arith.constant 0 : i32
      %dma_start3A_340 = tpu.memref_slice %arg7[%run_scoped3A, %dma_start3A_338, %dma_start3A_339] : memref<2x5x64xi32, #tpu.memory_space<vmem>> -> memref<1x5x64xi32, #tpu.memory_space<vmem>>
      %dma_start3A_341 = tpu.memref_squeeze %dma_start3A_340 : memref<1x5x64xi32, #tpu.memory_space<vmem>> -> memref<5x64xi32, #tpu.memory_space<vmem>>
      %dma_start3A_342 = arith.constant 0 : i32
      %dma_start3A_343 = arith.constant 0 : i32
      %dma_start3A_344 = tpu.memref_slice %arg3[%add3A, %dma_start3A_342, %dma_start3A_343] : memref<32x160x64xi32, #tpu.memory_space<hbm>> -> memref<1x5x64xi32, #tpu.memory_space<hbm>>
      %dma_start3A_345 = tpu.memref_squeeze %dma_start3A_344 : memref<1x5x64xi32, #tpu.memory_space<hbm>> -> memref<5x64xi32, #tpu.memory_space<hbm>>
      %dma_start3A_346 = arith.constant 0 : i32
      %dma_start3A_347 = arith.constant 0 : i32
      %dma_start3A_348 = tpu.memref_slice %arg7[%run_scoped3A, %dma_start3A_346, %dma_start3A_347] : memref<2x5x64xi32, #tpu.memory_space<vmem>> -> memref<1x5x64xi32, #tpu.memory_space<vmem>>
      %dma_start3A_349 = tpu.memref_squeeze %dma_start3A_348 : memref<1x5x64xi32, #tpu.memory_space<vmem>> -> memref<5x64xi32, #tpu.memory_space<vmem>>
      %dma_start3A_350 = arith.constant 0 : i32
      %dma_start3A_351 = arith.constant 0 : i32
      %dma_start3A_352 = tpu.memref_slice %arg3[%add3A, %dma_start3A_350, %dma_start3A_351] : memref<32x160x64xi32, #tpu.memory_space<hbm>> -> memref<1x5x64xi32, #tpu.memory_space<hbm>>
      %dma_start3A_353 = tpu.memref_squeeze %dma_start3A_352 : memref<1x5x64xi32, #tpu.memory_space<hbm>> -> memref<5x64xi32, #tpu.memory_space<hbm>>
      tpu.enqueue_dma source(%dma_start3A_353 : memref<5x64xi32, #tpu.memory_space<hbm>>) target(%dma_start3A_349 : memref<5x64xi32, #tpu.memory_space<vmem>>) target_semaphore(%run_scoped3A_337 : memref<!tpu.dma_semaphore, #tpu.memory_space<semaphore_mem>>)
      %dma_wait3A_354 = arith.constant 0 : i32
      %dma_wait3A_355 = arith.constant 0 : i32
      %dma_wait3A_356 = tpu.memref_slice %arg7[%run_scoped3A, %dma_wait3A_354, %dma_wait3A_355] : memref<2x5x64xi32, #tpu.memory_space<vmem>> -> memref<1x5x64xi32, #tpu.memory_space<vmem>>
      %dma_wait3A_357 = tpu.memref_squeeze %dma_wait3A_356 : memref<1x5x64xi32, #tpu.memory_space<vmem>> -> memref<5x64xi32, #tpu.memory_space<vmem>>
      %dma_wait3A_358 = arith.constant 0 : i32
      %dma_wait3A_359 = arith.constant 0 : i32
      %dma_wait3A_360 = tpu.memref_slice %arg3[%add3A, %dma_wait3A_358, %dma_wait3A_359] : memref<32x160x64xi32, #tpu.memory_space<hbm>> -> memref<1x5x64xi32, #tpu.memory_space<hbm>>
      %dma_wait3A_361 = tpu.memref_squeeze %dma_wait3A_360 : memref<1x5x64xi32, #tpu.memory_space<hbm>> -> memref<5x64xi32, #tpu.memory_space<hbm>>
      %dma_wait3A_362 = arith.constant 0 : i32
      %dma_wait3A_363 = arith.constant 0 : i32
      %dma_wait3A_364 = tpu.memref_slice %arg7[%run_scoped3A, %dma_wait3A_362, %dma_wait3A_363] : memref<2x5x64xi32, #tpu.memory_space<vmem>> -> memref<1x5x64xi32, #tpu.memory_space<vmem>>
      %dma_wait3A_365 = tpu.memref_squeeze %dma_wait3A_364 : memref<1x5x64xi32, #tpu.memory_space<vmem>> -> memref<5x64xi32, #tpu.memory_space<vmem>>
      %dma_wait3A_366 = arith.constant 0 : i32
      %dma_wait3A_367 = arith.constant 0 : i32
      %dma_wait3A_368 = tpu.memref_slice %arg3[%add3A, %dma_wait3A_366, %dma_wait3A_367] : memref<32x160x64xi32, #tpu.memory_space<hbm>> -> memref<1x5x64xi32, #tpu.memory_space<hbm>>
      %dma_wait3A_369 = tpu.memref_squeeze %dma_wait3A_368 : memref<1x5x64xi32, #tpu.memory_space<hbm>> -> memref<5x64xi32, #tpu.memory_space<hbm>>
      tpu.wait_dma2 semaphore(%run_scoped3A_337 : memref<!tpu.dma_semaphore, #tpu.memory_space<semaphore_mem>>) src(%dma_wait3A_369 : memref<5x64xi32, #tpu.memory_space<hbm>>) dst(%dma_wait3A_365 : memref<5x64xi32, #tpu.memory_space<vmem>>)
      tpu.yield
    }) : () -> ()
    %run_scoped3A_3 = arith.constant 0 : i32
    "tpu.region"() ({
      %run_scoped3A_337 = tpu.sem_alloc : memref<!tpu.dma_semaphore, #tpu.memory_space<semaphore_mem>>
      %dma_start3A_338 = arith.constant 0 : i32
      %dma_start3A_339 = arith.constant 0 : i32
      %dma_start3A_340 = tpu.memref_slice %arg8[%run_scoped3A_3, %dma_start3A_338, %dma_start3A_339] : memref<2x5x64xi32, #tpu.memory_space<vmem>> -> memref<1x5x64xi32, #tpu.memory_space<vmem>>
      %dma_start3A_341 = tpu.memref_squeeze %dma_start3A_340 : memref<1x5x64xi32, #tpu.memory_space<vmem>> -> memref<5x64xi32, #tpu.memory_space<vmem>>
      %dma_start3A_342 = arith.constant 0 : i32
      %dma_start3A_343 = arith.constant 0 : i32
      %dma_start3A_344 = tpu.memref_slice %arg4[%add3A, %dma_start3A_342, %dma_start3A_343] : memref<32x160x64xi32, #tpu.memory_space<hbm>> -> memref<1x5x64xi32, #tpu.memory_space<hbm>>
      %dma_start3A_345 = tpu.memref_squeeze %dma_start3A_344 : memref<1x5x64xi32, #tpu.memory_space<hbm>> -> memref<5x64xi32, #tpu.memory_space<hbm>>
      %dma_start3A_346 = arith.constant 0 : i32
      %dma_start3A_347 = arith.constant 0 : i32
      %dma_start3A_348 = tpu.memref_slice %arg8[%run_scoped3A_3, %dma_start3A_346, %dma_start3A_347] : memref<2x5x64xi32, #tpu.memory_space<vmem>> -> memref<1x5x64xi32, #tpu.memory_space<vmem>>
      %dma_start3A_349 = tpu.memref_squeeze %dma_start3A_348 : memref<1x5x64xi32, #tpu.memory_space<vmem>> -> memref<5x64xi32, #tpu.memory_space<vmem>>
      %dma_start3A_350 = arith.constant 0 : i32
      %dma_start3A_351 = arith.constant 0 : i32
      %dma_start3A_352 = tpu.memref_slice %arg4[%add3A, %dma_start3A_350, %dma_start3A_351] : memref<32x160x64xi32, #tpu.memory_space<hbm>> -> memref<1x5x64xi32, #tpu.memory_space<hbm>>
      %dma_start3A_353 = tpu.memref_squeeze %dma_start3A_352 : memref<1x5x64xi32, #tpu.memory_space<hbm>> -> memref<5x64xi32, #tpu.memory_space<hbm>>
      tpu.enqueue_dma source(%dma_start3A_353 : memref<5x64xi32, #tpu.memory_space<hbm>>) target(%dma_start3A_349 : memref<5x64xi32, #tpu.memory_space<vmem>>) target_semaphore(%run_scoped3A_337 : memref<!tpu.dma_semaphore, #tpu.memory_space<semaphore_mem>>)
      %dma_wait3A_354 = arith.constant 0 : i32
      %dma_wait3A_355 = arith.constant 0 : i32
      %dma_wait3A_356 = tpu.memref_slice %arg8[%run_scoped3A_3, %dma_wait3A_354, %dma_wait3A_355] : memref<2x5x64xi32, #tpu.memory_space<vmem>> -> memref<1x5x64xi32, #tpu.memory_space<vmem>>
      %dma_wait3A_357 = tpu.memref_squeeze %dma_wait3A_356 : memref<1x5x64xi32, #tpu.memory_space<vmem>> -> memref<5x64xi32, #tpu.memory_space<vmem>>
      %dma_wait3A_358 = arith.constant 0 : i32
      %dma_wait3A_359 = arith.constant 0 : i32
      %dma_wait3A_360 = tpu.memref_slice %arg4[%add3A, %dma_wait3A_358, %dma_wait3A_359] : memref<32x160x64xi32, #tpu.memory_space<hbm>> -> memref<1x5x64xi32, #tpu.memory_space<hbm>>
      %dma_wait3A_361 = tpu.memref_squeeze %dma_wait3A_360 : memref<1x5x64xi32, #tpu.memory_space<hbm>> -> memref<5x64xi32, #tpu.memory_space<hbm>>
      %dma_wait3A_362 = arith.constant 0 : i32
      %dma_wait3A_363 = arith.constant 0 : i32
      %dma_wait3A_364 = tpu.memref_slice %arg8[%run_scoped3A_3, %dma_wait3A_362, %dma_wait3A_363] : memref<2x5x64xi32, #tpu.memory_space<vmem>> -> memref<1x5x64xi32, #tpu.memory_space<vmem>>
      %dma_wait3A_365 = tpu.memref_squeeze %dma_wait3A_364 : memref<1x5x64xi32, #tpu.memory_space<vmem>> -> memref<5x64xi32, #tpu.memory_space<vmem>>
      %dma_wait3A_366 = arith.constant 0 : i32
      %dma_wait3A_367 = arith.constant 0 : i32
      %dma_wait3A_368 = tpu.memref_slice %arg4[%add3A, %dma_wait3A_366, %dma_wait3A_367] : memref<32x160x64xi32, #tpu.memory_space<hbm>> -> memref<1x5x64xi32, #tpu.memory_space<hbm>>
      %dma_wait3A_369 = tpu.memref_squeeze %dma_wait3A_368 : memref<1x5x64xi32, #tpu.memory_space<hbm>> -> memref<5x64xi32, #tpu.memory_space<hbm>>
      tpu.wait_dma2 semaphore(%run_scoped3A_337 : memref<!tpu.dma_semaphore, #tpu.memory_space<semaphore_mem>>) src(%dma_wait3A_369 : memref<5x64xi32, #tpu.memory_space<hbm>>) dst(%dma_wait3A_365 : memref<5x64xi32, #tpu.memory_space<vmem>>)
      tpu.yield
    }) : () -> ()
    %dma_start3A = arith.constant 1 : i32
    %dma_start3A_4 = arith.constant 0 : i32
    %dma_start3A_5 = arith.constant 0 : i32
    %dma_start3A_6 = tpu.memref_slice %arg7[%dma_start3A, %dma_start3A_4, %dma_start3A_5] : memref<2x5x64xi32, #tpu.memory_space<vmem>> -> memref<1x5x64xi32, #tpu.memory_space<vmem>>
    %dma_start3A_7 = tpu.memref_squeeze %dma_start3A_6 : memref<1x5x64xi32, #tpu.memory_space<vmem>> -> memref<5x64xi32, #tpu.memory_space<vmem>>
    %dma_start3A_8 = arith.constant 5 : i32
    %dma_start3A_9 = arith.constant 0 : i32
    %dma_start3A_10 = tpu.memref_slice %arg3[%add3A, %dma_start3A_8, %dma_start3A_9] : memref<32x160x64xi32, #tpu.memory_space<hbm>> -> memref<1x5x64xi32, #tpu.memory_space<hbm>>
    %dma_start3A_11 = tpu.memref_squeeze %dma_start3A_10 : memref<1x5x64xi32, #tpu.memory_space<hbm>> -> memref<5x64xi32, #tpu.memory_space<hbm>>
    %dma_start3A_12 = arith.constant 0 : i32
    %dma_start3A_13 = arith.constant 0 : i32
    %dma_start3A_14 = tpu.memref_slice %arg7[%dma_start3A, %dma_start3A_12, %dma_start3A_13] : memref<2x5x64xi32, #tpu.memory_space<vmem>> -> memref<1x5x64xi32, #tpu.memory_space<vmem>>
    %dma_start3A_15 = tpu.memref_squeeze %dma_start3A_14 : memref<1x5x64xi32, #tpu.memory_space<vmem>> -> memref<5x64xi32, #tpu.memory_space<vmem>>
    %dma_start3A_16 = arith.constant 5 : i32
    %dma_start3A_17 = arith.constant 0 : i32
    %dma_start3A_18 = tpu.memref_slice %arg3[%add3A, %dma_start3A_16, %dma_start3A_17] : memref<32x160x64xi32, #tpu.memory_space<hbm>> -> memref<1x5x64xi32, #tpu.memory_space<hbm>>
    %dma_start3A_19 = tpu.memref_squeeze %dma_start3A_18 : memref<1x5x64xi32, #tpu.memory_space<hbm>> -> memref<5x64xi32, #tpu.memory_space<hbm>>
    tpu.enqueue_dma source(%dma_start3A_19 : memref<5x64xi32, #tpu.memory_space<hbm>>) target(%dma_start3A_15 : memref<5x64xi32, #tpu.memory_space<vmem>>) target_semaphore(%arg20 : memref<!tpu.dma_semaphore, #tpu.memory_space<semaphore_mem>>)
    %dma_start3A_20 = arith.constant 1 : i32
    %dma_start3A_21 = arith.constant 0 : i32
    %dma_start3A_22 = arith.constant 0 : i32
    %dma_start3A_23 = tpu.memref_slice %arg8[%dma_start3A_20, %dma_start3A_21, %dma_start3A_22] : memref<2x5x64xi32, #tpu.memory_space<vmem>> -> memref<1x5x64xi32, #tpu.memory_space<vmem>>
    %dma_start3A_24 = tpu.memref_squeeze %dma_start3A_23 : memref<1x5x64xi32, #tpu.memory_space<vmem>> -> memref<5x64xi32, #tpu.memory_space<vmem>>
    %dma_start3A_25 = arith.constant 5 : i32
    %dma_start3A_26 = arith.constant 0 : i32
    %dma_start3A_27 = tpu.memref_slice %arg4[%add3A, %dma_start3A_25, %dma_start3A_26] : memref<32x160x64xi32, #tpu.memory_space<hbm>> -> memref<1x5x64xi32, #tpu.memory_space<hbm>>
    %dma_start3A_28 = tpu.memref_squeeze %dma_start3A_27 : memref<1x5x64xi32, #tpu.memory_space<hbm>> -> memref<5x64xi32, #tpu.memory_space<hbm>>
    %dma_start3A_29 = arith.constant 0 : i32
    %dma_start3A_30 = arith.constant 0 : i32
    %dma_start3A_31 = tpu.memref_slice %arg8[%dma_start3A_20, %dma_start3A_29, %dma_start3A_30] : memref<2x5x64xi32, #tpu.memory_space<vmem>> -> memref<1x5x64xi32, #tpu.memory_space<vmem>>
    %dma_start3A_32 = tpu.memref_squeeze %dma_start3A_31 : memref<1x5x64xi32, #tpu.memory_space<vmem>> -> memref<5x64xi32, #tpu.memory_space<vmem>>
    %dma_start3A_33 = arith.constant 5 : i32
    %dma_start3A_34 = arith.constant 0 : i32
    %dma_start3A_35 = tpu.memref_slice %arg4[%add3A, %dma_start3A_33, %dma_start3A_34] : memref<32x160x64xi32, #tpu.memory_space<hbm>> -> memref<1x5x64xi32, #tpu.memory_space<hbm>>
    %dma_start3A_36 = tpu.memref_squeeze %dma_start3A_35 : memref<1x5x64xi32, #tpu.memory_space<hbm>> -> memref<5x64xi32, #tpu.memory_space<hbm>>
    tpu.enqueue_dma source(%dma_start3A_36 : memref<5x64xi32, #tpu.memory_space<hbm>>) target(%dma_start3A_32 : memref<5x64xi32, #tpu.memory_space<vmem>>) target_semaphore(%arg21 : memref<!tpu.dma_semaphore, #tpu.memory_space<semaphore_mem>>)
    "tpu.region"() ({
      %run_scoped3A_337 = tpu.sem_alloc : memref<!tpu.dma_semaphore, #tpu.memory_space<semaphore_mem>>
      %dma_start3A_338 = arith.constant 0 : i32
      %dma_start3A_339 = tpu.memref_slice %arg6[%mul3A_2, %dma_start3A_338] : memref<10008x128xf32, #tpu.memory_space<vmem_shared>> -> memref<625x128xf32, #tpu.memory_space<vmem_shared>>
      %dma_start3A_340 = arith.constant 0 : i32
      %dma_start3A_341 = tpu.memref_slice %arg2[%mul3A_2, %dma_start3A_340] : memref<10000x128xf32, #tpu.memory_space<hbm>> -> memref<625x128xf32, #tpu.memory_space<hbm>>
      tpu.enqueue_dma source(%dma_start3A_341 : memref<625x128xf32, #tpu.memory_space<hbm>>) target(%dma_start3A_339 : memref<625x128xf32, #tpu.memory_space<vmem_shared>>) target_semaphore(%run_scoped3A_337 : memref<!tpu.dma_semaphore, #tpu.memory_space<semaphore_mem>>)
      %dma_wait3A_342 = arith.constant 0 : i32
      %dma_wait3A_343 = tpu.memref_slice %arg6[%mul3A_2, %dma_wait3A_342] : memref<10008x128xf32, #tpu.memory_space<vmem_shared>> -> memref<625x128xf32, #tpu.memory_space<vmem_shared>>
      %dma_wait3A_344 = arith.constant 0 : i32
      %dma_wait3A_345 = tpu.memref_slice %arg2[%mul3A_2, %dma_wait3A_344] : memref<10000x128xf32, #tpu.memory_space<hbm>> -> memref<625x128xf32, #tpu.memory_space<hbm>>
      tpu.wait_dma2 semaphore(%run_scoped3A_337 : memref<!tpu.dma_semaphore, #tpu.memory_space<semaphore_mem>>) src(%dma_wait3A_345 : memref<625x128xf32, #tpu.memory_space<hbm>>) dst(%dma_wait3A_343 : memref<625x128xf32, #tpu.memory_space<vmem_shared>>)
      tpu.yield
    }) : () -> ()
    %barrier3A = arith.constant 0 : index
    tpu.barrier barrier_id(%barrier3A)
    %dma_start3A_37 = arith.constant 0 : i32
    %dma_start3A_38 = arith.constant 0 : i32
    %dma_start3A_39 = arith.constant 0 : i32
    %dma_start3A_40 = arith.constant 0 : i32
    %dma_start3A_41 = arith.constant 0 : i32
    %dma_start3A_42 = tpu.memref_slice %arg9[%dma_start3A_39, %dma_start3A_40, %dma_start3A_41] : memref<5x64x128xf32, #tpu.memory_space<vmem>> -> memref<1x64x128xf32, #tpu.memory_space<vmem>>
    %dma_start3A_43 = tpu.memref_squeeze %dma_start3A_42 : memref<1x64x128xf32, #tpu.memory_space<vmem>> -> memref<64x128xf32, #tpu.memory_space<vmem>>
    %dma_start3A_44 = arith.constant 0 : i32
    %dma_start3A_45 = tpu.memref_slice %arg7[%dma_start3A_37, %dma_start3A_38, %dma_start3A_44] : memref<2x5x64xi32, #tpu.memory_space<vmem>> -> memref<1x1x64xi32, #tpu.memory_space<vmem>>
    %dma_start3A_46 = tpu.memref_squeeze %dma_start3A_45 : memref<1x1x64xi32, #tpu.memory_space<vmem>> -> memref<64xi32, #tpu.memory_space<vmem>>
    %dma_start3A_47 = arith.constant 0 : i32
    %dma_start3A_48 = arith.constant 0 : i32
    %dma_start3A_49 = tpu.memref_slice %arg2[%dma_start3A_47, %dma_start3A_48] : memref<10000x128xf32, #tpu.memory_space<hbm>> -> memref<10000x128xf32, #tpu.memory_space<hbm>>
    tpu.enqueue_indirect_dma source(%dma_start3A_49 : memref<10000x128xf32, #tpu.memory_space<hbm>>) target(%dma_start3A_43 : memref<64x128xf32, #tpu.memory_space<vmem>>) offsets(%dma_start3A_46 : memref<64xi32, #tpu.memory_space<vmem>>) semaphore(%arg10 : memref<!tpu.dma_semaphore, #tpu.memory_space<semaphore_mem>>)
    %dma_start3A_50 = arith.constant 0 : i32
    %dma_start3A_51 = arith.constant 1 : i32
    %dma_start3A_52 = arith.constant 1 : i32
    %dma_start3A_53 = arith.constant 0 : i32
    %dma_start3A_54 = arith.constant 0 : i32
    %dma_start3A_55 = tpu.memref_slice %arg9[%dma_start3A_52, %dma_start3A_53, %dma_start3A_54] : memref<5x64x128xf32, #tpu.memory_space<vmem>> -> memref<1x64x128xf32, #tpu.memory_space<vmem>>
    %dma_start3A_56 = tpu.memref_squeeze %dma_start3A_55 : memref<1x64x128xf32, #tpu.memory_space<vmem>> -> memref<64x128xf32, #tpu.memory_space<vmem>>
    %dma_start3A_57 = arith.constant 0 : i32
    %dma_start3A_58 = tpu.memref_slice %arg7[%dma_start3A_50, %dma_start3A_51, %dma_start3A_57] : memref<2x5x64xi32, #tpu.memory_space<vmem>> -> memref<1x1x64xi32, #tpu.memory_space<vmem>>
    %dma_start3A_59 = tpu.memref_squeeze %dma_start3A_58 : memref<1x1x64xi32, #tpu.memory_space<vmem>> -> memref<64xi32, #tpu.memory_space<vmem>>
    %dma_start3A_60 = arith.constant 0 : i32
    %dma_start3A_61 = arith.constant 0 : i32
    %dma_start3A_62 = tpu.memref_slice %arg2[%dma_start3A_60, %dma_start3A_61] : memref<10000x128xf32, #tpu.memory_space<hbm>> -> memref<10000x128xf32, #tpu.memory_space<hbm>>
    tpu.enqueue_indirect_dma source(%dma_start3A_62 : memref<10000x128xf32, #tpu.memory_space<hbm>>) target(%dma_start3A_56 : memref<64x128xf32, #tpu.memory_space<vmem>>) offsets(%dma_start3A_59 : memref<64xi32, #tpu.memory_space<vmem>>) semaphore(%arg11 : memref<!tpu.dma_semaphore, #tpu.memory_space<semaphore_mem>>)
    %dma_start3A_63 = arith.constant 0 : i32
    %dma_start3A_64 = arith.constant 2 : i32
    %dma_start3A_65 = arith.constant 2 : i32
    %dma_start3A_66 = arith.constant 0 : i32
    %dma_start3A_67 = arith.constant 0 : i32
    %dma_start3A_68 = tpu.memref_slice %arg9[%dma_start3A_65, %dma_start3A_66, %dma_start3A_67] : memref<5x64x128xf32, #tpu.memory_space<vmem>> -> memref<1x64x128xf32, #tpu.memory_space<vmem>>
    %dma_start3A_69 = tpu.memref_squeeze %dma_start3A_68 : memref<1x64x128xf32, #tpu.memory_space<vmem>> -> memref<64x128xf32, #tpu.memory_space<vmem>>
    %dma_start3A_70 = arith.constant 0 : i32
    %dma_start3A_71 = tpu.memref_slice %arg7[%dma_start3A_63, %dma_start3A_64, %dma_start3A_70] : memref<2x5x64xi32, #tpu.memory_space<vmem>> -> memref<1x1x64xi32, #tpu.memory_space<vmem>>
    %dma_start3A_72 = tpu.memref_squeeze %dma_start3A_71 : memref<1x1x64xi32, #tpu.memory_space<vmem>> -> memref<64xi32, #tpu.memory_space<vmem>>
    %dma_start3A_73 = arith.constant 0 : i32
    %dma_start3A_74 = arith.constant 0 : i32
    %dma_start3A_75 = tpu.memref_slice %arg2[%dma_start3A_73, %dma_start3A_74] : memref<10000x128xf32, #tpu.memory_space<hbm>> -> memref<10000x128xf32, #tpu.memory_space<hbm>>
    tpu.enqueue_indirect_dma source(%dma_start3A_75 : memref<10000x128xf32, #tpu.memory_space<hbm>>) target(%dma_start3A_69 : memref<64x128xf32, #tpu.memory_space<vmem>>) offsets(%dma_start3A_72 : memref<64xi32, #tpu.memory_space<vmem>>) semaphore(%arg12 : memref<!tpu.dma_semaphore, #tpu.memory_space<semaphore_mem>>)
    %dma_start3A_76 = arith.constant 0 : i32
    %dma_start3A_77 = arith.constant 3 : i32
    %dma_start3A_78 = arith.constant 3 : i32
    %dma_start3A_79 = arith.constant 0 : i32
    %dma_start3A_80 = arith.constant 0 : i32
    %dma_start3A_81 = tpu.memref_slice %arg9[%dma_start3A_78, %dma_start3A_79, %dma_start3A_80] : memref<5x64x128xf32, #tpu.memory_space<vmem>> -> memref<1x64x128xf32, #tpu.memory_space<vmem>>
    %dma_start3A_82 = tpu.memref_squeeze %dma_start3A_81 : memref<1x64x128xf32, #tpu.memory_space<vmem>> -> memref<64x128xf32, #tpu.memory_space<vmem>>
    %dma_start3A_83 = arith.constant 0 : i32
    %dma_start3A_84 = tpu.memref_slice %arg7[%dma_start3A_76, %dma_start3A_77, %dma_start3A_83] : memref<2x5x64xi32, #tpu.memory_space<vmem>> -> memref<1x1x64xi32, #tpu.memory_space<vmem>>
    %dma_start3A_85 = tpu.memref_squeeze %dma_start3A_84 : memref<1x1x64xi32, #tpu.memory_space<vmem>> -> memref<64xi32, #tpu.memory_space<vmem>>
    %dma_start3A_86 = arith.constant 0 : i32
    %dma_start3A_87 = arith.constant 0 : i32
    %dma_start3A_88 = tpu.memref_slice %arg2[%dma_start3A_86, %dma_start3A_87] : memref<10000x128xf32, #tpu.memory_space<hbm>> -> memref<10000x128xf32, #tpu.memory_space<hbm>>
    tpu.enqueue_indirect_dma source(%dma_start3A_88 : memref<10000x128xf32, #tpu.memory_space<hbm>>) target(%dma_start3A_82 : memref<64x128xf32, #tpu.memory_space<vmem>>) offsets(%dma_start3A_85 : memref<64xi32, #tpu.memory_space<vmem>>) semaphore(%arg13 : memref<!tpu.dma_semaphore, #tpu.memory_space<semaphore_mem>>)
    %dma_start3A_89 = arith.constant 0 : i32
    %dma_start3A_90 = arith.constant 4 : i32
    %dma_start3A_91 = arith.constant 4 : i32
    %dma_start3A_92 = arith.constant 0 : i32
    %dma_start3A_93 = arith.constant 0 : i32
    %dma_start3A_94 = tpu.memref_slice %arg9[%dma_start3A_91, %dma_start3A_92, %dma_start3A_93] : memref<5x64x128xf32, #tpu.memory_space<vmem>> -> memref<1x64x128xf32, #tpu.memory_space<vmem>>
    %dma_start3A_95 = tpu.memref_squeeze %dma_start3A_94 : memref<1x64x128xf32, #tpu.memory_space<vmem>> -> memref<64x128xf32, #tpu.memory_space<vmem>>
    %dma_start3A_96 = arith.constant 0 : i32
    %dma_start3A_97 = tpu.memref_slice %arg7[%dma_start3A_89, %dma_start3A_90, %dma_start3A_96] : memref<2x5x64xi32, #tpu.memory_space<vmem>> -> memref<1x1x64xi32, #tpu.memory_space<vmem>>
    %dma_start3A_98 = tpu.memref_squeeze %dma_start3A_97 : memref<1x1x64xi32, #tpu.memory_space<vmem>> -> memref<64xi32, #tpu.memory_space<vmem>>
    %dma_start3A_99 = arith.constant 0 : i32
    %dma_start3A_100 = arith.constant 0 : i32
    %dma_start3A_101 = tpu.memref_slice %arg2[%dma_start3A_99, %dma_start3A_100] : memref<10000x128xf32, #tpu.memory_space<hbm>> -> memref<10000x128xf32, #tpu.memory_space<hbm>>
    tpu.enqueue_indirect_dma source(%dma_start3A_101 : memref<10000x128xf32, #tpu.memory_space<hbm>>) target(%dma_start3A_95 : memref<64x128xf32, #tpu.memory_space<vmem>>) offsets(%dma_start3A_98 : memref<64xi32, #tpu.memory_space<vmem>>) semaphore(%arg14 : memref<!tpu.dma_semaphore, #tpu.memory_space<semaphore_mem>>)
    %scan3A = arith.constant 0 : i32
    %scan3A_102 = arith.constant 0 : i32
    %scan3A_103 = arith.constant 31 : i32
    %scan3A_104 = arith.addi %scan3A_102, %scan3A_103 : i32
    %scan3A_105 = arith.constant 1 : i32
    %scan3A_106 = scf.for %scan3A_337 = %scan3A_102 to %scan3A_104 step %scan3A_105 iter_args(%scan3A_338 = %scan3A) -> (i32)  : i32 {
      %rem3A = arith.constant 2 : i32
      %rem3A_339 = arith.remsi %scan3A_337, %rem3A : i32
      %sub3A = arith.constant 1 : i32
      %sub3A_340 = arith.subi %sub3A, %rem3A_339 : i32
      %dma_wait3A_341 = arith.constant 0 : i32
      %dma_wait3A_342 = arith.constant 0 : i32
      %dma_wait3A_343 = arith.constant 0 : i32
      %dma_wait3A_344 = arith.constant 0 : i32
      %dma_wait3A_345 = tpu.memref_slice %arg9[%dma_wait3A_342, %dma_wait3A_343, %dma_wait3A_344] : memref<5x64x128xf32, #tpu.memory_space<vmem>> -> memref<1x64x128xf32, #tpu.memory_space<vmem>>
      %dma_wait3A_346 = tpu.memref_squeeze %dma_wait3A_345 : memref<1x64x128xf32, #tpu.memory_space<vmem>> -> memref<64x128xf32, #tpu.memory_space<vmem>>
      %dma_wait3A_347 = arith.constant 0 : i32
      %dma_wait3A_348 = tpu.memref_slice %arg7[%rem3A_339, %dma_wait3A_341, %dma_wait3A_347] : memref<2x5x64xi32, #tpu.memory_space<vmem>> -> memref<1x1x64xi32, #tpu.memory_space<vmem>>
      %dma_wait3A_349 = tpu.memref_squeeze %dma_wait3A_348 : memref<1x1x64xi32, #tpu.memory_space<vmem>> -> memref<64xi32, #tpu.memory_space<vmem>>
      %dma_wait3A_350 = arith.constant 0 : i32
      %dma_wait3A_351 = arith.constant 0 : i32
      %dma_wait3A_352 = tpu.memref_slice %arg2[%dma_wait3A_350, %dma_wait3A_351] : memref<10000x128xf32, #tpu.memory_space<hbm>> -> memref<10000x128xf32, #tpu.memory_space<hbm>>
      tpu.wait_indirect_dma semaphore(%arg10 : memref<!tpu.dma_semaphore, #tpu.memory_space<semaphore_mem>>) src(%dma_wait3A_352 : memref<10000x128xf32, #tpu.memory_space<hbm>>) dst(%dma_wait3A_346 : memref<64x128xf32, #tpu.memory_space<vmem>>)
      %dma_start3A_353 = arith.constant 0 : i32
      %dma_start3A_354 = arith.constant 0 : i32
      %dma_start3A_355 = arith.constant 0 : i32
      %dma_start3A_356 = arith.constant 0 : i32
      %dma_start3A_357 = tpu.memref_slice %arg9[%dma_start3A_353, %dma_start3A_355, %dma_start3A_356] : memref<5x64x128xf32, #tpu.memory_space<vmem>> -> memref<1x64x128xf32, #tpu.memory_space<vmem>>
      %dma_start3A_358 = tpu.memref_squeeze %dma_start3A_357 : memref<1x64x128xf32, #tpu.memory_space<vmem>> -> memref<64x128xf32, #tpu.memory_space<vmem>>
      %dma_start3A_359 = arith.constant 0 : i32
      %dma_start3A_360 = tpu.memref_slice %arg8[%rem3A_339, %dma_start3A_354, %dma_start3A_359] : memref<2x5x64xi32, #tpu.memory_space<vmem>> -> memref<1x1x64xi32, #tpu.memory_space<vmem>>
      %dma_start3A_361 = tpu.memref_squeeze %dma_start3A_360 : memref<1x1x64xi32, #tpu.memory_space<vmem>> -> memref<64xi32, #tpu.memory_space<vmem>>
      %dma_start3A_362 = arith.constant 0 : i32
      %dma_start3A_363 = arith.constant 0 : i32
      %dma_start3A_364 = tpu.memref_slice %arg6[%dma_start3A_362, %dma_start3A_363] : memref<10008x128xf32, #tpu.memory_space<vmem_shared>> -> memref<10008x128xf32, #tpu.memory_space<vmem_shared>>
      tpu.enqueue_indirect_dma source(%dma_start3A_358 : memref<64x128xf32, #tpu.memory_space<vmem>>) target(%dma_start3A_364 : memref<10008x128xf32, #tpu.memory_space<vmem_shared>>) offsets(%dma_start3A_361 : memref<64xi32, #tpu.memory_space<vmem>>) semaphore(%arg15 : memref<!tpu.dma_semaphore, #tpu.memory_space<semaphore_mem>>) {add = true}
      %dma_wait3A_365 = arith.constant 1 : i32
      %dma_wait3A_366 = arith.constant 1 : i32
      %dma_wait3A_367 = arith.constant 0 : i32
      %dma_wait3A_368 = arith.constant 0 : i32
      %dma_wait3A_369 = tpu.memref_slice %arg9[%dma_wait3A_366, %dma_wait3A_367, %dma_wait3A_368] : memref<5x64x128xf32, #tpu.memory_space<vmem>> -> memref<1x64x128xf32, #tpu.memory_space<vmem>>
      %dma_wait3A_370 = tpu.memref_squeeze %dma_wait3A_369 : memref<1x64x128xf32, #tpu.memory_space<vmem>> -> memref<64x128xf32, #tpu.memory_space<vmem>>
      %dma_wait3A_371 = arith.constant 0 : i32
      %dma_wait3A_372 = tpu.memref_slice %arg7[%rem3A_339, %dma_wait3A_365, %dma_wait3A_371] : memref<2x5x64xi32, #tpu.memory_space<vmem>> -> memref<1x1x64xi32, #tpu.memory_space<vmem>>
      %dma_wait3A_373 = tpu.memref_squeeze %dma_wait3A_372 : memref<1x1x64xi32, #tpu.memory_space<vmem>> -> memref<64xi32, #tpu.memory_space<vmem>>
      %dma_wait3A_374 = arith.constant 0 : i32
      %dma_wait3A_375 = arith.constant 0 : i32
      %dma_wait3A_376 = tpu.memref_slice %arg2[%dma_wait3A_374, %dma_wait3A_375] : memref<10000x128xf32, #tpu.memory_space<hbm>> -> memref<10000x128xf32, #tpu.memory_space<hbm>>
      tpu.wait_indirect_dma semaphore(%arg11 : memref<!tpu.dma_semaphore, #tpu.memory_space<semaphore_mem>>) src(%dma_wait3A_376 : memref<10000x128xf32, #tpu.memory_space<hbm>>) dst(%dma_wait3A_370 : memref<64x128xf32, #tpu.memory_space<vmem>>)
      %dma_start3A_377 = arith.constant 1 : i32
      %dma_start3A_378 = arith.constant 1 : i32
      %dma_start3A_379 = arith.constant 0 : i32
      %dma_start3A_380 = arith.constant 0 : i32
      %dma_start3A_381 = tpu.memref_slice %arg9[%dma_start3A_377, %dma_start3A_379, %dma_start3A_380] : memref<5x64x128xf32, #tpu.memory_space<vmem>> -> memref<1x64x128xf32, #tpu.memory_space<vmem>>
      %dma_start3A_382 = tpu.memref_squeeze %dma_start3A_381 : memref<1x64x128xf32, #tpu.memory_space<vmem>> -> memref<64x128xf32, #tpu.memory_space<vmem>>
      %dma_start3A_383 = arith.constant 0 : i32
      %dma_start3A_384 = tpu.memref_slice %arg8[%rem3A_339, %dma_start3A_378, %dma_start3A_383] : memref<2x5x64xi32, #tpu.memory_space<vmem>> -> memref<1x1x64xi32, #tpu.memory_space<vmem>>
      %dma_start3A_385 = tpu.memref_squeeze %dma_start3A_384 : memref<1x1x64xi32, #tpu.memory_space<vmem>> -> memref<64xi32, #tpu.memory_space<vmem>>
      %dma_start3A_386 = arith.constant 0 : i32
      %dma_start3A_387 = arith.constant 0 : i32
      %dma_start3A_388 = tpu.memref_slice %arg6[%dma_start3A_386, %dma_start3A_387] : memref<10008x128xf32, #tpu.memory_space<vmem_shared>> -> memref<10008x128xf32, #tpu.memory_space<vmem_shared>>
      tpu.enqueue_indirect_dma source(%dma_start3A_382 : memref<64x128xf32, #tpu.memory_space<vmem>>) target(%dma_start3A_388 : memref<10008x128xf32, #tpu.memory_space<vmem_shared>>) offsets(%dma_start3A_385 : memref<64xi32, #tpu.memory_space<vmem>>) semaphore(%arg16 : memref<!tpu.dma_semaphore, #tpu.memory_space<semaphore_mem>>) {add = true}
      %dma_wait3A_389 = arith.constant 2 : i32
      %dma_wait3A_390 = arith.constant 2 : i32
      %dma_wait3A_391 = arith.constant 0 : i32
      %dma_wait3A_392 = arith.constant 0 : i32
      %dma_wait3A_393 = tpu.memref_slice %arg9[%dma_wait3A_390, %dma_wait3A_391, %dma_wait3A_392] : memref<5x64x128xf32, #tpu.memory_space<vmem>> -> memref<1x64x128xf32, #tpu.memory_space<vmem>>
      %dma_wait3A_394 = tpu.memref_squeeze %dma_wait3A_393 : memref<1x64x128xf32, #tpu.memory_space<vmem>> -> memref<64x128xf32, #tpu.memory_space<vmem>>
      %dma_wait3A_395 = arith.constant 0 : i32
      %dma_wait3A_396 = tpu.memref_slice %arg7[%rem3A_339, %dma_wait3A_389, %dma_wait3A_395] : memref<2x5x64xi32, #tpu.memory_space<vmem>> -> memref<1x1x64xi32, #tpu.memory_space<vmem>>
      %dma_wait3A_397 = tpu.memref_squeeze %dma_wait3A_396 : memref<1x1x64xi32, #tpu.memory_space<vmem>> -> memref<64xi32, #tpu.memory_space<vmem>>
      %dma_wait3A_398 = arith.constant 0 : i32
      %dma_wait3A_399 = arith.constant 0 : i32
      %dma_wait3A_400 = tpu.memref_slice %arg2[%dma_wait3A_398, %dma_wait3A_399] : memref<10000x128xf32, #tpu.memory_space<hbm>> -> memref<10000x128xf32, #tpu.memory_space<hbm>>
      tpu.wait_indirect_dma semaphore(%arg12 : memref<!tpu.dma_semaphore, #tpu.memory_space<semaphore_mem>>) src(%dma_wait3A_400 : memref<10000x128xf32, #tpu.memory_space<hbm>>) dst(%dma_wait3A_394 : memref<64x128xf32, #tpu.memory_space<vmem>>)
      %dma_start3A_401 = arith.constant 2 : i32
      %dma_start3A_402 = arith.constant 2 : i32
      %dma_start3A_403 = arith.constant 0 : i32
      %dma_start3A_404 = arith.constant 0 : i32
      %dma_start3A_405 = tpu.memref_slice %arg9[%dma_start3A_401, %dma_start3A_403, %dma_start3A_404] : memref<5x64x128xf32, #tpu.memory_space<vmem>> -> memref<1x64x128xf32, #tpu.memory_space<vmem>>
      %dma_start3A_406 = tpu.memref_squeeze %dma_start3A_405 : memref<1x64x128xf32, #tpu.memory_space<vmem>> -> memref<64x128xf32, #tpu.memory_space<vmem>>
      %dma_start3A_407 = arith.constant 0 : i32
      %dma_start3A_408 = tpu.memref_slice %arg8[%rem3A_339, %dma_start3A_402, %dma_start3A_407] : memref<2x5x64xi32, #tpu.memory_space<vmem>> -> memref<1x1x64xi32, #tpu.memory_space<vmem>>
      %dma_start3A_409 = tpu.memref_squeeze %dma_start3A_408 : memref<1x1x64xi32, #tpu.memory_space<vmem>> -> memref<64xi32, #tpu.memory_space<vmem>>
      %dma_start3A_410 = arith.constant 0 : i32
      %dma_start3A_411 = arith.constant 0 : i32
      %dma_start3A_412 = tpu.memref_slice %arg6[%dma_start3A_410, %dma_start3A_411] : memref<10008x128xf32, #tpu.memory_space<vmem_shared>> -> memref<10008x128xf32, #tpu.memory_space<vmem_shared>>
      tpu.enqueue_indirect_dma source(%dma_start3A_406 : memref<64x128xf32, #tpu.memory_space<vmem>>) target(%dma_start3A_412 : memref<10008x128xf32, #tpu.memory_space<vmem_shared>>) offsets(%dma_start3A_409 : memref<64xi32, #tpu.memory_space<vmem>>) semaphore(%arg17 : memref<!tpu.dma_semaphore, #tpu.memory_space<semaphore_mem>>) {add = true}
      %dma_wait3A_413 = arith.constant 3 : i32
      %dma_wait3A_414 = arith.constant 3 : i32
      %dma_wait3A_415 = arith.constant 0 : i32
      %dma_wait3A_416 = arith.constant 0 : i32
      %dma_wait3A_417 = tpu.memref_slice %arg9[%dma_wait3A_414, %dma_wait3A_415, %dma_wait3A_416] : memref<5x64x128xf32, #tpu.memory_space<vmem>> -> memref<1x64x128xf32, #tpu.memory_space<vmem>>
      %dma_wait3A_418 = tpu.memref_squeeze %dma_wait3A_417 : memref<1x64x128xf32, #tpu.memory_space<vmem>> -> memref<64x128xf32, #tpu.memory_space<vmem>>
      %dma_wait3A_419 = arith.constant 0 : i32
      %dma_wait3A_420 = tpu.memref_slice %arg7[%rem3A_339, %dma_wait3A_413, %dma_wait3A_419] : memref<2x5x64xi32, #tpu.memory_space<vmem>> -> memref<1x1x64xi32, #tpu.memory_space<vmem>>
      %dma_wait3A_421 = tpu.memref_squeeze %dma_wait3A_420 : memref<1x1x64xi32, #tpu.memory_space<vmem>> -> memref<64xi32, #tpu.memory_space<vmem>>
      %dma_wait3A_422 = arith.constant 0 : i32
      %dma_wait3A_423 = arith.constant 0 : i32
      %dma_wait3A_424 = tpu.memref_slice %arg2[%dma_wait3A_422, %dma_wait3A_423] : memref<10000x128xf32, #tpu.memory_space<hbm>> -> memref<10000x128xf32, #tpu.memory_space<hbm>>
      tpu.wait_indirect_dma semaphore(%arg13 : memref<!tpu.dma_semaphore, #tpu.memory_space<semaphore_mem>>) src(%dma_wait3A_424 : memref<10000x128xf32, #tpu.memory_space<hbm>>) dst(%dma_wait3A_418 : memref<64x128xf32, #tpu.memory_space<vmem>>)
      %dma_start3A_425 = arith.constant 3 : i32
      %dma_start3A_426 = arith.constant 3 : i32
      %dma_start3A_427 = arith.constant 0 : i32
      %dma_start3A_428 = arith.constant 0 : i32
      %dma_start3A_429 = tpu.memref_slice %arg9[%dma_start3A_425, %dma_start3A_427, %dma_start3A_428] : memref<5x64x128xf32, #tpu.memory_space<vmem>> -> memref<1x64x128xf32, #tpu.memory_space<vmem>>
      %dma_start3A_430 = tpu.memref_squeeze %dma_start3A_429 : memref<1x64x128xf32, #tpu.memory_space<vmem>> -> memref<64x128xf32, #tpu.memory_space<vmem>>
      %dma_start3A_431 = arith.constant 0 : i32
      %dma_start3A_432 = tpu.memref_slice %arg8[%rem3A_339, %dma_start3A_426, %dma_start3A_431] : memref<2x5x64xi32, #tpu.memory_space<vmem>> -> memref<1x1x64xi32, #tpu.memory_space<vmem>>
      %dma_start3A_433 = tpu.memref_squeeze %dma_start3A_432 : memref<1x1x64xi32, #tpu.memory_space<vmem>> -> memref<64xi32, #tpu.memory_space<vmem>>
      %dma_start3A_434 = arith.constant 0 : i32
      %dma_start3A_435 = arith.constant 0 : i32
      %dma_start3A_436 = tpu.memref_slice %arg6[%dma_start3A_434, %dma_start3A_435] : memref<10008x128xf32, #tpu.memory_space<vmem_shared>> -> memref<10008x128xf32, #tpu.memory_space<vmem_shared>>
      tpu.enqueue_indirect_dma source(%dma_start3A_430 : memref<64x128xf32, #tpu.memory_space<vmem>>) target(%dma_start3A_436 : memref<10008x128xf32, #tpu.memory_space<vmem_shared>>) offsets(%dma_start3A_433 : memref<64xi32, #tpu.memory_space<vmem>>) semaphore(%arg18 : memref<!tpu.dma_semaphore, #tpu.memory_space<semaphore_mem>>) {add = true}
      %dma_wait3A_437 = arith.constant 4 : i32
      %dma_wait3A_438 = arith.constant 4 : i32
      %dma_wait3A_439 = arith.constant 0 : i32
      %dma_wait3A_440 = arith.constant 0 : i32
      %dma_wait3A_441 = tpu.memref_slice %arg9[%dma_wait3A_438, %dma_wait3A_439, %dma_wait3A_440] : memref<5x64x128xf32, #tpu.memory_space<vmem>> -> memref<1x64x128xf32, #tpu.memory_space<vmem>>
      %dma_wait3A_442 = tpu.memref_squeeze %dma_wait3A_441 : memref<1x64x128xf32, #tpu.memory_space<vmem>> -> memref<64x128xf32, #tpu.memory_space<vmem>>
      %dma_wait3A_443 = arith.constant 0 : i32
      %dma_wait3A_444 = tpu.memref_slice %arg7[%rem3A_339, %dma_wait3A_437, %dma_wait3A_443] : memref<2x5x64xi32, #tpu.memory_space<vmem>> -> memref<1x1x64xi32, #tpu.memory_space<vmem>>
      %dma_wait3A_445 = tpu.memref_squeeze %dma_wait3A_444 : memref<1x1x64xi32, #tpu.memory_space<vmem>> -> memref<64xi32, #tpu.memory_space<vmem>>
      %dma_wait3A_446 = arith.constant 0 : i32
      %dma_wait3A_447 = arith.constant 0 : i32
      %dma_wait3A_448 = tpu.memref_slice %arg2[%dma_wait3A_446, %dma_wait3A_447] : memref<10000x128xf32, #tpu.memory_space<hbm>> -> memref<10000x128xf32, #tpu.memory_space<hbm>>
      tpu.wait_indirect_dma semaphore(%arg14 : memref<!tpu.dma_semaphore, #tpu.memory_space<semaphore_mem>>) src(%dma_wait3A_448 : memref<10000x128xf32, #tpu.memory_space<hbm>>) dst(%dma_wait3A_442 : memref<64x128xf32, #tpu.memory_space<vmem>>)
      %dma_start3A_449 = arith.constant 4 : i32
      %dma_start3A_450 = arith.constant 4 : i32
      %dma_start3A_451 = arith.constant 0 : i32
      %dma_start3A_452 = arith.constant 0 : i32
      %dma_start3A_453 = tpu.memref_slice %arg9[%dma_start3A_449, %dma_start3A_451, %dma_start3A_452] : memref<5x64x128xf32, #tpu.memory_space<vmem>> -> memref<1x64x128xf32, #tpu.memory_space<vmem>>
      %dma_start3A_454 = tpu.memref_squeeze %dma_start3A_453 : memref<1x64x128xf32, #tpu.memory_space<vmem>> -> memref<64x128xf32, #tpu.memory_space<vmem>>
      %dma_start3A_455 = arith.constant 0 : i32
      %dma_start3A_456 = tpu.memref_slice %arg8[%rem3A_339, %dma_start3A_450, %dma_start3A_455] : memref<2x5x64xi32, #tpu.memory_space<vmem>> -> memref<1x1x64xi32, #tpu.memory_space<vmem>>
      %dma_start3A_457 = tpu.memref_squeeze %dma_start3A_456 : memref<1x1x64xi32, #tpu.memory_space<vmem>> -> memref<64xi32, #tpu.memory_space<vmem>>
      %dma_start3A_458 = arith.constant 0 : i32
      %dma_start3A_459 = arith.constant 0 : i32
      %dma_start3A_460 = tpu.memref_slice %arg6[%dma_start3A_458, %dma_start3A_459] : memref<10008x128xf32, #tpu.memory_space<vmem_shared>> -> memref<10008x128xf32, #tpu.memory_space<vmem_shared>>
      tpu.enqueue_indirect_dma source(%dma_start3A_454 : memref<64x128xf32, #tpu.memory_space<vmem>>) target(%dma_start3A_460 : memref<10008x128xf32, #tpu.memory_space<vmem_shared>>) offsets(%dma_start3A_457 : memref<64xi32, #tpu.memory_space<vmem>>) semaphore(%arg19 : memref<!tpu.dma_semaphore, #tpu.memory_space<semaphore_mem>>) {add = true}
      %dma_wait3A_461 = arith.constant 0 : i32
      %dma_wait3A_462 = arith.constant 0 : i32
      %dma_wait3A_463 = tpu.memref_slice %arg7[%sub3A_340, %dma_wait3A_461, %dma_wait3A_462] : memref<2x5x64xi32, #tpu.memory_space<vmem>> -> memref<1x5x64xi32, #tpu.memory_space<vmem>>
      %dma_wait3A_464 = tpu.memref_squeeze %dma_wait3A_463 : memref<1x5x64xi32, #tpu.memory_space<vmem>> -> memref<5x64xi32, #tpu.memory_space<vmem>>
      %dma_wait3A_465 = arith.constant 0 : i32
      %dma_wait3A_466 = arith.constant 0 : i32
      %dma_wait3A_467 = tpu.memref_slice %arg3[%add3A, %dma_wait3A_465, %dma_wait3A_466] : memref<32x160x64xi32, #tpu.memory_space<hbm>> -> memref<1x5x64xi32, #tpu.memory_space<hbm>>
      %dma_wait3A_468 = tpu.memref_squeeze %dma_wait3A_467 : memref<1x5x64xi32, #tpu.memory_space<hbm>> -> memref<5x64xi32, #tpu.memory_space<hbm>>
      %dma_wait3A_469 = arith.constant 0 : i32
      %dma_wait3A_470 = arith.constant 0 : i32
      %dma_wait3A_471 = tpu.memref_slice %arg7[%sub3A_340, %dma_wait3A_469, %dma_wait3A_470] : memref<2x5x64xi32, #tpu.memory_space<vmem>> -> memref<1x5x64xi32, #tpu.memory_space<vmem>>
      %dma_wait3A_472 = tpu.memref_squeeze %dma_wait3A_471 : memref<1x5x64xi32, #tpu.memory_space<vmem>> -> memref<5x64xi32, #tpu.memory_space<vmem>>
      %dma_wait3A_473 = arith.constant 0 : i32
      %dma_wait3A_474 = arith.constant 0 : i32
      %dma_wait3A_475 = tpu.memref_slice %arg3[%add3A, %dma_wait3A_473, %dma_wait3A_474] : memref<32x160x64xi32, #tpu.memory_space<hbm>> -> memref<1x5x64xi32, #tpu.memory_space<hbm>>
      %dma_wait3A_476 = tpu.memref_squeeze %dma_wait3A_475 : memref<1x5x64xi32, #tpu.memory_space<hbm>> -> memref<5x64xi32, #tpu.memory_space<hbm>>
      tpu.wait_dma2 semaphore(%arg20 : memref<!tpu.dma_semaphore, #tpu.memory_space<semaphore_mem>>) src(%dma_wait3A_476 : memref<5x64xi32, #tpu.memory_space<hbm>>) dst(%dma_wait3A_472 : memref<5x64xi32, #tpu.memory_space<vmem>>)
      %dma_wait3A_477 = arith.constant 0 : i32
      %dma_wait3A_478 = arith.constant 0 : i32
      %dma_wait3A_479 = tpu.memref_slice %arg8[%sub3A_340, %dma_wait3A_477, %dma_wait3A_478] : memref<2x5x64xi32, #tpu.memory_space<vmem>> -> memref<1x5x64xi32, #tpu.memory_space<vmem>>
      %dma_wait3A_480 = tpu.memref_squeeze %dma_wait3A_479 : memref<1x5x64xi32, #tpu.memory_space<vmem>> -> memref<5x64xi32, #tpu.memory_space<vmem>>
      %dma_wait3A_481 = arith.constant 0 : i32
      %dma_wait3A_482 = arith.constant 0 : i32
      %dma_wait3A_483 = tpu.memref_slice %arg4[%add3A, %dma_wait3A_481, %dma_wait3A_482] : memref<32x160x64xi32, #tpu.memory_space<hbm>> -> memref<1x5x64xi32, #tpu.memory_space<hbm>>
      %dma_wait3A_484 = tpu.memref_squeeze %dma_wait3A_483 : memref<1x5x64xi32, #tpu.memory_space<hbm>> -> memref<5x64xi32, #tpu.memory_space<hbm>>
      %dma_wait3A_485 = arith.constant 0 : i32
      %dma_wait3A_486 = arith.constant 0 : i32
      %dma_wait3A_487 = tpu.memref_slice %arg8[%sub3A_340, %dma_wait3A_485, %dma_wait3A_486] : memref<2x5x64xi32, #tpu.memory_space<vmem>> -> memref<1x5x64xi32, #tpu.memory_space<vmem>>
      %dma_wait3A_488 = tpu.memref_squeeze %dma_wait3A_487 : memref<1x5x64xi32, #tpu.memory_space<vmem>> -> memref<5x64xi32, #tpu.memory_space<vmem>>
      %dma_wait3A_489 = arith.constant 0 : i32
      %dma_wait3A_490 = arith.constant 0 : i32
      %dma_wait3A_491 = tpu.memref_slice %arg4[%add3A, %dma_wait3A_489, %dma_wait3A_490] : memref<32x160x64xi32, #tpu.memory_space<hbm>> -> memref<1x5x64xi32, #tpu.memory_space<hbm>>
      %dma_wait3A_492 = tpu.memref_squeeze %dma_wait3A_491 : memref<1x5x64xi32, #tpu.memory_space<hbm>> -> memref<5x64xi32, #tpu.memory_space<hbm>>
      tpu.wait_dma2 semaphore(%arg21 : memref<!tpu.dma_semaphore, #tpu.memory_space<semaphore_mem>>) src(%dma_wait3A_492 : memref<5x64xi32, #tpu.memory_space<hbm>>) dst(%dma_wait3A_488 : memref<5x64xi32, #tpu.memory_space<vmem>>)
      %dma_wait3A_493 = arith.constant 0 : i32
      %dma_wait3A_494 = arith.constant 0 : i32
      %dma_wait3A_495 = arith.constant 0 : i32
      %dma_wait3A_496 = arith.constant 0 : i32
      %dma_wait3A_497 = tpu.memref_slice %arg9[%dma_wait3A_493, %dma_wait3A_495, %dma_wait3A_496] : memref<5x64x128xf32, #tpu.memory_space<vmem>> -> memref<1x64x128xf32, #tpu.memory_space<vmem>>
      %dma_wait3A_498 = tpu.memref_squeeze %dma_wait3A_497 : memref<1x64x128xf32, #tpu.memory_space<vmem>> -> memref<64x128xf32, #tpu.memory_space<vmem>>
      %dma_wait3A_499 = arith.constant 0 : i32
      %dma_wait3A_500 = tpu.memref_slice %arg8[%rem3A_339, %dma_wait3A_494, %dma_wait3A_499] : memref<2x5x64xi32, #tpu.memory_space<vmem>> -> memref<1x1x64xi32, #tpu.memory_space<vmem>>
      %dma_wait3A_501 = tpu.memref_squeeze %dma_wait3A_500 : memref<1x1x64xi32, #tpu.memory_space<vmem>> -> memref<64xi32, #tpu.memory_space<vmem>>
      %dma_wait3A_502 = arith.constant 0 : i32
      %dma_wait3A_503 = arith.constant 0 : i32
      %dma_wait3A_504 = tpu.memref_slice %arg6[%dma_wait3A_502, %dma_wait3A_503] : memref<10008x128xf32, #tpu.memory_space<vmem_shared>> -> memref<10008x128xf32, #tpu.memory_space<vmem_shared>>
      tpu.wait_indirect_dma semaphore(%arg15 : memref<!tpu.dma_semaphore, #tpu.memory_space<semaphore_mem>>) src(%dma_wait3A_498 : memref<64x128xf32, #tpu.memory_space<vmem>>) dst(%dma_wait3A_504 : memref<10008x128xf32, #tpu.memory_space<vmem_shared>>)
      %dma_start3A_505 = arith.constant 0 : i32
      %dma_start3A_506 = arith.constant 0 : i32
      %dma_start3A_507 = arith.constant 0 : i32
      %dma_start3A_508 = arith.constant 0 : i32
      %dma_start3A_509 = tpu.memref_slice %arg9[%dma_start3A_506, %dma_start3A_507, %dma_start3A_508] : memref<5x64x128xf32, #tpu.memory_space<vmem>> -> memref<1x64x128xf32, #tpu.memory_space<vmem>>
      %dma_start3A_510 = tpu.memref_squeeze %dma_start3A_509 : memref<1x64x128xf32, #tpu.memory_space<vmem>> -> memref<64x128xf32, #tpu.memory_space<vmem>>
      %dma_start3A_511 = arith.constant 0 : i32
      %dma_start3A_512 = tpu.memref_slice %arg7[%sub3A_340, %dma_start3A_505, %dma_start3A_511] : memref<2x5x64xi32, #tpu.memory_space<vmem>> -> memref<1x1x64xi32, #tpu.memory_space<vmem>>
      %dma_start3A_513 = tpu.memref_squeeze %dma_start3A_512 : memref<1x1x64xi32, #tpu.memory_space<vmem>> -> memref<64xi32, #tpu.memory_space<vmem>>
      %dma_start3A_514 = arith.constant 0 : i32
      %dma_start3A_515 = arith.constant 0 : i32
      %dma_start3A_516 = tpu.memref_slice %arg2[%dma_start3A_514, %dma_start3A_515] : memref<10000x128xf32, #tpu.memory_space<hbm>> -> memref<10000x128xf32, #tpu.memory_space<hbm>>
      tpu.enqueue_indirect_dma source(%dma_start3A_516 : memref<10000x128xf32, #tpu.memory_space<hbm>>) target(%dma_start3A_510 : memref<64x128xf32, #tpu.memory_space<vmem>>) offsets(%dma_start3A_513 : memref<64xi32, #tpu.memory_space<vmem>>) semaphore(%arg10 : memref<!tpu.dma_semaphore, #tpu.memory_space<semaphore_mem>>)
      %dma_wait3A_517 = arith.constant 1 : i32
      %dma_wait3A_518 = arith.constant 1 : i32
      %dma_wait3A_519 = arith.constant 0 : i32
      %dma_wait3A_520 = arith.constant 0 : i32
      %dma_wait3A_521 = tpu.memref_slice %arg9[%dma_wait3A_517, %dma_wait3A_519, %dma_wait3A_520] : memref<5x64x128xf32, #tpu.memory_space<vmem>> -> memref<1x64x128xf32, #tpu.memory_space<vmem>>
      %dma_wait3A_522 = tpu.memref_squeeze %dma_wait3A_521 : memref<1x64x128xf32, #tpu.memory_space<vmem>> -> memref<64x128xf32, #tpu.memory_space<vmem>>
      %dma_wait3A_523 = arith.constant 0 : i32
      %dma_wait3A_524 = tpu.memref_slice %arg8[%rem3A_339, %dma_wait3A_518, %dma_wait3A_523] : memref<2x5x64xi32, #tpu.memory_space<vmem>> -> memref<1x1x64xi32, #tpu.memory_space<vmem>>
      %dma_wait3A_525 = tpu.memref_squeeze %dma_wait3A_524 : memref<1x1x64xi32, #tpu.memory_space<vmem>> -> memref<64xi32, #tpu.memory_space<vmem>>
      %dma_wait3A_526 = arith.constant 0 : i32
      %dma_wait3A_527 = arith.constant 0 : i32
      %dma_wait3A_528 = tpu.memref_slice %arg6[%dma_wait3A_526, %dma_wait3A_527] : memref<10008x128xf32, #tpu.memory_space<vmem_shared>> -> memref<10008x128xf32, #tpu.memory_space<vmem_shared>>
      tpu.wait_indirect_dma semaphore(%arg16 : memref<!tpu.dma_semaphore, #tpu.memory_space<semaphore_mem>>) src(%dma_wait3A_522 : memref<64x128xf32, #tpu.memory_space<vmem>>) dst(%dma_wait3A_528 : memref<10008x128xf32, #tpu.memory_space<vmem_shared>>)
      %dma_start3A_529 = arith.constant 1 : i32
      %dma_start3A_530 = arith.constant 1 : i32
      %dma_start3A_531 = arith.constant 0 : i32
      %dma_start3A_532 = arith.constant 0 : i32
      %dma_start3A_533 = tpu.memref_slice %arg9[%dma_start3A_530, %dma_start3A_531, %dma_start3A_532] : memref<5x64x128xf32, #tpu.memory_space<vmem>> -> memref<1x64x128xf32, #tpu.memory_space<vmem>>
      %dma_start3A_534 = tpu.memref_squeeze %dma_start3A_533 : memref<1x64x128xf32, #tpu.memory_space<vmem>> -> memref<64x128xf32, #tpu.memory_space<vmem>>
      %dma_start3A_535 = arith.constant 0 : i32
      %dma_start3A_536 = tpu.memref_slice %arg7[%sub3A_340, %dma_start3A_529, %dma_start3A_535] : memref<2x5x64xi32, #tpu.memory_space<vmem>> -> memref<1x1x64xi32, #tpu.memory_space<vmem>>
      %dma_start3A_537 = tpu.memref_squeeze %dma_start3A_536 : memref<1x1x64xi32, #tpu.memory_space<vmem>> -> memref<64xi32, #tpu.memory_space<vmem>>
      %dma_start3A_538 = arith.constant 0 : i32
      %dma_start3A_539 = arith.constant 0 : i32
      %dma_start3A_540 = tpu.memref_slice %arg2[%dma_start3A_538, %dma_start3A_539] : memref<10000x128xf32, #tpu.memory_space<hbm>> -> memref<10000x128xf32, #tpu.memory_space<hbm>>
      tpu.enqueue_indirect_dma source(%dma_start3A_540 : memref<10000x128xf32, #tpu.memory_space<hbm>>) target(%dma_start3A_534 : memref<64x128xf32, #tpu.memory_space<vmem>>) offsets(%dma_start3A_537 : memref<64xi32, #tpu.memory_space<vmem>>) semaphore(%arg11 : memref<!tpu.dma_semaphore, #tpu.memory_space<semaphore_mem>>)
      %dma_wait3A_541 = arith.constant 2 : i32
      %dma_wait3A_542 = arith.constant 2 : i32
      %dma_wait3A_543 = arith.constant 0 : i32
      %dma_wait3A_544 = arith.constant 0 : i32
      %dma_wait3A_545 = tpu.memref_slice %arg9[%dma_wait3A_541, %dma_wait3A_543, %dma_wait3A_544] : memref<5x64x128xf32, #tpu.memory_space<vmem>> -> memref<1x64x128xf32, #tpu.memory_space<vmem>>
      %dma_wait3A_546 = tpu.memref_squeeze %dma_wait3A_545 : memref<1x64x128xf32, #tpu.memory_space<vmem>> -> memref<64x128xf32, #tpu.memory_space<vmem>>
      %dma_wait3A_547 = arith.constant 0 : i32
      %dma_wait3A_548 = tpu.memref_slice %arg8[%rem3A_339, %dma_wait3A_542, %dma_wait3A_547] : memref<2x5x64xi32, #tpu.memory_space<vmem>> -> memref<1x1x64xi32, #tpu.memory_space<vmem>>
      %dma_wait3A_549 = tpu.memref_squeeze %dma_wait3A_548 : memref<1x1x64xi32, #tpu.memory_space<vmem>> -> memref<64xi32, #tpu.memory_space<vmem>>
      %dma_wait3A_550 = arith.constant 0 : i32
      %dma_wait3A_551 = arith.constant 0 : i32
      %dma_wait3A_552 = tpu.memref_slice %arg6[%dma_wait3A_550, %dma_wait3A_551] : memref<10008x128xf32, #tpu.memory_space<vmem_shared>> -> memref<10008x128xf32, #tpu.memory_space<vmem_shared>>
      tpu.wait_indirect_dma semaphore(%arg17 : memref<!tpu.dma_semaphore, #tpu.memory_space<semaphore_mem>>) src(%dma_wait3A_546 : memref<64x128xf32, #tpu.memory_space<vmem>>) dst(%dma_wait3A_552 : memref<10008x128xf32, #tpu.memory_space<vmem_shared>>)
      %dma_start3A_553 = arith.constant 2 : i32
      %dma_start3A_554 = arith.constant 2 : i32
      %dma_start3A_555 = arith.constant 0 : i32
      %dma_start3A_556 = arith.constant 0 : i32
      %dma_start3A_557 = tpu.memref_slice %arg9[%dma_start3A_554, %dma_start3A_555, %dma_start3A_556] : memref<5x64x128xf32, #tpu.memory_space<vmem>> -> memref<1x64x128xf32, #tpu.memory_space<vmem>>
      %dma_start3A_558 = tpu.memref_squeeze %dma_start3A_557 : memref<1x64x128xf32, #tpu.memory_space<vmem>> -> memref<64x128xf32, #tpu.memory_space<vmem>>
      %dma_start3A_559 = arith.constant 0 : i32
      %dma_start3A_560 = tpu.memref_slice %arg7[%sub3A_340, %dma_start3A_553, %dma_start3A_559] : memref<2x5x64xi32, #tpu.memory_space<vmem>> -> memref<1x1x64xi32, #tpu.memory_space<vmem>>
      %dma_start3A_561 = tpu.memref_squeeze %dma_start3A_560 : memref<1x1x64xi32, #tpu.memory_space<vmem>> -> memref<64xi32, #tpu.memory_space<vmem>>
      %dma_start3A_562 = arith.constant 0 : i32
      %dma_start3A_563 = arith.constant 0 : i32
      %dma_start3A_564 = tpu.memref_slice %arg2[%dma_start3A_562, %dma_start3A_563] : memref<10000x128xf32, #tpu.memory_space<hbm>> -> memref<10000x128xf32, #tpu.memory_space<hbm>>
      tpu.enqueue_indirect_dma source(%dma_start3A_564 : memref<10000x128xf32, #tpu.memory_space<hbm>>) target(%dma_start3A_558 : memref<64x128xf32, #tpu.memory_space<vmem>>) offsets(%dma_start3A_561 : memref<64xi32, #tpu.memory_space<vmem>>) semaphore(%arg12 : memref<!tpu.dma_semaphore, #tpu.memory_space<semaphore_mem>>)
      %dma_wait3A_565 = arith.constant 3 : i32
      %dma_wait3A_566 = arith.constant 3 : i32
      %dma_wait3A_567 = arith.constant 0 : i32
      %dma_wait3A_568 = arith.constant 0 : i32
      %dma_wait3A_569 = tpu.memref_slice %arg9[%dma_wait3A_565, %dma_wait3A_567, %dma_wait3A_568] : memref<5x64x128xf32, #tpu.memory_space<vmem>> -> memref<1x64x128xf32, #tpu.memory_space<vmem>>
      %dma_wait3A_570 = tpu.memref_squeeze %dma_wait3A_569 : memref<1x64x128xf32, #tpu.memory_space<vmem>> -> memref<64x128xf32, #tpu.memory_space<vmem>>
      %dma_wait3A_571 = arith.constant 0 : i32
      %dma_wait3A_572 = tpu.memref_slice %arg8[%rem3A_339, %dma_wait3A_566, %dma_wait3A_571] : memref<2x5x64xi32, #tpu.memory_space<vmem>> -> memref<1x1x64xi32, #tpu.memory_space<vmem>>
      %dma_wait3A_573 = tpu.memref_squeeze %dma_wait3A_572 : memref<1x1x64xi32, #tpu.memory_space<vmem>> -> memref<64xi32, #tpu.memory_space<vmem>>
      %dma_wait3A_574 = arith.constant 0 : i32
      %dma_wait3A_575 = arith.constant 0 : i32
      %dma_wait3A_576 = tpu.memref_slice %arg6[%dma_wait3A_574, %dma_wait3A_575] : memref<10008x128xf32, #tpu.memory_space<vmem_shared>> -> memref<10008x128xf32, #tpu.memory_space<vmem_shared>>
      tpu.wait_indirect_dma semaphore(%arg18 : memref<!tpu.dma_semaphore, #tpu.memory_space<semaphore_mem>>) src(%dma_wait3A_570 : memref<64x128xf32, #tpu.memory_space<vmem>>) dst(%dma_wait3A_576 : memref<10008x128xf32, #tpu.memory_space<vmem_shared>>)
      %dma_start3A_577 = arith.constant 3 : i32
      %dma_start3A_578 = arith.constant 3 : i32
      %dma_start3A_579 = arith.constant 0 : i32
      %dma_start3A_580 = arith.constant 0 : i32
      %dma_start3A_581 = tpu.memref_slice %arg9[%dma_start3A_578, %dma_start3A_579, %dma_start3A_580] : memref<5x64x128xf32, #tpu.memory_space<vmem>> -> memref<1x64x128xf32, #tpu.memory_space<vmem>>
      %dma_start3A_582 = tpu.memref_squeeze %dma_start3A_581 : memref<1x64x128xf32, #tpu.memory_space<vmem>> -> memref<64x128xf32, #tpu.memory_space<vmem>>
      %dma_start3A_583 = arith.constant 0 : i32
      %dma_start3A_584 = tpu.memref_slice %arg7[%sub3A_340, %dma_start3A_577, %dma_start3A_583] : memref<2x5x64xi32, #tpu.memory_space<vmem>> -> memref<1x1x64xi32, #tpu.memory_space<vmem>>
      %dma_start3A_585 = tpu.memref_squeeze %dma_start3A_584 : memref<1x1x64xi32, #tpu.memory_space<vmem>> -> memref<64xi32, #tpu.memory_space<vmem>>
      %dma_start3A_586 = arith.constant 0 : i32
      %dma_start3A_587 = arith.constant 0 : i32
      %dma_start3A_588 = tpu.memref_slice %arg2[%dma_start3A_586, %dma_start3A_587] : memref<10000x128xf32, #tpu.memory_space<hbm>> -> memref<10000x128xf32, #tpu.memory_space<hbm>>
      tpu.enqueue_indirect_dma source(%dma_start3A_588 : memref<10000x128xf32, #tpu.memory_space<hbm>>) target(%dma_start3A_582 : memref<64x128xf32, #tpu.memory_space<vmem>>) offsets(%dma_start3A_585 : memref<64xi32, #tpu.memory_space<vmem>>) semaphore(%arg13 : memref<!tpu.dma_semaphore, #tpu.memory_space<semaphore_mem>>)
      %dma_wait3A_589 = arith.constant 4 : i32
      %dma_wait3A_590 = arith.constant 4 : i32
      %dma_wait3A_591 = arith.constant 0 : i32
      %dma_wait3A_592 = arith.constant 0 : i32
      %dma_wait3A_593 = tpu.memref_slice %arg9[%dma_wait3A_589, %dma_wait3A_591, %dma_wait3A_592] : memref<5x64x128xf32, #tpu.memory_space<vmem>> -> memref<1x64x128xf32, #tpu.memory_space<vmem>>
      %dma_wait3A_594 = tpu.memref_squeeze %dma_wait3A_593 : memref<1x64x128xf32, #tpu.memory_space<vmem>> -> memref<64x128xf32, #tpu.memory_space<vmem>>
      %dma_wait3A_595 = arith.constant 0 : i32
      %dma_wait3A_596 = tpu.memref_slice %arg8[%rem3A_339, %dma_wait3A_590, %dma_wait3A_595] : memref<2x5x64xi32, #tpu.memory_space<vmem>> -> memref<1x1x64xi32, #tpu.memory_space<vmem>>
      %dma_wait3A_597 = tpu.memref_squeeze %dma_wait3A_596 : memref<1x1x64xi32, #tpu.memory_space<vmem>> -> memref<64xi32, #tpu.memory_space<vmem>>
      %dma_wait3A_598 = arith.constant 0 : i32
      %dma_wait3A_599 = arith.constant 0 : i32
      %dma_wait3A_600 = tpu.memref_slice %arg6[%dma_wait3A_598, %dma_wait3A_599] : memref<10008x128xf32, #tpu.memory_space<vmem_shared>> -> memref<10008x128xf32, #tpu.memory_space<vmem_shared>>
      tpu.wait_indirect_dma semaphore(%arg19 : memref<!tpu.dma_semaphore, #tpu.memory_space<semaphore_mem>>) src(%dma_wait3A_594 : memref<64x128xf32, #tpu.memory_space<vmem>>) dst(%dma_wait3A_600 : memref<10008x128xf32, #tpu.memory_space<vmem_shared>>)
      %dma_start3A_601 = arith.constant 4 : i32
      %dma_start3A_602 = arith.constant 4 : i32
      %dma_start3A_603 = arith.constant 0 : i32
      %dma_start3A_604 = arith.constant 0 : i32
      %dma_start3A_605 = tpu.memref_slice %arg9[%dma_start3A_602, %dma_start3A_603, %dma_start3A_604] : memref<5x64x128xf32, #tpu.memory_space<vmem>> -> memref<1x64x128xf32, #tpu.memory_space<vmem>>
      %dma_start3A_606 = tpu.memref_squeeze %dma_start3A_605 : memref<1x64x128xf32, #tpu.memory_space<vmem>> -> memref<64x128xf32, #tpu.memory_space<vmem>>
      %dma_start3A_607 = arith.constant 0 : i32
      %dma_start3A_608 = tpu.memref_slice %arg7[%sub3A_340, %dma_start3A_601, %dma_start3A_607] : memref<2x5x64xi32, #tpu.memory_space<vmem>> -> memref<1x1x64xi32, #tpu.memory_space<vmem>>
      %dma_start3A_609 = tpu.memref_squeeze %dma_start3A_608 : memref<1x1x64xi32, #tpu.memory_space<vmem>> -> memref<64xi32, #tpu.memory_space<vmem>>
      %dma_start3A_610 = arith.constant 0 : i32
      %dma_start3A_611 = arith.constant 0 : i32
      %dma_start3A_612 = tpu.memref_slice %arg2[%dma_start3A_610, %dma_start3A_611] : memref<10000x128xf32, #tpu.memory_space<hbm>> -> memref<10000x128xf32, #tpu.memory_space<hbm>>
      tpu.enqueue_indirect_dma source(%dma_start3A_612 : memref<10000x128xf32, #tpu.memory_space<hbm>>) target(%dma_start3A_606 : memref<64x128xf32, #tpu.memory_space<vmem>>) offsets(%dma_start3A_609 : memref<64xi32, #tpu.memory_space<vmem>>) semaphore(%arg14 : memref<!tpu.dma_semaphore, #tpu.memory_space<semaphore_mem>>)
      %add3A_613 = arith.constant 2 : i32
      %add3A_614 = arith.addi %scan3A_337, %add3A_613 : i32
      %mul3A_615 = arith.constant 5 : i32
      %mul3A_616 = arith.muli %add3A_614, %mul3A_615 : i32
      %min3A = arith.constant 155 : i32
      %min3A_617 = arith.minsi %mul3A_616, %min3A : i32
      %dma_start3A_618 = arith.constant 0 : i32
      %dma_start3A_619 = arith.constant 0 : i32
      %dma_start3A_620 = tpu.memref_slice %arg7[%rem3A_339, %dma_start3A_618, %dma_start3A_619] : memref<2x5x64xi32, #tpu.memory_space<vmem>> -> memref<1x5x64xi32, #tpu.memory_space<vmem>>
      %dma_start3A_621 = tpu.memref_squeeze %dma_start3A_620 : memref<1x5x64xi32, #tpu.memory_space<vmem>> -> memref<5x64xi32, #tpu.memory_space<vmem>>
      %dma_start3A_622 = arith.constant 0 : i32
      %dma_start3A_623 = tpu.memref_slice %arg3[%add3A, %min3A_617, %dma_start3A_622] : memref<32x160x64xi32, #tpu.memory_space<hbm>> -> memref<1x5x64xi32, #tpu.memory_space<hbm>>
      %dma_start3A_624 = tpu.memref_squeeze %dma_start3A_623 : memref<1x5x64xi32, #tpu.memory_space<hbm>> -> memref<5x64xi32, #tpu.memory_space<hbm>>
      %dma_start3A_625 = arith.constant 0 : i32
      %dma_start3A_626 = arith.constant 0 : i32
      %dma_start3A_627 = tpu.memref_slice %arg7[%rem3A_339, %dma_start3A_625, %dma_start3A_626] : memref<2x5x64xi32, #tpu.memory_space<vmem>> -> memref<1x5x64xi32, #tpu.memory_space<vmem>>
      %dma_start3A_628 = tpu.memref_squeeze %dma_start3A_627 : memref<1x5x64xi32, #tpu.memory_space<vmem>> -> memref<5x64xi32, #tpu.memory_space<vmem>>
      %dma_start3A_629 = arith.constant 0 : i32
      %dma_start3A_630 = tpu.memref_slice %arg3[%add3A, %min3A_617, %dma_start3A_629] : memref<32x160x64xi32, #tpu.memory_space<hbm>> -> memref<1x5x64xi32, #tpu.memory_space<hbm>>
      %dma_start3A_631 = tpu.memref_squeeze %dma_start3A_630 : memref<1x5x64xi32, #tpu.memory_space<hbm>> -> memref<5x64xi32, #tpu.memory_space<hbm>>
      tpu.enqueue_dma source(%dma_start3A_631 : memref<5x64xi32, #tpu.memory_space<hbm>>) target(%dma_start3A_628 : memref<5x64xi32, #tpu.memory_space<vmem>>) target_semaphore(%arg20 : memref<!tpu.dma_semaphore, #tpu.memory_space<semaphore_mem>>)
      %dma_start3A_632 = arith.constant 0 : i32
      %dma_start3A_633 = arith.constant 0 : i32
      %dma_start3A_634 = tpu.memref_slice %arg8[%rem3A_339, %dma_start3A_632, %dma_start3A_633] : memref<2x5x64xi32, #tpu.memory_space<vmem>> -> memref<1x5x64xi32, #tpu.memory_space<vmem>>
      %dma_start3A_635 = tpu.memref_squeeze %dma_start3A_634 : memref<1x5x64xi32, #tpu.memory_space<vmem>> -> memref<5x64xi32, #tpu.memory_space<vmem>>
      %dma_start3A_636 = arith.constant 0 : i32
      %dma_start3A_637 = tpu.memref_slice %arg4[%add3A, %min3A_617, %dma_start3A_636] : memref<32x160x64xi32, #tpu.memory_space<hbm>> -> memref<1x5x64xi32, #tpu.memory_space<hbm>>
      %dma_start3A_638 = tpu.memref_squeeze %dma_start3A_637 : memref<1x5x64xi32, #tpu.memory_space<hbm>> -> memref<5x64xi32, #tpu.memory_space<hbm>>
      %dma_start3A_639 = arith.constant 0 : i32
      %dma_start3A_640 = arith.constant 0 : i32
      %dma_start3A_641 = tpu.memref_slice %arg8[%rem3A_339, %dma_start3A_639, %dma_start3A_640] : memref<2x5x64xi32, #tpu.memory_space<vmem>> -> memref<1x5x64xi32, #tpu.memory_space<vmem>>
      %dma_start3A_642 = tpu.memref_squeeze %dma_start3A_641 : memref<1x5x64xi32, #tpu.memory_space<vmem>> -> memref<5x64xi32, #tpu.memory_space<vmem>>
      %dma_start3A_643 = arith.constant 0 : i32
      %dma_start3A_644 = tpu.memref_slice %arg4[%add3A, %min3A_617, %dma_start3A_643] : memref<32x160x64xi32, #tpu.memory_space<hbm>> -> memref<1x5x64xi32, #tpu.memory_space<hbm>>
      %dma_start3A_645 = tpu.memref_squeeze %dma_start3A_644 : memref<1x5x64xi32, #tpu.memory_space<hbm>> -> memref<5x64xi32, #tpu.memory_space<hbm>>
      tpu.enqueue_dma source(%dma_start3A_645 : memref<5x64xi32, #tpu.memory_space<hbm>>) target(%dma_start3A_642 : memref<5x64xi32, #tpu.memory_space<vmem>>) target_semaphore(%arg21 : memref<!tpu.dma_semaphore, #tpu.memory_space<semaphore_mem>>)
      %scan3A_646 = arith.constant 0 : i32
      scf.yield %scan3A_646 : i32
    }
    %scan3A_107 = arith.constant 31 : i32
    %dma_wait3A = arith.constant 0 : i32
    %dma_wait3A_108 = arith.constant 0 : i32
    %dma_wait3A_109 = arith.constant 0 : i32
    %dma_wait3A_110 = tpu.memref_slice %arg7[%dma_wait3A, %dma_wait3A_108, %dma_wait3A_109] : memref<2x5x64xi32, #tpu.memory_space<vmem>> -> memref<1x5x64xi32, #tpu.memory_space<vmem>>
    %dma_wait3A_111 = tpu.memref_squeeze %dma_wait3A_110 : memref<1x5x64xi32, #tpu.memory_space<vmem>> -> memref<5x64xi32, #tpu.memory_space<vmem>>
    %dma_wait3A_112 = arith.constant 0 : i32
    %dma_wait3A_113 = arith.constant 0 : i32
    %dma_wait3A_114 = tpu.memref_slice %arg3[%add3A, %dma_wait3A_112, %dma_wait3A_113] : memref<32x160x64xi32, #tpu.memory_space<hbm>> -> memref<1x5x64xi32, #tpu.memory_space<hbm>>
    %dma_wait3A_115 = tpu.memref_squeeze %dma_wait3A_114 : memref<1x5x64xi32, #tpu.memory_space<hbm>> -> memref<5x64xi32, #tpu.memory_space<hbm>>
    %dma_wait3A_116 = arith.constant 0 : i32
    %dma_wait3A_117 = arith.constant 0 : i32
    %dma_wait3A_118 = tpu.memref_slice %arg7[%dma_wait3A, %dma_wait3A_116, %dma_wait3A_117] : memref<2x5x64xi32, #tpu.memory_space<vmem>> -> memref<1x5x64xi32, #tpu.memory_space<vmem>>
    %dma_wait3A_119 = tpu.memref_squeeze %dma_wait3A_118 : memref<1x5x64xi32, #tpu.memory_space<vmem>> -> memref<5x64xi32, #tpu.memory_space<vmem>>
    %dma_wait3A_120 = arith.constant 0 : i32
    %dma_wait3A_121 = arith.constant 0 : i32
    %dma_wait3A_122 = tpu.memref_slice %arg3[%add3A, %dma_wait3A_120, %dma_wait3A_121] : memref<32x160x64xi32, #tpu.memory_space<hbm>> -> memref<1x5x64xi32, #tpu.memory_space<hbm>>
    %dma_wait3A_123 = tpu.memref_squeeze %dma_wait3A_122 : memref<1x5x64xi32, #tpu.memory_space<hbm>> -> memref<5x64xi32, #tpu.memory_space<hbm>>
    tpu.wait_dma2 semaphore(%arg20 : memref<!tpu.dma_semaphore, #tpu.memory_space<semaphore_mem>>) src(%dma_wait3A_123 : memref<5x64xi32, #tpu.memory_space<hbm>>) dst(%dma_wait3A_119 : memref<5x64xi32, #tpu.memory_space<vmem>>)
    %dma_wait3A_124 = arith.constant 0 : i32
    %dma_wait3A_125 = arith.constant 0 : i32
    %dma_wait3A_126 = arith.constant 0 : i32
    %dma_wait3A_127 = tpu.memref_slice %arg8[%dma_wait3A_124, %dma_wait3A_125, %dma_wait3A_126] : memref<2x5x64xi32, #tpu.memory_space<vmem>> -> memref<1x5x64xi32, #tpu.memory_space<vmem>>
    %dma_wait3A_128 = tpu.memref_squeeze %dma_wait3A_127 : memref<1x5x64xi32, #tpu.memory_space<vmem>> -> memref<5x64xi32, #tpu.memory_space<vmem>>
    %dma_wait3A_129 = arith.constant 0 : i32
    %dma_wait3A_130 = arith.constant 0 : i32
    %dma_wait3A_131 = tpu.memref_slice %arg4[%add3A, %dma_wait3A_129, %dma_wait3A_130] : memref<32x160x64xi32, #tpu.memory_space<hbm>> -> memref<1x5x64xi32, #tpu.memory_space<hbm>>
    %dma_wait3A_132 = tpu.memref_squeeze %dma_wait3A_131 : memref<1x5x64xi32, #tpu.memory_space<hbm>> -> memref<5x64xi32, #tpu.memory_space<hbm>>
    %dma_wait3A_133 = arith.constant 0 : i32
    %dma_wait3A_134 = arith.constant 0 : i32
    %dma_wait3A_135 = tpu.memref_slice %arg8[%dma_wait3A_124, %dma_wait3A_133, %dma_wait3A_134] : memref<2x5x64xi32, #tpu.memory_space<vmem>> -> memref<1x5x64xi32, #tpu.memory_space<vmem>>
    %dma_wait3A_136 = tpu.memref_squeeze %dma_wait3A_135 : memref<1x5x64xi32, #tpu.memory_space<vmem>> -> memref<5x64xi32, #tpu.memory_space<vmem>>
    %dma_wait3A_137 = arith.constant 0 : i32
    %dma_wait3A_138 = arith.constant 0 : i32
    %dma_wait3A_139 = tpu.memref_slice %arg4[%add3A, %dma_wait3A_137, %dma_wait3A_138] : memref<32x160x64xi32, #tpu.memory_space<hbm>> -> memref<1x5x64xi32, #tpu.memory_space<hbm>>
    %dma_wait3A_140 = tpu.memref_squeeze %dma_wait3A_139 : memref<1x5x64xi32, #tpu.memory_space<hbm>> -> memref<5x64xi32, #tpu.memory_space<hbm>>
    tpu.wait_dma2 semaphore(%arg21 : memref<!tpu.dma_semaphore, #tpu.memory_space<semaphore_mem>>) src(%dma_wait3A_140 : memref<5x64xi32, #tpu.memory_space<hbm>>) dst(%dma_wait3A_136 : memref<5x64xi32, #tpu.memory_space<vmem>>)
    %dma_wait3A_141 = arith.constant 1 : i32
    %dma_wait3A_142 = arith.constant 0 : i32
    %dma_wait3A_143 = arith.constant 0 : i32
    %dma_wait3A_144 = arith.constant 0 : i32
    %dma_wait3A_145 = arith.constant 0 : i32
    %dma_wait3A_146 = tpu.memref_slice %arg9[%dma_wait3A_143, %dma_wait3A_144, %dma_wait3A_145] : memref<5x64x128xf32, #tpu.memory_space<vmem>> -> memref<1x64x128xf32, #tpu.memory_space<vmem>>
    %dma_wait3A_147 = tpu.memref_squeeze %dma_wait3A_146 : memref<1x64x128xf32, #tpu.memory_space<vmem>> -> memref<64x128xf32, #tpu.memory_space<vmem>>
    %dma_wait3A_148 = arith.constant 0 : i32
    %dma_wait3A_149 = tpu.memref_slice %arg7[%dma_wait3A_141, %dma_wait3A_142, %dma_wait3A_148] : memref<2x5x64xi32, #tpu.memory_space<vmem>> -> memref<1x1x64xi32, #tpu.memory_space<vmem>>
    %dma_wait3A_150 = tpu.memref_squeeze %dma_wait3A_149 : memref<1x1x64xi32, #tpu.memory_space<vmem>> -> memref<64xi32, #tpu.memory_space<vmem>>
    %dma_wait3A_151 = arith.constant 0 : i32
    %dma_wait3A_152 = arith.constant 0 : i32
    %dma_wait3A_153 = tpu.memref_slice %arg2[%dma_wait3A_151, %dma_wait3A_152] : memref<10000x128xf32, #tpu.memory_space<hbm>> -> memref<10000x128xf32, #tpu.memory_space<hbm>>
    tpu.wait_indirect_dma semaphore(%arg10 : memref<!tpu.dma_semaphore, #tpu.memory_space<semaphore_mem>>) src(%dma_wait3A_153 : memref<10000x128xf32, #tpu.memory_space<hbm>>) dst(%dma_wait3A_147 : memref<64x128xf32, #tpu.memory_space<vmem>>)
    %dma_start3A_154 = arith.constant 0 : i32
    %dma_start3A_155 = arith.constant 1 : i32
    %dma_start3A_156 = arith.constant 0 : i32
    %dma_start3A_157 = arith.constant 0 : i32
    %dma_start3A_158 = arith.constant 0 : i32
    %dma_start3A_159 = tpu.memref_slice %arg9[%dma_start3A_154, %dma_start3A_157, %dma_start3A_158] : memref<5x64x128xf32, #tpu.memory_space<vmem>> -> memref<1x64x128xf32, #tpu.memory_space<vmem>>
    %dma_start3A_160 = tpu.memref_squeeze %dma_start3A_159 : memref<1x64x128xf32, #tpu.memory_space<vmem>> -> memref<64x128xf32, #tpu.memory_space<vmem>>
    %dma_start3A_161 = arith.constant 0 : i32
    %dma_start3A_162 = tpu.memref_slice %arg8[%dma_start3A_155, %dma_start3A_156, %dma_start3A_161] : memref<2x5x64xi32, #tpu.memory_space<vmem>> -> memref<1x1x64xi32, #tpu.memory_space<vmem>>
    %dma_start3A_163 = tpu.memref_squeeze %dma_start3A_162 : memref<1x1x64xi32, #tpu.memory_space<vmem>> -> memref<64xi32, #tpu.memory_space<vmem>>
    %dma_start3A_164 = arith.constant 0 : i32
    %dma_start3A_165 = arith.constant 0 : i32
    %dma_start3A_166 = tpu.memref_slice %arg6[%dma_start3A_164, %dma_start3A_165] : memref<10008x128xf32, #tpu.memory_space<vmem_shared>> -> memref<10008x128xf32, #tpu.memory_space<vmem_shared>>
    tpu.enqueue_indirect_dma source(%dma_start3A_160 : memref<64x128xf32, #tpu.memory_space<vmem>>) target(%dma_start3A_166 : memref<10008x128xf32, #tpu.memory_space<vmem_shared>>) offsets(%dma_start3A_163 : memref<64xi32, #tpu.memory_space<vmem>>) semaphore(%arg15 : memref<!tpu.dma_semaphore, #tpu.memory_space<semaphore_mem>>) {add = true}
    %dma_wait3A_167 = arith.constant 1 : i32
    %dma_wait3A_168 = arith.constant 1 : i32
    %dma_wait3A_169 = arith.constant 1 : i32
    %dma_wait3A_170 = arith.constant 0 : i32
    %dma_wait3A_171 = arith.constant 0 : i32
    %dma_wait3A_172 = tpu.memref_slice %arg9[%dma_wait3A_169, %dma_wait3A_170, %dma_wait3A_171] : memref<5x64x128xf32, #tpu.memory_space<vmem>> -> memref<1x64x128xf32, #tpu.memory_space<vmem>>
    %dma_wait3A_173 = tpu.memref_squeeze %dma_wait3A_172 : memref<1x64x128xf32, #tpu.memory_space<vmem>> -> memref<64x128xf32, #tpu.memory_space<vmem>>
    %dma_wait3A_174 = arith.constant 0 : i32
    %dma_wait3A_175 = tpu.memref_slice %arg7[%dma_wait3A_167, %dma_wait3A_168, %dma_wait3A_174] : memref<2x5x64xi32, #tpu.memory_space<vmem>> -> memref<1x1x64xi32, #tpu.memory_space<vmem>>
    %dma_wait3A_176 = tpu.memref_squeeze %dma_wait3A_175 : memref<1x1x64xi32, #tpu.memory_space<vmem>> -> memref<64xi32, #tpu.memory_space<vmem>>
    %dma_wait3A_177 = arith.constant 0 : i32
    %dma_wait3A_178 = arith.constant 0 : i32
    %dma_wait3A_179 = tpu.memref_slice %arg2[%dma_wait3A_177, %dma_wait3A_178] : memref<10000x128xf32, #tpu.memory_space<hbm>> -> memref<10000x128xf32, #tpu.memory_space<hbm>>
    tpu.wait_indirect_dma semaphore(%arg11 : memref<!tpu.dma_semaphore, #tpu.memory_space<semaphore_mem>>) src(%dma_wait3A_179 : memref<10000x128xf32, #tpu.memory_space<hbm>>) dst(%dma_wait3A_173 : memref<64x128xf32, #tpu.memory_space<vmem>>)
    %dma_start3A_180 = arith.constant 1 : i32
    %dma_start3A_181 = arith.constant 1 : i32
    %dma_start3A_182 = arith.constant 1 : i32
    %dma_start3A_183 = arith.constant 0 : i32
    %dma_start3A_184 = arith.constant 0 : i32
    %dma_start3A_185 = tpu.memref_slice %arg9[%dma_start3A_180, %dma_start3A_183, %dma_start3A_184] : memref<5x64x128xf32, #tpu.memory_space<vmem>> -> memref<1x64x128xf32, #tpu.memory_space<vmem>>
    %dma_start3A_186 = tpu.memref_squeeze %dma_start3A_185 : memref<1x64x128xf32, #tpu.memory_space<vmem>> -> memref<64x128xf32, #tpu.memory_space<vmem>>
    %dma_start3A_187 = arith.constant 0 : i32
    %dma_start3A_188 = tpu.memref_slice %arg8[%dma_start3A_181, %dma_start3A_182, %dma_start3A_187] : memref<2x5x64xi32, #tpu.memory_space<vmem>> -> memref<1x1x64xi32, #tpu.memory_space<vmem>>
    %dma_start3A_189 = tpu.memref_squeeze %dma_start3A_188 : memref<1x1x64xi32, #tpu.memory_space<vmem>> -> memref<64xi32, #tpu.memory_space<vmem>>
    %dma_start3A_190 = arith.constant 0 : i32
    %dma_start3A_191 = arith.constant 0 : i32
    %dma_start3A_192 = tpu.memref_slice %arg6[%dma_start3A_190, %dma_start3A_191] : memref<10008x128xf32, #tpu.memory_space<vmem_shared>> -> memref<10008x128xf32, #tpu.memory_space<vmem_shared>>
    tpu.enqueue_indirect_dma source(%dma_start3A_186 : memref<64x128xf32, #tpu.memory_space<vmem>>) target(%dma_start3A_192 : memref<10008x128xf32, #tpu.memory_space<vmem_shared>>) offsets(%dma_start3A_189 : memref<64xi32, #tpu.memory_space<vmem>>) semaphore(%arg16 : memref<!tpu.dma_semaphore, #tpu.memory_space<semaphore_mem>>) {add = true}
    %dma_wait3A_193 = arith.constant 1 : i32
    %dma_wait3A_194 = arith.constant 2 : i32
    %dma_wait3A_195 = arith.constant 2 : i32
    %dma_wait3A_196 = arith.constant 0 : i32
    %dma_wait3A_197 = arith.constant 0 : i32
    %dma_wait3A_198 = tpu.memref_slice %arg9[%dma_wait3A_195, %dma_wait3A_196, %dma_wait3A_197] : memref<5x64x128xf32, #tpu.memory_space<vmem>> -> memref<1x64x128xf32, #tpu.memory_space<vmem>>
    %dma_wait3A_199 = tpu.memref_squeeze %dma_wait3A_198 : memref<1x64x128xf32, #tpu.memory_space<vmem>> -> memref<64x128xf32, #tpu.memory_space<vmem>>
    %dma_wait3A_200 = arith.constant 0 : i32
    %dma_wait3A_201 = tpu.memref_slice %arg7[%dma_wait3A_193, %dma_wait3A_194, %dma_wait3A_200] : memref<2x5x64xi32, #tpu.memory_space<vmem>> -> memref<1x1x64xi32, #tpu.memory_space<vmem>>
    %dma_wait3A_202 = tpu.memref_squeeze %dma_wait3A_201 : memref<1x1x64xi32, #tpu.memory_space<vmem>> -> memref<64xi32, #tpu.memory_space<vmem>>
    %dma_wait3A_203 = arith.constant 0 : i32
    %dma_wait3A_204 = arith.constant 0 : i32
    %dma_wait3A_205 = tpu.memref_slice %arg2[%dma_wait3A_203, %dma_wait3A_204] : memref<10000x128xf32, #tpu.memory_space<hbm>> -> memref<10000x128xf32, #tpu.memory_space<hbm>>
    tpu.wait_indirect_dma semaphore(%arg12 : memref<!tpu.dma_semaphore, #tpu.memory_space<semaphore_mem>>) src(%dma_wait3A_205 : memref<10000x128xf32, #tpu.memory_space<hbm>>) dst(%dma_wait3A_199 : memref<64x128xf32, #tpu.memory_space<vmem>>)
    %dma_start3A_206 = arith.constant 2 : i32
    %dma_start3A_207 = arith.constant 1 : i32
    %dma_start3A_208 = arith.constant 2 : i32
    %dma_start3A_209 = arith.constant 0 : i32
    %dma_start3A_210 = arith.constant 0 : i32
    %dma_start3A_211 = tpu.memref_slice %arg9[%dma_start3A_206, %dma_start3A_209, %dma_start3A_210] : memref<5x64x128xf32, #tpu.memory_space<vmem>> -> memref<1x64x128xf32, #tpu.memory_space<vmem>>
    %dma_start3A_212 = tpu.memref_squeeze %dma_start3A_211 : memref<1x64x128xf32, #tpu.memory_space<vmem>> -> memref<64x128xf32, #tpu.memory_space<vmem>>
    %dma_start3A_213 = arith.constant 0 : i32
    %dma_start3A_214 = tpu.memref_slice %arg8[%dma_start3A_207, %dma_start3A_208, %dma_start3A_213] : memref<2x5x64xi32, #tpu.memory_space<vmem>> -> memref<1x1x64xi32, #tpu.memory_space<vmem>>
    %dma_start3A_215 = tpu.memref_squeeze %dma_start3A_214 : memref<1x1x64xi32, #tpu.memory_space<vmem>> -> memref<64xi32, #tpu.memory_space<vmem>>
    %dma_start3A_216 = arith.constant 0 : i32
    %dma_start3A_217 = arith.constant 0 : i32
    %dma_start3A_218 = tpu.memref_slice %arg6[%dma_start3A_216, %dma_start3A_217] : memref<10008x128xf32, #tpu.memory_space<vmem_shared>> -> memref<10008x128xf32, #tpu.memory_space<vmem_shared>>
    tpu.enqueue_indirect_dma source(%dma_start3A_212 : memref<64x128xf32, #tpu.memory_space<vmem>>) target(%dma_start3A_218 : memref<10008x128xf32, #tpu.memory_space<vmem_shared>>) offsets(%dma_start3A_215 : memref<64xi32, #tpu.memory_space<vmem>>) semaphore(%arg17 : memref<!tpu.dma_semaphore, #tpu.memory_space<semaphore_mem>>) {add = true}
    %dma_wait3A_219 = arith.constant 1 : i32
    %dma_wait3A_220 = arith.constant 3 : i32
    %dma_wait3A_221 = arith.constant 3 : i32
    %dma_wait3A_222 = arith.constant 0 : i32
    %dma_wait3A_223 = arith.constant 0 : i32
    %dma_wait3A_224 = tpu.memref_slice %arg9[%dma_wait3A_221, %dma_wait3A_222, %dma_wait3A_223] : memref<5x64x128xf32, #tpu.memory_space<vmem>> -> memref<1x64x128xf32, #tpu.memory_space<vmem>>
    %dma_wait3A_225 = tpu.memref_squeeze %dma_wait3A_224 : memref<1x64x128xf32, #tpu.memory_space<vmem>> -> memref<64x128xf32, #tpu.memory_space<vmem>>
    %dma_wait3A_226 = arith.constant 0 : i32
    %dma_wait3A_227 = tpu.memref_slice %arg7[%dma_wait3A_219, %dma_wait3A_220, %dma_wait3A_226] : memref<2x5x64xi32, #tpu.memory_space<vmem>> -> memref<1x1x64xi32, #tpu.memory_space<vmem>>
    %dma_wait3A_228 = tpu.memref_squeeze %dma_wait3A_227 : memref<1x1x64xi32, #tpu.memory_space<vmem>> -> memref<64xi32, #tpu.memory_space<vmem>>
    %dma_wait3A_229 = arith.constant 0 : i32
    %dma_wait3A_230 = arith.constant 0 : i32
    %dma_wait3A_231 = tpu.memref_slice %arg2[%dma_wait3A_229, %dma_wait3A_230] : memref<10000x128xf32, #tpu.memory_space<hbm>> -> memref<10000x128xf32, #tpu.memory_space<hbm>>
    tpu.wait_indirect_dma semaphore(%arg13 : memref<!tpu.dma_semaphore, #tpu.memory_space<semaphore_mem>>) src(%dma_wait3A_231 : memref<10000x128xf32, #tpu.memory_space<hbm>>) dst(%dma_wait3A_225 : memref<64x128xf32, #tpu.memory_space<vmem>>)
    %dma_start3A_232 = arith.constant 3 : i32
    %dma_start3A_233 = arith.constant 1 : i32
    %dma_start3A_234 = arith.constant 3 : i32
    %dma_start3A_235 = arith.constant 0 : i32
    %dma_start3A_236 = arith.constant 0 : i32
    %dma_start3A_237 = tpu.memref_slice %arg9[%dma_start3A_232, %dma_start3A_235, %dma_start3A_236] : memref<5x64x128xf32, #tpu.memory_space<vmem>> -> memref<1x64x128xf32, #tpu.memory_space<vmem>>
    %dma_start3A_238 = tpu.memref_squeeze %dma_start3A_237 : memref<1x64x128xf32, #tpu.memory_space<vmem>> -> memref<64x128xf32, #tpu.memory_space<vmem>>
    %dma_start3A_239 = arith.constant 0 : i32
    %dma_start3A_240 = tpu.memref_slice %arg8[%dma_start3A_233, %dma_start3A_234, %dma_start3A_239] : memref<2x5x64xi32, #tpu.memory_space<vmem>> -> memref<1x1x64xi32, #tpu.memory_space<vmem>>
    %dma_start3A_241 = tpu.memref_squeeze %dma_start3A_240 : memref<1x1x64xi32, #tpu.memory_space<vmem>> -> memref<64xi32, #tpu.memory_space<vmem>>
    %dma_start3A_242 = arith.constant 0 : i32
    %dma_start3A_243 = arith.constant 0 : i32
    %dma_start3A_244 = tpu.memref_slice %arg6[%dma_start3A_242, %dma_start3A_243] : memref<10008x128xf32, #tpu.memory_space<vmem_shared>> -> memref<10008x128xf32, #tpu.memory_space<vmem_shared>>
    tpu.enqueue_indirect_dma source(%dma_start3A_238 : memref<64x128xf32, #tpu.memory_space<vmem>>) target(%dma_start3A_244 : memref<10008x128xf32, #tpu.memory_space<vmem_shared>>) offsets(%dma_start3A_241 : memref<64xi32, #tpu.memory_space<vmem>>) semaphore(%arg18 : memref<!tpu.dma_semaphore, #tpu.memory_space<semaphore_mem>>) {add = true}
    %dma_wait3A_245 = arith.constant 1 : i32
    %dma_wait3A_246 = arith.constant 4 : i32
    %dma_wait3A_247 = arith.constant 4 : i32
    %dma_wait3A_248 = arith.constant 0 : i32
    %dma_wait3A_249 = arith.constant 0 : i32
    %dma_wait3A_250 = tpu.memref_slice %arg9[%dma_wait3A_247, %dma_wait3A_248, %dma_wait3A_249] : memref<5x64x128xf32, #tpu.memory_space<vmem>> -> memref<1x64x128xf32, #tpu.memory_space<vmem>>
    %dma_wait3A_251 = tpu.memref_squeeze %dma_wait3A_250 : memref<1x64x128xf32, #tpu.memory_space<vmem>> -> memref<64x128xf32, #tpu.memory_space<vmem>>
    %dma_wait3A_252 = arith.constant 0 : i32
    %dma_wait3A_253 = tpu.memref_slice %arg7[%dma_wait3A_245, %dma_wait3A_246, %dma_wait3A_252] : memref<2x5x64xi32, #tpu.memory_space<vmem>> -> memref<1x1x64xi32, #tpu.memory_space<vmem>>
    %dma_wait3A_254 = tpu.memref_squeeze %dma_wait3A_253 : memref<1x1x64xi32, #tpu.memory_space<vmem>> -> memref<64xi32, #tpu.memory_space<vmem>>
    %dma_wait3A_255 = arith.constant 0 : i32
    %dma_wait3A_256 = arith.constant 0 : i32
    %dma_wait3A_257 = tpu.memref_slice %arg2[%dma_wait3A_255, %dma_wait3A_256] : memref<10000x128xf32, #tpu.memory_space<hbm>> -> memref<10000x128xf32, #tpu.memory_space<hbm>>
    tpu.wait_indirect_dma semaphore(%arg14 : memref<!tpu.dma_semaphore, #tpu.memory_space<semaphore_mem>>) src(%dma_wait3A_257 : memref<10000x128xf32, #tpu.memory_space<hbm>>) dst(%dma_wait3A_251 : memref<64x128xf32, #tpu.memory_space<vmem>>)
    %dma_start3A_258 = arith.constant 4 : i32
    %dma_start3A_259 = arith.constant 1 : i32
    %dma_start3A_260 = arith.constant 4 : i32
    %dma_start3A_261 = arith.constant 0 : i32
    %dma_start3A_262 = arith.constant 0 : i32
    %dma_start3A_263 = tpu.memref_slice %arg9[%dma_start3A_258, %dma_start3A_261, %dma_start3A_262] : memref<5x64x128xf32, #tpu.memory_space<vmem>> -> memref<1x64x128xf32, #tpu.memory_space<vmem>>
    %dma_start3A_264 = tpu.memref_squeeze %dma_start3A_263 : memref<1x64x128xf32, #tpu.memory_space<vmem>> -> memref<64x128xf32, #tpu.memory_space<vmem>>
    %dma_start3A_265 = arith.constant 0 : i32
    %dma_start3A_266 = tpu.memref_slice %arg8[%dma_start3A_259, %dma_start3A_260, %dma_start3A_265] : memref<2x5x64xi32, #tpu.memory_space<vmem>> -> memref<1x1x64xi32, #tpu.memory_space<vmem>>
    %dma_start3A_267 = tpu.memref_squeeze %dma_start3A_266 : memref<1x1x64xi32, #tpu.memory_space<vmem>> -> memref<64xi32, #tpu.memory_space<vmem>>
    %dma_start3A_268 = arith.constant 0 : i32
    %dma_start3A_269 = arith.constant 0 : i32
    %dma_start3A_270 = tpu.memref_slice %arg6[%dma_start3A_268, %dma_start3A_269] : memref<10008x128xf32, #tpu.memory_space<vmem_shared>> -> memref<10008x128xf32, #tpu.memory_space<vmem_shared>>
    tpu.enqueue_indirect_dma source(%dma_start3A_264 : memref<64x128xf32, #tpu.memory_space<vmem>>) target(%dma_start3A_270 : memref<10008x128xf32, #tpu.memory_space<vmem_shared>>) offsets(%dma_start3A_267 : memref<64xi32, #tpu.memory_space<vmem>>) semaphore(%arg19 : memref<!tpu.dma_semaphore, #tpu.memory_space<semaphore_mem>>) {add = true}
    %dma_wait3A_271 = arith.constant 0 : i32
    %dma_wait3A_272 = arith.constant 1 : i32
    %dma_wait3A_273 = arith.constant 0 : i32
    %dma_wait3A_274 = arith.constant 0 : i32
    %dma_wait3A_275 = arith.constant 0 : i32
    %dma_wait3A_276 = tpu.memref_slice %arg9[%dma_wait3A_271, %dma_wait3A_274, %dma_wait3A_275] : memref<5x64x128xf32, #tpu.memory_space<vmem>> -> memref<1x64x128xf32, #tpu.memory_space<vmem>>
    %dma_wait3A_277 = tpu.memref_squeeze %dma_wait3A_276 : memref<1x64x128xf32, #tpu.memory_space<vmem>> -> memref<64x128xf32, #tpu.memory_space<vmem>>
    %dma_wait3A_278 = arith.constant 0 : i32
    %dma_wait3A_279 = tpu.memref_slice %arg8[%dma_wait3A_272, %dma_wait3A_273, %dma_wait3A_278] : memref<2x5x64xi32, #tpu.memory_space<vmem>> -> memref<1x1x64xi32, #tpu.memory_space<vmem>>
    %dma_wait3A_280 = tpu.memref_squeeze %dma_wait3A_279 : memref<1x1x64xi32, #tpu.memory_space<vmem>> -> memref<64xi32, #tpu.memory_space<vmem>>
    %dma_wait3A_281 = arith.constant 0 : i32
    %dma_wait3A_282 = arith.constant 0 : i32
    %dma_wait3A_283 = tpu.memref_slice %arg6[%dma_wait3A_281, %dma_wait3A_282] : memref<10008x128xf32, #tpu.memory_space<vmem_shared>> -> memref<10008x128xf32, #tpu.memory_space<vmem_shared>>
    tpu.wait_indirect_dma semaphore(%arg15 : memref<!tpu.dma_semaphore, #tpu.memory_space<semaphore_mem>>) src(%dma_wait3A_277 : memref<64x128xf32, #tpu.memory_space<vmem>>) dst(%dma_wait3A_283 : memref<10008x128xf32, #tpu.memory_space<vmem_shared>>)
    %dma_wait3A_284 = arith.constant 1 : i32
    %dma_wait3A_285 = arith.constant 1 : i32
    %dma_wait3A_286 = arith.constant 1 : i32
    %dma_wait3A_287 = arith.constant 0 : i32
    %dma_wait3A_288 = arith.constant 0 : i32
    %dma_wait3A_289 = tpu.memref_slice %arg9[%dma_wait3A_284, %dma_wait3A_287, %dma_wait3A_288] : memref<5x64x128xf32, #tpu.memory_space<vmem>> -> memref<1x64x128xf32, #tpu.memory_space<vmem>>
    %dma_wait3A_290 = tpu.memref_squeeze %dma_wait3A_289 : memref<1x64x128xf32, #tpu.memory_space<vmem>> -> memref<64x128xf32, #tpu.memory_space<vmem>>
    %dma_wait3A_291 = arith.constant 0 : i32
    %dma_wait3A_292 = tpu.memref_slice %arg8[%dma_wait3A_285, %dma_wait3A_286, %dma_wait3A_291] : memref<2x5x64xi32, #tpu.memory_space<vmem>> -> memref<1x1x64xi32, #tpu.memory_space<vmem>>
    %dma_wait3A_293 = tpu.memref_squeeze %dma_wait3A_292 : memref<1x1x64xi32, #tpu.memory_space<vmem>> -> memref<64xi32, #tpu.memory_space<vmem>>
    %dma_wait3A_294 = arith.constant 0 : i32
    %dma_wait3A_295 = arith.constant 0 : i32
    %dma_wait3A_296 = tpu.memref_slice %arg6[%dma_wait3A_294, %dma_wait3A_295] : memref<10008x128xf32, #tpu.memory_space<vmem_shared>> -> memref<10008x128xf32, #tpu.memory_space<vmem_shared>>
    tpu.wait_indirect_dma semaphore(%arg16 : memref<!tpu.dma_semaphore, #tpu.memory_space<semaphore_mem>>) src(%dma_wait3A_290 : memref<64x128xf32, #tpu.memory_space<vmem>>) dst(%dma_wait3A_296 : memref<10008x128xf32, #tpu.memory_space<vmem_shared>>)
    %dma_wait3A_297 = arith.constant 2 : i32
    %dma_wait3A_298 = arith.constant 1 : i32
    %dma_wait3A_299 = arith.constant 2 : i32
    %dma_wait3A_300 = arith.constant 0 : i32
    %dma_wait3A_301 = arith.constant 0 : i32
    %dma_wait3A_302 = tpu.memref_slice %arg9[%dma_wait3A_297, %dma_wait3A_300, %dma_wait3A_301] : memref<5x64x128xf32, #tpu.memory_space<vmem>> -> memref<1x64x128xf32, #tpu.memory_space<vmem>>
    %dma_wait3A_303 = tpu.memref_squeeze %dma_wait3A_302 : memref<1x64x128xf32, #tpu.memory_space<vmem>> -> memref<64x128xf32, #tpu.memory_space<vmem>>
    %dma_wait3A_304 = arith.constant 0 : i32
    %dma_wait3A_305 = tpu.memref_slice %arg8[%dma_wait3A_298, %dma_wait3A_299, %dma_wait3A_304] : memref<2x5x64xi32, #tpu.memory_space<vmem>> -> memref<1x1x64xi32, #tpu.memory_space<vmem>>
    %dma_wait3A_306 = tpu.memref_squeeze %dma_wait3A_305 : memref<1x1x64xi32, #tpu.memory_space<vmem>> -> memref<64xi32, #tpu.memory_space<vmem>>
    %dma_wait3A_307 = arith.constant 0 : i32
    %dma_wait3A_308 = arith.constant 0 : i32
    %dma_wait3A_309 = tpu.memref_slice %arg6[%dma_wait3A_307, %dma_wait3A_308] : memref<10008x128xf32, #tpu.memory_space<vmem_shared>> -> memref<10008x128xf32, #tpu.memory_space<vmem_shared>>
    tpu.wait_indirect_dma semaphore(%arg17 : memref<!tpu.dma_semaphore, #tpu.memory_space<semaphore_mem>>) src(%dma_wait3A_303 : memref<64x128xf32, #tpu.memory_space<vmem>>) dst(%dma_wait3A_309 : memref<10008x128xf32, #tpu.memory_space<vmem_shared>>)
    %dma_wait3A_310 = arith.constant 3 : i32
    %dma_wait3A_311 = arith.constant 1 : i32
    %dma_wait3A_312 = arith.constant 3 : i32
    %dma_wait3A_313 = arith.constant 0 : i32
    %dma_wait3A_314 = arith.constant 0 : i32
    %dma_wait3A_315 = tpu.memref_slice %arg9[%dma_wait3A_310, %dma_wait3A_313, %dma_wait3A_314] : memref<5x64x128xf32, #tpu.memory_space<vmem>> -> memref<1x64x128xf32, #tpu.memory_space<vmem>>
    %dma_wait3A_316 = tpu.memref_squeeze %dma_wait3A_315 : memref<1x64x128xf32, #tpu.memory_space<vmem>> -> memref<64x128xf32, #tpu.memory_space<vmem>>
    %dma_wait3A_317 = arith.constant 0 : i32
    %dma_wait3A_318 = tpu.memref_slice %arg8[%dma_wait3A_311, %dma_wait3A_312, %dma_wait3A_317] : memref<2x5x64xi32, #tpu.memory_space<vmem>> -> memref<1x1x64xi32, #tpu.memory_space<vmem>>
    %dma_wait3A_319 = tpu.memref_squeeze %dma_wait3A_318 : memref<1x1x64xi32, #tpu.memory_space<vmem>> -> memref<64xi32, #tpu.memory_space<vmem>>
    %dma_wait3A_320 = arith.constant 0 : i32
    %dma_wait3A_321 = arith.constant 0 : i32
    %dma_wait3A_322 = tpu.memref_slice %arg6[%dma_wait3A_320, %dma_wait3A_321] : memref<10008x128xf32, #tpu.memory_space<vmem_shared>> -> memref<10008x128xf32, #tpu.memory_space<vmem_shared>>
    tpu.wait_indirect_dma semaphore(%arg18 : memref<!tpu.dma_semaphore, #tpu.memory_space<semaphore_mem>>) src(%dma_wait3A_316 : memref<64x128xf32, #tpu.memory_space<vmem>>) dst(%dma_wait3A_322 : memref<10008x128xf32, #tpu.memory_space<vmem_shared>>)
    %dma_wait3A_323 = arith.constant 4 : i32
    %dma_wait3A_324 = arith.constant 1 : i32
    %dma_wait3A_325 = arith.constant 4 : i32
    %dma_wait3A_326 = arith.constant 0 : i32
    %dma_wait3A_327 = arith.constant 0 : i32
    %dma_wait3A_328 = tpu.memref_slice %arg9[%dma_wait3A_323, %dma_wait3A_326, %dma_wait3A_327] : memref<5x64x128xf32, #tpu.memory_space<vmem>> -> memref<1x64x128xf32, #tpu.memory_space<vmem>>
    %dma_wait3A_329 = tpu.memref_squeeze %dma_wait3A_328 : memref<1x64x128xf32, #tpu.memory_space<vmem>> -> memref<64x128xf32, #tpu.memory_space<vmem>>
    %dma_wait3A_330 = arith.constant 0 : i32
    %dma_wait3A_331 = tpu.memref_slice %arg8[%dma_wait3A_324, %dma_wait3A_325, %dma_wait3A_330] : memref<2x5x64xi32, #tpu.memory_space<vmem>> -> memref<1x1x64xi32, #tpu.memory_space<vmem>>
    %dma_wait3A_332 = tpu.memref_squeeze %dma_wait3A_331 : memref<1x1x64xi32, #tpu.memory_space<vmem>> -> memref<64xi32, #tpu.memory_space<vmem>>
    %dma_wait3A_333 = arith.constant 0 : i32
    %dma_wait3A_334 = arith.constant 0 : i32
    %dma_wait3A_335 = tpu.memref_slice %arg6[%dma_wait3A_333, %dma_wait3A_334] : memref<10008x128xf32, #tpu.memory_space<vmem_shared>> -> memref<10008x128xf32, #tpu.memory_space<vmem_shared>>
    tpu.wait_indirect_dma semaphore(%arg19 : memref<!tpu.dma_semaphore, #tpu.memory_space<semaphore_mem>>) src(%dma_wait3A_329 : memref<64x128xf32, #tpu.memory_space<vmem>>) dst(%dma_wait3A_335 : memref<10008x128xf32, #tpu.memory_space<vmem_shared>>)
    %barrier3A_336 = arith.constant 0 : index
    tpu.barrier barrier_id(%barrier3A_336)
    "tpu.region"() ({
      %run_scoped3A_337 = tpu.sem_alloc : memref<!tpu.dma_semaphore, #tpu.memory_space<semaphore_mem>>
      %dma_start3A_338 = arith.constant 0 : i32
      %dma_start3A_339 = tpu.memref_slice %arg5[%arg0, %mul3A_2, %dma_start3A_338] : memref<2x10000x128xf32, #tpu.memory_space<hbm>> -> memref<1x625x128xf32, #tpu.memory_space<hbm>>
      %dma_start3A_340 = tpu.memref_squeeze %dma_start3A_339 : memref<1x625x128xf32, #tpu.memory_space<hbm>> -> memref<625x128xf32, #tpu.memory_space<hbm>>
      %dma_start3A_341 = arith.constant 0 : i32
      %dma_start3A_342 = tpu.memref_slice %arg6[%mul3A_2, %dma_start3A_341] : memref<10008x128xf32, #tpu.memory_space<vmem_shared>> -> memref<625x128xf32, #tpu.memory_space<vmem_shared>>
      tpu.enqueue_dma source(%dma_start3A_342 : memref<625x128xf32, #tpu.memory_space<vmem_shared>>) target(%dma_start3A_340 : memref<625x128xf32, #tpu.memory_space<hbm>>) target_semaphore(%run_scoped3A_337 : memref<!tpu.dma_semaphore, #tpu.memory_space<semaphore_mem>>)
      %dma_wait3A_343 = arith.constant 0 : i32
      %dma_wait3A_344 = tpu.memref_slice %arg5[%arg0, %mul3A_2, %dma_wait3A_343] : memref<2x10000x128xf32, #tpu.memory_space<hbm>> -> memref<1x625x128xf32, #tpu.memory_space<hbm>>
      %dma_wait3A_345 = tpu.memref_squeeze %dma_wait3A_344 : memref<1x625x128xf32, #tpu.memory_space<hbm>> -> memref<625x128xf32, #tpu.memory_space<hbm>>
      %dma_wait3A_346 = arith.constant 0 : i32
      %dma_wait3A_347 = tpu.memref_slice %arg6[%mul3A_2, %dma_wait3A_346] : memref<10008x128xf32, #tpu.memory_space<vmem_shared>> -> memref<625x128xf32, #tpu.memory_space<vmem_shared>>
      tpu.wait_dma2 semaphore(%run_scoped3A_337 : memref<!tpu.dma_semaphore, #tpu.memory_space<semaphore_mem>>) src(%dma_wait3A_347 : memref<625x128xf32, #tpu.memory_space<vmem_shared>>) dst(%dma_wait3A_345 : memref<625x128xf32, #tpu.memory_space<hbm>>)
      tpu.yield
    }) : () -> ()
    return
  }
}

module attributes {stable_mosaic.version = 14 : i64} {
  func.func @_k1_body(%arg0: i32, %arg1: memref<1000x128xf32, #tpu.memory_space<vmem>>, %arg2: memref<1000x128xf32, #tpu.memory_space<vmem>>, %arg3: memref<128x128xf32, #tpu.memory_space<vmem>>, %arg4: memref<1000x128xf32, #tpu.memory_space<vmem>>) attributes {dimension_semantics = [#tpu.dimension_semantics<arbitrary>], iteration_bounds = array<i64: 10>, scalar_prefetch = 0 : i64, scratch_operands = 0 : i64, tpu.core_type = #tpu.core_type<tc>, window_params = [{transform_indices = @transform_0, window_bounds = array<i64: 1000, 128>}, {transform_indices = @transform_1, window_bounds = array<i64: 1000, 128>}, {pipeline_mode = #tpu.pipeline_mode<synchronous>, transform_indices = @transform_2, window_bounds = array<i64: 128, 128>}, {transform_indices = @transform_3, window_bounds = array<i64: 1000, 128>}]} {
    %get3A = arith.constant 0 : index
    %get3A_0 = arith.constant 0 : index
    %get3A_1 = vector.load %arg1[%get3A, %get3A_0] : memref<1000x128xf32, #tpu.memory_space<vmem>>, vector<1000x128xf32>
    %get3A_2 = arith.constant 0 : index
    %get3A_3 = arith.constant 0 : index
    %get3A_4 = vector.load %arg3[%get3A_2, %get3A_3] : memref<128x128xf32, #tpu.memory_space<vmem>>, vector<128x128xf32>
    %dot_general3A = arith.constant dense<0.000000e+00> : vector<1000x128xf32>
    %dot_general3A_5 = tpu.matmul %get3A_1, %get3A_4, %dot_general3A {dimension_numbers = #tpu.dot_dimension_numbers<[1], [0], [0], [1], [0, 0, 1, 1], [], []>, transpose_lhs_hint = false} : vector<1000x128xf32>, vector<128x128xf32>, vector<1000x128xf32> -> vector<1000x128xf32>
    %get3A_6 = arith.constant 0 : index
    %get3A_7 = arith.constant 0 : index
    %get3A_8 = vector.load %arg2[%get3A_6, %get3A_7] : memref<1000x128xf32, #tpu.memory_space<vmem>>, vector<1000x128xf32>
    %mul3A = arith.mulf %dot_general3A_5, %get3A_8 : vector<1000x128xf32>
    %swap3A = arith.constant 0 : index
    %swap3A_9 = arith.constant 0 : index
    %swap3A_10 = vector.load %arg4[%swap3A, %swap3A_9] : memref<1000x128xf32, #tpu.memory_space<vmem>>, vector<1000x128xf32>
    tpu.vector_store %arg4[%swap3A, %swap3A_9], %mul3A {strides = array<i32>} : memref<1000x128xf32, #tpu.memory_space<vmem>>, vector<1000x128xf32>,
    return
  }
  func.func @transform_0(%arg0: i32) -> (i32, i32) {
    %c0_i32 = arith.constant 0 : i32
    %c0_i32_0 = arith.constant 0 : i32
    return %arg0, %c0_i32 : i32, i32
  }
  func.func @transform_1(%arg0: i32) -> (i32, i32) {
    %c0_i32 = arith.constant 0 : i32
    %c0_i32_0 = arith.constant 0 : i32
    return %arg0, %c0_i32 : i32, i32
  }
  func.func @transform_2(%arg0: i32) -> (i32, i32) {
    %c0_i32 = arith.constant 0 : i32
    %c0_i32_0 = arith.constant 0 : i32
    %c0_i32_1 = arith.constant 0 : i32
    return %c0_i32, %c0_i32_0 : i32, i32
  }
  func.func @transform_3(%arg0: i32) -> (i32, i32) {
    %c0_i32 = arith.constant 0 : i32
    %c0_i32_0 = arith.constant 0 : i32
    return %arg0, %c0_i32 : i32, i32
  }
}

module attributes {stable_mosaic.version = 14 : i64} {
  func.func @_k2_body(%arg0: i32, %arg1: memref<2x1000x128xf32, #tpu.memory_space<vmem>>, %arg2: memref<1000x128xf32, #tpu.memory_space<vmem>>, %arg3: memref<1000x128xf32, #tpu.memory_space<vmem>>, %arg4: memref<1x128xf32, #tpu.memory_space<vmem>>, %arg5: memref<128x128xf32, #tpu.memory_space<vmem>>, %arg6: memref<1000x128xf32, #tpu.memory_space<vmem>>) attributes {dimension_semantics = [#tpu.dimension_semantics<arbitrary>], iteration_bounds = array<i64: 10>, scalar_prefetch = 0 : i64, scratch_operands = 0 : i64, tpu.core_type = #tpu.core_type<tc>, window_params = [{transform_indices = @transform_0, window_bounds = array<i64: 2, 1000, 128>}, {transform_indices = @transform_1, window_bounds = array<i64: 1000, 128>}, {transform_indices = @transform_2, window_bounds = array<i64: 1000, 128>}, {pipeline_mode = #tpu.pipeline_mode<synchronous>, transform_indices = @transform_3, window_bounds = array<i64: 1, 128>}, {pipeline_mode = #tpu.pipeline_mode<synchronous>, transform_indices = @transform_4, window_bounds = array<i64: 128, 128>}, {transform_indices = @transform_5, window_bounds = array<i64: 1000, 128>}]} {
    %get3A = arith.constant 0 : index
    %get3A_0 = arith.constant 0 : index
    %get3A_1 = arith.constant 0 : index
    %get3A_2 = vector.load %arg1[%get3A, %get3A_0, %get3A_1] : memref<2x1000x128xf32, #tpu.memory_space<vmem>>, vector<1x1000x128xf32>
    %get3A_3 = vector.shape_cast %get3A_2 : vector<1x1000x128xf32> to vector<1000x128xf32>
    %get3A_4 = arith.constant 1 : index
    %get3A_5 = arith.constant 0 : index
    %get3A_6 = arith.constant 0 : index
    %get3A_7 = vector.load %arg1[%get3A_4, %get3A_5, %get3A_6] : memref<2x1000x128xf32, #tpu.memory_space<vmem>>, vector<1x1000x128xf32>
    %get3A_8 = vector.shape_cast %get3A_7 : vector<1x1000x128xf32> to vector<1000x128xf32>
    %add3A = arith.addf %get3A_3, %get3A_8 : vector<1000x128xf32>
    %get3A_9 = arith.constant 0 : index
    %get3A_10 = arith.constant 0 : index
    %get3A_11 = vector.load %arg2[%get3A_9, %get3A_10] : memref<1000x128xf32, #tpu.memory_space<vmem>>, vector<1000x128xf32>
    %sub3A = arith.subf %add3A, %get3A_11 : vector<1000x128xf32>
    %get3A_12 = arith.constant 0 : index
    %get3A_13 = arith.constant 0 : index
    %get3A_14 = vector.load %arg3[%get3A_12, %get3A_13] : memref<1000x128xf32, #tpu.memory_space<vmem>>, vector<1000x128xf32>
    %mul3A = arith.mulf %sub3A, %get3A_14 : vector<1000x128xf32>
    %get3A_15 = arith.constant 0 : index
    %get3A_16 = arith.constant 0 : index
    %get3A_17 = vector.load %arg4[%get3A_15, %get3A_16] : memref<1x128xf32, #tpu.memory_space<vmem>>, vector<1x128xf32>
    %add3A_18 = vector.broadcast %get3A_17 : vector<1x128xf32> to vector<1000x128xf32>
    %add3A_19 = arith.addf %mul3A, %add3A_18 : vector<1000x128xf32>
    %max3A = arith.constant 0.000000e+00 : f32
    %max3A_20 = vector.broadcast %max3A : f32 to vector<1000x128xf32>
    %max3A_21 = arith.maximumf %add3A_19, %max3A_20 : vector<1000x128xf32>
    %get3A_22 = arith.constant 0 : index
    %get3A_23 = arith.constant 0 : index
    %get3A_24 = vector.load %arg5[%get3A_22, %get3A_23] : memref<128x128xf32, #tpu.memory_space<vmem>>, vector<128x128xf32>
    %dot_general3A = arith.constant dense<0.000000e+00> : vector<1000x128xf32>
    %dot_general3A_25 = tpu.matmul %max3A_21, %get3A_24, %dot_general3A {dimension_numbers = #tpu.dot_dimension_numbers<[1], [0], [0], [1], [0, 0, 1, 1], [], []>, transpose_lhs_hint = false} : vector<1000x128xf32>, vector<128x128xf32>, vector<1000x128xf32> -> vector<1000x128xf32>
    %get3A_26 = arith.constant 0 : index
    %get3A_27 = arith.constant 0 : index
    %get3A_28 = vector.load %arg3[%get3A_26, %get3A_27] : memref<1000x128xf32, #tpu.memory_space<vmem>>, vector<1000x128xf32>
    %mul3A_29 = arith.mulf %dot_general3A_25, %get3A_28 : vector<1000x128xf32>
    %swap3A = arith.constant 0 : index
    %swap3A_30 = arith.constant 0 : index
    %swap3A_31 = vector.load %arg6[%swap3A, %swap3A_30] : memref<1000x128xf32, #tpu.memory_space<vmem>>, vector<1000x128xf32>
    tpu.vector_store %arg6[%swap3A, %swap3A_30], %mul3A_29 {strides = array<i32>} : memref<1000x128xf32, #tpu.memory_space<vmem>>, vector<1000x128xf32>,
    return
  }
  func.func @transform_0(%arg0: i32) -> (i32, i32, i32) {
    %c0_i32 = arith.constant 0 : i32
    %c0_i32_0 = arith.constant 0 : i32
    %c0_i32_1 = arith.constant 0 : i32
    return %c0_i32, %arg0, %c0_i32_0 : i32, i32, i32
  }
  func.func @transform_1(%arg0: i32) -> (i32, i32) {
    %c0_i32 = arith.constant 0 : i32
    %c0_i32_0 = arith.constant 0 : i32
    return %arg0, %c0_i32 : i32, i32
  }
  func.func @transform_2(%arg0: i32) -> (i32, i32) {
    %c0_i32 = arith.constant 0 : i32
    %c0_i32_0 = arith.constant 0 : i32
    return %arg0, %c0_i32 : i32, i32
  }
  func.func @transform_3(%arg0: i32) -> (i32, i32) {
    %c0_i32 = arith.constant 0 : i32
    %c0_i32_0 = arith.constant 0 : i32
    %c0_i32_1 = arith.constant 0 : i32
    return %c0_i32, %c0_i32_0 : i32, i32
  }
  func.func @transform_4(%arg0: i32) -> (i32, i32) {
    %c0_i32 = arith.constant 0 : i32
    %c0_i32_0 = arith.constant 0 : i32
    %c0_i32_1 = arith.constant 0 : i32
    return %c0_i32, %c0_i32_0 : i32, i32
  }
  func.func @transform_5(%arg0: i32) -> (i32, i32) {
    %c0_i32 = arith.constant 0 : i32
    %c0_i32_0 = arith.constant 0 : i32
    return %arg0, %c0_i32 : i32, i32
  }
}

module attributes {stable_mosaic.version = 14 : i64} {
  func.func @_k3_body(%arg0: i32, %arg1: memref<2x1000x128xf32, #tpu.memory_space<vmem>>, %arg2: memref<1000x128xf32, #tpu.memory_space<vmem>>, %arg3: memref<1000x128xf32, #tpu.memory_space<vmem>>, %arg4: memref<1x128xf32, #tpu.memory_space<vmem>>, %arg5: memref<1000x64xf32, #tpu.memory_space<vmem>>, %arg6: memref<128x16xf32, #tpu.memory_space<vmem>>, %arg7: memref<1x16xf32, #tpu.memory_space<vmem>>, %arg8: memref<64x16xf32, #tpu.memory_space<vmem>>, %arg9: memref<64x128xf32, #tpu.memory_space<vmem>>, %arg10: memref<64x128xf32, #tpu.memory_space<vmem>>) attributes {dimension_semantics = [#tpu.dimension_semantics<arbitrary>], iteration_bounds = array<i64: 10>, scalar_prefetch = 0 : i64, scratch_operands = 2 : i64, tpu.core_type = #tpu.core_type<tc>, window_params = [{transform_indices = @transform_0, window_bounds = array<i64: 2, 1000, 128>}, {transform_indices = @transform_1, window_bounds = array<i64: 1000, 128>}, {transform_indices = @transform_2, window_bounds = array<i64: 1000, 128>}, {pipeline_mode = #tpu.pipeline_mode<synchronous>, transform_indices = @transform_3, window_bounds = array<i64: 1, 128>}, {transform_indices = @transform_4, window_bounds = array<i64: 1000, 64>}, {pipeline_mode = #tpu.pipeline_mode<synchronous>, transform_indices = @transform_5, window_bounds = array<i64: 128, 16>}, {pipeline_mode = #tpu.pipeline_mode<synchronous>, transform_indices = @transform_6, window_bounds = array<i64: 1, 16>}, {pipeline_mode = #tpu.pipeline_mode<synchronous>, transform_indices = @transform_7, window_bounds = array<i64: 64, 16>}]} {
    %eq3A = arith.constant 0 : i32
    %eq3A_0 = arith.cmpi eq, %arg0, %eq3A : i32
    %convert_element_type3A = arith.extui %eq3A_0 : i1 to i32
    %cond3A = arith.constant 0 : i32
    %cond3A_1 = arith.cmpi ne, %convert_element_type3A, %cond3A : i32
    scf.if %cond3A_1 {
      %broadcast_in_dim3A_49 = arith.constant 0.000000e+00 : f32
      %broadcast_in_dim3A_50 = vector.broadcast %broadcast_in_dim3A_49 : f32 to vector<64x128xf32>
      %swap3A_51 = arith.constant 0 : index
      %swap3A_52 = arith.constant 0 : index
      %swap3A_53 = vector.load %arg9[%swap3A_51, %swap3A_52] : memref<64x128xf32, #tpu.memory_space<vmem>>, vector<64x128xf32>
      tpu.vector_store %arg9[%swap3A_51, %swap3A_52], %broadcast_in_dim3A_50 {strides = array<i32>} : memref<64x128xf32, #tpu.memory_space<vmem>>, vector<64x128xf32>,
      %broadcast_in_dim3A_54 = arith.constant 0.000000e+00 : f32
      %broadcast_in_dim3A_55 = vector.broadcast %broadcast_in_dim3A_54 : f32 to vector<64x128xf32>
      %swap3A_56 = arith.constant 0 : index
      %swap3A_57 = arith.constant 0 : index
      %swap3A_58 = vector.load %arg10[%swap3A_56, %swap3A_57] : memref<64x128xf32, #tpu.memory_space<vmem>>, vector<64x128xf32>
      tpu.vector_store %arg10[%swap3A_56, %swap3A_57], %broadcast_in_dim3A_55 {strides = array<i32>} : memref<64x128xf32, #tpu.memory_space<vmem>>, vector<64x128xf32>,
    } else {
    }
    %get3A = arith.constant 0 : index
    %get3A_2 = arith.constant 0 : index
    %get3A_3 = arith.constant 0 : index
    %get3A_4 = vector.load %arg1[%get3A, %get3A_2, %get3A_3] : memref<2x1000x128xf32, #tpu.memory_space<vmem>>, vector<1x1000x128xf32>
    %get3A_5 = vector.shape_cast %get3A_4 : vector<1x1000x128xf32> to vector<1000x128xf32>
    %get3A_6 = arith.constant 1 : index
    %get3A_7 = arith.constant 0 : index
    %get3A_8 = arith.constant 0 : index
    %get3A_9 = vector.load %arg1[%get3A_6, %get3A_7, %get3A_8] : memref<2x1000x128xf32, #tpu.memory_space<vmem>>, vector<1x1000x128xf32>
    %get3A_10 = vector.shape_cast %get3A_9 : vector<1x1000x128xf32> to vector<1000x128xf32>
    %add3A = arith.addf %get3A_5, %get3A_10 : vector<1000x128xf32>
    %get3A_11 = arith.constant 0 : index
    %get3A_12 = arith.constant 0 : index
    %get3A_13 = vector.load %arg2[%get3A_11, %get3A_12] : memref<1000x128xf32, #tpu.memory_space<vmem>>, vector<1000x128xf32>
    %sub3A = arith.subf %add3A, %get3A_13 : vector<1000x128xf32>
    %get3A_14 = arith.constant 0 : index
    %get3A_15 = arith.constant 0 : index
    %get3A_16 = vector.load %arg3[%get3A_14, %get3A_15] : memref<1000x128xf32, #tpu.memory_space<vmem>>, vector<1000x128xf32>
    %mul3A = arith.mulf %sub3A, %get3A_16 : vector<1000x128xf32>
    %get3A_17 = arith.constant 0 : index
    %get3A_18 = arith.constant 0 : index
    %get3A_19 = vector.load %arg4[%get3A_17, %get3A_18] : memref<1x128xf32, #tpu.memory_space<vmem>>, vector<1x128xf32>
    %add3A_20 = vector.broadcast %get3A_19 : vector<1x128xf32> to vector<1000x128xf32>
    %add3A_21 = arith.addf %mul3A, %add3A_20 : vector<1000x128xf32>
    %max3A = arith.constant 0.000000e+00 : f32
    %max3A_22 = vector.broadcast %max3A : f32 to vector<1000x128xf32>
    %max3A_23 = arith.maximumf %add3A_21, %max3A_22 : vector<1000x128xf32>
    %get3A_24 = arith.constant 0 : index
    %get3A_25 = arith.constant 0 : index
    %get3A_26 = vector.load %arg5[%get3A_24, %get3A_25] : memref<1000x64xf32, #tpu.memory_space<vmem>>, vector<1000x64xf32>
    %get3A_27 = arith.constant 0 : index
    %get3A_28 = arith.constant 0 : index
    %get3A_29 = vector.load %arg9[%get3A_27, %get3A_28] : memref<64x128xf32, #tpu.memory_space<vmem>>, vector<64x128xf32>
    %dot_general3A = arith.constant dense<0.000000e+00> : vector<64x128xf32>
    %dot_general3A_30 = tpu.matmul %get3A_26, %max3A_23, %dot_general3A {dimension_numbers = #tpu.dot_dimension_numbers<[0], [0], [1], [1], [0, 1, 1, 1], [], []>, transpose_lhs_hint = false} : vector<1000x64xf32>, vector<1000x128xf32>, vector<64x128xf32> -> vector<64x128xf32>
    %add3A_31 = arith.addf %get3A_29, %dot_general3A_30 : vector<64x128xf32>
    %swap3A = arith.constant 0 : index
    %swap3A_32 = arith.constant 0 : index
    %swap3A_33 = vector.load %arg9[%swap3A, %swap3A_32] : memref<64x128xf32, #tpu.memory_space<vmem>>, vector<64x128xf32>
    tpu.vector_store %arg9[%swap3A, %swap3A_32], %add3A_31 {strides = array<i32>} : memref<64x128xf32, #tpu.memory_space<vmem>>, vector<64x128xf32>,
    %get3A_34 = arith.constant 0 : index
    %get3A_35 = arith.constant 0 : index
    %get3A_36 = vector.load %arg10[%get3A_34, %get3A_35] : memref<64x128xf32, #tpu.memory_space<vmem>>, vector<64x128xf32>
    %broadcast_in_dim3A = arith.constant 1.000000e+00 : f32
    %broadcast_in_dim3A_37 = vector.broadcast %broadcast_in_dim3A : f32 to vector<1000x128xf32>
    %dot_general3A_38 = arith.constant dense<0.000000e+00> : vector<64x128xf32>
    %dot_general3A_39 = tpu.matmul %get3A_26, %broadcast_in_dim3A_37, %dot_general3A_38 {dimension_numbers = #tpu.dot_dimension_numbers<[0], [0], [1], [1], [0, 1, 1, 1], [], []>, transpose_lhs_hint = false} : vector<1000x64xf32>, vector<1000x128xf32>, vector<64x128xf32> -> vector<64x128xf32>
    %add3A_40 = arith.addf %get3A_36, %dot_general3A_39 : vector<64x128xf32>
    %swap3A_41 = arith.constant 0 : index
    %swap3A_42 = arith.constant 0 : index
    %swap3A_43 = vector.load %arg10[%swap3A_41, %swap3A_42] : memref<64x128xf32, #tpu.memory_space<vmem>>, vector<64x128xf32>
    tpu.vector_store %arg10[%swap3A_41, %swap3A_42], %add3A_40 {strides = array<i32>} : memref<64x128xf32, #tpu.memory_space<vmem>>, vector<64x128xf32>,
    %eq3A_44 = arith.constant 9 : i32
    %eq3A_45 = arith.cmpi eq, %arg0, %eq3A_44 : i32
    %convert_element_type3A_46 = arith.extui %eq3A_45 : i1 to i32
    %cond3A_47 = arith.constant 0 : i32
    %cond3A_48 = arith.cmpi ne, %convert_element_type3A_46, %cond3A_47 : i32
    scf.if %cond3A_48 {
      %get3A_49 = arith.constant 0 : index
      %get3A_50 = arith.constant 0 : index
      %get3A_51 = vector.load %arg9[%get3A_49, %get3A_50] : memref<64x128xf32, #tpu.memory_space<vmem>>, vector<64x128xf32>
      %get3A_52 = arith.constant 0 : index
      %get3A_53 = arith.constant 0 : index
      %get3A_54 = vector.load %arg10[%get3A_52, %get3A_53] : memref<64x128xf32, #tpu.memory_space<vmem>>, vector<64x128xf32>
      %max3A_55 = arith.constant 1.000000e+00 : f32
      %max3A_56 = vector.broadcast %max3A_55 : f32 to vector<64x128xf32>
      %max3A_57 = arith.maximumf %get3A_54, %max3A_56 : vector<64x128xf32>
      %div3A = arith.divf %get3A_51, %max3A_57 : vector<64x128xf32>
      %get3A_58 = arith.constant 0 : index
      %get3A_59 = arith.constant 0 : index
      %get3A_60 = vector.load %arg6[%get3A_58, %get3A_59] : memref<128x16xf32, #tpu.memory_space<vmem>>, vector<128x16xf32>
      %dot_general3A_61 = arith.constant dense<0.000000e+00> : vector<64x16xf32>
      %dot_general3A_62 = tpu.matmul %div3A, %get3A_60, %dot_general3A_61 {dimension_numbers = #tpu.dot_dimension_numbers<[1], [0], [0], [1], [0, 0, 1, 1], [], []>, transpose_lhs_hint = false} : vector<64x128xf32>, vector<128x16xf32>, vector<64x16xf32> -> vector<64x16xf32>
      %get3A_63 = arith.constant 0 : index
      %get3A_64 = arith.constant 0 : index
      %get3A_65 = vector.load %arg7[%get3A_63, %get3A_64] : memref<1x16xf32, #tpu.memory_space<vmem>>, vector<1x16xf32>
      %add3A_66 = vector.broadcast %get3A_65 : vector<1x16xf32> to vector<64x16xf32>
      %add3A_67 = arith.addf %dot_general3A_62, %add3A_66 : vector<64x16xf32>
      %swap3A_68 = arith.constant 0 : index
      %swap3A_69 = arith.constant 0 : index
      %swap3A_70 = vector.load %arg8[%swap3A_68, %swap3A_69] : memref<64x16xf32, #tpu.memory_space<vmem>>, vector<64x16xf32>
      tpu.vector_store %arg8[%swap3A_68, %swap3A_69], %add3A_67 {strides = array<i32>} : memref<64x16xf32, #tpu.memory_space<vmem>>, vector<64x16xf32>,
    } else {
    }
    return
  }
  func.func @transform_0(%arg0: i32) -> (i32, i32, i32) {
    %c0_i32 = arith.constant 0 : i32
    %c0_i32_0 = arith.constant 0 : i32
    %c0_i32_1 = arith.constant 0 : i32
    return %c0_i32, %arg0, %c0_i32_0 : i32, i32, i32
  }
  func.func @transform_1(%arg0: i32) -> (i32, i32) {
    %c0_i32 = arith.constant 0 : i32
    %c0_i32_0 = arith.constant 0 : i32
    return %arg0, %c0_i32 : i32, i32
  }
  func.func @transform_2(%arg0: i32) -> (i32, i32) {
    %c0_i32 = arith.constant 0 : i32
    %c0_i32_0 = arith.constant 0 : i32
    return %arg0, %c0_i32 : i32, i32
  }
  func.func @transform_3(%arg0: i32) -> (i32, i32) {
    %c0_i32 = arith.constant 0 : i32
    %c0_i32_0 = arith.constant 0 : i32
    %c0_i32_1 = arith.constant 0 : i32
    return %c0_i32, %c0_i32_0 : i32, i32
  }
  func.func @transform_4(%arg0: i32) -> (i32, i32) {
    %c0_i32 = arith.constant 0 : i32
    %c0_i32_0 = arith.constant 0 : i32
    return %arg0, %c0_i32 : i32, i32
  }
  func.func @transform_5(%arg0: i32) -> (i32, i32) {
    %c0_i32 = arith.constant 0 : i32
    %c0_i32_0 = arith.constant 0 : i32
    %c0_i32_1 = arith.constant 0 : i32
    return %c0_i32, %c0_i32_0 : i32, i32
  }
  func.func @transform_6(%arg0: i32) -> (i32, i32) {
    %c0_i32 = arith.constant 0 : i32
    %c0_i32_0 = arith.constant 0 : i32
    %c0_i32_1 = arith.constant 0 : i32
    return %c0_i32, %c0_i32_0 : i32, i32
  }
  func.func @transform_7(%arg0: i32) -> (i32, i32) {
    %c0_i32 = arith.constant 0 : i32
    %c0_i32_0 = arith.constant 0 : i32
    %c0_i32_1 = arith.constant 0 : i32
    return %c0_i32, %c0_i32_0 : i32, i32
  }
}

</mosaic_0001>

<sc_bundles>
// kernel: kernel.11.cloned.1.call-start
scs
__scs_entry_jumppad:
0x0: {  	(pc) =	sbr.rel $0x88, $3  }
0x1: {  	(tag) =	ssettag $0x0;
	lr =	simm.s32 $0x1  }
0x2: {  	[smem:$0x3F98] =	sst lr;
	_ =	strace $0xD0000000  }
0x3: {  	_ = 	snop  }
0x4: {  	_ = 	snop  }
0x5: {  	_ = 	snop  }
0x6: {  	_ = 	snop  }
0x7: {  	_ = 	snop  }
__scs_overlays_trampoline_lowered:
0x8: {  	[smem:$0x3FA7] =	sst s0  }
0x9: {  	[smem:$0x3FA8] =	sst s1  }
0xa: {  	[smem:$0x3FA9] =	sst s2  }
0xb: {  	[smem:$0x3FAA] =	sst s3  }
0xc: {  	[smem:$0x3FAB] =	sst s4  }
0xd: {  	[smem:$0x3FAC] =	sst s5  }
0xe: {  	[smem:$0x3FAD] =	sst s6  }
0xf: {  	[smem:$0x3FAE] =	sst s7  }
0x10: {  	[smem:$0x3FAF] =	sst s8  }
0x11: {  	[smem:$0x3FB0] =	sst s9;
	s0 =	simm.s32 @!p0 $0x0  }
0x12: {  	s1 =	sld [smem:$0x3F96];
	s0 =	simm.s32 @p0 $0x1  }
0x13: {  	[smem:$0x3FB1] =	sst s0;
	s0 =	simm.s32 @!p1 $0x0  }
0x14: {  	s2 =	sld [smem:$0x3F95];
	s0 =	simm.s32 @p1 $0x1  }
0x15: {  	[smem:$0x3FB2] =	sst s0;
	s0 =	simm.s32 @!p2 $0x0  }
0x16: {  	s3 =	sld [smem:$0x3FDB];
	s0 =	simm.s32 @p2 $0x1  }
0x17: {  	s4 =	simm.s32 $0x1BF5;
	[smem:$0x3FB4] =	sst s0  }
0x18: {  	s0 =	sld [smem:$0x3F97];
	_ =	swait.ge [sflag:s4], $0x0  }
0x19: {  	s7 =	sld [smem:$0x3F98]  }
0x1a: {  	s8 =	sadd.s32 $0xFFFFE003, lr  }
0x1b: {  	s9 =	sadd.s32 $0xFFFFFEF7, lr;
	s5 =	simm.s32 $0xFFFFFFFF;
	p2 =	slt.u32 s8, $0xFFFFF086  }
0x1c: {  	p1 =	slt.u32 s9, $0xF7A;
	s5 =	simm.s32 @!p2 $0x0  }
0x1d: {  	s5 =	simm.s32 @p1 $0x1;
	p0 =	seq.s32 s7, s2  }
0x1e: {  	s7 =	smul.u32 @!p0 $0xF7A, s2;
	p2 =	seq.s32 @!p0 s5, $0x0  }
0x1f: {  	s9 =	smul.u32 $0xF7A, s1;
	s8 =	simm.s32 @!p0 $0x1BF5;
	p2 =	por !p2, p0  }
0x20: {  	[sflag:s8] =	ssyncset.s32 @!p0 $0xFFFFF086;
	s6 =	sadd.s32 @!p0 s3, s7;
	s7 =	simm.s32 @!p0 $0x108  }
0x21: {  	s3 =	sadd.s32 s3, s9;
	s6 =	sadd.s32 @!p0 $0x88, s6;
	s7 =	simm.s32 @p2 $0x1082  }
0x22: {  	[simem:s7], [sflag:s8] =	dma.local @!p0 [hbm:s6], $0xF7A  }
0x23: {  	s9 =	sor.u32 $0xD0000000, s2;
	s6 =	simm.s32 $0x108;
	_ =	swait.ge @!p0 [sflag:s8], $0x0  }
0x24: {  	s3 =	sadd.s32 $0x88, s3;
	s6 =	simm.s32 @!p1 $0x1082;
	[sflag:s4] =	ssyncset.s32 $0xFFFFF086  }
0x25: {  	[simem:s6], [sflag:s4] =	dma.local [hbm:s3], $0xF7A  }
0x26: {  	[smem:$0x3F98] =	sst s1;
	(tag) =	ssettag s2;
	_ =	strace s9  }
0x27: {  	s1 =	sld [smem:$0x3FA8]  }
0x28: {  	s2 =	sld [smem:$0x3FA9]  }
0x29: {  	s4 =	sld [smem:$0x3FAB]  }
0x2a: {  	p0 =	seq.s32 s5, $0x0;
	s5 =	sld [smem:$0x3FAC]  }
0x2b: {  	s6 =	sld [smem:$0x3FAD]  }
0x2c: {  	s7 =	sld [smem:$0x3FAE]  }
0x2d: {  	s3 =	simm.s32 $0x108;
	s8 =	sld [smem:$0x3FAF]  }
0x2e: {  	s3 =	simm.s32 @!p0 $0x1082;
	s9 =	sld [smem:$0x3FB0]  }
0x2f: {  	lr =	sadd.s32 s0, s3;
	s0 =	sld [smem:$0x3FA7]  }
0x30: {  	s3 =	sld [smem:$0x3FAA]  }
0x31: {  	[smem:$0x3FB3] =	sst s10  }
0x32: {  	s10 =	sld [smem:$0x3FB1];
	_ =	sdelay $0x3  }
0x33: {  	p0 =	seq.s32 s10, $0x1;
	s10 =	sld [smem:$0x3FB3];
	_ =	sdelay $0x3  }
0x34: {  	[smem:$0x3FB3] =	sst s10  }
0x35: {  	s10 =	sld [smem:$0x3FB2];
	_ =	sdelay $0x3  }
0x36: {  	p1 =	seq.s32 s10, $0x1;
	s10 =	sld [smem:$0x3FB3];
	_ =	sdelay $0x3  }
0x37: {  	[smem:$0x3FB3] =	sst s10  }
0x38: {  	s10 =	sld [smem:$0x3FB4]  }
0x39: {  	_ = 	snop;
	(pc) =	sbr.ind lr, $3  }
0x3a: {  	_ = 	snop  }
0x3b: {  	_ = 	snop  }
0x3c: {  	p2 =	seq.s32 s10, $0x1;
	s10 =	sld [smem:$0x3FB3]  }
0x3d: {  	_ =	shalt  }
0x3e: {  	_ =	shalt  }
0x3f: {  	_ =	shalt  }
0x40: {  	_ =	shalt  }
0x41: {  	_ =	shalt  }
0x42: {  	_ =	shalt  }
0x43: {  	_ =	shalt  }
0x44: {  	_ =	shalt  }
0x45: {  	_ =	shalt  }
0x46: {  	_ =	shalt  }
0x47: {  	_ =	shalt  }
0x48: {  	_ =	shalt  }
0x49: {  	_ =	shalt  }
0x4a: {  	_ =	shalt  }
0x4b: {  	_ =	shalt  }
0x4c: {  	_ =	shalt  }
0x4d: {  	_ =	shalt  }
0x4e: {  	_ =	shalt  }
0x4f: {  	_ =	shalt  }
0x50: {  	_ =	shalt  }
0x51: {  	_ =	shalt  }
0x52: {  	_ =	shalt  }
0x53: {  	_ =	shalt  }
0x54: {  	_ =	shalt  }
0x55: {  	_ =	shalt  }
0x56: {  	_ =	shalt  }
0x57: {  	_ =	shalt  }
0x58: {  	_ =	shalt  }
0x59: {  	_ =	shalt  }
0x5a: {  	_ =	shalt  }
0x5b: {  	_ =	shalt  }
0x5c: {  	_ =	shalt  }
0x5d: {  	_ =	shalt  }
0x5e: {  	_ =	shalt  }
0x5f: {  	_ =	shalt  }
0x60: {  	_ =	shalt  }
0x61: {  	_ =	shalt  }
0x62: {  	_ =	shalt  }
0x63: {  	_ =	shalt  }
0x64: {  	_ =	shalt  }
0x65: {  	_ =	shalt  }
0x66: {  	_ =	shalt  }
0x67: {  	_ =	shalt  }
0x68: {  	_ =	shalt  }
0x69: {  	_ =	shalt  }
0x6a: {  	_ =	shalt  }
0x6b: {  	_ =	shalt  }
0x6c: {  	_ =	shalt  }
0x6d: {  	_ =	shalt  }
0x6e: {  	_ =	shalt  }
0x6f: {  	_ =	shalt  }
0x70: {  	_ =	shalt  }
0x71: {  	_ =	shalt  }
0x72: {  	_ =	shalt  }
0x73: {  	_ =	shalt  }
0x74: {  	_ =	shalt  }
0x75: {  	_ =	shalt  }
0x76: {  	_ =	shalt  }
0x77: {  	_ =	shalt  }
0x78: {  	_ =	shalt  }
0x79: {  	_ =	shalt  }
0x7a: {  	_ =	shalt  }
0x7b: {  	_ =	shalt  }
0x7c: {  	_ =	shalt  }
0x7d: {  	_ =	shalt  }
0x7e: {  	_ =	shalt  }
0x7f: {  	_ =	shalt  }
0x80: {  	_ =	shalt  }
0x81: {  	_ =	shalt  }
0x82: {  	_ =	shalt  }
0x83: {  	_ =	shalt  }
0x84: {  	_ =	shalt  }
0x85: {  	_ =	shalt  }
0x86: {  	_ =	shalt  }
0x87: {  	_ =	shalt  }
.Lfunc_end0:
.L_simem_size_0:
called_computation.1_lowered:
.L_overlay_start_0:
0x88: {  	s2 =	sld [smem:$0x3FD9]  }
0x89: {  	s3 =	sld [smem:$0x3FFE];
	_ =	sdelay $0x1  }
0x8a: {  	s1 =	srdreg.scid  }
0x8b: {  	s0 =	sand.u32 $0x1, s1  }
0x8c: {  	s16 =	sshll.u32 s0, $0xA;
	s2 =	sadd.s32 s3, s2  }
0x8d: {  	s2 =	sadd.s32 s2, s16  }
0x8e: {  	[smem:$0x3FBF] =	sst s2  }
0x8f: {  	_ = 	snop  }
0x90: {  	(tm) =	ssettm $0x1  }
0x91: {  	s17 =	sld [smem:$0x3FFB];
	_ =	sdelay $0x3  }
0x92: {  	_ =	strace s17  }
0x93: {  	s2 =	sld [smem:$0x3FFC];
	_ =	sdelay $0x3  }
0x94: {  	_ =	strace s2  }
0x95: {  	s2 =	sld [smem:$0x3FFD];
	_ =	sdelay $0x3  }
0x96: {  	_ =	strace s2  }
0x97: {  	_ =	strace $0x8FFFFFFF  }
0x98: {  	s18 =	sld [smem:$0x3FDB];
	_ =	sdelay $0x1  }
0x99: {  	s19 =	simm.s32 $_scs_section_size  }
0x9a: {  	s4 =	simm.s32 $_size__tile_overlayer_lowered;
	s5 =	simm.s32 $_tile_overlayer_lowered  }
0x9b: {  	s22 =	simm.s32 $0x1BFF;
	s21 =	sshll.u32 s5, $0x1;
	s2 =	sadd.s32 s19, s18  }
0x9c: {  	s6 =	simm.s32 $0x0;
	s20 =	sshll.u32 s4, $0x1;
	s4 =	sadd.s32 s21, s2  }
0x9d: {  	[timem:s6], [sflag:s22] =	dma.local [hbm:s4], s20  }
0x9e: {  	_ =	swait.ge [sflag:s22], s20  }
0x9f: {  	s3 =	ssub.s32 $0x0, s20;
	[sflag:s22] =	ssyncset.done $0x0  }
0xa0: {  	[sflag:s22] =	ssyncadd.s32 s3;
	_ =	sdelay $0x1  }
0xa1: {  	s23 =	simm.s32 $0x1B8B  }
0xa2: {  	_ =	swait.ge [sflag:s23], $0x1  }
0xa3: {  	[sflag:s23] =	ssyncset.done $0x0  }
0xa4: {  	s25 =	simm.s32 $0x1B8E;
	s24 =	sld [smem:$0x3FFE];
	[sflag:s23] =	ssyncadd.s32 $0xFFFFFFFF  }
0xa5: {  	s26 =	simm.s32 $execute0_lowered;
	[smem:$0x3FD2] =	sst s25  }
0xa6: {  	s4 =	sshll.u32 s26, $0x1;
	_ =	strace $0x80000049;
	[dreg:$0x1] =	wrdreg $0xFFFFFFFF  }
0xa7: {  	s28 =	simm.s32 $_size_execute0_lowered;
	s2 =	sadd.s32 s2, s4;
	[dreg:$0x0] =	wrdreg $0x0  }
0xa8: {  	s4 =	sshll.u32 s28, $0x1;
	[dreg:$0x2] =	wrdreg s2  }
0xa9: {  	[dreg:$0x3] =	wrdreg s4  }
0xaa: {  	[dreg:$0x4] =	wrdreg $0xC0  }
0xab: {  	_ =	task [dreg:s6], $0x5FFFF  }
0xac: {  	[dreg:$0x1] =	wrdreg $0xFFFFFFFF  }
0xad: {  	[dreg:$0x0] =	wrdreg $0x60  }
0xae: {  	[dreg:$0x2] =	wrdreg s24  }
0xaf: {  	[dreg:$0x3] =	wrdreg $0x0  }
0xb0: {  	[dreg:$0x4] =	wrdreg $0x9  }
0xb1: {  	_ =	task.clear_ibuf [dreg:s6], $0x5FFFF;
	_ =	strace $0x90000049  }
0xb2: {  	s29 =	simm.s32 $0x9;
	_ =	strace $0x8000004B  }
0xb3: {  	_ =	swait.ge [sflag:s29], $0x1  }
0xb4: {  	[sflag:s29] =	ssyncadd.s32 $0xFFFFFFFF  }
0xb5: {  	_ =	strace $0x9000004B  }
0xb6: {  	_ =	sfence  }
0xb7: {  	s30 =	sld [smem:$0x0];
	_ =	sdelay $0x2  }
0xb8: {  	s31 =	sshll.u32 s1, $0xD;
	s1 =	sshrl.u32 s1, $0x2  }
0xb9: {  	s3 =	sand.u32 $0x4000, s31;
	s1 =	sadd.s32 s1, s30  }
0xba: {  	s0 =	sor.u32 s3, s0;
	s1 =	sshll.u32 s1, $0x11  }
0xbb: {  	s0 =	sor.u32 s1, s0  }
0xbc: {  	s0 =	sadd.s32 $0x8F2B, s0  }
0xbd: {  	[sflag:s0] =	ssyncadd.remote.s32 $0x1  }
0xbe: {  	_ =	sfence.sel $0xFFFF  }
0xbf: {  	[dreg:$0x0] =	wrdreg $0xFFFFFFFF;
	(pc) =	sbr.abs _section_cstart, $3  }
0xc0: {  	[dreg:$0x1] =	wrdreg $0xFFFFFFFF  }
0xc1: {  	_ =	task.clear_ibuf [dreg:s6], $0x2FFFF;
	_ =	strace $0x9FFFFFFF  }
0xc2: {  	(tm) =	ssettm $0x7FFFFFFF  }
0xc3: {  	_ =	shalt  }
tec
execute0_lowered:
.L_overlay_start_1:
0x0: {  	(tag) =	ssettag $0x1  }
0x1: {  	s0 =	rddreg [dreg:$0x0]  }
0x2: {  	s2 =	rddreg [dreg:$0x1]  }
0x3: {  	s1 =	srdreg.scid;
	s11 =	stileid.u32;
	s3 =	simm.s32 $0x0  }
0x4: {  	s13 =	simm.s32 $0xD;
	s15 =	simm.s32 $0x13C80;
	s29 =	simm.s32 $0x19DC0  }
0x5: {  	s31 =	simm.s32 $0x1BDC0;
	s16 =	simm.s32 $0x3;
	s17 =	simm.s32 $0x4  }
0x6: {  	s28 =	simm.s32 $0xC;
	s30 =	simm.s32 $0x6;
	s12 =	simm.s32 $0x0  }
0x7: {  	s1 =	sand.u32 $0x1, s1;
	s7 =	smul.u32 $0x13880, s11;
	[smem:$0x7FF] =	sst s3  }
0x8: {  	s5 =	sshll.u32 s11, $0x1;
	s4 =	sadd.s32 $0x3400, s0;
	s26 =	sshll.u32 s11, $0x6  }
0x9: {  	s6 =	smul.u32 $0x138800, s1;
	_ =	strace $0x8000004A;
	s8 =	sor.u32 s1, s5  }
0xa: {  	s5 =	sadd.s32 $0x35200, s0;
	s1 =	ssub.s32 $0x2, s1;
	s18 =	sor.u32 $0x1C0D, s26  }
0xb: {  	s26 =	simm.s32 $0x17DC0;
	s8 =	smul.u32 $0x2800, s8;
	s20 =	sshrl.u32 s1, $0x1  }
0xc: {  	s24 =	sadd.s32 s7, s2;
	[dreg:$0xb] =	wrdreg s18;
	s9 =	sadd.s32 s7, s6  }
0xd: {  	s6 =	sadd.s32 $0x3F200, s0;
	s1 =	ssub.s32 s1, s20;
	s7 =	sshrl.u32 s7, $0x3  }
0xe: {  	s19 =	sshrl.u32 s24, $0x3;
	s24 =	simm.s32 $0x15DC0;
	s9 =	sshrl.u32 s9, $0x3  }
0xf: {  	s10 =	sshrl.u32 s8, $0x3;
	s7 =	sadd.s32 s4, s7;
	[dreg:$0xc] =	wrdreg s19  }
0x10: {  	s8 =	sor.u32 $0x280, s8;
	s25 =	smax.u32 s1, $0x1;
	[dreg:$0x8] =	wrdreg s7  }
0x11: {  	s1 =	simm.s32 $0x2;
	s0 =	sadd.s32 s9, s0;
	[dreg:$0x3] =	wrdreg s8  }
0x12: {  	s21 =	sadd.s32 s5, s10;
	s22 =	sor.u32 $0x28, s10;
	[dreg:$0xa] =	wrdreg s25  }
0x13: {  	s10 =	sadd.s32 s6, s10;
	s25 =	simm.s32 $0xB;
	[dreg:$0x4] =	wrdreg s21  }
0x14: {  	s7 =	simm.s32 $0x7;
	[dreg:$0x5] =	wrdreg s10;
	s23 =	sadd.s32 s5, s22  }
0x15: {  	s8 =	simm.s32 $0x8;
	s9 =	sadd.s32 s6, s22;
	[dreg:$0x6] =	wrdreg s23  }
0x16: {  	s0 =	sadd.s32 $0x49200, s0;
	s21 =	simm.s32 $0x40;
	[dreg:$0x7] =	wrdreg s9  }
0x17: {  	s22 =	simm.s32 $0x13DC0;
	s10 =	simm.s32 $0xA;
	[dreg:$0x9] =	wrdreg s0  }
0x18: {  	s0 =	simm.s32 $0x1;
	s23 =	simm.s32 $0x5;
	s9 =	simm.s32 $0x9  }
.LBB2_1:
0x19: {  	[dreg:$0xd] =	wrdreg s12  }
0x1a: {  	s11 =	rddreg [dreg:$0x4];
	s12 =	simm.s32 $0x138C0  }
0x1b: {  	[tilespmem:s12], [sflag:$0xD] =	stream.linear.gather [hbm4b:s11+s3], $0x140, $0x38;
	[tilespmem:$0x1DDC0] =	vst v63  }
0x1c: {  	_ =	swait.ge [sflag:s13], $0x140  }
0x1d: {  	[sflag:s13] =	ssyncset.done $0x0  }
0x1e: {  	s14 =	simm.s32 $0x13B40;
	s20 =	rddreg [dreg:$0x5];
	[sflag:s13] =	ssyncadd.s32 $0xFFFFFEC0  }
0x1f: {  	[tilespmem:s14], [sflag:$0xD] =	stream.linear.gather [hbm4b:s20+s3], $0x140, $0x38;
	[tilespmem:$0x1DDC0] =	vst v63  }
0x20: {  	_ =	swait.ge [sflag:s13], $0x140  }
0x21: {  	[sflag:s13] =	ssyncset.done $0x0  }
0x22: {  	s20 =	simm.s32 $0x13A00;
	s14 =	rddreg [dreg:$0x6];
	[sflag:s13] =	ssyncadd.s32 $0xFFFFFEC0  }
0x23: {  	[tilespmem:s20], [sflag:$0xB] =	stream.linear.gather [hbm4b:s14+s3], $0x140, $0x38;
	[tilespmem:$0x1DDC0] =	vst v63  }
0x24: {  	s14 =	rddreg [dreg:$0x7]  }
0x25: {  	s20 =	rddreg [dreg:$0x8]  }
0x26: {  	[tilespmem:s15], [sflag:$0xC] =	stream.linear.gather [hbm4b:s14+s3], $0x140, $0x38;
	[tilespmem:$0x1DDC0] =	vst v63  }
0x27: {  	[spmem:s19], [sflag:s18] =	dma.local [hbm:s20], $0x2710  }
0x28: {  	_ =	swait.ge [sflag:s13], $0x2710  }
0x29: {  	[sflag:s13] =	ssyncset.done $0x0  }
0x2a: {  	[sflag:s13] =	ssyncadd.s32 $0xFFFFD8F0  }
0x2b: {  	[bflag:$0x0] =	sbarrier.arrive $0xFFFF  }
0x2c: {  	[tilespmem:s22], [sflag:$0x1] =	stream.indirect.gather [hbm4b:s4+s21], $0x80, s12, s21, $0xb8;
	[tilespmem:$0x1DDC0] =	vst v63  }
0x2d: {  	s14 =	simm.s32 $0x13900  }
0x2e: {  	[tilespmem:s24], [sflag:$0x2] =	stream.indirect.gather [hbm4b:s4+s21], $0x80, s14, s21, $0xb8;
	[tilespmem:$0x1DDC0] =	vst v63  }
0x2f: {  	s15 =	simm.s32 $0x13940  }
0x30: {  	[tilespmem:s26], [sflag:$0x3] =	stream.indirect.gather [hbm4b:s4+s21], $0x80, s15, s21, $0xb8;
	[tilespmem:$0x1DDC0] =	vst v63  }
0x31: {  	s18 =	simm.s32 $0x13980  }
0x32: {  	[tilespmem:s29], [sflag:$0x4] =	stream.indirect.gather [hbm4b:s4+s21], $0x80, s18, s21, $0xb8;
	[tilespmem:$0x1DDC0] =	vst v63  }
0x33: {  	s19 =	simm.s32 $0x139C0;
	s12 =	sand.u32 $0x1, s3  }
0x34: {  	[tilespmem:s31], [sflag:$0x5] =	stream.indirect.gather [hbm4b:s4+s21], $0x80, s19, s21, $0xb8;
	[tilespmem:$0x1DDC0] =	vst v63  }
0x35: {  	s19 =	smul.u32 $0x140, s12;
	_ =	swait.ge [sflag:s0], $0x2000  }
0x36: {  	[sflag:s0] =	ssyncset.done $0x0  }
0x37: {  	s11 =	sadd.s32 $0x13B40, s19;
	[sflag:s0] =	ssyncadd.s32 $0xFFFFE000  }
0x38: {  	[spmem:s2] =	stream.indirect.scatter.add.f32 [tilespmem:s22], [sflag:$0x6], $0x80, s11, s21, $0xb8;
	[tilespmem:$0x1DDC0] =	vst v63  }
0x39: {  	_ =	swait.ge [sflag:s1], $0x2000  }
0x3a: {  	[sflag:s1] =	ssyncset.done $0x0  }
0x3b: {  	s20 =	sadd.s32 $0x13B80, s19;
	[sflag:s1] =	ssyncadd.s32 $0xFFFFE000  }
0x3c: {  	[spmem:s2] =	stream.indirect.scatter.add.f32 [tilespmem:s24], [sflag:$0x7], $0x80, s20, s21, $0xb8;
	[tilespmem:$0x1DDC0] =	vst v63  }
0x3d: {  	_ =	swait.ge [sflag:s16], $0x2000  }
0x3e: {  	[sflag:s16] =	ssyncset.done $0x0  }
0x3f: {  	s14 =	sadd.s32 $0x13BC0, s19;
	[sflag:s16] =	ssyncadd.s32 $0xFFFFE000  }
0x40: {  	[spmem:s2] =	stream.indirect.scatter.add.f32 [tilespmem:s26], [sflag:$0x8], $0x80, s14, s21, $0xb8;
	[tilespmem:$0x1DDC0] =	vst v63  }
0x41: {  	_ =	swait.ge [sflag:s17], $0x2000  }
0x42: {  	[sflag:s17] =	ssyncset.done $0x0  }
0x43: {  	s15 =	sor.u32 $0x13C00, s19;
	[sflag:s17] =	ssyncadd.s32 $0xFFFFE000  }
0x44: {  	[spmem:s2] =	stream.indirect.scatter.add.f32 [tilespmem:s29], [sflag:$0x9], $0x80, s15, s21, $0xb8;
	[tilespmem:$0x1DDC0] =	vst v63  }
0x45: {  	_ =	swait.ge [sflag:s23], $0x2000  }
0x46: {  	[sflag:s23] =	ssyncset.done $0x0  }
0x47: {  	s18 =	sadd.s32 $0x13C40, s19;
	[sflag:s23] =	ssyncadd.s32 $0xFFFFE000  }
0x48: {  	[spmem:s2] =	stream.indirect.scatter.add.f32 [tilespmem:s31], [sflag:$0xA], $0x80, s18, s21, $0xb8;
	[tilespmem:$0x1DDC0] =	vst v63  }
0x49: {  	_ =	swait.ge [sflag:s25], $0x140  }
0x4a: {  	[sflag:s25] =	ssyncset.done $0x0  }
0x4b: {  	[sflag:s25] =	ssyncadd.s32 $0xFFFFFEC0  }
0x4c: {  	_ =	swait.ge [sflag:s28], $0x140  }
0x4d: {  	s12 =	sxor.u32 $0x1, s12;
	[sflag:s28] =	ssyncset.done $0x0  }
0x4e: {  	s12 =	smul.u32 $0x500, s12;
	[sflag:s28] =	ssyncadd.s32 $0xFFFFFEC0  }
0x4f: {  	_ =	swait.ge [sflag:s30], $0x2000  }
0x50: {  	s13 =	sshrl.u32 s12, $0x2;
	[sflag:s30] =	ssyncset.done $0x0  }
0x51: {  	s12 =	sadd.s32 $0x138C0, s13;
	[sflag:s30] =	ssyncadd.s32 $0xFFFFE000  }
0x52: {  	[tilespmem:s22], [sflag:$0x1] =	stream.indirect.gather [hbm4b:s4+s21], $0x80, s12, s21, $0xb8;
	[tilespmem:$0x1DDC0] =	vst v63  }
0x53: {  	_ =	swait.ge [sflag:s7], $0x2000  }
0x54: {  	[sflag:s7] =	ssyncset.done $0x0  }
0x55: {  	s20 =	sadd.s32 $0x13900, s13;
	[sflag:s7] =	ssyncadd.s32 $0xFFFFE000  }
0x56: {  	[tilespmem:s24], [sflag:$0x2] =	stream.indirect.gather [hbm4b:s4+s21], $0x80, s20, s21, $0xb8;
	[tilespmem:$0x1DDC0] =	vst v63  }
0x57: {  	_ =	swait.ge [sflag:s8], $0x2000  }
0x58: {  	[sflag:s8] =	ssyncset.done $0x0  }
0x59: {  	s14 =	sadd.s32 $0x13940, s13;
	[sflag:s8] =	ssyncadd.s32 $0xFFFFE000  }
0x5a: {  	[tilespmem:s26], [sflag:$0x3] =	stream.indirect.gather [hbm4b:s4+s21], $0x80, s14, s21, $0xb8;
	[tilespmem:$0x1DDC0] =	vst v63  }
0x5b: {  	_ =	swait.ge [sflag:s9], $0x2000  }
0x5c: {  	[sflag:s9] =	ssyncset.done $0x0  }
0x5d: {  	s19 =	sadd.s32 $0x138C0, s19;
	s15 =	sadd.s32 $0x13980, s13;
	[sflag:s9] =	ssyncadd.s32 $0xFFFFE000  }
0x5e: {  	[tilespmem:s29], [sflag:$0x4] =	stream.indirect.gather [hbm4b:s4+s21], $0x80, s15, s21, $0xb8;
	[tilespmem:$0x1DDC0] =	vst v63  }
0x5f: {  	s18 =	smin.u32 s3, $0x91;
	s12 =	simm.s32 $0x1;
	_ =	swait.ge [sflag:s10], $0x2000  }
0x60: {  	s14 =	sshll.u32 s18, $0x6;
	s18 =	sadd.s32 $0x139C0, s13;
	s20 =	rddreg [dreg:$0x3]  }
0x61: {  	s13 =	simm.s32 $0x5;
	[sflag:s10] =	ssyncset.done $0x0;
	s20 =	sadd.s32 s14, s20  }
.LBB2_2:
0x62: {  	[sflag:s10] =	ssyncadd.s32 $0xFFFFE000;
	s20 =	sshrl.u32 s20, $0x3  }
0x63: {  	[tilespmem:s31], [sflag:$0x5] =	stream.indirect.gather [hbm4b:s4+s21], $0x80, s18, s21, $0xb8;
	[tilespmem:$0x1DDC0] =	vst v63  }
0x64: {  	s14 =	sadd.s32 s5, s20  }
0x65: {  	[tilespmem:s19], [sflag:$0xB] =	stream.linear.gather [hbm4b:s14+s3], $0x140, $0x38;
	[tilespmem:$0x1DDC0] =	vst v63  }
0x66: {  	s15 =	sand.u32 $0x1, s12;
	s20 =	sadd.s32 s6, s20  }
0x67: {  	[tilespmem:s11], [sflag:$0xC] =	stream.linear.gather [hbm4b:s20+s3], $0x140, $0x38;
	[tilespmem:$0x1DDC0] =	vst v63  }
0x68: {  	s19 =	smul.u32 $0x140, s15;
	_ =	swait.ge [sflag:s0], $0x2000  }
0x69: {  	[sflag:s0] =	ssyncset.done $0x0  }
0x6a: {  	s11 =	sadd.s32 $0x13B40, s19;
	[sflag:s0] =	ssyncadd.s32 $0xFFFFE000  }
0x6b: {  	[spmem:s2] =	stream.indirect.scatter.add.f32 [tilespmem:s22], [sflag:$0x6], $0x80, s11, s21, $0xb8;
	[tilespmem:$0x1DDC0] =	vst v63  }
0x6c: {  	_ =	swait.ge [sflag:s1], $0x2000  }
0x6d: {  	[sflag:s1] =	ssyncset.done $0x0  }
0x6e: {  	s18 =	sxor.u32 $0x1, s15;
	s15 =	sadd.s32 $0x13B80, s19;
	[sflag:s1] =	ssyncadd.s32 $0xFFFFE000  }
0x6f: {  	[spmem:s2] =	stream.indirect.scatter.add.f32 [tilespmem:s24], [sflag:$0x7], $0x80, s15, s21, $0xb8;
	[tilespmem:$0x1DDC0] =	vst v63  }
0x70: {  	_ =	swait.ge [sflag:s16], $0x2000  }
0x71: {  	[sflag:s16] =	ssyncset.done $0x0  }
0x72: {  	s15 =	sadd.s32 $0x13BC0, s19;
	[sflag:s16] =	ssyncadd.s32 $0xFFFFE000  }
0x73: {  	[spmem:s2] =	stream.indirect.scatter.add.f32 [tilespmem:s26], [sflag:$0x8], $0x80, s15, s21, $0xb8;
	[tilespmem:$0x1DDC0] =	vst v63  }
0x74: {  	_ =	swait.ge [sflag:s17], $0x2000  }
0x75: {  	[sflag:s17] =	ssyncset.done $0x0  }
0x76: {  	s15 =	sor.u32 $0x13C00, s19;
	[sflag:s17] =	ssyncadd.s32 $0xFFFFE000  }
0x77: {  	[spmem:s2] =	stream.indirect.scatter.add.f32 [tilespmem:s29], [sflag:$0x9], $0x80, s15, s21, $0xb8;
	[tilespmem:$0x1DDC0] =	vst v63  }
0x78: {  	_ =	swait.ge [sflag:s23], $0x2000  }
0x79: {  	[sflag:s23] =	ssyncset.done $0x0  }
0x7a: {  	s15 =	sadd.s32 $0x13C40, s19;
	[sflag:s23] =	ssyncadd.s32 $0xFFFFE000  }
0x7b: {  	[spmem:s2] =	stream.indirect.scatter.add.f32 [tilespmem:s31], [sflag:$0xA], $0x80, s15, s21, $0xb8;
	[tilespmem:$0x1DDC0] =	vst v63  }
0x7c: {  	_ =	swait.ge [sflag:s25], $0x140  }
0x7d: {  	[sflag:s25] =	ssyncset.done $0x0  }
0x7e: {  	[sflag:s25] =	ssyncadd.s32 $0xFFFFFEC0  }
0x7f: {  	_ =	swait.ge [sflag:s28], $0x140  }
0x80: {  	[sflag:s28] =	ssyncset.done $0x0  }
0x81: {  	s18 =	smul.u32 $0x500, s18;
	[sflag:s28] =	ssyncadd.s32 $0xFFFFFEC0  }
0x82: {  	_ =	swait.ge [sflag:s30], $0x2000  }
0x83: {  	s20 =	sshrl.u32 s18, $0x2;
	[sflag:s30] =	ssyncset.done $0x0  }
0x84: {  	s15 =	sadd.s32 $0x138C0, s20;
	[sflag:s30] =	ssyncadd.s32 $0xFFFFE000  }
0x85: {  	[tilespmem:s22], [sflag:$0x1] =	stream.indirect.gather [hbm4b:s4+s21], $0x80, s15, s21, $0xb8;
	[tilespmem:$0x1DDC0] =	vst v63  }
0x86: {  	_ =	swait.ge [sflag:s7], $0x2000  }
0x87: {  	[sflag:s7] =	ssyncset.done $0x0  }
0x88: {  	s15 =	sadd.s32 $0x13900, s20;
	[sflag:s7] =	ssyncadd.s32 $0xFFFFE000  }
0x89: {  	[tilespmem:s24], [sflag:$0x2] =	stream.indirect.gather [hbm4b:s4+s21], $0x80, s15, s21, $0xb8;
	[tilespmem:$0x1DDC0] =	vst v63  }
0x8a: {  	_ =	swait.ge [sflag:s8], $0x2000  }
0x8b: {  	[sflag:s8] =	ssyncset.done $0x0  }
0x8c: {  	s15 =	sadd.s32 $0x13940, s20;
	[sflag:s8] =	ssyncadd.s32 $0xFFFFE000  }
0x8d: {  	[tilespmem:s26], [sflag:$0x3] =	stream.indirect.gather [hbm4b:s4+s21], $0x80, s15, s21, $0xb8;
	[tilespmem:$0x1DDC0] =	vst v63  }
0x8e: {  	_ =	swait.ge [sflag:s9], $0x2000  }
0x8f: {  	p0 =	sne.s32 s12, $0x1E;
	s12 =	sadd.s32 $0x1, s12;
	[sflag:s9] =	ssyncset.done $0x0  }
.Ltmp0:
0x90: {  	s15 =	sadd.s32 $0x13980, s20;
	[sflag:s9] =	ssyncadd.s32 $0xFFFFE000;
	(pc) =	sbr.rel @p0 .LBB2_2-.Ltmp0, $4  }
0x91: {  	[tilespmem:s29], [sflag:$0x4] =	stream.indirect.gather [hbm4b:s4+s21], $0x80, s15, s21, $0xb8;
	[tilespmem:$0x1DDC0] =	vst v63  }
0x92: {  	s18 =	sadd.s32 $0x139C0, s20;
	s20 =	smin.u32 s13, $0x91;
	_ =	swait.ge [sflag:s10], $0x2000  }
0x93: {  	s19 =	sadd.s32 $0x138C0, s19;
	s15 =	sshll.u32 s20, $0x6;
	s14 =	rddreg [dreg:$0x3]  }
0x94: {  	s13 =	sadd.s32 $0x5, s13;
	[sflag:s10] =	ssyncset.done $0x0;
	s20 =	sadd.s32 s15, s14  }
0x95: {  	[sflag:s10] =	ssyncadd.s32 $0xFFFFE000;
	s12 =	sshrl.u32 s20, $0x3  }
0x96: {  	[tilespmem:s31], [sflag:$0x5] =	stream.indirect.gather [hbm4b:s4+s21], $0x80, s18, s21, $0xb8;
	[tilespmem:$0x1DDC0] =	vst v63  }
0x97: {  	s13 =	sadd.s32 s5, s12  }
0x98: {  	[tilespmem:s19], [sflag:$0xB] =	stream.linear.gather [hbm4b:s13+s3], $0x140, $0x38;
	[tilespmem:$0x1DDC0] =	vst v63  }
0x99: {  	s12 =	sadd.s32 s6, s12  }
0x9a: {  	[tilespmem:s11], [sflag:$0xC] =	stream.linear.gather [hbm4b:s12+s3], $0x140, $0x38;
	[tilespmem:$0x1DDC0] =	vst v63  }
0x9b: {  	_ =	swait.ge [sflag:s25], $0x140  }
0x9c: {  	[sflag:s25] =	ssyncset.done $0x0  }
0x9d: {  	[sflag:s25] =	ssyncadd.s32 $0xFFFFFEC0  }
0x9e: {  	_ =	swait.ge [sflag:s28], $0x140  }
0x9f: {  	[sflag:s28] =	ssyncset.done $0x0  }
0xa0: {  	[sflag:s28] =	ssyncadd.s32 $0xFFFFFEC0  }
0xa1: {  	_ =	swait.ge [sflag:s0], $0x2000  }
0xa2: {  	[sflag:s0] =	ssyncset.done $0x0  }
0xa3: {  	s15 =	simm.s32 $0x13C80;
	[sflag:s0] =	ssyncadd.s32 $0xFFFFE000  }
0xa4: {  	[spmem:s2] =	stream.indirect.scatter.add.f32 [tilespmem:s22], [sflag:$0x6], $0x80, s15, s21, $0xb8;
	[tilespmem:$0x1DDC0] =	vst v63  }
0xa5: {  	_ =	swait.ge [sflag:s1], $0x2000  }
0xa6: {  	[sflag:s1] =	ssyncset.done $0x0  }
0xa7: {  	s18 =	simm.s32 $0x13CC0;
	[sflag:s1] =	ssyncadd.s32 $0xFFFFE000  }
0xa8: {  	[spmem:s2] =	stream.indirect.scatter.add.f32 [tilespmem:s24], [sflag:$0x7], $0x80, s18, s21, $0xb8;
	[tilespmem:$0x1DDC0] =	vst v63  }
0xa9: {  	_ =	swait.ge [sflag:s16], $0x2000  }
0xaa: {  	[sflag:s16] =	ssyncset.done $0x0  }
0xab: {  	s19 =	simm.s32 $0x13D00;
	[sflag:s16] =	ssyncadd.s32 $0xFFFFE000  }
0xac: {  	[spmem:s2] =	stream.indirect.scatter.add.f32 [tilespmem:s26], [sflag:$0x8], $0x80, s19, s21, $0xb8;
	[tilespmem:$0x1DDC0] =	vst v63  }
0xad: {  	_ =	swait.ge [sflag:s17], $0x2000  }
0xae: {  	[sflag:s17] =	ssyncset.done $0x0  }
0xaf: {  	s20 =	simm.s32 $0x13D40;
	[sflag:s17] =	ssyncadd.s32 $0xFFFFE000  }
0xb0: {  	[spmem:s2] =	stream.indirect.scatter.add.f32 [tilespmem:s29], [sflag:$0x9], $0x80, s20, s21, $0xb8;
	[tilespmem:$0x1DDC0] =	vst v63  }
0xb1: {  	_ =	swait.ge [sflag:s23], $0x2000  }
0xb2: {  	[sflag:s23] =	ssyncset.done $0x0  }
0xb3: {  	s12 =	simm.s32 $0x13D80;
	[sflag:s23] =	ssyncadd.s32 $0xFFFFE000  }
0xb4: {  	[spmem:s2] =	stream.indirect.scatter.add.f32 [tilespmem:s31], [sflag:$0xA], $0x80, s12, s21, $0xb8;
	[tilespmem:$0x1DDC0] =	vst v63  }
0xb5: {  	_ =	swait.ge [sflag:s30], $0x2000  }
0xb6: {  	[sflag:s30] =	ssyncset.done $0x0  }
0xb7: {  	[sflag:s30] =	ssyncadd.s32 $0xFFFFE000  }
0xb8: {  	_ =	swait.ge [sflag:s7], $0x2000  }
0xb9: {  	[sflag:s7] =	ssyncset.done $0x0  }
0xba: {  	[sflag:s7] =	ssyncadd.s32 $0xFFFFE000  }
0xbb: {  	_ =	swait.ge [sflag:s8], $0x2000  }
0xbc: {  	[sflag:s8] =	ssyncset.done $0x0  }
0xbd: {  	[sflag:s8] =	ssyncadd.s32 $0xFFFFE000  }
0xbe: {  	_ =	swait.ge [sflag:s9], $0x2000  }
0xbf: {  	[sflag:s9] =	ssyncset.done $0x0  }
0xc0: {  	[sflag:s9] =	ssyncadd.s32 $0xFFFFE000  }
0xc1: {  	_ =	swait.ge [sflag:s10], $0x2000  }
0xc2: {  	[sflag:s10] =	ssyncset.done $0x0  }
0xc3: {  	[sflag:s10] =	ssyncadd.s32 $0xFFFFE000  }
0xc4: {  	[bflag:$0x0] =	sbarrier.arrive $0xFFFF  }
0xc5: {  	s13 =	rddreg [dreg:$0x9]  }
0xc6: {  	s18 =	rddreg [dreg:$0xb]  }
0xc7: {  	s19 =	rddreg [dreg:$0xc]  }
0xc8: {  	[hbm:s13], [sflag:s18] =	dma.local [spmem:s19], $0x2710  }
0xc9: {  	s13 =	simm.s32 $0xD  }
0xca: {  	_ =	swait.ge [sflag:s13], $0x2710  }
0xcb: {  	s14 =	rddreg [dreg:$0xd]  }
0xcc: {  	s20 =	rddreg [dreg:$0xa];
	s12 =	sadd.s32 $0x1, s14  }
0xcd: {  	p0 =	sne.s32 s12, s20  }
.Ltmp1:
0xce: {  	_ = 	snop;
	(pc) =	sbr.rel @p0 .LBB2_1-.Ltmp1, $3  }
0xcf: {  	_ =	sdelay $0x1  }
0xd0: {  	[sflag:s13] =	ssyncset.done $0x0  }
0xd1: {  	[sflag:s13] =	ssyncadd.s32 $0xFFFFD8F0  }
0xd2: {  	_ =	sfence.sel $0x180000  }
0xd3: {  	[bflag:$0x0] =	sbarrier.arrive $0xFFFF  }
0xd4: {  	_ =	strace $0x9000004A  }
0xd5: {  	s0 =	stileid.u32;
	[bflag:$0x2] =	sbarrier.arrive $0xFFFF  }
0xd6: {  	p0 =	sne.s32 s0, $0x0;
	s0 =	rddreg [dreg:$0x2]  }
0xd7: {  	s0 =	sadd.s32 @!p0 $0x100000, s0  }
0xd8: {  	[sflag:s0] =	ssyncadd.tile.s32 @!p0 $0x1;
	_ =	shalt  }
.Lfunc_end2:
_tile_overlayer_lowered:
.L_overlay_start_2:
0xd9: {  	(tag) =	ssettag $0x2  }
0xda: {  	s0 =	rddreg [dreg:$0x0];
	s2 =	stileid.u32  }
0xdb: {  	s1 =	rddreg [dreg:$0x1];
	p0 =	sne.s32 s2, $0x0  }
0xdc: {  	s3 =	rddreg [dreg:$0x2];
	[bflag:$0x3] =	sbarrier.arrive $0xFFFF;
	s2 =	simm.s32 @!p0 $0x1C0D  }
0xdd: {  	[timem:s3], [sflag:s2] =	dma.local @!p0 [hbm:s0], s1  }
0xde: {  	s0 =	simm.s32 @!p0 $0xD  }
0xdf: {  	_ =	swait.ge @!p0 [sflag:s0], s1  }
0xe0: {  	s1 =	ssub.s32 @!p0 $0x0, s1;
	[sflag:s0] =	ssyncset.done @!p0 $0x0  }
0xe1: {  	[sflag:s0] =	ssyncadd.s32 @!p0 s1  }
0xe2: {  	[bflag:$0x3] =	sbarrier.arrive $0xFFFF  }
0xe3: {  	_ =	shalt  }

// kernel: kernel.14.cloned.1.call-start
scs
__scs_entry_jumppad:
0x0: {  	(pc) =	sbr.rel $0x88, $3  }
0x1: {  	(tag) =	ssettag $0x0;
	lr =	simm.s32 $0x1  }
0x2: {  	[smem:$0x3F98] =	sst lr;
	_ =	strace $0xD0000000  }
0x3: {  	_ = 	snop  }
0x4: {  	_ = 	snop  }
0x5: {  	_ = 	snop  }
0x6: {  	_ = 	snop  }
0x7: {  	_ = 	snop  }
__scs_overlays_trampoline_lowered:
0x8: {  	[smem:$0x3FA7] =	sst s0  }
0x9: {  	[smem:$0x3FA8] =	sst s1  }
0xa: {  	[smem:$0x3FA9] =	sst s2  }
0xb: {  	[smem:$0x3FAA] =	sst s3  }
0xc: {  	[smem:$0x3FAB] =	sst s4  }
0xd: {  	[smem:$0x3FAC] =	sst s5  }
0xe: {  	[smem:$0x3FAD] =	sst s6  }
0xf: {  	[smem:$0x3FAE] =	sst s7  }
0x10: {  	[smem:$0x3FAF] =	sst s8  }
0x11: {  	[smem:$0x3FB0] =	sst s9;
	s0 =	simm.s32 @!p0 $0x0  }
0x12: {  	s1 =	sld [smem:$0x3F96];
	s0 =	simm.s32 @p0 $0x1  }
0x13: {  	[smem:$0x3FB1] =	sst s0;
	s0 =	simm.s32 @!p1 $0x0  }
0x14: {  	s2 =	sld [smem:$0x3F95];
	s0 =	simm.s32 @p1 $0x1  }
0x15: {  	[smem:$0x3FB2] =	sst s0;
	s0 =	simm.s32 @!p2 $0x0  }
0x16: {  	s3 =	sld [smem:$0x3FDB];
	s0 =	simm.s32 @p2 $0x1  }
0x17: {  	s4 =	simm.s32 $0x1BF5;
	[smem:$0x3FB4] =	sst s0  }
0x18: {  	s0 =	sld [smem:$0x3F97];
	_ =	swait.ge [sflag:s4], $0x0  }
0x19: {  	s7 =	sld [smem:$0x3F98]  }
0x1a: {  	s8 =	sadd.s32 $0xFFFFE003, lr  }
0x1b: {  	s9 =	sadd.s32 $0xFFFFFEF7, lr;
	s5 =	simm.s32 $0xFFFFFFFF;
	p2 =	slt.u32 s8, $0xFFFFF086  }
0x1c: {  	p1 =	slt.u32 s9, $0xF7A;
	s5 =	simm.s32 @!p2 $0x0  }
0x1d: {  	s5 =	simm.s32 @p1 $0x1;
	p0 =	seq.s32 s7, s2  }
0x1e: {  	s7 =	smul.u32 @!p0 $0xF7A, s2;
	p2 =	seq.s32 @!p0 s5, $0x0  }
0x1f: {  	s9 =	smul.u32 $0xF7A, s1;
	s8 =	simm.s32 @!p0 $0x1BF5;
	p2 =	por !p2, p0  }
0x20: {  	[sflag:s8] =	ssyncset.s32 @!p0 $0xFFFFF086;
	s6 =	sadd.s32 @!p0 s3, s7;
	s7 =	simm.s32 @!p0 $0x108  }
0x21: {  	s3 =	sadd.s32 s3, s9;
	s6 =	sadd.s32 @!p0 $0x88, s6;
	s7 =	simm.s32 @p2 $0x1082  }
0x22: {  	[simem:s7], [sflag:s8] =	dma.local @!p0 [hbm:s6], $0xF7A  }
0x23: {  	s9 =	sor.u32 $0xD0000000, s2;
	s6 =	simm.s32 $0x108;
	_ =	swait.ge @!p0 [sflag:s8], $0x0  }
0x24: {  	s3 =	sadd.s32 $0x88, s3;
	s6 =	simm.s32 @!p1 $0x1082;
	[sflag:s4] =	ssyncset.s32 $0xFFFFF086  }
0x25: {  	[simem:s6], [sflag:s4] =	dma.local [hbm:s3], $0xF7A  }
0x26: {  	[smem:$0x3F98] =	sst s1;
	(tag) =	ssettag s2;
	_ =	strace s9  }
0x27: {  	s1 =	sld [smem:$0x3FA8]  }
0x28: {  	s2 =	sld [smem:$0x3FA9]  }
0x29: {  	s4 =	sld [smem:$0x3FAB]  }
0x2a: {  	p0 =	seq.s32 s5, $0x0;
	s5 =	sld [smem:$0x3FAC]  }
0x2b: {  	s6 =	sld [smem:$0x3FAD]  }
0x2c: {  	s7 =	sld [smem:$0x3FAE]  }
0x2d: {  	s3 =	simm.s32 $0x108;
	s8 =	sld [smem:$0x3FAF]  }
0x2e: {  	s3 =	simm.s32 @!p0 $0x1082;
	s9 =	sld [smem:$0x3FB0]  }
0x2f: {  	lr =	sadd.s32 s0, s3;
	s0 =	sld [smem:$0x3FA7]  }
0x30: {  	s3 =	sld [smem:$0x3FAA]  }
0x31: {  	[smem:$0x3FB3] =	sst s10  }
0x32: {  	s10 =	sld [smem:$0x3FB1];
	_ =	sdelay $0x3  }
0x33: {  	p0 =	seq.s32 s10, $0x1;
	s10 =	sld [smem:$0x3FB3];
	_ =	sdelay $0x3  }
0x34: {  	[smem:$0x3FB3] =	sst s10  }
0x35: {  	s10 =	sld [smem:$0x3FB2];
	_ =	sdelay $0x3  }
0x36: {  	p1 =	seq.s32 s10, $0x1;
	s10 =	sld [smem:$0x3FB3];
	_ =	sdelay $0x3  }
0x37: {  	[smem:$0x3FB3] =	sst s10  }
0x38: {  	s10 =	sld [smem:$0x3FB4]  }
0x39: {  	_ = 	snop;
	(pc) =	sbr.ind lr, $3  }
0x3a: {  	_ = 	snop  }
0x3b: {  	_ = 	snop  }
0x3c: {  	p2 =	seq.s32 s10, $0x1;
	s10 =	sld [smem:$0x3FB3]  }
0x3d: {  	_ =	shalt  }
0x3e: {  	_ =	shalt  }
0x3f: {  	_ =	shalt  }
0x40: {  	_ =	shalt  }
0x41: {  	_ =	shalt  }
0x42: {  	_ =	shalt  }
0x43: {  	_ =	shalt  }
0x44: {  	_ =	shalt  }
0x45: {  	_ =	shalt  }
0x46: {  	_ =	shalt  }
0x47: {  	_ =	shalt  }
0x48: {  	_ =	shalt  }
0x49: {  	_ =	shalt  }
0x4a: {  	_ =	shalt  }
0x4b: {  	_ =	shalt  }
0x4c: {  	_ =	shalt  }
0x4d: {  	_ =	shalt  }
0x4e: {  	_ =	shalt  }
0x4f: {  	_ =	shalt  }
0x50: {  	_ =	shalt  }
0x51: {  	_ =	shalt  }
0x52: {  	_ =	shalt  }
0x53: {  	_ =	shalt  }
0x54: {  	_ =	shalt  }
0x55: {  	_ =	shalt  }
0x56: {  	_ =	shalt  }
0x57: {  	_ =	shalt  }
0x58: {  	_ =	shalt  }
0x59: {  	_ =	shalt  }
0x5a: {  	_ =	shalt  }
0x5b: {  	_ =	shalt  }
0x5c: {  	_ =	shalt  }
0x5d: {  	_ =	shalt  }
0x5e: {  	_ =	shalt  }
0x5f: {  	_ =	shalt  }
0x60: {  	_ =	shalt  }
0x61: {  	_ =	shalt  }
0x62: {  	_ =	shalt  }
0x63: {  	_ =	shalt  }
0x64: {  	_ =	shalt  }
0x65: {  	_ =	shalt  }
0x66: {  	_ =	shalt  }
0x67: {  	_ =	shalt  }
0x68: {  	_ =	shalt  }
0x69: {  	_ =	shalt  }
0x6a: {  	_ =	shalt  }
0x6b: {  	_ =	shalt  }
0x6c: {  	_ =	shalt  }
0x6d: {  	_ =	shalt  }
0x6e: {  	_ =	shalt  }
0x6f: {  	_ =	shalt  }
0x70: {  	_ =	shalt  }
0x71: {  	_ =	shalt  }
0x72: {  	_ =	shalt  }
0x73: {  	_ =	shalt  }
0x74: {  	_ =	shalt  }
0x75: {  	_ =	shalt  }
0x76: {  	_ =	shalt  }
0x77: {  	_ =	shalt  }
0x78: {  	_ =	shalt  }
0x79: {  	_ =	shalt  }
0x7a: {  	_ =	shalt  }
0x7b: {  	_ =	shalt  }
0x7c: {  	_ =	shalt  }
0x7d: {  	_ =	shalt  }
0x7e: {  	_ =	shalt  }
0x7f: {  	_ =	shalt  }
0x80: {  	_ =	shalt  }
0x81: {  	_ =	shalt  }
0x82: {  	_ =	shalt  }
0x83: {  	_ =	shalt  }
0x84: {  	_ =	shalt  }
0x85: {  	_ =	shalt  }
0x86: {  	_ =	shalt  }
0x87: {  	_ =	shalt  }
.Lfunc_end0:
.L_simem_size_0:
called_computation.2_lowered:
.L_overlay_start_0:
0x88: {  	s2 =	sld [smem:$0x3FD9]  }
0x89: {  	s3 =	sld [smem:$0x3FFE];
	_ =	sdelay $0x1  }
0x8a: {  	s1 =	srdreg.scid  }
0x8b: {  	s0 =	sand.u32 $0x1, s1  }
0x8c: {  	s16 =	sshll.u32 s0, $0xA;
	s2 =	sadd.s32 s3, s2  }
0x8d: {  	s2 =	sadd.s32 s2, s16  }
0x8e: {  	[smem:$0x3FBF] =	sst s2  }
0x8f: {  	_ = 	snop  }
0x90: {  	(tm) =	ssettm $0x1  }
0x91: {  	s17 =	sld [smem:$0x3FFB];
	_ =	sdelay $0x3  }
0x92: {  	_ =	strace s17  }
0x93: {  	s2 =	sld [smem:$0x3FFC];
	_ =	sdelay $0x3  }
0x94: {  	_ =	strace s2  }
0x95: {  	s2 =	sld [smem:$0x3FFD];
	_ =	sdelay $0x3  }
0x96: {  	_ =	strace s2  }
0x97: {  	_ =	strace $0x8FFFFFFF  }
0x98: {  	s18 =	sld [smem:$0x3FDB];
	_ =	sdelay $0x1  }
0x99: {  	s19 =	simm.s32 $_scs_section_size  }
0x9a: {  	s4 =	simm.s32 $_size__tile_overlayer_lowered;
	s5 =	simm.s32 $_tile_overlayer_lowered  }
0x9b: {  	s22 =	simm.s32 $0x1BFF;
	s21 =	sshll.u32 s5, $0x1;
	s2 =	sadd.s32 s19, s18  }
0x9c: {  	s6 =	simm.s32 $0x0;
	s20 =	sshll.u32 s4, $0x1;
	s4 =	sadd.s32 s21, s2  }
0x9d: {  	[timem:s6], [sflag:s22] =	dma.local [hbm:s4], s20  }
0x9e: {  	_ =	swait.ge [sflag:s22], s20  }
0x9f: {  	s3 =	ssub.s32 $0x0, s20;
	[sflag:s22] =	ssyncset.done $0x0  }
0xa0: {  	[sflag:s22] =	ssyncadd.s32 s3;
	_ =	sdelay $0x1  }
0xa1: {  	s23 =	simm.s32 $0x1B8B  }
0xa2: {  	_ =	swait.ge [sflag:s23], $0x1  }
0xa3: {  	[sflag:s23] =	ssyncset.done $0x0  }
0xa4: {  	s25 =	simm.s32 $0x1B8E;
	s24 =	sld [smem:$0x3FFE];
	[sflag:s23] =	ssyncadd.s32 $0xFFFFFFFF  }
0xa5: {  	s26 =	simm.s32 $execute0_lowered;
	[smem:$0x3FD2] =	sst s25  }
0xa6: {  	s4 =	sshll.u32 s26, $0x1;
	_ =	strace $0x8000004C;
	[dreg:$0x1] =	wrdreg $0xFFFFFFFF  }
0xa7: {  	s28 =	simm.s32 $_size_execute0_lowered;
	s2 =	sadd.s32 s2, s4;
	[dreg:$0x0] =	wrdreg $0x0  }
0xa8: {  	s4 =	sshll.u32 s28, $0x1;
	[dreg:$0x2] =	wrdreg s2  }
0xa9: {  	[dreg:$0x3] =	wrdreg s4  }
0xaa: {  	[dreg:$0x4] =	wrdreg $0xC0  }
0xab: {  	_ =	task [dreg:s6], $0x5FFFF  }
0xac: {  	[dreg:$0x1] =	wrdreg $0xFFFFFFFF  }
0xad: {  	[dreg:$0x0] =	wrdreg $0x60  }
0xae: {  	[dreg:$0x2] =	wrdreg s24  }
0xaf: {  	[dreg:$0x3] =	wrdreg $0x0  }
0xb0: {  	[dreg:$0x4] =	wrdreg $0x9  }
0xb1: {  	_ =	task.clear_ibuf [dreg:s6], $0x5FFFF;
	_ =	strace $0x9000004C  }
0xb2: {  	s29 =	simm.s32 $0x9;
	_ =	strace $0x8000004E  }
0xb3: {  	_ =	swait.ge [sflag:s29], $0x1  }
0xb4: {  	[sflag:s29] =	ssyncadd.s32 $0xFFFFFFFF  }
0xb5: {  	_ =	strace $0x9000004E  }
0xb6: {  	_ =	sfence  }
0xb7: {  	s30 =	sld [smem:$0x0];
	_ =	sdelay $0x2  }
0xb8: {  	s31 =	sshll.u32 s1, $0xD;
	s1 =	sshrl.u32 s1, $0x2  }
0xb9: {  	s3 =	sand.u32 $0x4000, s31;
	s1 =	sadd.s32 s1, s30  }
0xba: {  	s0 =	sor.u32 s3, s0;
	s1 =	sshll.u32 s1, $0x11  }
0xbb: {  	s0 =	sor.u32 s1, s0  }
0xbc: {  	s0 =	sadd.s32 $0x8F2B, s0  }
0xbd: {  	[sflag:s0] =	ssyncadd.remote.s32 $0x1  }
0xbe: {  	_ =	sfence.sel $0xFFFF  }
0xbf: {  	[dreg:$0x0] =	wrdreg $0xFFFFFFFF;
	(pc) =	sbr.abs _section_cstart, $3  }
0xc0: {  	[dreg:$0x1] =	wrdreg $0xFFFFFFFF  }
0xc1: {  	_ =	task.clear_ibuf [dreg:s6], $0x2FFFF;
	_ =	strace $0x9FFFFFFF  }
0xc2: {  	(tm) =	ssettm $0x7FFFFFFF  }
0xc3: {  	_ =	shalt  }
tec
execute0_lowered:
.L_overlay_start_1:
0x0: {  	(tag) =	ssettag $0x1  }
0x1: {  	s0 =	rddreg [dreg:$0x0]  }
0x2: {  	s2 =	rddreg [dreg:$0x1]  }
0x3: {  	s1 =	srdreg.scid;
	s11 =	stileid.u32;
	s3 =	simm.s32 $0x0  }
0x4: {  	s13 =	simm.s32 $0xD;
	s15 =	simm.s32 $0x13C80;
	s29 =	simm.s32 $0x19DC0  }
0x5: {  	s31 =	simm.s32 $0x1BDC0;
	s16 =	simm.s32 $0x3;
	s17 =	simm.s32 $0x4  }
0x6: {  	s28 =	simm.s32 $0xC;
	s30 =	simm.s32 $0x6;
	s12 =	simm.s32 $0x0  }
0x7: {  	s1 =	sand.u32 $0x1, s1;
	s7 =	smul.u32 $0x13880, s11;
	[smem:$0x7FF] =	sst s3  }
0x8: {  	s5 =	sshll.u32 s11, $0x1;
	s4 =	sadd.s32 $0x3400, s0;
	s26 =	sshll.u32 s11, $0x6  }
0x9: {  	s6 =	smul.u32 $0x138800, s1;
	_ =	strace $0x8000004D;
	s8 =	sor.u32 s1, s5  }
0xa: {  	s5 =	sadd.s32 $0x35200, s0;
	s1 =	ssub.s32 $0x2, s1;
	s18 =	sor.u32 $0x1C0D, s26  }
0xb: {  	s26 =	simm.s32 $0x17DC0;
	s8 =	smul.u32 $0x2800, s8;
	s20 =	sshrl.u32 s1, $0x1  }
0xc: {  	s24 =	sadd.s32 s7, s2;
	[dreg:$0xb] =	wrdreg s18;
	s9 =	sadd.s32 s7, s6  }
0xd: {  	s6 =	sadd.s32 $0x3F200, s0;
	s1 =	ssub.s32 s1, s20;
	s7 =	sshrl.u32 s7, $0x3  }
0xe: {  	s19 =	sshrl.u32 s24, $0x3;
	s24 =	simm.s32 $0x15DC0;
	s9 =	sshrl.u32 s9, $0x3  }
0xf: {  	s10 =	sshrl.u32 s8, $0x3;
	s7 =	sadd.s32 s4, s7;
	[dreg:$0xc] =	wrdreg s19  }
0x10: {  	s8 =	sor.u32 $0x280, s8;
	s25 =	smax.u32 s1, $0x1;
	[dreg:$0x8] =	wrdreg s7  }
0x11: {  	s1 =	simm.s32 $0x2;
	s0 =	sadd.s32 s9, s0;
	[dreg:$0x3] =	wrdreg s8  }
0x12: {  	s21 =	sadd.s32 s5, s10;
	s22 =	sor.u32 $0x28, s10;
	[dreg:$0xa] =	wrdreg s25  }
0x13: {  	s10 =	sadd.s32 s6, s10;
	s25 =	simm.s32 $0xB;
	[dreg:$0x4] =	wrdreg s21  }
0x14: {  	s7 =	simm.s32 $0x7;
	[dreg:$0x5] =	wrdreg s10;
	s23 =	sadd.s32 s5, s22  }
0x15: {  	s8 =	simm.s32 $0x8;
	s9 =	sadd.s32 s6, s22;
	[dreg:$0x6] =	wrdreg s23  }
0x16: {  	s0 =	sadd.s32 $0x49200, s0;
	s21 =	simm.s32 $0x40;
	[dreg:$0x7] =	wrdreg s9  }
0x17: {  	s22 =	simm.s32 $0x13DC0;
	s10 =	simm.s32 $0xA;
	[dreg:$0x9] =	wrdreg s0  }
0x18: {  	s0 =	simm.s32 $0x1;
	s23 =	simm.s32 $0x5;
	s9 =	simm.s32 $0x9  }
.LBB2_1:
0x19: {  	[dreg:$0xd] =	wrdreg s12  }
0x1a: {  	s11 =	rddreg [dreg:$0x4];
	s12 =	simm.s32 $0x138C0  }
0x1b: {  	[tilespmem:s12], [sflag:$0xD] =	stream.linear.gather [hbm4b:s11+s3], $0x140, $0x38;
	[tilespmem:$0x1DDC0] =	vst v63  }
0x1c: {  	_ =	swait.ge [sflag:s13], $0x140  }
0x1d: {  	[sflag:s13] =	ssyncset.done $0x0  }
0x1e: {  	s14 =	simm.s32 $0x13B40;
	s20 =	rddreg [dreg:$0x5];
	[sflag:s13] =	ssyncadd.s32 $0xFFFFFEC0  }
0x1f: {  	[tilespmem:s14], [sflag:$0xD] =	stream.linear.gather [hbm4b:s20+s3], $0x140, $0x38;
	[tilespmem:$0x1DDC0] =	vst v63  }
0x20: {  	_ =	swait.ge [sflag:s13], $0x140  }
0x21: {  	[sflag:s13] =	ssyncset.done $0x0  }
0x22: {  	s20 =	simm.s32 $0x13A00;
	s14 =	rddreg [dreg:$0x6];
	[sflag:s13] =	ssyncadd.s32 $0xFFFFFEC0  }
0x23: {  	[tilespmem:s20], [sflag:$0xB] =	stream.linear.gather [hbm4b:s14+s3], $0x140, $0x38;
	[tilespmem:$0x1DDC0] =	vst v63  }
0x24: {  	s14 =	rddreg [dreg:$0x7]  }
0x25: {  	s20 =	rddreg [dreg:$0x8]  }
0x26: {  	[tilespmem:s15], [sflag:$0xC] =	stream.linear.gather [hbm4b:s14+s3], $0x140, $0x38;
	[tilespmem:$0x1DDC0] =	vst v63  }
0x27: {  	[spmem:s19], [sflag:s18] =	dma.local [hbm:s20], $0x2710  }
0x28: {  	_ =	swait.ge [sflag:s13], $0x2710  }
0x29: {  	[sflag:s13] =	ssyncset.done $0x0  }
0x2a: {  	[sflag:s13] =	ssyncadd.s32 $0xFFFFD8F0  }
0x2b: {  	[bflag:$0x0] =	sbarrier.arrive $0xFFFF  }
0x2c: {  	[tilespmem:s22], [sflag:$0x1] =	stream.indirect.gather [hbm4b:s4+s21], $0x80, s12, s21, $0xb8;
	[tilespmem:$0x1DDC0] =	vst v63  }
0x2d: {  	s14 =	simm.s32 $0x13900  }
0x2e: {  	[tilespmem:s24], [sflag:$0x2] =	stream.indirect.gather [hbm4b:s4+s21], $0x80, s14, s21, $0xb8;
	[tilespmem:$0x1DDC0] =	vst v63  }
0x2f: {  	s15 =	simm.s32 $0x13940  }
0x30: {  	[tilespmem:s26], [sflag:$0x3] =	stream.indirect.gather [hbm4b:s4+s21], $0x80, s15, s21, $0xb8;
	[tilespmem:$0x1DDC0] =	vst v63  }
0x31: {  	s18 =	simm.s32 $0x13980  }
0x32: {  	[tilespmem:s29], [sflag:$0x4] =	stream.indirect.gather [hbm4b:s4+s21], $0x80, s18, s21, $0xb8;
	[tilespmem:$0x1DDC0] =	vst v63  }
0x33: {  	s19 =	simm.s32 $0x139C0;
	s12 =	sand.u32 $0x1, s3  }
0x34: {  	[tilespmem:s31], [sflag:$0x5] =	stream.indirect.gather [hbm4b:s4+s21], $0x80, s19, s21, $0xb8;
	[tilespmem:$0x1DDC0] =	vst v63  }
0x35: {  	s19 =	smul.u32 $0x140, s12;
	_ =	swait.ge [sflag:s0], $0x2000  }
0x36: {  	[sflag:s0] =	ssyncset.done $0x0  }
0x37: {  	s11 =	sadd.s32 $0x13B40, s19;
	[sflag:s0] =	ssyncadd.s32 $0xFFFFE000  }
0x38: {  	[spmem:s2] =	stream.indirect.scatter.add.f32 [tilespmem:s22], [sflag:$0x6], $0x80, s11, s21, $0xb8;
	[tilespmem:$0x1DDC0] =	vst v63  }
0x39: {  	_ =	swait.ge [sflag:s1], $0x2000  }
0x3a: {  	[sflag:s1] =	ssyncset.done $0x0  }
0x3b: {  	s20 =	sadd.s32 $0x13B80, s19;
	[sflag:s1] =	ssyncadd.s32 $0xFFFFE000  }
0x3c: {  	[spmem:s2] =	stream.indirect.scatter.add.f32 [tilespmem:s24], [sflag:$0x7], $0x80, s20, s21, $0xb8;
	[tilespmem:$0x1DDC0] =	vst v63  }
0x3d: {  	_ =	swait.ge [sflag:s16], $0x2000  }
0x3e: {  	[sflag:s16] =	ssyncset.done $0x0  }
0x3f: {  	s14 =	sadd.s32 $0x13BC0, s19;
	[sflag:s16] =	ssyncadd.s32 $0xFFFFE000  }
0x40: {  	[spmem:s2] =	stream.indirect.scatter.add.f32 [tilespmem:s26], [sflag:$0x8], $0x80, s14, s21, $0xb8;
	[tilespmem:$0x1DDC0] =	vst v63  }
0x41: {  	_ =	swait.ge [sflag:s17], $0x2000  }
0x42: {  	[sflag:s17] =	ssyncset.done $0x0  }
0x43: {  	s15 =	sor.u32 $0x13C00, s19;
	[sflag:s17] =	ssyncadd.s32 $0xFFFFE000  }
0x44: {  	[spmem:s2] =	stream.indirect.scatter.add.f32 [tilespmem:s29], [sflag:$0x9], $0x80, s15, s21, $0xb8;
	[tilespmem:$0x1DDC0] =	vst v63  }
0x45: {  	_ =	swait.ge [sflag:s23], $0x2000  }
0x46: {  	[sflag:s23] =	ssyncset.done $0x0  }
0x47: {  	s18 =	sadd.s32 $0x13C40, s19;
	[sflag:s23] =	ssyncadd.s32 $0xFFFFE000  }
0x48: {  	[spmem:s2] =	stream.indirect.scatter.add.f32 [tilespmem:s31], [sflag:$0xA], $0x80, s18, s21, $0xb8;
	[tilespmem:$0x1DDC0] =	vst v63  }
0x49: {  	_ =	swait.ge [sflag:s25], $0x140  }
0x4a: {  	[sflag:s25] =	ssyncset.done $0x0  }
0x4b: {  	[sflag:s25] =	ssyncadd.s32 $0xFFFFFEC0  }
0x4c: {  	_ =	swait.ge [sflag:s28], $0x140  }
0x4d: {  	s12 =	sxor.u32 $0x1, s12;
	[sflag:s28] =	ssyncset.done $0x0  }
0x4e: {  	s12 =	smul.u32 $0x500, s12;
	[sflag:s28] =	ssyncadd.s32 $0xFFFFFEC0  }
0x4f: {  	_ =	swait.ge [sflag:s30], $0x2000  }
0x50: {  	s13 =	sshrl.u32 s12, $0x2;
	[sflag:s30] =	ssyncset.done $0x0  }
0x51: {  	s12 =	sadd.s32 $0x138C0, s13;
	[sflag:s30] =	ssyncadd.s32 $0xFFFFE000  }
0x52: {  	[tilespmem:s22], [sflag:$0x1] =	stream.indirect.gather [hbm4b:s4+s21], $0x80, s12, s21, $0xb8;
	[tilespmem:$0x1DDC0] =	vst v63  }
0x53: {  	_ =	swait.ge [sflag:s7], $0x2000  }
0x54: {  	[sflag:s7] =	ssyncset.done $0x0  }
0x55: {  	s20 =	sadd.s32 $0x13900, s13;
	[sflag:s7] =	ssyncadd.s32 $0xFFFFE000  }
0x56: {  	[tilespmem:s24], [sflag:$0x2] =	stream.indirect.gather [hbm4b:s4+s21], $0x80, s20, s21, $0xb8;
	[tilespmem:$0x1DDC0] =	vst v63  }
0x57: {  	_ =	swait.ge [sflag:s8], $0x2000  }
0x58: {  	[sflag:s8] =	ssyncset.done $0x0  }
0x59: {  	s14 =	sadd.s32 $0x13940, s13;
	[sflag:s8] =	ssyncadd.s32 $0xFFFFE000  }
0x5a: {  	[tilespmem:s26], [sflag:$0x3] =	stream.indirect.gather [hbm4b:s4+s21], $0x80, s14, s21, $0xb8;
	[tilespmem:$0x1DDC0] =	vst v63  }
0x5b: {  	_ =	swait.ge [sflag:s9], $0x2000  }
0x5c: {  	[sflag:s9] =	ssyncset.done $0x0  }
0x5d: {  	s19 =	sadd.s32 $0x138C0, s19;
	s15 =	sadd.s32 $0x13980, s13;
	[sflag:s9] =	ssyncadd.s32 $0xFFFFE000  }
0x5e: {  	[tilespmem:s29], [sflag:$0x4] =	stream.indirect.gather [hbm4b:s4+s21], $0x80, s15, s21, $0xb8;
	[tilespmem:$0x1DDC0] =	vst v63  }
0x5f: {  	s18 =	smin.u32 s3, $0x91;
	s12 =	simm.s32 $0x1;
	_ =	swait.ge [sflag:s10], $0x2000  }
0x60: {  	s14 =	sshll.u32 s18, $0x6;
	s18 =	sadd.s32 $0x139C0, s13;
	s20 =	rddreg [dreg:$0x3]  }
0x61: {  	s13 =	simm.s32 $0x5;
	[sflag:s10] =	ssyncset.done $0x0;
	s20 =	sadd.s32 s14, s20  }
.LBB2_2:
0x62: {  	[sflag:s10] =	ssyncadd.s32 $0xFFFFE000;
	s20 =	sshrl.u32 s20, $0x3  }
0x63: {  	[tilespmem:s31], [sflag:$0x5] =	stream.indirect.gather [hbm4b:s4+s21], $0x80, s18, s21, $0xb8;
	[tilespmem:$0x1DDC0] =	vst v63  }
0x64: {  	s14 =	sadd.s32 s5, s20  }
0x65: {  	[tilespmem:s19], [sflag:$0xB] =	stream.linear.gather [hbm4b:s14+s3], $0x140, $0x38;
	[tilespmem:$0x1DDC0] =	vst v63  }
0x66: {  	s15 =	sand.u32 $0x1, s12;
	s20 =	sadd.s32 s6, s20  }
0x67: {  	[tilespmem:s11], [sflag:$0xC] =	stream.linear.gather [hbm4b:s20+s3], $0x140, $0x38;
	[tilespmem:$0x1DDC0] =	vst v63  }
0x68: {  	s19 =	smul.u32 $0x140, s15;
	_ =	swait.ge [sflag:s0], $0x2000  }
0x69: {  	[sflag:s0] =	ssyncset.done $0x0  }
0x6a: {  	s11 =	sadd.s32 $0x13B40, s19;
	[sflag:s0] =	ssyncadd.s32 $0xFFFFE000  }
0x6b: {  	[spmem:s2] =	stream.indirect.scatter.add.f32 [tilespmem:s22], [sflag:$0x6], $0x80, s11, s21, $0xb8;
	[tilespmem:$0x1DDC0] =	vst v63  }
0x6c: {  	_ =	swait.ge [sflag:s1], $0x2000  }
0x6d: {  	[sflag:s1] =	ssyncset.done $0x0  }
0x6e: {  	s18 =	sxor.u32 $0x1, s15;
	s15 =	sadd.s32 $0x13B80, s19;
	[sflag:s1] =	ssyncadd.s32 $0xFFFFE000  }
0x6f: {  	[spmem:s2] =	stream.indirect.scatter.add.f32 [tilespmem:s24], [sflag:$0x7], $0x80, s15, s21, $0xb8;
	[tilespmem:$0x1DDC0] =	vst v63  }
0x70: {  	_ =	swait.ge [sflag:s16], $0x2000  }
0x71: {  	[sflag:s16] =	ssyncset.done $0x0  }
0x72: {  	s15 =	sadd.s32 $0x13BC0, s19;
	[sflag:s16] =	ssyncadd.s32 $0xFFFFE000  }
0x73: {  	[spmem:s2] =	stream.indirect.scatter.add.f32 [tilespmem:s26], [sflag:$0x8], $0x80, s15, s21, $0xb8;
	[tilespmem:$0x1DDC0] =	vst v63  }
0x74: {  	_ =	swait.ge [sflag:s17], $0x2000  }
0x75: {  	[sflag:s17] =	ssyncset.done $0x0  }
0x76: {  	s15 =	sor.u32 $0x13C00, s19;
	[sflag:s17] =	ssyncadd.s32 $0xFFFFE000  }
0x77: {  	[spmem:s2] =	stream.indirect.scatter.add.f32 [tilespmem:s29], [sflag:$0x9], $0x80, s15, s21, $0xb8;
	[tilespmem:$0x1DDC0] =	vst v63  }
0x78: {  	_ =	swait.ge [sflag:s23], $0x2000  }
0x79: {  	[sflag:s23] =	ssyncset.done $0x0  }
0x7a: {  	s15 =	sadd.s32 $0x13C40, s19;
	[sflag:s23] =	ssyncadd.s32 $0xFFFFE000  }
0x7b: {  	[spmem:s2] =	stream.indirect.scatter.add.f32 [tilespmem:s31], [sflag:$0xA], $0x80, s15, s21, $0xb8;
	[tilespmem:$0x1DDC0] =	vst v63  }
0x7c: {  	_ =	swait.ge [sflag:s25], $0x140  }
0x7d: {  	[sflag:s25] =	ssyncset.done $0x0  }
0x7e: {  	[sflag:s25] =	ssyncadd.s32 $0xFFFFFEC0  }
0x7f: {  	_ =	swait.ge [sflag:s28], $0x140  }
0x80: {  	[sflag:s28] =	ssyncset.done $0x0  }
0x81: {  	s18 =	smul.u32 $0x500, s18;
	[sflag:s28] =	ssyncadd.s32 $0xFFFFFEC0  }
0x82: {  	_ =	swait.ge [sflag:s30], $0x2000  }
0x83: {  	s20 =	sshrl.u32 s18, $0x2;
	[sflag:s30] =	ssyncset.done $0x0  }
0x84: {  	s15 =	sadd.s32 $0x138C0, s20;
	[sflag:s30] =	ssyncadd.s32 $0xFFFFE000  }
0x85: {  	[tilespmem:s22], [sflag:$0x1] =	stream.indirect.gather [hbm4b:s4+s21], $0x80, s15, s21, $0xb8;
	[tilespmem:$0x1DDC0] =	vst v63  }
0x86: {  	_ =	swait.ge [sflag:s7], $0x2000  }
0x87: {  	[sflag:s7] =	ssyncset.done $0x0  }
0x88: {  	s15 =	sadd.s32 $0x13900, s20;
	[sflag:s7] =	ssyncadd.s32 $0xFFFFE000  }
0x89: {  	[tilespmem:s24], [sflag:$0x2] =	stream.indirect.gather [hbm4b:s4+s21], $0x80, s15, s21, $0xb8;
	[tilespmem:$0x1DDC0] =	vst v63  }
0x8a: {  	_ =	swait.ge [sflag:s8], $0x2000  }
0x8b: {  	[sflag:s8] =	ssyncset.done $0x0  }
0x8c: {  	s15 =	sadd.s32 $0x13940, s20;
	[sflag:s8] =	ssyncadd.s32 $0xFFFFE000  }
0x8d: {  	[tilespmem:s26], [sflag:$0x3] =	stream.indirect.gather [hbm4b:s4+s21], $0x80, s15, s21, $0xb8;
	[tilespmem:$0x1DDC0] =	vst v63  }
0x8e: {  	_ =	swait.ge [sflag:s9], $0x2000  }
0x8f: {  	p0 =	sne.s32 s12, $0x1E;
	s12 =	sadd.s32 $0x1, s12;
	[sflag:s9] =	ssyncset.done $0x0  }
.Ltmp0:
0x90: {  	s15 =	sadd.s32 $0x13980, s20;
	[sflag:s9] =	ssyncadd.s32 $0xFFFFE000;
	(pc) =	sbr.rel @p0 .LBB2_2-.Ltmp0, $4  }
0x91: {  	[tilespmem:s29], [sflag:$0x4] =	stream.indirect.gather [hbm4b:s4+s21], $0x80, s15, s21, $0xb8;
	[tilespmem:$0x1DDC0] =	vst v63  }
0x92: {  	s18 =	sadd.s32 $0x139C0, s20;
	s20 =	smin.u32 s13, $0x91;
	_ =	swait.ge [sflag:s10], $0x2000  }
0x93: {  	s19 =	sadd.s32 $0x138C0, s19;
	s15 =	sshll.u32 s20, $0x6;
	s14 =	rddreg [dreg:$0x3]  }
0x94: {  	s13 =	sadd.s32 $0x5, s13;
	[sflag:s10] =	ssyncset.done $0x0;
	s20 =	sadd.s32 s15, s14  }
0x95: {  	[sflag:s10] =	ssyncadd.s32 $0xFFFFE000;
	s12 =	sshrl.u32 s20, $0x3  }
0x96: {  	[tilespmem:s31], [sflag:$0x5] =	stream.indirect.gather [hbm4b:s4+s21], $0x80, s18, s21, $0xb8;
	[tilespmem:$0x1DDC0] =	vst v63  }
0x97: {  	s13 =	sadd.s32 s5, s12  }
0x98: {  	[tilespmem:s19], [sflag:$0xB] =	stream.linear.gather [hbm4b:s13+s3], $0x140, $0x38;
	[tilespmem:$0x1DDC0] =	vst v63  }
0x99: {  	s12 =	sadd.s32 s6, s12  }
0x9a: {  	[tilespmem:s11], [sflag:$0xC] =	stream.linear.gather [hbm4b:s12+s3], $0x140, $0x38;
	[tilespmem:$0x1DDC0] =	vst v63  }
0x9b: {  	_ =	swait.ge [sflag:s25], $0x140  }
0x9c: {  	[sflag:s25] =	ssyncset.done $0x0  }
0x9d: {  	[sflag:s25] =	ssyncadd.s32 $0xFFFFFEC0  }
0x9e: {  	_ =	swait.ge [sflag:s28], $0x140  }
0x9f: {  	[sflag:s28] =	ssyncset.done $0x0  }
0xa0: {  	[sflag:s28] =	ssyncadd.s32 $0xFFFFFEC0  }
0xa1: {  	_ =	swait.ge [sflag:s0], $0x2000  }
0xa2: {  	[sflag:s0] =	ssyncset.done $0x0  }
0xa3: {  	s15 =	simm.s32 $0x13C80;
	[sflag:s0] =	ssyncadd.s32 $0xFFFFE000  }
0xa4: {  	[spmem:s2] =	stream.indirect.scatter.add.f32 [tilespmem:s22], [sflag:$0x6], $0x80, s15, s21, $0xb8;
	[tilespmem:$0x1DDC0] =	vst v63  }
0xa5: {  	_ =	swait.ge [sflag:s1], $0x2000  }
0xa6: {  	[sflag:s1] =	ssyncset.done $0x0  }
0xa7: {  	s18 =	simm.s32 $0x13CC0;
	[sflag:s1] =	ssyncadd.s32 $0xFFFFE000  }
0xa8: {  	[spmem:s2] =	stream.indirect.scatter.add.f32 [tilespmem:s24], [sflag:$0x7], $0x80, s18, s21, $0xb8;
	[tilespmem:$0x1DDC0] =	vst v63  }
0xa9: {  	_ =	swait.ge [sflag:s16], $0x2000  }
0xaa: {  	[sflag:s16] =	ssyncset.done $0x0  }
0xab: {  	s19 =	simm.s32 $0x13D00;
	[sflag:s16] =	ssyncadd.s32 $0xFFFFE000  }
0xac: {  	[spmem:s2] =	stream.indirect.scatter.add.f32 [tilespmem:s26], [sflag:$0x8], $0x80, s19, s21, $0xb8;
	[tilespmem:$0x1DDC0] =	vst v63  }
0xad: {  	_ =	swait.ge [sflag:s17], $0x2000  }
0xae: {  	[sflag:s17] =	ssyncset.done $0x0  }
0xaf: {  	s20 =	simm.s32 $0x13D40;
	[sflag:s17] =	ssyncadd.s32 $0xFFFFE000  }
0xb0: {  	[spmem:s2] =	stream.indirect.scatter.add.f32 [tilespmem:s29], [sflag:$0x9], $0x80, s20, s21, $0xb8;
	[tilespmem:$0x1DDC0] =	vst v63  }
0xb1: {  	_ =	swait.ge [sflag:s23], $0x2000  }
0xb2: {  	[sflag:s23] =	ssyncset.done $0x0  }
0xb3: {  	s12 =	simm.s32 $0x13D80;
	[sflag:s23] =	ssyncadd.s32 $0xFFFFE000  }
0xb4: {  	[spmem:s2] =	stream.indirect.scatter.add.f32 [tilespmem:s31], [sflag:$0xA], $0x80, s12, s21, $0xb8;
	[tilespmem:$0x1DDC0] =	vst v63  }
0xb5: {  	_ =	swait.ge [sflag:s30], $0x2000  }
0xb6: {  	[sflag:s30] =	ssyncset.done $0x0  }
0xb7: {  	[sflag:s30] =	ssyncadd.s32 $0xFFFFE000  }
0xb8: {  	_ =	swait.ge [sflag:s7], $0x2000  }
0xb9: {  	[sflag:s7] =	ssyncset.done $0x0  }
0xba: {  	[sflag:s7] =	ssyncadd.s32 $0xFFFFE000  }
0xbb: {  	_ =	swait.ge [sflag:s8], $0x2000  }
0xbc: {  	[sflag:s8] =	ssyncset.done $0x0  }
0xbd: {  	[sflag:s8] =	ssyncadd.s32 $0xFFFFE000  }
0xbe: {  	_ =	swait.ge [sflag:s9], $0x2000  }
0xbf: {  	[sflag:s9] =	ssyncset.done $0x0  }
0xc0: {  	[sflag:s9] =	ssyncadd.s32 $0xFFFFE000  }
0xc1: {  	_ =	swait.ge [sflag:s10], $0x2000  }
0xc2: {  	[sflag:s10] =	ssyncset.done $0x0  }
0xc3: {  	[sflag:s10] =	ssyncadd.s32 $0xFFFFE000  }
0xc4: {  	[bflag:$0x0] =	sbarrier.arrive $0xFFFF  }
0xc5: {  	s13 =	rddreg [dreg:$0x9]  }
0xc6: {  	s18 =	rddreg [dreg:$0xb]  }
0xc7: {  	s19 =	rddreg [dreg:$0xc]  }
0xc8: {  	[hbm:s13], [sflag:s18] =	dma.local [spmem:s19], $0x2710  }
0xc9: {  	s13 =	simm.s32 $0xD  }
0xca: {  	_ =	swait.ge [sflag:s13], $0x2710  }
0xcb: {  	s14 =	rddreg [dreg:$0xd]  }
0xcc: {  	s20 =	rddreg [dreg:$0xa];
	s12 =	sadd.s32 $0x1, s14  }
0xcd: {  	p0 =	sne.s32 s12, s20  }
.Ltmp1:
0xce: {  	_ = 	snop;
	(pc) =	sbr.rel @p0 .LBB2_1-.Ltmp1, $3  }
0xcf: {  	_ =	sdelay $0x1  }
0xd0: {  	[sflag:s13] =	ssyncset.done $0x0  }
0xd1: {  	[sflag:s13] =	ssyncadd.s32 $0xFFFFD8F0  }
0xd2: {  	_ =	sfence.sel $0x180000  }
0xd3: {  	[bflag:$0x0] =	sbarrier.arrive $0xFFFF  }
0xd4: {  	_ =	strace $0x9000004D  }
0xd5: {  	s0 =	stileid.u32;
	[bflag:$0x2] =	sbarrier.arrive $0xFFFF  }
0xd6: {  	p0 =	sne.s32 s0, $0x0;
	s0 =	rddreg [dreg:$0x2]  }
0xd7: {  	s0 =	sadd.s32 @!p0 $0x100000, s0  }
0xd8: {  	[sflag:s0] =	ssyncadd.tile.s32 @!p0 $0x1;
	_ =	shalt  }
.Lfunc_end2:
_tile_overlayer_lowered:
.L_overlay_start_2:
0xd9: {  	(tag) =	ssettag $0x2  }
0xda: {  	s0 =	rddreg [dreg:$0x0];
	s2 =	stileid.u32  }
0xdb: {  	s1 =	rddreg [dreg:$0x1];
	p0 =	sne.s32 s2, $0x0  }
0xdc: {  	s3 =	rddreg [dreg:$0x2];
	[bflag:$0x3] =	sbarrier.arrive $0xFFFF;
	s2 =	simm.s32 @!p0 $0x1C0D  }
0xdd: {  	[timem:s3], [sflag:s2] =	dma.local @!p0 [hbm:s0], s1  }
0xde: {  	s0 =	simm.s32 @!p0 $0xD  }
0xdf: {  	_ =	swait.ge @!p0 [sflag:s0], s1  }
0xe0: {  	s1 =	ssub.s32 @!p0 $0x0, s1;
	[sflag:s0] =	ssyncset.done @!p0 $0x0  }
0xe1: {  	[sflag:s0] =	ssyncadd.s32 @!p0 s1  }
0xe2: {  	[bflag:$0x3] =	sbarrier.arrive $0xFFFF  }
0xe3: {  	_ =	shalt  }

// kernel: kernel.8.cloned.1.call-start
scs
__scs_entry_jumppad:
0x0: {  	(pc) =	sbr.rel $0x88, $3  }
0x1: {  	(tag) =	ssettag $0x0;
	lr =	simm.s32 $0x1  }
0x2: {  	[smem:$0x3F98] =	sst lr;
	_ =	strace $0xD0000000  }
0x3: {  	_ = 	snop  }
0x4: {  	_ = 	snop  }
0x5: {  	_ = 	snop  }
0x6: {  	_ = 	snop  }
0x7: {  	_ = 	snop  }
__scs_overlays_trampoline_lowered:
0x8: {  	[smem:$0x3FA7] =	sst s0  }
0x9: {  	[smem:$0x3FA8] =	sst s1  }
0xa: {  	[smem:$0x3FA9] =	sst s2  }
0xb: {  	[smem:$0x3FAA] =	sst s3  }
0xc: {  	[smem:$0x3FAB] =	sst s4  }
0xd: {  	[smem:$0x3FAC] =	sst s5  }
0xe: {  	[smem:$0x3FAD] =	sst s6  }
0xf: {  	[smem:$0x3FAE] =	sst s7  }
0x10: {  	[smem:$0x3FAF] =	sst s8  }
0x11: {  	[smem:$0x3FB0] =	sst s9;
	s0 =	simm.s32 @!p0 $0x0  }
0x12: {  	s1 =	sld [smem:$0x3F96];
	s0 =	simm.s32 @p0 $0x1  }
0x13: {  	[smem:$0x3FB1] =	sst s0;
	s0 =	simm.s32 @!p1 $0x0  }
0x14: {  	s2 =	sld [smem:$0x3F95];
	s0 =	simm.s32 @p1 $0x1  }
0x15: {  	[smem:$0x3FB2] =	sst s0;
	s0 =	simm.s32 @!p2 $0x0  }
0x16: {  	s3 =	sld [smem:$0x3FDB];
	s0 =	simm.s32 @p2 $0x1  }
0x17: {  	s4 =	simm.s32 $0x1BF5;
	[smem:$0x3FB4] =	sst s0  }
0x18: {  	s0 =	sld [smem:$0x3F97];
	_ =	swait.ge [sflag:s4], $0x0  }
0x19: {  	s7 =	sld [smem:$0x3F98]  }
0x1a: {  	s8 =	sadd.s32 $0xFFFFE003, lr  }
0x1b: {  	s9 =	sadd.s32 $0xFFFFFEF7, lr;
	s5 =	simm.s32 $0xFFFFFFFF;
	p2 =	slt.u32 s8, $0xFFFFF086  }
0x1c: {  	p1 =	slt.u32 s9, $0xF7A;
	s5 =	simm.s32 @!p2 $0x0  }
0x1d: {  	s5 =	simm.s32 @p1 $0x1;
	p0 =	seq.s32 s7, s2  }
0x1e: {  	s7 =	smul.u32 @!p0 $0xF7A, s2;
	p2 =	seq.s32 @!p0 s5, $0x0  }
0x1f: {  	s9 =	smul.u32 $0xF7A, s1;
	s8 =	simm.s32 @!p0 $0x1BF5;
	p2 =	por !p2, p0  }
0x20: {  	[sflag:s8] =	ssyncset.s32 @!p0 $0xFFFFF086;
	s6 =	sadd.s32 @!p0 s3, s7;
	s7 =	simm.s32 @!p0 $0x108  }
0x21: {  	s3 =	sadd.s32 s3, s9;
	s6 =	sadd.s32 @!p0 $0x88, s6;
	s7 =	simm.s32 @p2 $0x1082  }
0x22: {  	[simem:s7], [sflag:s8] =	dma.local @!p0 [hbm:s6], $0xF7A  }
0x23: {  	s9 =	sor.u32 $0xD0000000, s2;
	s6 =	simm.s32 $0x108;
	_ =	swait.ge @!p0 [sflag:s8], $0x0  }
0x24: {  	s3 =	sadd.s32 $0x88, s3;
	s6 =	simm.s32 @!p1 $0x1082;
	[sflag:s4] =	ssyncset.s32 $0xFFFFF086  }
0x25: {  	[simem:s6], [sflag:s4] =	dma.local [hbm:s3], $0xF7A  }
0x26: {  	[smem:$0x3F98] =	sst s1;
	(tag) =	ssettag s2;
	_ =	strace s9  }
0x27: {  	s1 =	sld [smem:$0x3FA8]  }
0x28: {  	s2 =	sld [smem:$0x3FA9]  }
0x29: {  	s4 =	sld [smem:$0x3FAB]  }
0x2a: {  	p0 =	seq.s32 s5, $0x0;
	s5 =	sld [smem:$0x3FAC]  }
0x2b: {  	s6 =	sld [smem:$0x3FAD]  }
0x2c: {  	s7 =	sld [smem:$0x3FAE]  }
0x2d: {  	s3 =	simm.s32 $0x108;
	s8 =	sld [smem:$0x3FAF]  }
0x2e: {  	s3 =	simm.s32 @!p0 $0x1082;
	s9 =	sld [smem:$0x3FB0]  }
0x2f: {  	lr =	sadd.s32 s0, s3;
	s0 =	sld [smem:$0x3FA7]  }
0x30: {  	s3 =	sld [smem:$0x3FAA]  }
0x31: {  	[smem:$0x3FB3] =	sst s10  }
0x32: {  	s10 =	sld [smem:$0x3FB1];
	_ =	sdelay $0x3  }
0x33: {  	p0 =	seq.s32 s10, $0x1;
	s10 =	sld [smem:$0x3FB3];
	_ =	sdelay $0x3  }
0x34: {  	[smem:$0x3FB3] =	sst s10  }
0x35: {  	s10 =	sld [smem:$0x3FB2];
	_ =	sdelay $0x3  }
0x36: {  	p1 =	seq.s32 s10, $0x1;
	s10 =	sld [smem:$0x3FB3];
	_ =	sdelay $0x3  }
0x37: {  	[smem:$0x3FB3] =	sst s10  }
0x38: {  	s10 =	sld [smem:$0x3FB4]  }
0x39: {  	_ = 	snop;
	(pc) =	sbr.ind lr, $3  }
0x3a: {  	_ = 	snop  }
0x3b: {  	_ = 	snop  }
0x3c: {  	p2 =	seq.s32 s10, $0x1;
	s10 =	sld [smem:$0x3FB3]  }
0x3d: {  	_ =	shalt  }
0x3e: {  	_ =	shalt  }
0x3f: {  	_ =	shalt  }
0x40: {  	_ =	shalt  }
0x41: {  	_ =	shalt  }
0x42: {  	_ =	shalt  }
0x43: {  	_ =	shalt  }
0x44: {  	_ =	shalt  }
0x45: {  	_ =	shalt  }
0x46: {  	_ =	shalt  }
0x47: {  	_ =	shalt  }
0x48: {  	_ =	shalt  }
0x49: {  	_ =	shalt  }
0x4a: {  	_ =	shalt  }
0x4b: {  	_ =	shalt  }
0x4c: {  	_ =	shalt  }
0x4d: {  	_ =	shalt  }
0x4e: {  	_ =	shalt  }
0x4f: {  	_ =	shalt  }
0x50: {  	_ =	shalt  }
0x51: {  	_ =	shalt  }
0x52: {  	_ =	shalt  }
0x53: {  	_ =	shalt  }
0x54: {  	_ =	shalt  }
0x55: {  	_ =	shalt  }
0x56: {  	_ =	shalt  }
0x57: {  	_ =	shalt  }
0x58: {  	_ =	shalt  }
0x59: {  	_ =	shalt  }
0x5a: {  	_ =	shalt  }
0x5b: {  	_ =	shalt  }
0x5c: {  	_ =	shalt  }
0x5d: {  	_ =	shalt  }
0x5e: {  	_ =	shalt  }
0x5f: {  	_ =	shalt  }
0x60: {  	_ =	shalt  }
0x61: {  	_ =	shalt  }
0x62: {  	_ =	shalt  }
0x63: {  	_ =	shalt  }
0x64: {  	_ =	shalt  }
0x65: {  	_ =	shalt  }
0x66: {  	_ =	shalt  }
0x67: {  	_ =	shalt  }
0x68: {  	_ =	shalt  }
0x69: {  	_ =	shalt  }
0x6a: {  	_ =	shalt  }
0x6b: {  	_ =	shalt  }
0x6c: {  	_ =	shalt  }
0x6d: {  	_ =	shalt  }
0x6e: {  	_ =	shalt  }
0x6f: {  	_ =	shalt  }
0x70: {  	_ =	shalt  }
0x71: {  	_ =	shalt  }
0x72: {  	_ =	shalt  }
0x73: {  	_ =	shalt  }
0x74: {  	_ =	shalt  }
0x75: {  	_ =	shalt  }
0x76: {  	_ =	shalt  }
0x77: {  	_ =	shalt  }
0x78: {  	_ =	shalt  }
0x79: {  	_ =	shalt  }
0x7a: {  	_ =	shalt  }
0x7b: {  	_ =	shalt  }
0x7c: {  	_ =	shalt  }
0x7d: {  	_ =	shalt  }
0x7e: {  	_ =	shalt  }
0x7f: {  	_ =	shalt  }
0x80: {  	_ =	shalt  }
0x81: {  	_ =	shalt  }
0x82: {  	_ =	shalt  }
0x83: {  	_ =	shalt  }
0x84: {  	_ =	shalt  }
0x85: {  	_ =	shalt  }
0x86: {  	_ =	shalt  }
0x87: {  	_ =	shalt  }
.Lfunc_end0:
.L_simem_size_0:
called_computation_lowered:
.L_overlay_start_0:
0x88: {  	s2 =	sld [smem:$0x3FD9]  }
0x89: {  	s3 =	sld [smem:$0x3FFE];
	_ =	sdelay $0x1  }
0x8a: {  	s1 =	srdreg.scid  }
0x8b: {  	s0 =	sand.u32 $0x1, s1  }
0x8c: {  	s16 =	sshll.u32 s0, $0xA;
	s2 =	sadd.s32 s3, s2  }
0x8d: {  	s2 =	sadd.s32 s2, s16  }
0x8e: {  	[smem:$0x3FBF] =	sst s2  }
0x8f: {  	_ = 	snop  }
0x90: {  	(tm) =	ssettm $0x1  }
0x91: {  	s17 =	sld [smem:$0x3FFB];
	_ =	sdelay $0x3  }
0x92: {  	_ =	strace s17  }
0x93: {  	s2 =	sld [smem:$0x3FFC];
	_ =	sdelay $0x3  }
0x94: {  	_ =	strace s2  }
0x95: {  	s2 =	sld [smem:$0x3FFD];
	_ =	sdelay $0x3  }
0x96: {  	_ =	strace s2  }
0x97: {  	_ =	strace $0x8FFFFFFF  }
0x98: {  	s18 =	sld [smem:$0x3FDB];
	_ =	sdelay $0x1  }
0x99: {  	s19 =	simm.s32 $_scs_section_size  }
0x9a: {  	s4 =	simm.s32 $_size__tile_overlayer_lowered;
	s5 =	simm.s32 $_tile_overlayer_lowered  }
0x9b: {  	s22 =	simm.s32 $0x1BFF;
	s21 =	sshll.u32 s5, $0x1;
	s2 =	sadd.s32 s19, s18  }
0x9c: {  	s6 =	simm.s32 $0x0;
	s20 =	sshll.u32 s4, $0x1;
	s4 =	sadd.s32 s21, s2  }
0x9d: {  	[timem:s6], [sflag:s22] =	dma.local [hbm:s4], s20  }
0x9e: {  	_ =	swait.ge [sflag:s22], s20  }
0x9f: {  	s3 =	ssub.s32 $0x0, s20;
	[sflag:s22] =	ssyncset.done $0x0  }
0xa0: {  	[sflag:s22] =	ssyncadd.s32 s3;
	_ =	sdelay $0x1  }
0xa1: {  	s23 =	simm.s32 $0x1B8B  }
0xa2: {  	_ =	swait.ge [sflag:s23], $0x1  }
0xa3: {  	[sflag:s23] =	ssyncset.done $0x0  }
0xa4: {  	s25 =	simm.s32 $0x1B8E;
	s24 =	sld [smem:$0x3FFE];
	[sflag:s23] =	ssyncadd.s32 $0xFFFFFFFF  }
0xa5: {  	s26 =	simm.s32 $execute0_lowered;
	[smem:$0x3FD2] =	sst s25  }
0xa6: {  	s4 =	sshll.u32 s26, $0x1;
	_ =	strace $0x80000046;
	[dreg:$0x1] =	wrdreg $0xFFFFFFFF  }
0xa7: {  	s28 =	simm.s32 $_size_execute0_lowered;
	s2 =	sadd.s32 s2, s4;
	[dreg:$0x0] =	wrdreg $0x0  }
0xa8: {  	s4 =	sshll.u32 s28, $0x1;
	[dreg:$0x2] =	wrdreg s2  }
0xa9: {  	[dreg:$0x3] =	wrdreg s4  }
0xaa: {  	[dreg:$0x4] =	wrdreg $0xC0  }
0xab: {  	_ =	task [dreg:s6], $0x5FFFF  }
0xac: {  	[dreg:$0x1] =	wrdreg $0xFFFFFFFF  }
0xad: {  	[dreg:$0x0] =	wrdreg $0x60  }
0xae: {  	[dreg:$0x2] =	wrdreg s24  }
0xaf: {  	[dreg:$0x3] =	wrdreg $0x1BB200  }
0xb0: {  	[dreg:$0x4] =	wrdreg $0x9  }
0xb1: {  	_ =	task.clear_ibuf [dreg:s6], $0x5FFFF;
	_ =	strace $0x90000046  }
0xb2: {  	s29 =	simm.s32 $0x9;
	_ =	strace $0x80000048  }
0xb3: {  	_ =	swait.ge [sflag:s29], $0x1  }
0xb4: {  	[sflag:s29] =	ssyncadd.s32 $0xFFFFFFFF  }
0xb5: {  	_ =	strace $0x90000048  }
0xb6: {  	_ =	sfence  }
0xb7: {  	s30 =	sld [smem:$0x0];
	_ =	sdelay $0x2  }
0xb8: {  	s31 =	sshll.u32 s1, $0xD;
	s1 =	sshrl.u32 s1, $0x2  }
0xb9: {  	s3 =	sand.u32 $0x4000, s31;
	s1 =	sadd.s32 s1, s30  }
0xba: {  	s0 =	sor.u32 s3, s0;
	s1 =	sshll.u32 s1, $0x11  }
0xbb: {  	s0 =	sor.u32 s1, s0  }
0xbc: {  	s0 =	sadd.s32 $0x8F2B, s0  }
0xbd: {  	[sflag:s0] =	ssyncadd.remote.s32 $0x1  }
0xbe: {  	_ =	sfence.sel $0xFFFF  }
0xbf: {  	[dreg:$0x0] =	wrdreg $0xFFFFFFFF;
	(pc) =	sbr.abs _section_cstart, $3  }
0xc0: {  	[dreg:$0x1] =	wrdreg $0xFFFFFFFF  }
0xc1: {  	_ =	task.clear_ibuf [dreg:s6], $0x2FFFF;
	_ =	strace $0x9FFFFFFF  }
0xc2: {  	(tm) =	ssettm $0x7FFFFFFF  }
0xc3: {  	_ =	shalt  }
tec
execute0_lowered:
.L_overlay_start_1:
0x0: {  	(tag) =	ssettag $0x1  }
0x1: {  	s0 =	rddreg [dreg:$0x0]  }
0x2: {  	s1 =	rddreg [dreg:$0x1];
	s7 =	stileid.u32  }
0x3: {  	s2 =	simm.s32 $0x0;
	s5 =	srdreg.scid;
	s3 =	smul.u32 $0x9C4, s7  }
0x4: {  	s24 =	simm.s32 $0x4E20;
	s29 =	simm.s32 $0x0;
	s4 =	smul.u32 $0x2800, s7  }
0x5: {  	[smem:$0x7FF] =	sst s2;
	s23 =	sand.u32 $0x1, s5;
	s25 =	smul.u32 $0xA000, s7  }
0x6: {  	s7 =	smul.u32 $0xA00, s7;
	_ =	strace $0x80000047;
	s6 =	ssub.s32 $0x2, s23  }
0x7: {  	p0 =	sne.s32 s23, $0x0;
	s23 =	simm.s32 $0x1;
	s3 =	sadd.s32 s3, s0  }
0x8: {  	s0 =	sadd.s32 s4, s0;
	s26 =	sshrl.u32 s6, $0x1;
	s28 =	sshrl.u32 s25, $0x2  }
0x9: {  	s30 =	sshrl.u32 s7, $0x2;
	s25 =	simm.s32 $0x7620;
	s22 =	ssub.s32 s6, s26  }
0xa: {  	s3 =	sadd.s32 $0x3400, s3;
	s31 =	sadd.s32 s28, s1;
	s5 =	sadd.s32 s30, s1  }
0xb: {  	s21 =	sadd.s32 $0xD200, s0;
	s26 =	simm.s32 $0x78A0;
	[dreg:$0x3] =	wrdreg s3  }
0xc: {  	[dreg:$0x4] =	wrdreg s31;
	s6 =	sadd.s32 $0x2800, s5;
	s7 =	sadd.s32 $0x5000, s5  }
.Ltmp0:
0xd: {  	s8 =	sadd.s32 $0x7800, s5;
	s9 =	sadd.s32 $0xA000, s5;
	(pc) =	sbr.rel .LBB2_1-.Ltmp0, $4  }
0xe: {  	s10 =	sadd.s32 $0xC800, s5;
	s11 =	sadd.s32 $0xF000, s5;
	s12 =	sadd.s32 $0x11800, s5  }
0xf: {  	s13 =	sadd.s32 $0x14000, s5;
	s14 =	sadd.s32 $0x16800, s5;
	s15 =	sadd.s32 $0x19000, s5  }
0x10: {  	s16 =	sadd.s32 $0x1B800, s5;
	s17 =	sadd.s32 $0x1E000, s5;
	s18 =	sadd.s32 $0x20800, s5  }
0x11: {  	v0 =	vimm.f32 $0.0e+00;
	v1 =	vimm.f32 $1.000000000e+00;
	s19 =	sadd.s32 $0x23000, s5;
	s20 =	sadd.s32 $0x25800, s5;
	s22 =	smax.u32 s22, $0x1  }
.LBB2_43:
0x12: {  	[bflag:$0x0] =	sbarrier.arrive $0xFFFF  }
.LBB2_44:
0x13: {  	s29 =	sadd.s32 $0x1, s29  }
0x14: {  	p1 =	sne.s32 s29, s22  }
.Ltmp1:
0x15: {  	_ = 	snop;
	(pc) =	sbr.rel @!p1 .LBB2_45-.Ltmp1, $1  }
0x16: {  	_ =	sdelay $0x3  }
.LBB2_1:
.Ltmp2:
0x17: {  	(pc) =	sbr.rel @p0 .LBB2_43-.Ltmp2, $1  }
0x18: {  	_ =	sdelay $0x3  }
0x19: {  	s0 =	sshra.s32 s2, $0x2;
	s1 =	sadd.s32 $0x200, s2  }
.LBB2_3:
0x1a: {  	p1 =	sne.s32 s1, $0x9E00;
	[tilespmem:s0+$0x4E90] =	vst v0  }
0x1b: {  	[tilespmem:s0+$0x4E20] =	vst v0  }
0x1c: {  	[tilespmem:s0+$0x4E30] =	vst v0  }
.Ltmp3:
0x1d: {  	[tilespmem:s0+$0x4E40] =	vst v0;
	(pc) =	sbr.rel @p1 .LBB2_3-.Ltmp3, $4  }
0x1e: {  	[tilespmem:s0+$0x4E50] =	vst v0  }
0x1f: {  	[tilespmem:s0+$0x4E60] =	vst v0  }
0x20: {  	[tilespmem:s0+$0x4E70] =	vst v0  }
0x21: {  	[tilespmem:s0+$0x4E80] =	vst v0;
	s0 =	sshra.s32 s1, $0x2;
	s1 =	sadd.s32 $0x200, s1  }
0x22: {  	[tilespmem:s0+$0x4E90] =	vst v0  }
0x23: {  	[tilespmem:s0+$0x4E20] =	vst v0  }
0x24: {  	[tilespmem:s0+$0x4E30] =	vst v0  }
0x25: {  	[tilespmem:s0+$0x4E40] =	vst v0  }
0x26: {  	[tilespmem:s0+$0x4E50] =	vst v0  }
0x27: {  	[tilespmem:s0+$0x4E60] =	vst v0  }
0x28: {  	[tilespmem:s0+$0x4E70] =	vst v0  }
0x29: {  	[tilespmem:s0+$0x4E80] =	vst v0;
	s0 =	simm.s32 $0x0;
	s1 =	rddreg [dreg:$0x3]  }
0x2a: {  	[tilespmem:s0], [sflag:$0x1] =	stream.linear.gather [hbm4b:s1+s0], $0x4E20, $0x38;
	[tilespmem:$0x1E320] =	vst v63  }
0x2b: {  	_ =	swait.ge [sflag:s23], $0x4E20  }
0x2c: {  	[sflag:s23] =	ssyncset.done $0x0  }
0x2d: {  	[sflag:s23] =	ssyncadd.s32 $0xFFFFB1E0  }
.LBB2_5:
0x2e: {  	s1 =	sshra.s32 s0, $0x2  }
0x2f: {  	v2 =	vld [tilespmem:s1+$0x0];
	_ =	sdelay $0x7  }
0x30: {  	[tilespmem:v2+s24+$0x0] =	vst.idx.add.f32.msk $0xffff, v1  }
0x31: {  	v2 =	vld [tilespmem:s1+$0x10];
	_ =	sdelay $0x7  }
0x32: {  	[tilespmem:v2+s24+$0x0] =	vst.idx.add.f32.msk $0xffff, v1  }
0x33: {  	v2 =	vld [tilespmem:s1+$0x20];
	_ =	sdelay $0x7  }
0x34: {  	[tilespmem:v2+s24+$0x0] =	vst.idx.add.f32.msk $0xffff, v1  }
0x35: {  	v2 =	vld [tilespmem:s1+$0x30];
	_ =	sdelay $0x7  }
0x36: {  	[tilespmem:v2+s24+$0x0] =	vst.idx.add.f32.msk $0xffff, v1  }
0x37: {  	v2 =	vld [tilespmem:s1+$0x40];
	_ =	sdelay $0x7  }
0x38: {  	[tilespmem:v2+s24+$0x0] =	vst.idx.add.f32.msk $0xffff, v1  }
0x39: {  	v2 =	vld [tilespmem:s1+$0x50];
	_ =	sdelay $0x7  }
0x3a: {  	[tilespmem:v2+s24+$0x0] =	vst.idx.add.f32.msk $0xffff, v1  }
0x3b: {  	v2 =	vld [tilespmem:s1+$0x60];
	_ =	sdelay $0x7  }
0x3c: {  	[tilespmem:v2+s24+$0x0] =	vst.idx.add.f32.msk $0xffff, v1  }
0x3d: {  	v2 =	vld [tilespmem:s1+$0x70];
	_ =	sdelay $0x7  }
0x3e: {  	[tilespmem:v2+s24+$0x0] =	vst.idx.add.f32.msk $0xffff, v1  }
0x3f: {  	v2 =	vld [tilespmem:s1+$0x80];
	_ =	sdelay $0x7  }
0x40: {  	[tilespmem:v2+s24+$0x0] =	vst.idx.add.f32.msk $0xffff, v1  }
0x41: {  	v2 =	vld [tilespmem:s1+$0x90];
	_ =	sdelay $0x2  }
0x42: {  	p1 =	sne.s32 s0, $0x13600  }
.Ltmp4:
0x43: {  	_ = 	snop;
	(pc) =	sbr.rel @p1 .LBB2_5-.Ltmp4, $2  }
0x44: {  	_ =	sdelay $0x2  }
0x45: {  	s0 =	sadd.s32 $0x280, s0;
	[tilespmem:v2+s24+$0x0] =	vst.idx.add.f32.msk $0xffff, v1  }
0x46: {  	s0 =	rddreg [dreg:$0x4]  }
0x47: {  	[spmem:s0] =	stream.linear.scatter [tilespmem:s24], [sflag:$0x1], $0x2800, $0x38;
	[tilespmem:$0x1E320] =	vst v63  }
0x48: {  	_ =	swait.ge [sflag:s23], $0x2800  }
0x49: {  	[sflag:s23] =	ssyncset.done $0x0  }
0x4a: {  	[sflag:s23] =	ssyncadd.s32 $0xFFFFD800  }
0x4b: {  	[bflag:$0x0] =	sbarrier.arrive $0xFFFF  }
0x4c: {  	[tilespmem:$0x78A0] =	vst v0  }
0x4d: {  	[tilespmem:$0x78B0] =	vst v0  }
0x4e: {  	[tilespmem:$0x78C0] =	vst v0  }
0x4f: {  	[tilespmem:$0x78D0] =	vst v0  }
0x50: {  	[tilespmem:$0x78E0] =	vst v0  }
0x51: {  	[tilespmem:$0x78F0] =	vst v0  }
0x52: {  	[tilespmem:$0x7900] =	vst v0  }
0x53: {  	[tilespmem:$0x7910] =	vst v0  }
0x54: {  	[tilespmem:$0x7920] =	vst v0  }
0x55: {  	[tilespmem:$0x7930] =	vst v0  }
0x56: {  	[tilespmem:$0x7940] =	vst v0  }
0x57: {  	[tilespmem:$0x7950] =	vst v0  }
0x58: {  	[tilespmem:$0x7960] =	vst v0  }
0x59: {  	[tilespmem:$0x7970] =	vst v0  }
0x5a: {  	[tilespmem:$0x7980] =	vst v0  }
0x5b: {  	[tilespmem:$0x7990] =	vst v0  }
0x5c: {  	[tilespmem:$0x79A0] =	vst v0  }
0x5d: {  	[tilespmem:$0x79B0] =	vst v0  }
0x5e: {  	[tilespmem:$0x79C0] =	vst v0  }
0x5f: {  	[tilespmem:$0x79D0] =	vst v0  }
0x60: {  	[tilespmem:$0x79E0] =	vst v0  }
0x61: {  	[tilespmem:$0x79F0] =	vst v0  }
0x62: {  	[tilespmem:$0x7A00] =	vst v0  }
0x63: {  	[tilespmem:$0x7A10] =	vst v0  }
0x64: {  	[tilespmem:$0x7A20] =	vst v0  }
0x65: {  	[tilespmem:$0x7A30] =	vst v0  }
0x66: {  	[tilespmem:$0x7A40] =	vst v0  }
0x67: {  	[tilespmem:$0x7A50] =	vst v0  }
0x68: {  	[tilespmem:$0x7A60] =	vst v0  }
0x69: {  	[tilespmem:$0x7A70] =	vst v0  }
0x6a: {  	[tilespmem:$0x7A80] =	vst v0  }
0x6b: {  	[tilespmem:$0x7A90] =	vst v0  }
0x6c: {  	[tilespmem:$0x7AA0] =	vst v0  }
0x6d: {  	[tilespmem:$0x7AB0] =	vst v0  }
0x6e: {  	[tilespmem:$0x7AC0] =	vst v0  }
0x6f: {  	[tilespmem:$0x7AD0] =	vst v0  }
0x70: {  	[tilespmem:$0x7AE0] =	vst v0  }
0x71: {  	[tilespmem:$0x7AF0] =	vst v0  }
0x72: {  	[tilespmem:$0x7B00] =	vst v0  }
0x73: {  	[tilespmem:$0x7B10] =	vst v0  }
0x74: {  	[tilespmem:s25], [sflag:$0x1] =	stream.linear.gather [spmem:s5], $0x280, $0x38;
	[tilespmem:$0x1E320] =	vst v63  }
0x75: {  	_ =	swait.ge [sflag:s23], $0x280  }
0x76: {  	[sflag:s23] =	ssyncset.done $0x0  }
0x77: {  	s0 =	simm.s32 $0x0;
	[sflag:s23] =	ssyncadd.s32 $0xFFFFFD80  }
0x78: {  	s1 =	simm.s32 $0x40;
	v2 =	vld [tilespmem:s0+$0x7620]  }
.LBB2_7:
0x79: {  	p1 =	sne.s32 s1, $0x9C0;
	v3 =	vld [tilespmem:s0+$0x78A0];
	_ =	sdelay $0x2  }
.Ltmp5:
0x7a: {  	(pc) =	sbr.rel @p1 .LBB2_7-.Ltmp5, $4  }
0x7b: {  	_ = 	snop  }
0x7c: {  	v3 =	vadd.f32 v2, v3  }
0x7d: {  	s3 =	sshra.s32 s1, $0x2  }
0x7e: {  	s1 =	sadd.s32 $0x40, s1;
	v2 =	vld [tilespmem:s3+$0x7620];
	[tilespmem:s0+$0x78A0] =	vst v3;
	s0 =	smov.u32 s3  }
0x7f: {  	v3 =	vld [tilespmem:s0+$0x78A0];
	_ =	sdelay $0x4  }
0x80: {  	v2 =	vadd.f32 v2, v3;
	_ =	sdelay $0x1  }
0x81: {  	[tilespmem:s0+$0x78A0] =	vst v2  }
0x82: {  	[tilespmem:s25], [sflag:$0x1] =	stream.linear.gather [spmem:s6], $0x280, $0x38;
	[tilespmem:$0x1E320] =	vst v63  }
0x83: {  	_ =	swait.ge [sflag:s23], $0x280  }
0x84: {  	[sflag:s23] =	ssyncset.done $0x0  }
0x85: {  	s0 =	simm.s32 $0x0;
	[sflag:s23] =	ssyncadd.s32 $0xFFFFFD80  }
0x86: {  	s1 =	simm.s32 $0x40;
	v2 =	vld [tilespmem:s0+$0x7620]  }
.LBB2_9:
0x87: {  	p1 =	sne.s32 s1, $0x9C0;
	v3 =	vld [tilespmem:s0+$0x78A0];
	_ =	sdelay $0x2  }
.Ltmp6:
0x88: {  	(pc) =	sbr.rel @p1 .LBB2_9-.Ltmp6, $4  }
0x89: {  	_ = 	snop  }
0x8a: {  	v3 =	vadd.f32 v2, v3  }
0x8b: {  	s3 =	sshra.s32 s1, $0x2  }
0x8c: {  	s1 =	sadd.s32 $0x40, s1;
	v2 =	vld [tilespmem:s3+$0x7620];
	[tilespmem:s0+$0x78A0] =	vst v3;
	s0 =	smov.u32 s3  }
0x8d: {  	v3 =	vld [tilespmem:s0+$0x78A0];
	_ =	sdelay $0x4  }
0x8e: {  	v2 =	vadd.f32 v2, v3;
	_ =	sdelay $0x1  }
0x8f: {  	[tilespmem:s0+$0x78A0] =	vst v2  }
0x90: {  	[tilespmem:s25], [sflag:$0x1] =	stream.linear.gather [spmem:s7], $0x280, $0x38;
	[tilespmem:$0x1E320] =	vst v63  }
0x91: {  	_ =	swait.ge [sflag:s23], $0x280  }
0x92: {  	[sflag:s23] =	ssyncset.done $0x0  }
0x93: {  	s0 =	simm.s32 $0x0;
	[sflag:s23] =	ssyncadd.s32 $0xFFFFFD80  }
0x94: {  	s1 =	simm.s32 $0x40;
	v2 =	vld [tilespmem:s0+$0x7620]  }
.LBB2_11:
0x95: {  	p1 =	sne.s32 s1, $0x9C0;
	v3 =	vld [tilespmem:s0+$0x78A0];
	_ =	sdelay $0x2  }
.Ltmp7:
0x96: {  	(pc) =	sbr.rel @p1 .LBB2_11-.Ltmp7, $4  }
0x97: {  	_ = 	snop  }
0x98: {  	v3 =	vadd.f32 v2, v3  }
0x99: {  	s3 =	sshra.s32 s1, $0x2  }
0x9a: {  	s1 =	sadd.s32 $0x40, s1;
	v2 =	vld [tilespmem:s3+$0x7620];
	[tilespmem:s0+$0x78A0] =	vst v3;
	s0 =	smov.u32 s3  }
0x9b: {  	v3 =	vld [tilespmem:s0+$0x78A0];
	_ =	sdelay $0x4  }
0x9c: {  	v2 =	vadd.f32 v2, v3;
	_ =	sdelay $0x1  }
0x9d: {  	[tilespmem:s0+$0x78A0] =	vst v2  }
0x9e: {  	[tilespmem:s25], [sflag:$0x1] =	stream.linear.gather [spmem:s8], $0x280, $0x38;
	[tilespmem:$0x1E320] =	vst v63  }
0x9f: {  	_ =	swait.ge [sflag:s23], $0x280  }
0xa0: {  	[sflag:s23] =	ssyncset.done $0x0  }
0xa1: {  	s0 =	simm.s32 $0x0;
	[sflag:s23] =	ssyncadd.s32 $0xFFFFFD80  }
0xa2: {  	s1 =	simm.s32 $0x40;
	v2 =	vld [tilespmem:s0+$0x7620]  }
.LBB2_13:
0xa3: {  	p1 =	sne.s32 s1, $0x9C0;
	v3 =	vld [tilespmem:s0+$0x78A0];
	_ =	sdelay $0x2  }
.Ltmp8:
0xa4: {  	(pc) =	sbr.rel @p1 .LBB2_13-.Ltmp8, $4  }
0xa5: {  	_ = 	snop  }
0xa6: {  	v3 =	vadd.f32 v2, v3  }
0xa7: {  	s3 =	sshra.s32 s1, $0x2  }
0xa8: {  	s1 =	sadd.s32 $0x40, s1;
	v2 =	vld [tilespmem:s3+$0x7620];
	[tilespmem:s0+$0x78A0] =	vst v3;
	s0 =	smov.u32 s3  }
0xa9: {  	v3 =	vld [tilespmem:s0+$0x78A0];
	_ =	sdelay $0x4  }
0xaa: {  	v2 =	vadd.f32 v2, v3;
	_ =	sdelay $0x1  }
0xab: {  	[tilespmem:s0+$0x78A0] =	vst v2  }
0xac: {  	[tilespmem:s25], [sflag:$0x1] =	stream.linear.gather [spmem:s9], $0x280, $0x38;
	[tilespmem:$0x1E320] =	vst v63  }
0xad: {  	_ =	swait.ge [sflag:s23], $0x280  }
0xae: {  	[sflag:s23] =	ssyncset.done $0x0  }
0xaf: {  	s0 =	simm.s32 $0x0;
	[sflag:s23] =	ssyncadd.s32 $0xFFFFFD80  }
0xb0: {  	s1 =	simm.s32 $0x40;
	v2 =	vld [tilespmem:s0+$0x7620]  }
.LBB2_15:
0xb1: {  	p1 =	sne.s32 s1, $0x9C0;
	v3 =	vld [tilespmem:s0+$0x78A0];
	_ =	sdelay $0x2  }
.Ltmp9:
0xb2: {  	(pc) =	sbr.rel @p1 .LBB2_15-.Ltmp9, $4  }
0xb3: {  	_ = 	snop  }
0xb4: {  	v3 =	vadd.f32 v2, v3  }
0xb5: {  	s3 =	sshra.s32 s1, $0x2  }
0xb6: {  	s1 =	sadd.s32 $0x40, s1;
	v2 =	vld [tilespmem:s3+$0x7620];
	[tilespmem:s0+$0x78A0] =	vst v3;
	s0 =	smov.u32 s3  }
0xb7: {  	v3 =	vld [tilespmem:s0+$0x78A0];
	_ =	sdelay $0x4  }
0xb8: {  	v2 =	vadd.f32 v2, v3;
	_ =	sdelay $0x1  }
0xb9: {  	[tilespmem:s0+$0x78A0] =	vst v2  }
0xba: {  	[tilespmem:s25], [sflag:$0x1] =	stream.linear.gather [spmem:s10], $0x280, $0x38;
	[tilespmem:$0x1E320] =	vst v63  }
0xbb: {  	_ =	swait.ge [sflag:s23], $0x280  }
0xbc: {  	[sflag:s23] =	ssyncset.done $0x0  }
0xbd: {  	s0 =	simm.s32 $0x0;
	[sflag:s23] =	ssyncadd.s32 $0xFFFFFD80  }
0xbe: {  	s1 =	simm.s32 $0x40;
	v2 =	vld [tilespmem:s0+$0x7620]  }
.LBB2_17:
0xbf: {  	p1 =	sne.s32 s1, $0x9C0;
	v3 =	vld [tilespmem:s0+$0x78A0];
	_ =	sdelay $0x2  }
.Ltmp10:
0xc0: {  	(pc) =	sbr.rel @p1 .LBB2_17-.Ltmp10, $4  }
0xc1: {  	_ = 	snop  }
0xc2: {  	v3 =	vadd.f32 v2, v3  }
0xc3: {  	s3 =	sshra.s32 s1, $0x2  }
0xc4: {  	s1 =	sadd.s32 $0x40, s1;
	v2 =	vld [tilespmem:s3+$0x7620];
	[tilespmem:s0+$0x78A0] =	vst v3;
	s0 =	smov.u32 s3  }
0xc5: {  	v3 =	vld [tilespmem:s0+$0x78A0];
	_ =	sdelay $0x4  }
0xc6: {  	v2 =	vadd.f32 v2, v3;
	_ =	sdelay $0x1  }
0xc7: {  	[tilespmem:s0+$0x78A0] =	vst v2  }
0xc8: {  	[tilespmem:s25], [sflag:$0x1] =	stream.linear.gather [spmem:s11], $0x280, $0x38;
	[tilespmem:$0x1E320] =	vst v63  }
0xc9: {  	_ =	swait.ge [sflag:s23], $0x280  }
0xca: {  	[sflag:s23] =	ssyncset.done $0x0  }
0xcb: {  	s0 =	simm.s32 $0x0;
	[sflag:s23] =	ssyncadd.s32 $0xFFFFFD80  }
0xcc: {  	s1 =	simm.s32 $0x40;
	v2 =	vld [tilespmem:s0+$0x7620]  }
.LBB2_19:
0xcd: {  	p1 =	sne.s32 s1, $0x9C0;
	v3 =	vld [tilespmem:s0+$0x78A0];
	_ =	sdelay $0x2  }
.Ltmp11:
0xce: {  	(pc) =	sbr.rel @p1 .LBB2_19-.Ltmp11, $4  }
0xcf: {  	_ = 	snop  }
0xd0: {  	v3 =	vadd.f32 v2, v3  }
0xd1: {  	s3 =	sshra.s32 s1, $0x2  }
0xd2: {  	s1 =	sadd.s32 $0x40, s1;
	v2 =	vld [tilespmem:s3+$0x7620];
	[tilespmem:s0+$0x78A0] =	vst v3;
	s0 =	smov.u32 s3  }
0xd3: {  	v3 =	vld [tilespmem:s0+$0x78A0];
	_ =	sdelay $0x4  }
0xd4: {  	v2 =	vadd.f32 v2, v3;
	_ =	sdelay $0x1  }
0xd5: {  	[tilespmem:s0+$0x78A0] =	vst v2  }
0xd6: {  	[tilespmem:s25], [sflag:$0x1] =	stream.linear.gather [spmem:s12], $0x280, $0x38;
	[tilespmem:$0x1E320] =	vst v63  }
0xd7: {  	_ =	swait.ge [sflag:s23], $0x280  }
0xd8: {  	[sflag:s23] =	ssyncset.done $0x0  }
0xd9: {  	s0 =	simm.s32 $0x0;
	[sflag:s23] =	ssyncadd.s32 $0xFFFFFD80  }
0xda: {  	s1 =	simm.s32 $0x40;
	v2 =	vld [tilespmem:s0+$0x7620]  }
.LBB2_21:
0xdb: {  	p1 =	sne.s32 s1, $0x9C0;
	v3 =	vld [tilespmem:s0+$0x78A0];
	_ =	sdelay $0x2  }
.Ltmp12:
0xdc: {  	(pc) =	sbr.rel @p1 .LBB2_21-.Ltmp12, $4  }
0xdd: {  	_ = 	snop  }
0xde: {  	v3 =	vadd.f32 v2, v3  }
0xdf: {  	s3 =	sshra.s32 s1, $0x2  }
0xe0: {  	s1 =	sadd.s32 $0x40, s1;
	v2 =	vld [tilespmem:s3+$0x7620];
	[tilespmem:s0+$0x78A0] =	vst v3;
	s0 =	smov.u32 s3  }
0xe1: {  	v3 =	vld [tilespmem:s0+$0x78A0];
	_ =	sdelay $0x4  }
0xe2: {  	v2 =	vadd.f32 v2, v3;
	_ =	sdelay $0x1  }
0xe3: {  	[tilespmem:s0+$0x78A0] =	vst v2  }
0xe4: {  	[tilespmem:s25], [sflag:$0x1] =	stream.linear.gather [spmem:s13], $0x280, $0x38;
	[tilespmem:$0x1E320] =	vst v63  }
0xe5: {  	_ =	swait.ge [sflag:s23], $0x280  }
0xe6: {  	[sflag:s23] =	ssyncset.done $0x0  }
0xe7: {  	s0 =	simm.s32 $0x0;
	[sflag:s23] =	ssyncadd.s32 $0xFFFFFD80  }
0xe8: {  	s1 =	simm.s32 $0x40;
	v2 =	vld [tilespmem:s0+$0x7620]  }
.LBB2_23:
0xe9: {  	p1 =	sne.s32 s1, $0x9C0;
	v3 =	vld [tilespmem:s0+$0x78A0];
	_ =	sdelay $0x2  }
.Ltmp13:
0xea: {  	(pc) =	sbr.rel @p1 .LBB2_23-.Ltmp13, $4  }
0xeb: {  	_ = 	snop  }
0xec: {  	v3 =	vadd.f32 v2, v3  }
0xed: {  	s3 =	sshra.s32 s1, $0x2  }
0xee: {  	s1 =	sadd.s32 $0x40, s1;
	v2 =	vld [tilespmem:s3+$0x7620];
	[tilespmem:s0+$0x78A0] =	vst v3;
	s0 =	smov.u32 s3  }
0xef: {  	v3 =	vld [tilespmem:s0+$0x78A0];
	_ =	sdelay $0x4  }
0xf0: {  	v2 =	vadd.f32 v2, v3;
	_ =	sdelay $0x1  }
0xf1: {  	[tilespmem:s0+$0x78A0] =	vst v2  }
0xf2: {  	[tilespmem:s25], [sflag:$0x1] =	stream.linear.gather [spmem:s14], $0x280, $0x38;
	[tilespmem:$0x1E320] =	vst v63  }
0xf3: {  	_ =	swait.ge [sflag:s23], $0x280  }
0xf4: {  	[sflag:s23] =	ssyncset.done $0x0  }
0xf5: {  	s0 =	simm.s32 $0x0;
	[sflag:s23] =	ssyncadd.s32 $0xFFFFFD80  }
0xf6: {  	s1 =	simm.s32 $0x40;
	v2 =	vld [tilespmem:s0+$0x7620]  }
.LBB2_25:
0xf7: {  	p1 =	sne.s32 s1, $0x9C0;
	v3 =	vld [tilespmem:s0+$0x78A0];
	_ =	sdelay $0x2  }
.Ltmp14:
0xf8: {  	(pc) =	sbr.rel @p1 .LBB2_25-.Ltmp14, $4  }
0xf9: {  	_ = 	snop  }
0xfa: {  	v3 =	vadd.f32 v2, v3  }
0xfb: {  	s3 =	sshra.s32 s1, $0x2  }
0xfc: {  	s1 =	sadd.s32 $0x40, s1;
	v2 =	vld [tilespmem:s3+$0x7620];
	[tilespmem:s0+$0x78A0] =	vst v3;
	s0 =	smov.u32 s3  }
0xfd: {  	v3 =	vld [tilespmem:s0+$0x78A0];
	_ =	sdelay $0x4  }
0xfe: {  	v2 =	vadd.f32 v2, v3;
	_ =	sdelay $0x1  }
0xff: {  	[tilespmem:s0+$0x78A0] =	vst v2  }
0x100: {  	[tilespmem:s25], [sflag:$0x1] =	stream.linear.gather [spmem:s15], $0x280, $0x38;
	[tilespmem:$0x1E320] =	vst v63  }
0x101: {  	_ =	swait.ge [sflag:s23], $0x280  }
0x102: {  	[sflag:s23] =	ssyncset.done $0x0  }
0x103: {  	s0 =	simm.s32 $0x0;
	[sflag:s23] =	ssyncadd.s32 $0xFFFFFD80  }
0x104: {  	s1 =	simm.s32 $0x40;
	v2 =	vld [tilespmem:s0+$0x7620]  }
.LBB2_27:
0x105: {  	p1 =	sne.s32 s1, $0x9C0;
	v3 =	vld [tilespmem:s0+$0x78A0];
	_ =	sdelay $0x2  }
.Ltmp15:
0x106: {  	(pc) =	sbr.rel @p1 .LBB2_27-.Ltmp15, $4  }
0x107: {  	_ = 	snop  }
0x108: {  	v3 =	vadd.f32 v2, v3  }
0x109: {  	s3 =	sshra.s32 s1, $0x2  }
0x10a: {  	s1 =	sadd.s32 $0x40, s1;
	v2 =	vld [tilespmem:s3+$0x7620];
	[tilespmem:s0+$0x78A0] =	vst v3;
	s0 =	smov.u32 s3  }
0x10b: {  	v3 =	vld [tilespmem:s0+$0x78A0];
	_ =	sdelay $0x4  }
0x10c: {  	v2 =	vadd.f32 v2, v3;
	_ =	sdelay $0x1  }
0x10d: {  	[tilespmem:s0+$0x78A0] =	vst v2  }
0x10e: {  	[tilespmem:s25], [sflag:$0x1] =	stream.linear.gather [spmem:s16], $0x280, $0x38;
	[tilespmem:$0x1E320] =	vst v63  }
0x10f: {  	_ =	swait.ge [sflag:s23], $0x280  }
0x110: {  	[sflag:s23] =	ssyncset.done $0x0  }
0x111: {  	s0 =	simm.s32 $0x0;
	[sflag:s23] =	ssyncadd.s32 $0xFFFFFD80  }
0x112: {  	s1 =	simm.s32 $0x40;
	v2 =	vld [tilespmem:s0+$0x7620]  }
.LBB2_29:
0x113: {  	p1 =	sne.s32 s1, $0x9C0;
	v3 =	vld [tilespmem:s0+$0x78A0];
	_ =	sdelay $0x2  }
.Ltmp16:
0x114: {  	(pc) =	sbr.rel @p1 .LBB2_29-.Ltmp16, $4  }
0x115: {  	_ = 	snop  }
0x116: {  	v3 =	vadd.f32 v2, v3  }
0x117: {  	s3 =	sshra.s32 s1, $0x2  }
0x118: {  	s1 =	sadd.s32 $0x40, s1;
	v2 =	vld [tilespmem:s3+$0x7620];
	[tilespmem:s0+$0x78A0] =	vst v3;
	s0 =	smov.u32 s3  }
0x119: {  	v3 =	vld [tilespmem:s0+$0x78A0];
	_ =	sdelay $0x4  }
0x11a: {  	v2 =	vadd.f32 v2, v3;
	_ =	sdelay $0x1  }
0x11b: {  	[tilespmem:s0+$0x78A0] =	vst v2  }
0x11c: {  	[tilespmem:s25], [sflag:$0x1] =	stream.linear.gather [spmem:s17], $0x280, $0x38;
	[tilespmem:$0x1E320] =	vst v63  }
0x11d: {  	_ =	swait.ge [sflag:s23], $0x280  }
0x11e: {  	[sflag:s23] =	ssyncset.done $0x0  }
0x11f: {  	s0 =	simm.s32 $0x0;
	[sflag:s23] =	ssyncadd.s32 $0xFFFFFD80  }
0x120: {  	s1 =	simm.s32 $0x40;
	v2 =	vld [tilespmem:s0+$0x7620]  }
.LBB2_31:
0x121: {  	p1 =	sne.s32 s1, $0x9C0;
	v3 =	vld [tilespmem:s0+$0x78A0];
	_ =	sdelay $0x2  }
.Ltmp17:
0x122: {  	(pc) =	sbr.rel @p1 .LBB2_31-.Ltmp17, $4  }
0x123: {  	_ = 	snop  }
0x124: {  	v3 =	vadd.f32 v2, v3  }
0x125: {  	s3 =	sshra.s32 s1, $0x2  }
0x126: {  	s1 =	sadd.s32 $0x40, s1;
	v2 =	vld [tilespmem:s3+$0x7620];
	[tilespmem:s0+$0x78A0] =	vst v3;
	s0 =	smov.u32 s3  }
0x127: {  	v3 =	vld [tilespmem:s0+$0x78A0];
	_ =	sdelay $0x4  }
0x128: {  	v2 =	vadd.f32 v2, v3;
	_ =	sdelay $0x1  }
0x129: {  	[tilespmem:s0+$0x78A0] =	vst v2  }
0x12a: {  	[tilespmem:s25], [sflag:$0x1] =	stream.linear.gather [spmem:s18], $0x280, $0x38;
	[tilespmem:$0x1E320] =	vst v63  }
0x12b: {  	_ =	swait.ge [sflag:s23], $0x280  }
0x12c: {  	[sflag:s23] =	ssyncset.done $0x0  }
0x12d: {  	s0 =	simm.s32 $0x0;
	[sflag:s23] =	ssyncadd.s32 $0xFFFFFD80  }
0x12e: {  	s1 =	simm.s32 $0x40;
	v2 =	vld [tilespmem:s0+$0x7620]  }
.LBB2_33:
0x12f: {  	p1 =	sne.s32 s1, $0x9C0;
	v3 =	vld [tilespmem:s0+$0x78A0];
	_ =	sdelay $0x2  }
.Ltmp18:
0x130: {  	(pc) =	sbr.rel @p1 .LBB2_33-.Ltmp18, $4  }
0x131: {  	_ = 	snop  }
0x132: {  	v3 =	vadd.f32 v2, v3  }
0x133: {  	s3 =	sshra.s32 s1, $0x2  }
0x134: {  	s1 =	sadd.s32 $0x40, s1;
	v2 =	vld [tilespmem:s3+$0x7620];
	[tilespmem:s0+$0x78A0] =	vst v3;
	s0 =	smov.u32 s3  }
0x135: {  	v3 =	vld [tilespmem:s0+$0x78A0];
	_ =	sdelay $0x4  }
0x136: {  	v2 =	vadd.f32 v2, v3;
	_ =	sdelay $0x1  }
0x137: {  	[tilespmem:s0+$0x78A0] =	vst v2  }
0x138: {  	[tilespmem:s25], [sflag:$0x1] =	stream.linear.gather [spmem:s19], $0x280, $0x38;
	[tilespmem:$0x1E320] =	vst v63  }
0x139: {  	_ =	swait.ge [sflag:s23], $0x280  }
0x13a: {  	[sflag:s23] =	ssyncset.done $0x0  }
0x13b: {  	s0 =	simm.s32 $0x0;
	[sflag:s23] =	ssyncadd.s32 $0xFFFFFD80  }
0x13c: {  	s1 =	simm.s32 $0x40;
	v2 =	vld [tilespmem:s0+$0x7620]  }
.LBB2_35:
0x13d: {  	p1 =	sne.s32 s1, $0x9C0;
	v3 =	vld [tilespmem:s0+$0x78A0];
	_ =	sdelay $0x2  }
.Ltmp19:
0x13e: {  	(pc) =	sbr.rel @p1 .LBB2_35-.Ltmp19, $4  }
0x13f: {  	_ = 	snop  }
0x140: {  	v3 =	vadd.f32 v2, v3  }
0x141: {  	s3 =	sshra.s32 s1, $0x2  }
0x142: {  	s1 =	sadd.s32 $0x40, s1;
	v2 =	vld [tilespmem:s3+$0x7620];
	[tilespmem:s0+$0x78A0] =	vst v3;
	s0 =	smov.u32 s3  }
0x143: {  	v3 =	vld [tilespmem:s0+$0x78A0];
	_ =	sdelay $0x4  }
0x144: {  	v2 =	vadd.f32 v2, v3;
	_ =	sdelay $0x1  }
0x145: {  	[tilespmem:s0+$0x78A0] =	vst v2  }
0x146: {  	[tilespmem:s25], [sflag:$0x1] =	stream.linear.gather [spmem:s20], $0x280, $0x38;
	[tilespmem:$0x1E320] =	vst v63  }
0x147: {  	_ =	swait.ge [sflag:s23], $0x280  }
0x148: {  	[sflag:s23] =	ssyncset.done $0x0  }
0x149: {  	s0 =	simm.s32 $0x0;
	[sflag:s23] =	ssyncadd.s32 $0xFFFFFD80  }
0x14a: {  	s3 =	simm.s32 $0x40;
	s1 =	simm.s32 $0x0;
	v2 =	vld [tilespmem:s0+$0x7620]  }
.LBB2_37:
0x14b: {  	p1 =	sne.s32 s3, $0x9C0;
	v3 =	vld [tilespmem:s1+$0x78A0];
	_ =	sdelay $0x2  }
.Ltmp20:
0x14c: {  	(pc) =	sbr.rel @p1 .LBB2_37-.Ltmp20, $4  }
0x14d: {  	_ = 	snop  }
0x14e: {  	v3 =	vadd.f32 v2, v3  }
0x14f: {  	s28 =	sshra.s32 s3, $0x2  }
0x150: {  	s3 =	sadd.s32 $0x40, s3;
	v2 =	vld [tilespmem:s28+$0x7620];
	[tilespmem:s1+$0x78A0] =	vst v3;
	s1 =	smov.u32 s28  }
0x151: {  	v3 =	vld [tilespmem:s1+$0x78A0];
	_ =	sdelay $0x4  }
0x152: {  	v2 =	vadd.f32 v2, v3;
	_ =	sdelay $0x1  }
0x153: {  	[tilespmem:s1+$0x78A0] =	vst v2;
	s1 =	simm.s32 $0x40  }
.LBB2_39:
0x154: {  	p1 =	sne.s32 s1, $0x9C0;
	v2 =	vld [tilespmem:s0+$0x78A0];
	_ =	sdelay $0x4  }
0x155: {  	v2 =	vadd.f32 $1.000000000e+00, v2;
	_ =	sdelay $0x1  }
0x156: {  	v3 =	vshra.s32 v2, $0x1;
	v2 =	vmul.f32 $5.000000000e-01, v2  }
0x157: {  	v3 =	vsub.s32 $0x5F3759DF, v3  }
0x158: {  	v4 =	vmul.f32 v3, v2;
	_ =	sdelay $0x1  }
0x159: {  	v4 =	vmul.f32 v3, v4;
	_ =	sdelay $0x1  }
0x15a: {  	v4 =	vsub.f32 $1.500000000e+00, v4;
	_ =	sdelay $0x1  }
0x15b: {  	v3 =	vmul.f32 v3, v4;
	_ =	sdelay $0x1  }
0x15c: {  	v4 =	vmul.f32 v3, v2;
	_ =	sdelay $0x1  }
0x15d: {  	v4 =	vmul.f32 v4, v3;
	_ =	sdelay $0x1  }
0x15e: {  	v4 =	vsub.f32 $1.500000000e+00, v4;
	_ =	sdelay $0x1  }
0x15f: {  	v3 =	vmul.f32 v4, v3;
	_ =	sdelay $0x1  }
0x160: {  	v2 =	vmul.f32 v3, v2;
	_ =	sdelay $0x1  }
0x161: {  	v2 =	vmul.f32 v2, v3;
	_ =	sdelay $0x1  }
.Ltmp21:
0x162: {  	v2 =	vsub.f32 $1.500000000e+00, v2;
	(pc) =	sbr.rel @p1 .LBB2_39-.Ltmp21, $3  }
0x163: {  	_ = 	snop  }
0x164: {  	v2 =	vmul.f32 v2, v3;
	_ =	sdelay $0x1  }
0x165: {  	[tilespmem:s0+$0x78A0] =	vst v2;
	s0 =	sshra.s32 s1, $0x2;
	s1 =	sadd.s32 $0x40, s1  }
0x166: {  	v2 =	vld [tilespmem:s0+$0x78A0];
	_ =	sdelay $0x4  }
0x167: {  	v2 =	vadd.f32 $1.000000000e+00, v2;
	_ =	sdelay $0x1  }
0x168: {  	v3 =	vshra.s32 v2, $0x1;
	v2 =	vmul.f32 $5.000000000e-01, v2  }
0x169: {  	v3 =	vsub.s32 $0x5F3759DF, v3  }
0x16a: {  	v4 =	vmul.f32 v3, v2;
	_ =	sdelay $0x1  }
0x16b: {  	v4 =	vmul.f32 v3, v4;
	_ =	sdelay $0x1  }
0x16c: {  	v4 =	vsub.f32 $1.500000000e+00, v4;
	_ =	sdelay $0x1  }
0x16d: {  	v3 =	vmul.f32 v3, v4;
	_ =	sdelay $0x1  }
0x16e: {  	v4 =	vmul.f32 v3, v2;
	_ =	sdelay $0x1  }
0x16f: {  	v4 =	vmul.f32 v4, v3;
	_ =	sdelay $0x1  }
0x170: {  	v4 =	vsub.f32 $1.500000000e+00, v4;
	_ =	sdelay $0x1  }
0x171: {  	v3 =	vmul.f32 v4, v3;
	_ =	sdelay $0x1  }
0x172: {  	s1 =	simm.s32 $0x0;
	v2 =	vmul.f32 v3, v2  }
0x173: {  	v4 =	vmov s1  }
0x174: {  	v4 =	vand.u32 $0xFFFFFFFC, v4;
	v2 =	vmul.f32 v2, v3  }
0x175: {  	v4 =	vbroadcast v4, $0x0  }
0x176: {  	v2 =	vsub.f32 $1.500000000e+00, v2;
	_ =	sdelay $0x1  }
0x177: {  	v2 =	vmul.f32 v2, v3;
	_ =	sdelay $0x1  }
0x178: {  	[tilespmem:s0+$0x78A0] =	vst v2  }
0x179: {  	v2 =	vld.idx.msk [tilespmem:v4+s26+$0x0], $0xffff;
	_ =	sdelay $0x3  }
0x17a: {  	s31 =	simm.s32 $0x7C20;
	s1 =	simm.s32 $0x1  }
0x17b: {  	v3 =	vmov s1;
	[tilespmem:s31+$0xFFFFFF60] =	vst v2  }
0x17c: {  	v3 =	vand.u32 $0xFFFFFFFD, v3;
	[tilespmem:s31+$0xFFFFFF70] =	vst v2  }
0x17d: {  	v3 =	vbroadcast v3, $0x0;
	[tilespmem:s31+$0xFFFFFF50] =	vst v2  }
0x17e: {  	[tilespmem:s31+$0xFFFFFF40] =	vst v2  }
0x17f: {  	[tilespmem:s31+$0xFFFFFF30] =	vst v2  }
0x180: {  	[tilespmem:s31+$0xFFFFFF20] =	vst v2  }
0x181: {  	[tilespmem:s31+$0xFFFFFF00] =	vst v2  }
0x182: {  	[tilespmem:s31+$0xFFFFFF10] =	vst v2  }
0x183: {  	v2 =	vld.idx.msk [tilespmem:v3+s26+$0x0], $0xffff;
	_ =	sdelay $0x3  }
0x184: {  	s3 =	simm.s32 $0x2  }
0x185: {  	v3 =	vmov s3;
	[tilespmem:s31+$0xFFFFFFF0] =	vst v2  }
0x186: {  	v3 =	vand.u32 $0xFFFFFFFE, v3;
	[tilespmem:s31+$0xFFFFFFB0] =	vst v2  }
0x187: {  	v3 =	vbroadcast v3, $0x0;
	[tilespmem:s31+$0xFFFFFFE0] =	vst v2  }
0x188: {  	[tilespmem:s31+$0xFFFFFFD0] =	vst v2  }
0x189: {  	[tilespmem:s31+$0xFFFFFFC0] =	vst v2  }
0x18a: {  	[tilespmem:s31+$0xFFFFFFA0] =	vst v2  }
0x18b: {  	[tilespmem:s31+$0xFFFFFF80] =	vst v2  }
0x18c: {  	[tilespmem:s31+$0xFFFFFF90] =	vst v2  }
0x18d: {  	v3 =	vld.idx.msk [tilespmem:v3+s26+$0x0], $0xffff;
	_ =	sdelay $0x4  }
0x18e: {  	[tilespmem:s31+$0x70] =	vst v3  }
0x18f: {  	[tilespmem:s31+$0x20] =	vst v3  }
0x190: {  	s4 =	simm.s32 $0x4;
	[tilespmem:s31+$0x60] =	vst v3  }
0x191: {  	s3 =	simm.s32 $0x3;
	v2 =	vmov s4;
	[tilespmem:s31+$0x50] =	vst v3  }
0x192: {  	s28 =	simm.s32 $0x7E20;
	v4 =	vmov s3;
	v2 =	vand.u32 $0xFFFFFFFC, v2;
	[tilespmem:s31+$0x40] =	vst v3  }
0x193: {  	s30 =	simm.s32 $0x7E20;
	s1 =	simm.s32 $0xB;
	s0 =	simm.s32 $0x7;
	v2 =	vbroadcast v2, $0x0;
	[tilespmem:s31+$0x0] =	vst v3  }
.LBB2_41:
0x194: {  	p1 =	sne.s32 s1, $0x27F  }
0x195: {  	s28 =	sadd.s32 $0x200, s28;
	[tilespmem:s31+$0x10] =	vst v3;
	s3 =	smov.u32 s1;
	s1 =	sadd.s32 $0x4, s1  }
0x196: {  	[tilespmem:s31+$0x30] =	vst v3  }
0x197: {  	v3 =	vld.idx.msk [tilespmem:v4+s26+$0x0], $0xffff;
	_ =	sdelay $0x5  }
0x198: {  	[tilespmem:s31+$0x80] =	vst v3  }
0x199: {  	[tilespmem:s31+$0x90] =	vst v3  }
0x19a: {  	[tilespmem:s31+$0xA0] =	vst v3  }
0x19b: {  	[tilespmem:s31+$0xB0] =	vst v3  }
0x19c: {  	[tilespmem:s31+$0xC0] =	vst v3  }
0x19d: {  	[tilespmem:s31+$0xD0] =	vst v3  }
0x19e: {  	[tilespmem:s31+$0xE0] =	vst v3  }
0x19f: {  	[tilespmem:s31+$0xF0] =	vst v3;
	s31 =	smov.u32 s30;
	s30 =	smov.u32 s28;
	_ =	sdelay $0x2  }
0x1a0: {  	v3 =	vld.idx.msk [tilespmem:v2+s26+$0x0], $0xffff;
	_ =	sdelay $0x3  }
0x1a1: {  	s4 =	sadd.s32 $0xFFFFFFFD, s3  }
0x1a2: {  	v2 =	vmov s4;
	s4 =	sadd.s32 $0xFFFFFFFE, s0  }
0x1a3: {  	v2 =	vand.u32 $0xFFFFFFFC, v2;
	v4 =	vmov s4;
	[tilespmem:s31+$0xFFFFFF60] =	vst v3  }
0x1a4: {  	v2 =	vbroadcast v2, $0x0;
	v4 =	vand.u32 $0xFFFFFFFD, v4;
	[tilespmem:s31+$0xFFFFFF70] =	vst v3  }
0x1a5: {  	v4 =	vbroadcast v4, $0x0;
	[tilespmem:s31+$0xFFFFFF50] =	vst v3  }
0x1a6: {  	[tilespmem:s31+$0xFFFFFF40] =	vst v3  }
0x1a7: {  	[tilespmem:s31+$0xFFFFFF30] =	vst v3  }
0x1a8: {  	[tilespmem:s31+$0xFFFFFF20] =	vst v3  }
0x1a9: {  	[tilespmem:s31+$0xFFFFFF00] =	vst v3  }
0x1aa: {  	[tilespmem:s31+$0xFFFFFF10] =	vst v3  }
0x1ab: {  	v3 =	vld.idx.msk [tilespmem:v4+s26+$0x0], $0xffff;
	_ =	sdelay $0x4  }
0x1ac: {  	s4 =	sadd.s32 $0xFFFFFFFF, s0  }
0x1ad: {  	v4 =	vmov s4;
	[tilespmem:s31+$0xFFFFFFF0] =	vst v3  }
0x1ae: {  	v4 =	vand.u32 $0xFFFFFFFE, v4;
	[tilespmem:s31+$0xFFFFFFB0] =	vst v3  }
0x1af: {  	v4 =	vbroadcast v4, $0x0;
	[tilespmem:s31+$0xFFFFFFE0] =	vst v3  }
0x1b0: {  	[tilespmem:s31+$0xFFFFFFD0] =	vst v3  }
0x1b1: {  	[tilespmem:s31+$0xFFFFFFC0] =	vst v3  }
0x1b2: {  	[tilespmem:s31+$0xFFFFFFA0] =	vst v3  }
0x1b3: {  	[tilespmem:s31+$0xFFFFFF80] =	vst v3  }
0x1b4: {  	[tilespmem:s31+$0xFFFFFF90] =	vst v3  }
0x1b5: {  	v3 =	vld.idx.msk [tilespmem:v4+s26+$0x0], $0xffff;
	_ =	sdelay $0x5  }
0x1b6: {  	[tilespmem:s31+$0x70] =	vst v3  }
.Ltmp22:
0x1b7: {  	[tilespmem:s31+$0x20] =	vst v3;
	(pc) =	sbr.rel @p1 .LBB2_41-.Ltmp22, $4  }
0x1b8: {  	[tilespmem:s31+$0x60] =	vst v3  }
0x1b9: {  	v4 =	vmov s0;
	s0 =	smov.u32 s3;
	[tilespmem:s31+$0x50] =	vst v3  }
0x1ba: {  	[tilespmem:s31+$0x40] =	vst v3  }
0x1bb: {  	[tilespmem:s31+$0x0] =	vst v3  }
0x1bc: {  	_ =	sdelay $0x1  }
0x1bd: {  	[tilespmem:s31+$0x10] =	vst v3  }
0x1be: {  	[tilespmem:s31+$0x30] =	vst v3  }
0x1bf: {  	v3 =	vld.idx.msk [tilespmem:v4+s26+$0x0], $0xffff;
	_ =	sdelay $0x4  }
0x1c0: {  	[tilespmem:s31+$0x80] =	vst v3  }
0x1c1: {  	[tilespmem:s31+$0x90] =	vst v3  }
0x1c2: {  	[tilespmem:s31+$0xA0] =	vst v3  }
0x1c3: {  	[tilespmem:s31+$0xB0] =	vst v3  }
0x1c4: {  	[tilespmem:s31+$0xC0] =	vst v3  }
0x1c5: {  	[tilespmem:s31+$0xD0] =	vst v3  }
0x1c6: {  	[tilespmem:s31+$0xE0] =	vst v3  }
0x1c7: {  	[tilespmem:s31+$0xF0] =	vst v3  }
0x1c8: {  	v2 =	vld.idx.msk [tilespmem:v2+s26+$0x0], $0xffff;
	_ =	sdelay $0x3  }
0x1c9: {  	s1 =	sadd.s32 $0xFFFFFFFE, s0  }
0x1ca: {  	v3 =	vmov s1;
	[tilespmem:s30+$0xFFFFFF60] =	vst v2  }
0x1cb: {  	v3 =	vand.u32 $0xFFFFFFFD, v3;
	[tilespmem:s30+$0xFFFFFF70] =	vst v2  }
0x1cc: {  	v3 =	vbroadcast v3, $0x0;
	[tilespmem:s30+$0xFFFFFF50] =	vst v2  }
0x1cd: {  	[tilespmem:s30+$0xFFFFFF40] =	vst v2  }
0x1ce: {  	[tilespmem:s30+$0xFFFFFF30] =	vst v2  }
0x1cf: {  	[tilespmem:s30+$0xFFFFFF20] =	vst v2  }
0x1d0: {  	[tilespmem:s30+$0xFFFFFF00] =	vst v2  }
0x1d1: {  	[tilespmem:s30+$0xFFFFFF10] =	vst v2  }
0x1d2: {  	v2 =	vld.idx.msk [tilespmem:v3+s26+$0x0], $0xffff;
	_ =	sdelay $0x3  }
0x1d3: {  	s28 =	sadd.s32 $0xFFFFFFFF, s0  }
0x1d4: {  	v3 =	vmov s28;
	[tilespmem:s30+$0xFFFFFFF0] =	vst v2  }
0x1d5: {  	v3 =	vand.u32 $0xFFFFFFFE, v3;
	[tilespmem:s30+$0xFFFFFFB0] =	vst v2  }
0x1d6: {  	v3 =	vbroadcast v3, $0x0;
	[tilespmem:s30+$0xFFFFFFE0] =	vst v2  }
0x1d7: {  	[tilespmem:s30+$0xFFFFFFD0] =	vst v2  }
0x1d8: {  	[tilespmem:s30+$0xFFFFFFC0] =	vst v2  }
0x1d9: {  	[tilespmem:s30+$0xFFFFFFA0] =	vst v2  }
0x1da: {  	[tilespmem:s30+$0xFFFFFF80] =	vst v2  }
0x1db: {  	[tilespmem:s30+$0xFFFFFF90] =	vst v2  }
0x1dc: {  	v2 =	vld.idx.msk [tilespmem:v3+s26+$0x0], $0xffff;
	_ =	sdelay $0x4  }
0x1dd: {  	[tilespmem:s30+$0x70] =	vst v2  }
0x1de: {  	[tilespmem:s30+$0x20] =	vst v2  }
0x1df: {  	[tilespmem:s30+$0x60] =	vst v2  }
0x1e0: {  	v3 =	vmov s0;
	[tilespmem:s30+$0x50] =	vst v2  }
0x1e1: {  	[tilespmem:s30+$0x40] =	vst v2  }
0x1e2: {  	[tilespmem:s30+$0x0] =	vst v2  }
0x1e3: {  	[tilespmem:s30+$0x10] =	vst v2  }
0x1e4: {  	[tilespmem:s30+$0x30] =	vst v2  }
0x1e5: {  	v2 =	vld.idx.msk [tilespmem:v3+s26+$0x0], $0xffff;
	_ =	sdelay $0x4  }
0x1e6: {  	[tilespmem:s30+$0x80] =	vst v2  }
0x1e7: {  	[tilespmem:s30+$0x90] =	vst v2  }
0x1e8: {  	[tilespmem:s30+$0xA0] =	vst v2  }
0x1e9: {  	[tilespmem:s30+$0xB0] =	vst v2  }
0x1ea: {  	[tilespmem:s30+$0xC0] =	vst v2  }
0x1eb: {  	[tilespmem:s30+$0xD0] =	vst v2  }
0x1ec: {  	[tilespmem:s30+$0xE0] =	vst v2  }
.Ltmp23:
0x1ed: {  	s31 =	simm.s32 $0x7B20;
	[tilespmem:s30+$0xF0] =	vst v2;
	(pc) =	sbr.rel .LBB2_44-.Ltmp23, $4  }
0x1ee: {  	[hbm4b:s21+s2] =	stream.linear.scatter [tilespmem:s31], [sflag:$0x1], $0x14000, $0x38;
	[tilespmem:$0x1E320] =	vst v63  }
0x1ef: {  	_ =	swait.ge [sflag:s23], $0x14000  }
0x1f0: {  	[sflag:s23] =	ssyncset.done $0x0  }
0x1f1: {  	[sflag:s23] =	ssyncadd.s32 $0xFFFEC000  }
.LBB2_45:
0x1f2: {  	_ =	sfence.sel $0x180000  }
0x1f3: {  	[bflag:$0x0] =	sbarrier.arrive $0xFFFF  }
0x1f4: {  	_ =	strace $0x90000047  }
0x1f5: {  	s0 =	stileid.u32;
	[bflag:$0x2] =	sbarrier.arrive $0xFFFF  }
0x1f6: {  	p0 =	sne.s32 s0, $0x0;
	s0 =	rddreg [dreg:$0x2]  }
0x1f7: {  	s0 =	sadd.s32 @!p0 $0x100000, s0  }
0x1f8: {  	[sflag:s0] =	ssyncadd.tile.s32 @!p0 $0x1;
	_ =	shalt  }
.Lfunc_end2:
_tile_overlayer_lowered:
.L_overlay_start_2:
0x1f9: {  	(tag) =	ssettag $0x2  }
0x1fa: {  	s0 =	rddreg [dreg:$0x0];
	s2 =	stileid.u32  }
0x1fb: {  	s1 =	rddreg [dreg:$0x1];
	p0 =	sne.s32 s2, $0x0  }
0x1fc: {  	s3 =	rddreg [dreg:$0x2];
	[bflag:$0x3] =	sbarrier.arrive $0xFFFF;
	s2 =	simm.s32 @!p0 $0x1C01  }
0x1fd: {  	[timem:s3], [sflag:s2] =	dma.local @!p0 [hbm:s0], s1  }
0x1fe: {  	s0 =	simm.s32 @!p0 $0x1  }
0x1ff: {  	_ =	swait.ge @!p0 [sflag:s0], s1  }
0x200: {  	s1 =	ssub.s32 @!p0 $0x0, s1;
	[sflag:s0] =	ssyncset.done @!p0 $0x0  }
0x201: {  	[sflag:s0] =	ssyncadd.s32 @!p0 s1  }
0x202: {  	[bflag:$0x3] =	sbarrier.arrive $0xFFFF  }
0x203: {  	_ =	shalt  }

</sc_bundles>
